<compile_context>
chip_gen: v7x
topology: tpu7x:2x2x1
jax: 0.10.2.dev20260603
libtpu: 0.0.44.dev20260713+nightly
codegen_flags: <defaults>
</compile_context>

<pallas_src>
import jax
import jax.numpy as jnp
from jax import lax
from jax.experimental import pallas as pl
from jax.experimental.pallas import tpu as pltpu
from jax.experimental.pallas import tpu_sc as plsc

_LANES = 16


def _sc_time_emb_body(xm_ref, hour_ref, day_ref, month_ref, out_ref,
                      xm_v, rows_h, rows_d, rows_m, sem):
    cid = lax.axis_index("c")
    sid = lax.axis_index("s")

    @pl.when((cid == 0) & (sid == 0))
    def _():
        pltpu.sync_copy(xm_ref, xm_v)
        hour_idx = (xm_v[2] * 24.0).astype(jnp.int32)
        day_idx = (xm_v[1] * 32.0).astype(jnp.int32)
        month_idx = (xm_v[0] * 13.0).astype(jnp.int32)
        cp_h = pltpu.async_copy(hour_ref.at[hour_idx], rows_h, sem)
        cp_d = pltpu.async_copy(day_ref.at[day_idx], rows_d, sem)
        cp_m = pltpu.async_copy(month_ref.at[month_idx], rows_m, sem)
        cp_h.wait()
        cp_d.wait()
        cp_m.wait()
        b, d = rows_h.shape
        for r in range(b):
            for j in range(d // _LANES):
                s = pl.ds(j * _LANES, _LANES)
                rows_h[r, s] = rows_h[r, s] + rows_d[r, s] + rows_m[r, s]
        pltpu.sync_copy(rows_h, out_ref)


def _time_emb_sc(x_mark_t, hour_table, day_table, month_table):
    b = x_mark_t.shape[1]
    d = hour_table.shape[1]
    mesh = plsc.VectorSubcoreMesh(core_axis_name="c", subcore_axis_name="s")
    k = pl.kernel(
        _sc_time_emb_body,
        out_type=jax.ShapeDtypeStruct((b, d), jnp.float32),
        mesh=mesh,
        scratch_types=[
            pltpu.VMEM((3, b), jnp.float32),
            pltpu.VMEM((b, d), jnp.float32),
            pltpu.VMEM((b, d), jnp.float32),
            pltpu.VMEM((b, d), jnp.float32),
            pltpu.SemaphoreType.DMA,
        ],
    )
    return k(x_mark_t, hour_table, day_table, month_table)


_NBUF = 3
_CC = 4


def _stream_body(x_hbm, time_ref, np_ref, w1_ref, b1_ref, w2_ref, b2_ref,
                 out_hbm, node_scr, in_bufs, out_bufs, in_sems, out_sems):
    nch, cc, n, d = x_hbm.shape
    per_b = nch // time_ref.shape[0]

    h = (np_ref[:, 0:1] * w1_ref[0:1, :]
         + np_ref[:, 1:2] * w1_ref[1:2, :]
         + np_ref[:, 2:3] * w1_ref[2:3, :]) + b1_ref[...]
    h = jnp.maximum(h, 0.0)
    node_scr[...] = (jnp.dot(h, w2_ref[...],
                             preferred_element_type=jnp.float32)
                     + b2_ref[...])

    for j in range(nch):
        pltpu.make_async_copy(x_hbm.at[j], out_hbm.at[j],
                              in_sems.at[j % _NBUF]).start()
    for j in range(nch):
        pltpu.make_async_copy(x_hbm.at[j], out_hbm.at[j],
                              in_sems.at[j % _NBUF]).wait()


def kernel(x, x_mark, node_pos, W1, b1, W2, b2,
           hour_table, day_table, month_table):
    bsz, c, n, d = x.shape
    time_emb = _time_emb_sc(x_mark.T, hour_table, day_table, month_table)

    nch = bsz * (c // _CC)
    x_r = x.reshape(nch, _CC, n, d)
    out = pl.pallas_call(
        _stream_body,
        in_specs=[
            pl.BlockSpec(memory_space=pltpu.MemorySpace.HBM),
            pl.BlockSpec(memory_space=pltpu.VMEM),
            pl.BlockSpec(memory_space=pltpu.VMEM),
            pl.BlockSpec(memory_space=pltpu.VMEM),
            pl.BlockSpec(memory_space=pltpu.VMEM),
            pl.BlockSpec(memory_space=pltpu.VMEM),
            pl.BlockSpec(memory_space=pltpu.VMEM),
        ],
        out_specs=pl.BlockSpec(memory_space=pltpu.MemorySpace.HBM),
        out_shape=jax.ShapeDtypeStruct((nch, _CC, n, d), jnp.float32),
        scratch_shapes=[
            pltpu.VMEM((n, d), jnp.float32),
            pltpu.VMEM((_NBUF, _CC, n, d), jnp.float32),
            pltpu.VMEM((_NBUF, _CC, n, d), jnp.float32),
            pltpu.SemaphoreType.DMA((_NBUF,)),
            pltpu.SemaphoreType.DMA((_NBUF,)),
        ],
    )(x_r, time_emb.reshape(bsz, 1, d), node_pos, W1,
      b1.reshape(1, d), W2, b2.reshape(1, d))
    return out.reshape(bsz, c, n, d)

# --- scband reference (transcript-rebuilt; emitter-appended) ---
"""Pipeline reference for scband-position-embedding-54065048322760 (READ-ONLY COPY).

The authoritative reference and input builder live on the scoring server;
editing this copy changes nothing except your own understanding.
"""

import jax, jax.numpy as jnp
import numpy as np

B, C, N, D = 16, 8, 1024, 128

def setup_inputs(seed: int = 0) -> dict:
    key = jax.random.key(seed)
    ks = jax.random.split(key, 10)
    x = jax.random.normal(ks[0], (B, C, N, D), dtype=jnp.float32)
    x_mark = jax.random.uniform(ks[1], (B, 3), dtype=jnp.float32)
    # standardized node positions (stand-in for pos_data.npy after StandardScaler)
    node_pos = jax.random.normal(ks[2], (N, 3), dtype=jnp.float32)
    # SpatialEmbedding MLP: Linear(3, D) -> ReLU -> Linear(D, D)
    W1 = jax.random.normal(ks[3], (3, D), dtype=jnp.float32) * 0.1
    b1 = jnp.zeros((D,), dtype=jnp.float32)
    W2 = jax.random.normal(ks[4], (D, D), dtype=jnp.float32) * 0.05
    b2 = jnp.zeros((D,), dtype=jnp.float32)
    # TemporalEmbedding tables
    hour_table = jax.random.normal(ks[5], (24, D), dtype=jnp.float32) * 0.02
    day_table = jax.random.normal(ks[6], (32, D), dtype=jnp.float32) * 0.02
    month_table = jax.random.normal(ks[7], (13, D), dtype=jnp.float32) * 0.02
    return {"x": x, "x_mark": x_mark, "node_pos": node_pos,
            "W1": W1, "b1": b1, "W2": W2, "b2": b2,
            "hour_table": hour_table, "day_table": day_table, "month_table": month_table}

def reference(x, x_mark, node_pos, W1, b1, W2, b2, hour_table, day_table, month_table):
    # TemporalEmbedding: f = 3 so all three branches are active
    hour_idx = (x_mark[:, 2] * 24.0).astype(jnp.int32)
    day_idx = (x_mark[:, 1] * 32.0).astype(jnp.int32)
    month_idx = (x_mark[:, 0] * 13.0).astype(jnp.int32)
    time_emb = (jnp.take(hour_table, hour_idx, axis=0)
                + jnp.take(day_table, day_idx, axis=0)
                + jnp.take(month_table, month_idx, axis=0))  # [B, D]
    # SpatialEmbedding (if_rel=False): MLP on node positions
    h = jax.nn.relu(node_pos @ W1 + b1)
    node_emb = h @ W2 + b2  # [N, D]
    # time_emb.repeat(C, N, 1, 1).permute(2, 0, 1, 3) == broadcast [B,1,1,D]
    # node_emb.repeat(B, C, 1, 1) == broadcast [1,1,N,D]
    emb = x + time_emb[:, None, None, :] + node_emb[None, None, :, :]
    return emb

if __name__ == "__main__":
    import jax
    _d = setup_inputs()
    print(jax.jit(kernel)(*tuple(_d.values())))

</pallas_src>

<mosaic_0001>
#map = affine_map<(d0, d1) -> (0, 0)>
module attributes {stable_mosaic.version = 14 : i64} {
  func.func @_sc_time_emb_body(%arg0: i32, %arg1: i32, %arg2: memref<3x16xf32, #tpu.memory_space<hbm>>, %arg3: memref<24x128xf32, #tpu.memory_space<hbm>>, %arg4: memref<32x128xf32, #tpu.memory_space<hbm>>, %arg5: memref<13x128xf32, #tpu.memory_space<hbm>>, %arg6: memref<16x128xf32, #tpu.memory_space<hbm>>, %arg7: memref<3x16xf32, #tpu.memory_space<vmem>>, %arg8: memref<16x128xf32, #tpu.memory_space<vmem>>, %arg9: memref<16x128xf32, #tpu.memory_space<vmem>>, %arg10: memref<16x128xf32, #tpu.memory_space<vmem>>, %arg11: memref<!tpu.dma_semaphore, #tpu.memory_space<semaphore_mem>>) attributes {dimension_semantics = [#tpu.dimension_semantics<core_parallel>, #tpu.dimension_semantics<subcore_parallel>], iteration_bounds = array<i64: 2, 16>, scalar_prefetch = 0 : i64, scratch_operands = 5 : i64, tpu.core_type = #tpu.core_type<sc_vector_subcore>, window_params = [{transform_indices = #map}, {transform_indices = #map}, {transform_indices = #map}, {transform_indices = #map}, {transform_indices = #map}]} {
    %eq3A = arith.constant 0 : i32
    %eq3A_0 = arith.cmpi eq, %arg0, %eq3A : i32
    %eq3A_1 = arith.constant 0 : i32
    %eq3A_2 = arith.cmpi eq, %arg1, %eq3A_1 : i32
    %and3A = arith.andi %eq3A_0, %eq3A_2 : i1
    %convert_element_type3A = arith.extui %and3A : i1 to i32
    %cond3A = arith.constant 0 : i32
    %cond3A_3 = arith.cmpi ne, %convert_element_type3A, %cond3A : i32
    scf.if %cond3A_3 {
      "tpu.region"() ({
        %run_scoped3A = tpu.sem_alloc : memref<!tpu.dma_semaphore, #tpu.memory_space<semaphore_mem>>
        tpu.enqueue_dma source(%arg2 : memref<3x16xf32, #tpu.memory_space<hbm>>) target(%arg7 : memref<3x16xf32, #tpu.memory_space<vmem>>) target_semaphore(%run_scoped3A : memref<!tpu.dma_semaphore, #tpu.memory_space<semaphore_mem>>)
        tpu.wait_dma2 semaphore(%run_scoped3A : memref<!tpu.dma_semaphore, #tpu.memory_space<semaphore_mem>>) src(%arg2 : memref<3x16xf32, #tpu.memory_space<hbm>>) dst(%arg7 : memref<3x16xf32, #tpu.memory_space<vmem>>)
        tpu.yield
      }) : () -> ()
      %get3A = arith.constant 2 : i32
      %get3A_4 = arith.index_cast %get3A : i32 to index
      %get3A_5 = arith.constant 0 : index
      %get3A_6 = tpu.vector_load %arg7[%get3A_4, %get3A_5] {strides = array<i32>} : memref<3x16xf32, #tpu.memory_space<vmem>>, vector<1x16xf32>,
      %get3A_7 = vector.shape_cast %get3A_6 : vector<1x16xf32> to vector<16xf32>
      %mul3A = arith.constant 2.400000e+01 : f32
      %mul3A_8 = vector.broadcast %mul3A : f32 to vector<16xf32>
      %mul3A_9 = arith.mulf %get3A_7, %mul3A_8 : vector<16xf32>
      %convert_element_type3A_10 = arith.fptosi %mul3A_9 : vector<16xf32> to vector<16xi32>
      %get3A_11 = arith.constant 1 : i32
      %get3A_12 = arith.index_cast %get3A_11 : i32 to index
      %get3A_13 = arith.constant 0 : index
      %get3A_14 = tpu.vector_load %arg7[%get3A_12, %get3A_13] {strides = array<i32>} : memref<3x16xf32, #tpu.memory_space<vmem>>, vector<1x16xf32>,
      %get3A_15 = vector.shape_cast %get3A_14 : vector<1x16xf32> to vector<16xf32>
      %mul3A_16 = arith.constant 3.200000e+01 : f32
      %mul3A_17 = vector.broadcast %mul3A_16 : f32 to vector<16xf32>
      %mul3A_18 = arith.mulf %get3A_15, %mul3A_17 : vector<16xf32>
      %convert_element_type3A_19 = arith.fptosi %mul3A_18 : vector<16xf32> to vector<16xi32>
      %get3A_20 = arith.constant 0 : i32
      %get3A_21 = arith.index_cast %get3A_20 : i32 to index
      %get3A_22 = arith.constant 0 : index
      %get3A_23 = tpu.vector_load %arg7[%get3A_21, %get3A_22] {strides = array<i32>} : memref<3x16xf32, #tpu.memory_space<vmem>>, vector<1x16xf32>,
      %get3A_24 = vector.shape_cast %get3A_23 : vector<1x16xf32> to vector<16xf32>
      %mul3A_25 = arith.constant 1.300000e+01 : f32
      %mul3A_26 = vector.broadcast %mul3A_25 : f32 to vector<16xf32>
      %mul3A_27 = arith.mulf %get3A_24, %mul3A_26 : vector<16xf32>
      %convert_element_type3A_28 = arith.fptosi %mul3A_27 : vector<16xf32> to vector<16xi32>
      %dma_start3A = arith.constant 0 : i32
      %dma_start3A_29 = arith.constant 0 : i32
      %dma_start3A_30 = tpu.memref_slice %arg3[%dma_start3A, %dma_start3A_29] : memref<24x128xf32, #tpu.memory_space<hbm>> -> memref<24x128xf32, #tpu.memory_space<hbm>>
      tpu.enqueue_indirect_dma source(%dma_start3A_30 : memref<24x128xf32, #tpu.memory_space<hbm>>) target(%arg8 : memref<16x128xf32, #tpu.memory_space<vmem>>) offsets(%convert_element_type3A_10 : vector<16xi32>) semaphore(%arg11 : memref<!tpu.dma_semaphore, #tpu.memory_space<semaphore_mem>>)
      %dma_start3A_31 = arith.constant 0 : i32
      %dma_start3A_32 = arith.constant 0 : i32
      %dma_start3A_33 = tpu.memref_slice %arg4[%dma_start3A_31, %dma_start3A_32] : memref<32x128xf32, #tpu.memory_space<hbm>> -> memref<32x128xf32, #tpu.memory_space<hbm>>
      tpu.enqueue_indirect_dma source(%dma_start3A_33 : memref<32x128xf32, #tpu.memory_space<hbm>>) target(%arg9 : memref<16x128xf32, #tpu.memory_space<vmem>>) offsets(%convert_element_type3A_19 : vector<16xi32>) semaphore(%arg11 : memref<!tpu.dma_semaphore, #tpu.memory_space<semaphore_mem>>)
      %dma_start3A_34 = arith.constant 0 : i32
      %dma_start3A_35 = arith.constant 0 : i32
      %dma_start3A_36 = tpu.memref_slice %arg5[%dma_start3A_34, %dma_start3A_35] : memref<13x128xf32, #tpu.memory_space<hbm>> -> memref<13x128xf32, #tpu.memory_space<hbm>>
      tpu.enqueue_indirect_dma source(%dma_start3A_36 : memref<13x128xf32, #tpu.memory_space<hbm>>) target(%arg10 : memref<16x128xf32, #tpu.memory_space<vmem>>) offsets(%convert_element_type3A_28 : vector<16xi32>) semaphore(%arg11 : memref<!tpu.dma_semaphore, #tpu.memory_space<semaphore_mem>>)
      %dma_wait3A = arith.constant 0 : i32
      %dma_wait3A_37 = arith.constant 0 : i32
      %dma_wait3A_38 = tpu.memref_slice %arg3[%dma_wait3A, %dma_wait3A_37] : memref<24x128xf32, #tpu.memory_space<hbm>> -> memref<24x128xf32, #tpu.memory_space<hbm>>
      tpu.wait_indirect_dma semaphore(%arg11 : memref<!tpu.dma_semaphore, #tpu.memory_space<semaphore_mem>>) src(%dma_wait3A_38 : memref<24x128xf32, #tpu.memory_space<hbm>>) dst(%arg8 : memref<16x128xf32, #tpu.memory_space<vmem>>)
      %dma_wait3A_39 = arith.constant 0 : i32
      %dma_wait3A_40 = arith.constant 0 : i32
      %dma_wait3A_41 = tpu.memref_slice %arg4[%dma_wait3A_39, %dma_wait3A_40] : memref<32x128xf32, #tpu.memory_space<hbm>> -> memref<32x128xf32, #tpu.memory_space<hbm>>
      tpu.wait_indirect_dma semaphore(%arg11 : memref<!tpu.dma_semaphore, #tpu.memory_space<semaphore_mem>>) src(%dma_wait3A_41 : memref<32x128xf32, #tpu.memory_space<hbm>>) dst(%arg9 : memref<16x128xf32, #tpu.memory_space<vmem>>)
      %dma_wait3A_42 = arith.constant 0 : i32
      %dma_wait3A_43 = arith.constant 0 : i32
      %dma_wait3A_44 = tpu.memref_slice %arg5[%dma_wait3A_42, %dma_wait3A_43] : memref<13x128xf32, #tpu.memory_space<hbm>> -> memref<13x128xf32, #tpu.memory_space<hbm>>
      tpu.wait_indirect_dma semaphore(%arg11 : memref<!tpu.dma_semaphore, #tpu.memory_space<semaphore_mem>>) src(%dma_wait3A_44 : memref<13x128xf32, #tpu.memory_space<hbm>>) dst(%arg10 : memref<16x128xf32, #tpu.memory_space<vmem>>)
      %get3A_45 = arith.constant 0 : i32
      %get3A_46 = arith.index_cast %get3A_45 : i32 to index
      %get3A_47 = arith.constant 0 : index
      %get3A_48 = tpu.vector_load %arg8[%get3A_46, %get3A_47] {strides = array<i32>} : memref<16x128xf32, #tpu.memory_space<vmem>>, vector<1x16xf32>,
      %get3A_49 = vector.shape_cast %get3A_48 : vector<1x16xf32> to vector<16xf32>
      %get3A_50 = arith.constant 0 : i32
      %get3A_51 = arith.index_cast %get3A_50 : i32 to index
      %get3A_52 = arith.constant 0 : index
      %get3A_53 = tpu.vector_load %arg9[%get3A_51, %get3A_52] {strides = array<i32>} : memref<16x128xf32, #tpu.memory_space<vmem>>, vector<1x16xf32>,
      %get3A_54 = vector.shape_cast %get3A_53 : vector<1x16xf32> to vector<16xf32>
      %add3A = arith.addf %get3A_49, %get3A_54 : vector<16xf32>
      %get3A_55 = arith.constant 0 : i32
      %get3A_56 = arith.index_cast %get3A_55 : i32 to index
      %get3A_57 = arith.constant 0 : index
      %get3A_58 = tpu.vector_load %arg10[%get3A_56, %get3A_57] {strides = array<i32>} : memref<16x128xf32, #tpu.memory_space<vmem>>, vector<1x16xf32>,
      %get3A_59 = vector.shape_cast %get3A_58 : vector<1x16xf32> to vector<16xf32>
      %add3A_60 = arith.addf %add3A, %get3A_59 : vector<16xf32>
      %swap3A = arith.constant 0 : i32
      %swap3A_61 = arith.index_cast %swap3A : i32 to index
      %swap3A_62 = arith.constant 0 : index
      %swap3A_63 = tpu.vector_load %arg8[%swap3A_61, %swap3A_62] {strides = array<i32>} : memref<16x128xf32, #tpu.memory_space<vmem>>, vector<1x16xf32>,
      %swap3A_64 = vector.shape_cast %swap3A_63 : vector<1x16xf32> to vector<16xf32>
      %swap3A_65 = vector.shape_cast %add3A_60 : vector<16xf32> to vector<1x16xf32>
      tpu.vector_store %arg8[%swap3A_61, %swap3A_62], %swap3A_65 {strides = array<i32>} : memref<16x128xf32, #tpu.memory_space<vmem>>, vector<1x16xf32>,
      %get3A_66 = arith.constant 0 : i32
      %get3A_67 = arith.index_cast %get3A_66 : i32 to index
      %get3A_68 = arith.constant 16 : index
      %get3A_69 = tpu.vector_load %arg8[%get3A_67, %get3A_68] {strides = array<i32>} : memref<16x128xf32, #tpu.memory_space<vmem>>, vector<1x16xf32>,
      %get3A_70 = vector.shape_cast %get3A_69 : vector<1x16xf32> to vector<16xf32>
      %get3A_71 = arith.constant 0 : i32
      %get3A_72 = arith.index_cast %get3A_71 : i32 to index
      %get3A_73 = arith.constant 16 : index
      %get3A_74 = tpu.vector_load %arg9[%get3A_72, %get3A_73] {strides = array<i32>} : memref<16x128xf32, #tpu.memory_space<vmem>>, vector<1x16xf32>,
      %get3A_75 = vector.shape_cast %get3A_74 : vector<1x16xf32> to vector<16xf32>
      %add3A_76 = arith.addf %get3A_70, %get3A_75 : vector<16xf32>
      %get3A_77 = arith.constant 0 : i32
      %get3A_78 = arith.index_cast %get3A_77 : i32 to index
      %get3A_79 = arith.constant 16 : index
      %get3A_80 = tpu.vector_load %arg10[%get3A_78, %get3A_79] {strides = array<i32>} : memref<16x128xf32, #tpu.memory_space<vmem>>, vector<1x16xf32>,
      %get3A_81 = vector.shape_cast %get3A_80 : vector<1x16xf32> to vector<16xf32>
      %add3A_82 = arith.addf %add3A_76, %get3A_81 : vector<16xf32>
      %swap3A_83 = arith.constant 0 : i32
      %swap3A_84 = arith.index_cast %swap3A_83 : i32 to index
      %swap3A_85 = arith.constant 16 : index
      %swap3A_86 = tpu.vector_load %arg8[%swap3A_84, %swap3A_85] {strides = array<i32>} : memref<16x128xf32, #tpu.memory_space<vmem>>, vector<1x16xf32>,
      %swap3A_87 = vector.shape_cast %swap3A_86 : vector<1x16xf32> to vector<16xf32>
      %swap3A_88 = vector.shape_cast %add3A_82 : vector<16xf32> to vector<1x16xf32>
      tpu.vector_store %arg8[%swap3A_84, %swap3A_85], %swap3A_88 {strides = array<i32>} : memref<16x128xf32, #tpu.memory_space<vmem>>, vector<1x16xf32>,
      %get3A_89 = arith.constant 0 : i32
      %get3A_90 = arith.index_cast %get3A_89 : i32 to index
      %get3A_91 = arith.constant 32 : index
      %get3A_92 = tpu.vector_load %arg8[%get3A_90, %get3A_91] {strides = array<i32>} : memref<16x128xf32, #tpu.memory_space<vmem>>, vector<1x16xf32>,
      %get3A_93 = vector.shape_cast %get3A_92 : vector<1x16xf32> to vector<16xf32>
      %get3A_94 = arith.constant 0 : i32
      %get3A_95 = arith.index_cast %get3A_94 : i32 to index
      %get3A_96 = arith.constant 32 : index
      %get3A_97 = tpu.vector_load %arg9[%get3A_95, %get3A_96] {strides = array<i32>} : memref<16x128xf32, #tpu.memory_space<vmem>>, vector<1x16xf32>,
      %get3A_98 = vector.shape_cast %get3A_97 : vector<1x16xf32> to vector<16xf32>
      %add3A_99 = arith.addf %get3A_93, %get3A_98 : vector<16xf32>
      %get3A_100 = arith.constant 0 : i32
      %get3A_101 = arith.index_cast %get3A_100 : i32 to index
      %get3A_102 = arith.constant 32 : index
      %get3A_103 = tpu.vector_load %arg10[%get3A_101, %get3A_102] {strides = array<i32>} : memref<16x128xf32, #tpu.memory_space<vmem>>, vector<1x16xf32>,
      %get3A_104 = vector.shape_cast %get3A_103 : vector<1x16xf32> to vector<16xf32>
      %add3A_105 = arith.addf %add3A_99, %get3A_104 : vector<16xf32>
      %swap3A_106 = arith.constant 0 : i32
      %swap3A_107 = arith.index_cast %swap3A_106 : i32 to index
      %swap3A_108 = arith.constant 32 : index
      %swap3A_109 = tpu.vector_load %arg8[%swap3A_107, %swap3A_108] {strides = array<i32>} : memref<16x128xf32, #tpu.memory_space<vmem>>, vector<1x16xf32>,
      %swap3A_110 = vector.shape_cast %swap3A_109 : vector<1x16xf32> to vector<16xf32>
      %swap3A_111 = vector.shape_cast %add3A_105 : vector<16xf32> to vector<1x16xf32>
      tpu.vector_store %arg8[%swap3A_107, %swap3A_108], %swap3A_111 {strides = array<i32>} : memref<16x128xf32, #tpu.memory_space<vmem>>, vector<1x16xf32>,
      %get3A_112 = arith.constant 0 : i32
      %get3A_113 = arith.index_cast %get3A_112 : i32 to index
      %get3A_114 = arith.constant 48 : index
      %get3A_115 = tpu.vector_load %arg8[%get3A_113, %get3A_114] {strides = array<i32>} : memref<16x128xf32, #tpu.memory_space<vmem>>, vector<1x16xf32>,
      %get3A_116 = vector.shape_cast %get3A_115 : vector<1x16xf32> to vector<16xf32>
      %get3A_117 = arith.constant 0 : i32
      %get3A_118 = arith.index_cast %get3A_117 : i32 to index
      %get3A_119 = arith.constant 48 : index
      %get3A_120 = tpu.vector_load %arg9[%get3A_118, %get3A_119] {strides = array<i32>} : memref<16x128xf32, #tpu.memory_space<vmem>>, vector<1x16xf32>,
      %get3A_121 = vector.shape_cast %get3A_120 : vector<1x16xf32> to vector<16xf32>
      %add3A_122 = arith.addf %get3A_116, %get3A_121 : vector<16xf32>
      %get3A_123 = arith.constant 0 : i32
      %get3A_124 = arith.index_cast %get3A_123 : i32 to index
      %get3A_125 = arith.constant 48 : index
      %get3A_126 = tpu.vector_load %arg10[%get3A_124, %get3A_125] {strides = array<i32>} : memref<16x128xf32, #tpu.memory_space<vmem>>, vector<1x16xf32>,
      %get3A_127 = vector.shape_cast %get3A_126 : vector<1x16xf32> to vector<16xf32>
      %add3A_128 = arith.addf %add3A_122, %get3A_127 : vector<16xf32>
      %swap3A_129 = arith.constant 0 : i32
      %swap3A_130 = arith.index_cast %swap3A_129 : i32 to index
      %swap3A_131 = arith.constant 48 : index
      %swap3A_132 = tpu.vector_load %arg8[%swap3A_130, %swap3A_131] {strides = array<i32>} : memref<16x128xf32, #tpu.memory_space<vmem>>, vector<1x16xf32>,
      %swap3A_133 = vector.shape_cast %swap3A_132 : vector<1x16xf32> to vector<16xf32>
      %swap3A_134 = vector.shape_cast %add3A_128 : vector<16xf32> to vector<1x16xf32>
      tpu.vector_store %arg8[%swap3A_130, %swap3A_131], %swap3A_134 {strides = array<i32>} : memref<16x128xf32, #tpu.memory_space<vmem>>, vector<1x16xf32>,
      %get3A_135 = arith.constant 0 : i32
      %get3A_136 = arith.index_cast %get3A_135 : i32 to index
      %get3A_137 = arith.constant 64 : index
      %get3A_138 = tpu.vector_load %arg8[%get3A_136, %get3A_137] {strides = array<i32>} : memref<16x128xf32, #tpu.memory_space<vmem>>, vector<1x16xf32>,
      %get3A_139 = vector.shape_cast %get3A_138 : vector<1x16xf32> to vector<16xf32>
      %get3A_140 = arith.constant 0 : i32
      %get3A_141 = arith.index_cast %get3A_140 : i32 to index
      %get3A_142 = arith.constant 64 : index
      %get3A_143 = tpu.vector_load %arg9[%get3A_141, %get3A_142] {strides = array<i32>} : memref<16x128xf32, #tpu.memory_space<vmem>>, vector<1x16xf32>,
      %get3A_144 = vector.shape_cast %get3A_143 : vector<1x16xf32> to vector<16xf32>
      %add3A_145 = arith.addf %get3A_139, %get3A_144 : vector<16xf32>
      %get3A_146 = arith.constant 0 : i32
      %get3A_147 = arith.index_cast %get3A_146 : i32 to index
      %get3A_148 = arith.constant 64 : index
      %get3A_149 = tpu.vector_load %arg10[%get3A_147, %get3A_148] {strides = array<i32>} : memref<16x128xf32, #tpu.memory_space<vmem>>, vector<1x16xf32>,
      %get3A_150 = vector.shape_cast %get3A_149 : vector<1x16xf32> to vector<16xf32>
      %add3A_151 = arith.addf %add3A_145, %get3A_150 : vector<16xf32>
      %swap3A_152 = arith.constant 0 : i32
      %swap3A_153 = arith.index_cast %swap3A_152 : i32 to index
      %swap3A_154 = arith.constant 64 : index
      %swap3A_155 = tpu.vector_load %arg8[%swap3A_153, %swap3A_154] {strides = array<i32>} : memref<16x128xf32, #tpu.memory_space<vmem>>, vector<1x16xf32>,
      %swap3A_156 = vector.shape_cast %swap3A_155 : vector<1x16xf32> to vector<16xf32>
      %swap3A_157 = vector.shape_cast %add3A_151 : vector<16xf32> to vector<1x16xf32>
      tpu.vector_store %arg8[%swap3A_153, %swap3A_154], %swap3A_157 {strides = array<i32>} : memref<16x128xf32, #tpu.memory_space<vmem>>, vector<1x16xf32>,
      %get3A_158 = arith.constant 0 : i32
      %get3A_159 = arith.index_cast %get3A_158 : i32 to index
      %get3A_160 = arith.constant 80 : index
      %get3A_161 = tpu.vector_load %arg8[%get3A_159, %get3A_160] {strides = array<i32>} : memref<16x128xf32, #tpu.memory_space<vmem>>, vector<1x16xf32>,
      %get3A_162 = vector.shape_cast %get3A_161 : vector<1x16xf32> to vector<16xf32>
      %get3A_163 = arith.constant 0 : i32
      %get3A_164 = arith.index_cast %get3A_163 : i32 to index
      %get3A_165 = arith.constant 80 : index
      %get3A_166 = tpu.vector_load %arg9[%get3A_164, %get3A_165] {strides = array<i32>} : memref<16x128xf32, #tpu.memory_space<vmem>>, vector<1x16xf32>,
      %get3A_167 = vector.shape_cast %get3A_166 : vector<1x16xf32> to vector<16xf32>
      %add3A_168 = arith.addf %get3A_162, %get3A_167 : vector<16xf32>
      %get3A_169 = arith.constant 0 : i32
      %get3A_170 = arith.index_cast %get3A_169 : i32 to index
      %get3A_171 = arith.constant 80 : index
      %get3A_172 = tpu.vector_load %arg10[%get3A_170, %get3A_171] {strides = array<i32>} : memref<16x128xf32, #tpu.memory_space<vmem>>, vector<1x16xf32>,
      %get3A_173 = vector.shape_cast %get3A_172 : vector<1x16xf32> to vector<16xf32>
      %add3A_174 = arith.addf %add3A_168, %get3A_173 : vector<16xf32>
      %swap3A_175 = arith.constant 0 : i32
      %swap3A_176 = arith.index_cast %swap3A_175 : i32 to index
      %swap3A_177 = arith.constant 80 : index
      %swap3A_178 = tpu.vector_load %arg8[%swap3A_176, %swap3A_177] {strides = array<i32>} : memref<16x128xf32, #tpu.memory_space<vmem>>, vector<1x16xf32>,
      %swap3A_179 = vector.shape_cast %swap3A_178 : vector<1x16xf32> to vector<16xf32>
      %swap3A_180 = vector.shape_cast %add3A_174 : vector<16xf32> to vector<1x16xf32>
      tpu.vector_store %arg8[%swap3A_176, %swap3A_177], %swap3A_180 {strides = array<i32>} : memref<16x128xf32, #tpu.memory_space<vmem>>, vector<1x16xf32>,
      %get3A_181 = arith.constant 0 : i32
      %get3A_182 = arith.index_cast %get3A_181 : i32 to index
      %get3A_183 = arith.constant 96 : index
      %get3A_184 = tpu.vector_load %arg8[%get3A_182, %get3A_183] {strides = array<i32>} : memref<16x128xf32, #tpu.memory_space<vmem>>, vector<1x16xf32>,
      %get3A_185 = vector.shape_cast %get3A_184 : vector<1x16xf32> to vector<16xf32>
      %get3A_186 = arith.constant 0 : i32
      %get3A_187 = arith.index_cast %get3A_186 : i32 to index
      %get3A_188 = arith.constant 96 : index
      %get3A_189 = tpu.vector_load %arg9[%get3A_187, %get3A_188] {strides = array<i32>} : memref<16x128xf32, #tpu.memory_space<vmem>>, vector<1x16xf32>,
      %get3A_190 = vector.shape_cast %get3A_189 : vector<1x16xf32> to vector<16xf32>
      %add3A_191 = arith.addf %get3A_185, %get3A_190 : vector<16xf32>
      %get3A_192 = arith.constant 0 : i32
      %get3A_193 = arith.index_cast %get3A_192 : i32 to index
      %get3A_194 = arith.constant 96 : index
      %get3A_195 = tpu.vector_load %arg10[%get3A_193, %get3A_194] {strides = array<i32>} : memref<16x128xf32, #tpu.memory_space<vmem>>, vector<1x16xf32>,
      %get3A_196 = vector.shape_cast %get3A_195 : vector<1x16xf32> to vector<16xf32>
      %add3A_197 = arith.addf %add3A_191, %get3A_196 : vector<16xf32>
      %swap3A_198 = arith.constant 0 : i32
      %swap3A_199 = arith.index_cast %swap3A_198 : i32 to index
      %swap3A_200 = arith.constant 96 : index
      %swap3A_201 = tpu.vector_load %arg8[%swap3A_199, %swap3A_200] {strides = array<i32>} : memref<16x128xf32, #tpu.memory_space<vmem>>, vector<1x16xf32>,
      %swap3A_202 = vector.shape_cast %swap3A_201 : vector<1x16xf32> to vector<16xf32>
      %swap3A_203 = vector.shape_cast %add3A_197 : vector<16xf32> to vector<1x16xf32>
      tpu.vector_store %arg8[%swap3A_199, %swap3A_200], %swap3A_203 {strides = array<i32>} : memref<16x128xf32, #tpu.memory_space<vmem>>, vector<1x16xf32>,
      %get3A_204 = arith.constant 0 : i32
      %get3A_205 = arith.index_cast %get3A_204 : i32 to index
      %get3A_206 = arith.constant 112 : index
      %get3A_207 = tpu.vector_load %arg8[%get3A_205, %get3A_206] {strides = array<i32>} : memref<16x128xf32, #tpu.memory_space<vmem>>, vector<1x16xf32>,
      %get3A_208 = vector.shape_cast %get3A_207 : vector<1x16xf32> to vector<16xf32>
      %get3A_209 = arith.constant 0 : i32
      %get3A_210 = arith.index_cast %get3A_209 : i32 to index
      %get3A_211 = arith.constant 112 : index
      %get3A_212 = tpu.vector_load %arg9[%get3A_210, %get3A_211] {strides = array<i32>} : memref<16x128xf32, #tpu.memory_space<vmem>>, vector<1x16xf32>,
      %get3A_213 = vector.shape_cast %get3A_212 : vector<1x16xf32> to vector<16xf32>
      %add3A_214 = arith.addf %get3A_208, %get3A_213 : vector<16xf32>
      %get3A_215 = arith.constant 0 : i32
      %get3A_216 = arith.index_cast %get3A_215 : i32 to index
      %get3A_217 = arith.constant 112 : index
      %get3A_218 = tpu.vector_load %arg10[%get3A_216, %get3A_217] {strides = array<i32>} : memref<16x128xf32, #tpu.memory_space<vmem>>, vector<1x16xf32>,
      %get3A_219 = vector.shape_cast %get3A_218 : vector<1x16xf32> to vector<16xf32>
      %add3A_220 = arith.addf %add3A_214, %get3A_219 : vector<16xf32>
      %swap3A_221 = arith.constant 0 : i32
      %swap3A_222 = arith.index_cast %swap3A_221 : i32 to index
      %swap3A_223 = arith.constant 112 : index
      %swap3A_224 = tpu.vector_load %arg8[%swap3A_222, %swap3A_223] {strides = array<i32>} : memref<16x128xf32, #tpu.memory_space<vmem>>, vector<1x16xf32>,
      %swap3A_225 = vector.shape_cast %swap3A_224 : vector<1x16xf32> to vector<16xf32>
      %swap3A_226 = vector.shape_cast %add3A_220 : vector<16xf32> to vector<1x16xf32>
      tpu.vector_store %arg8[%swap3A_222, %swap3A_223], %swap3A_226 {strides = array<i32>} : memref<16x128xf32, #tpu.memory_space<vmem>>, vector<1x16xf32>,
      %get3A_227 = arith.constant 1 : i32
      %get3A_228 = arith.index_cast %get3A_227 : i32 to index
      %get3A_229 = arith.constant 0 : index
      %get3A_230 = tpu.vector_load %arg8[%get3A_228, %get3A_229] {strides = array<i32>} : memref<16x128xf32, #tpu.memory_space<vmem>>, vector<1x16xf32>,
      %get3A_231 = vector.shape_cast %get3A_230 : vector<1x16xf32> to vector<16xf32>
      %get3A_232 = arith.constant 1 : i32
      %get3A_233 = arith.index_cast %get3A_232 : i32 to index
      %get3A_234 = arith.constant 0 : index
      %get3A_235 = tpu.vector_load %arg9[%get3A_233, %get3A_234] {strides = array<i32>} : memref<16x128xf32, #tpu.memory_space<vmem>>, vector<1x16xf32>,
      %get3A_236 = vector.shape_cast %get3A_235 : vector<1x16xf32> to vector<16xf32>
      %add3A_237 = arith.addf %get3A_231, %get3A_236 : vector<16xf32>
      %get3A_238 = arith.constant 1 : i32
      %get3A_239 = arith.index_cast %get3A_238 : i32 to index
      %get3A_240 = arith.constant 0 : index
      %get3A_241 = tpu.vector_load %arg10[%get3A_239, %get3A_240] {strides = array<i32>} : memref<16x128xf32, #tpu.memory_space<vmem>>, vector<1x16xf32>,
      %get3A_242 = vector.shape_cast %get3A_241 : vector<1x16xf32> to vector<16xf32>
      %add3A_243 = arith.addf %add3A_237, %get3A_242 : vector<16xf32>
      %swap3A_244 = arith.constant 1 : i32
      %swap3A_245 = arith.index_cast %swap3A_244 : i32 to index
      %swap3A_246 = arith.constant 0 : index
      %swap3A_247 = tpu.vector_load %arg8[%swap3A_245, %swap3A_246] {strides = array<i32>} : memref<16x128xf32, #tpu.memory_space<vmem>>, vector<1x16xf32>,
      %swap3A_248 = vector.shape_cast %swap3A_247 : vector<1x16xf32> to vector<16xf32>
      %swap3A_249 = vector.shape_cast %add3A_243 : vector<16xf32> to vector<1x16xf32>
      tpu.vector_store %arg8[%swap3A_245, %swap3A_246], %swap3A_249 {strides = array<i32>} : memref<16x128xf32, #tpu.memory_space<vmem>>, vector<1x16xf32>,
      %get3A_250 = arith.constant 1 : i32
      %get3A_251 = arith.index_cast %get3A_250 : i32 to index
      %get3A_252 = arith.constant 16 : index
      %get3A_253 = tpu.vector_load %arg8[%get3A_251, %get3A_252] {strides = array<i32>} : memref<16x128xf32, #tpu.memory_space<vmem>>, vector<1x16xf32>,
      %get3A_254 = vector.shape_cast %get3A_253 : vector<1x16xf32> to vector<16xf32>
      %get3A_255 = arith.constant 1 : i32
      %get3A_256 = arith.index_cast %get3A_255 : i32 to index
      %get3A_257 = arith.constant 16 : index
      %get3A_258 = tpu.vector_load %arg9[%get3A_256, %get3A_257] {strides = array<i32>} : memref<16x128xf32, #tpu.memory_space<vmem>>, vector<1x16xf32>,
      %get3A_259 = vector.shape_cast %get3A_258 : vector<1x16xf32> to vector<16xf32>
      %add3A_260 = arith.addf %get3A_254, %get3A_259 : vector<16xf32>
      %get3A_261 = arith.constant 1 : i32
      %get3A_262 = arith.index_cast %get3A_261 : i32 to index
      %get3A_263 = arith.constant 16 : index
      %get3A_264 = tpu.vector_load %arg10[%get3A_262, %get3A_263] {strides = array<i32>} : memref<16x128xf32, #tpu.memory_space<vmem>>, vector<1x16xf32>,
      %get3A_265 = vector.shape_cast %get3A_264 : vector<1x16xf32> to vector<16xf32>
      %add3A_266 = arith.addf %add3A_260, %get3A_265 : vector<16xf32>
      %swap3A_267 = arith.constant 1 : i32
      %swap3A_268 = arith.index_cast %swap3A_267 : i32 to index
      %swap3A_269 = arith.constant 16 : index
      %swap3A_270 = tpu.vector_load %arg8[%swap3A_268, %swap3A_269] {strides = array<i32>} : memref<16x128xf32, #tpu.memory_space<vmem>>, vector<1x16xf32>,
      %swap3A_271 = vector.shape_cast %swap3A_270 : vector<1x16xf32> to vector<16xf32>
      %swap3A_272 = vector.shape_cast %add3A_266 : vector<16xf32> to vector<1x16xf32>
      tpu.vector_store %arg8[%swap3A_268, %swap3A_269], %swap3A_272 {strides = array<i32>} : memref<16x128xf32, #tpu.memory_space<vmem>>, vector<1x16xf32>,
      %get3A_273 = arith.constant 1 : i32
      %get3A_274 = arith.index_cast %get3A_273 : i32 to index
      %get3A_275 = arith.constant 32 : index
      %get3A_276 = tpu.vector_load %arg8[%get3A_274, %get3A_275] {strides = array<i32>} : memref<16x128xf32, #tpu.memory_space<vmem>>, vector<1x16xf32>,
      %get3A_277 = vector.shape_cast %get3A_276 : vector<1x16xf32> to vector<16xf32>
      %get3A_278 = arith.constant 1 : i32
      %get3A_279 = arith.index_cast %get3A_278 : i32 to index
      %get3A_280 = arith.constant 32 : index
      %get3A_281 = tpu.vector_load %arg9[%get3A_279, %get3A_280] {strides = array<i32>} : memref<16x128xf32, #tpu.memory_space<vmem>>, vector<1x16xf32>,
      %get3A_282 = vector.shape_cast %get3A_281 : vector<1x16xf32> to vector<16xf32>
      %add3A_283 = arith.addf %get3A_277, %get3A_282 : vector<16xf32>
      %get3A_284 = arith.constant 1 : i32
      %get3A_285 = arith.index_cast %get3A_284 : i32 to index
      %get3A_286 = arith.constant 32 : index
      %get3A_287 = tpu.vector_load %arg10[%get3A_285, %get3A_286] {strides = array<i32>} : memref<16x128xf32, #tpu.memory_space<vmem>>, vector<1x16xf32>,
      %get3A_288 = vector.shape_cast %get3A_287 : vector<1x16xf32> to vector<16xf32>
      %add3A_289 = arith.addf %add3A_283, %get3A_288 : vector<16xf32>
      %swap3A_290 = arith.constant 1 : i32
      %swap3A_291 = arith.index_cast %swap3A_290 : i32 to index
      %swap3A_292 = arith.constant 32 : index
      %swap3A_293 = tpu.vector_load %arg8[%swap3A_291, %swap3A_292] {strides = array<i32>} : memref<16x128xf32, #tpu.memory_space<vmem>>, vector<1x16xf32>,
      %swap3A_294 = vector.shape_cast %swap3A_293 : vector<1x16xf32> to vector<16xf32>
      %swap3A_295 = vector.shape_cast %add3A_289 : vector<16xf32> to vector<1x16xf32>
      tpu.vector_store %arg8[%swap3A_291, %swap3A_292], %swap3A_295 {strides = array<i32>} : memref<16x128xf32, #tpu.memory_space<vmem>>, vector<1x16xf32>,
      %get3A_296 = arith.constant 1 : i32
      %get3A_297 = arith.index_cast %get3A_296 : i32 to index
      %get3A_298 = arith.constant 48 : index
      %get3A_299 = tpu.vector_load %arg8[%get3A_297, %get3A_298] {strides = array<i32>} : memref<16x128xf32, #tpu.memory_space<vmem>>, vector<1x16xf32>,
      %get3A_300 = vector.shape_cast %get3A_299 : vector<1x16xf32> to vector<16xf32>
      %get3A_301 = arith.constant 1 : i32
      %get3A_302 = arith.index_cast %get3A_301 : i32 to index
      %get3A_303 = arith.constant 48 : index
      %get3A_304 = tpu.vector_load %arg9[%get3A_302, %get3A_303] {strides = array<i32>} : memref<16x128xf32, #tpu.memory_space<vmem>>, vector<1x16xf32>,
      %get3A_305 = vector.shape_cast %get3A_304 : vector<1x16xf32> to vector<16xf32>
      %add3A_306 = arith.addf %get3A_300, %get3A_305 : vector<16xf32>
      %get3A_307 = arith.constant 1 : i32
      %get3A_308 = arith.index_cast %get3A_307 : i32 to index
      %get3A_309 = arith.constant 48 : index
      %get3A_310 = tpu.vector_load %arg10[%get3A_308, %get3A_309] {strides = array<i32>} : memref<16x128xf32, #tpu.memory_space<vmem>>, vector<1x16xf32>,
      %get3A_311 = vector.shape_cast %get3A_310 : vector<1x16xf32> to vector<16xf32>
      %add3A_312 = arith.addf %add3A_306, %get3A_311 : vector<16xf32>
      %swap3A_313 = arith.constant 1 : i32
      %swap3A_314 = arith.index_cast %swap3A_313 : i32 to index
      %swap3A_315 = arith.constant 48 : index
      %swap3A_316 = tpu.vector_load %arg8[%swap3A_314, %swap3A_315] {strides = array<i32>} : memref<16x128xf32, #tpu.memory_space<vmem>>, vector<1x16xf32>,
      %swap3A_317 = vector.shape_cast %swap3A_316 : vector<1x16xf32> to vector<16xf32>
      %swap3A_318 = vector.shape_cast %add3A_312 : vector<16xf32> to vector<1x16xf32>
      tpu.vector_store %arg8[%swap3A_314, %swap3A_315], %swap3A_318 {strides = array<i32>} : memref<16x128xf32, #tpu.memory_space<vmem>>, vector<1x16xf32>,
      %get3A_319 = arith.constant 1 : i32
      %get3A_320 = arith.index_cast %get3A_319 : i32 to index
      %get3A_321 = arith.constant 64 : index
      %get3A_322 = tpu.vector_load %arg8[%get3A_320, %get3A_321] {strides = array<i32>} : memref<16x128xf32, #tpu.memory_space<vmem>>, vector<1x16xf32>,
      %get3A_323 = vector.shape_cast %get3A_322 : vector<1x16xf32> to vector<16xf32>
      %get3A_324 = arith.constant 1 : i32
      %get3A_325 = arith.index_cast %get3A_324 : i32 to index
      %get3A_326 = arith.constant 64 : index
      %get3A_327 = tpu.vector_load %arg9[%get3A_325, %get3A_326] {strides = array<i32>} : memref<16x128xf32, #tpu.memory_space<vmem>>, vector<1x16xf32>,
      %get3A_328 = vector.shape_cast %get3A_327 : vector<1x16xf32> to vector<16xf32>
      %add3A_329 = arith.addf %get3A_323, %get3A_328 : vector<16xf32>
      %get3A_330 = arith.constant 1 : i32
      %get3A_331 = arith.index_cast %get3A_330 : i32 to index
      %get3A_332 = arith.constant 64 : index
      %get3A_333 = tpu.vector_load %arg10[%get3A_331, %get3A_332] {strides = array<i32>} : memref<16x128xf32, #tpu.memory_space<vmem>>, vector<1x16xf32>,
      %get3A_334 = vector.shape_cast %get3A_333 : vector<1x16xf32> to vector<16xf32>
      %add3A_335 = arith.addf %add3A_329, %get3A_334 : vector<16xf32>
      %swap3A_336 = arith.constant 1 : i32
      %swap3A_337 = arith.index_cast %swap3A_336 : i32 to index
      %swap3A_338 = arith.constant 64 : index
      %swap3A_339 = tpu.vector_load %arg8[%swap3A_337, %swap3A_338] {strides = array<i32>} : memref<16x128xf32, #tpu.memory_space<vmem>>, vector<1x16xf32>,
      %swap3A_340 = vector.shape_cast %swap3A_339 : vector<1x16xf32> to vector<16xf32>
      %swap3A_341 = vector.shape_cast %add3A_335 : vector<16xf32> to vector<1x16xf32>
      tpu.vector_store %arg8[%swap3A_337, %swap3A_338], %swap3A_341 {strides = array<i32>} : memref<16x128xf32, #tpu.memory_space<vmem>>, vector<1x16xf32>,
      %get3A_342 = arith.constant 1 : i32
      %get3A_343 = arith.index_cast %get3A_342 : i32 to index
      %get3A_344 = arith.constant 80 : index
      %get3A_345 = tpu.vector_load %arg8[%get3A_343, %get3A_344] {strides = array<i32>} : memref<16x128xf32, #tpu.memory_space<vmem>>, vector<1x16xf32>,
      %get3A_346 = vector.shape_cast %get3A_345 : vector<1x16xf32> to vector<16xf32>
      %get3A_347 = arith.constant 1 : i32
      %get3A_348 = arith.index_cast %get3A_347 : i32 to index
      %get3A_349 = arith.constant 80 : index
      %get3A_350 = tpu.vector_load %arg9[%get3A_348, %get3A_349] {strides = array<i32>} : memref<16x128xf32, #tpu.memory_space<vmem>>, vector<1x16xf32>,
      %get3A_351 = vector.shape_cast %get3A_350 : vector<1x16xf32> to vector<16xf32>
      %add3A_352 = arith.addf %get3A_346, %get3A_351 : vector<16xf32>
      %get3A_353 = arith.constant 1 : i32
      %get3A_354 = arith.index_cast %get3A_353 : i32 to index
      %get3A_355 = arith.constant 80 : index
      %get3A_356 = tpu.vector_load %arg10[%get3A_354, %get3A_355] {strides = array<i32>} : memref<16x128xf32, #tpu.memory_space<vmem>>, vector<1x16xf32>,
      %get3A_357 = vector.shape_cast %get3A_356 : vector<1x16xf32> to vector<16xf32>
      %add3A_358 = arith.addf %add3A_352, %get3A_357 : vector<16xf32>
      %swap3A_359 = arith.constant 1 : i32
      %swap3A_360 = arith.index_cast %swap3A_359 : i32 to index
      %swap3A_361 = arith.constant 80 : index
      %swap3A_362 = tpu.vector_load %arg8[%swap3A_360, %swap3A_361] {strides = array<i32>} : memref<16x128xf32, #tpu.memory_space<vmem>>, vector<1x16xf32>,
      %swap3A_363 = vector.shape_cast %swap3A_362 : vector<1x16xf32> to vector<16xf32>
      %swap3A_364 = vector.shape_cast %add3A_358 : vector<16xf32> to vector<1x16xf32>
      tpu.vector_store %arg8[%swap3A_360, %swap3A_361], %swap3A_364 {strides = array<i32>} : memref<16x128xf32, #tpu.memory_space<vmem>>, vector<1x16xf32>,
      %get3A_365 = arith.constant 1 : i32
      %get3A_366 = arith.index_cast %get3A_365 : i32 to index
      %get3A_367 = arith.constant 96 : index
      %get3A_368 = tpu.vector_load %arg8[%get3A_366, %get3A_367] {strides = array<i32>} : memref<16x128xf32, #tpu.memory_space<vmem>>, vector<1x16xf32>,
      %get3A_369 = vector.shape_cast %get3A_368 : vector<1x16xf32> to vector<16xf32>
      %get3A_370 = arith.constant 1 : i32
      %get3A_371 = arith.index_cast %get3A_370 : i32 to index
      %get3A_372 = arith.constant 96 : index
      %get3A_373 = tpu.vector_load %arg9[%get3A_371, %get3A_372] {strides = array<i32>} : memref<16x128xf32, #tpu.memory_space<vmem>>, vector<1x16xf32>,
      %get3A_374 = vector.shape_cast %get3A_373 : vector<1x16xf32> to vector<16xf32>
      %add3A_375 = arith.addf %get3A_369, %get3A_374 : vector<16xf32>
      %get3A_376 = arith.constant 1 : i32
      %get3A_377 = arith.index_cast %get3A_376 : i32 to index
      %get3A_378 = arith.constant 96 : index
      %get3A_379 = tpu.vector_load %arg10[%get3A_377, %get3A_378] {strides = array<i32>} : memref<16x128xf32, #tpu.memory_space<vmem>>, vector<1x16xf32>,
      %get3A_380 = vector.shape_cast %get3A_379 : vector<1x16xf32> to vector<16xf32>
      %add3A_381 = arith.addf %add3A_375, %get3A_380 : vector<16xf32>
      %swap3A_382 = arith.constant 1 : i32
      %swap3A_383 = arith.index_cast %swap3A_382 : i32 to index
      %swap3A_384 = arith.constant 96 : index
      %swap3A_385 = tpu.vector_load %arg8[%swap3A_383, %swap3A_384] {strides = array<i32>} : memref<16x128xf32, #tpu.memory_space<vmem>>, vector<1x16xf32>,
      %swap3A_386 = vector.shape_cast %swap3A_385 : vector<1x16xf32> to vector<16xf32>
      %swap3A_387 = vector.shape_cast %add3A_381 : vector<16xf32> to vector<1x16xf32>
      tpu.vector_store %arg8[%swap3A_383, %swap3A_384], %swap3A_387 {strides = array<i32>} : memref<16x128xf32, #tpu.memory_space<vmem>>, vector<1x16xf32>,
      %get3A_388 = arith.constant 1 : i32
      %get3A_389 = arith.index_cast %get3A_388 : i32 to index
      %get3A_390 = arith.constant 112 : index
      %get3A_391 = tpu.vector_load %arg8[%get3A_389, %get3A_390] {strides = array<i32>} : memref<16x128xf32, #tpu.memory_space<vmem>>, vector<1x16xf32>,
      %get3A_392 = vector.shape_cast %get3A_391 : vector<1x16xf32> to vector<16xf32>
      %get3A_393 = arith.constant 1 : i32
      %get3A_394 = arith.index_cast %get3A_393 : i32 to index
      %get3A_395 = arith.constant 112 : index
      %get3A_396 = tpu.vector_load %arg9[%get3A_394, %get3A_395] {strides = array<i32>} : memref<16x128xf32, #tpu.memory_space<vmem>>, vector<1x16xf32>,
      %get3A_397 = vector.shape_cast %get3A_396 : vector<1x16xf32> to vector<16xf32>
      %add3A_398 = arith.addf %get3A_392, %get3A_397 : vector<16xf32>
      %get3A_399 = arith.constant 1 : i32
      %get3A_400 = arith.index_cast %get3A_399 : i32 to index
      %get3A_401 = arith.constant 112 : index
      %get3A_402 = tpu.vector_load %arg10[%get3A_400, %get3A_401] {strides = array<i32>} : memref<16x128xf32, #tpu.memory_space<vmem>>, vector<1x16xf32>,
      %get3A_403 = vector.shape_cast %get3A_402 : vector<1x16xf32> to vector<16xf32>
      %add3A_404 = arith.addf %add3A_398, %get3A_403 : vector<16xf32>
      %swap3A_405 = arith.constant 1 : i32
      %swap3A_406 = arith.index_cast %swap3A_405 : i32 to index
      %swap3A_407 = arith.constant 112 : index
      %swap3A_408 = tpu.vector_load %arg8[%swap3A_406, %swap3A_407] {strides = array<i32>} : memref<16x128xf32, #tpu.memory_space<vmem>>, vector<1x16xf32>,
      %swap3A_409 = vector.shape_cast %swap3A_408 : vector<1x16xf32> to vector<16xf32>
      %swap3A_410 = vector.shape_cast %add3A_404 : vector<16xf32> to vector<1x16xf32>
      tpu.vector_store %arg8[%swap3A_406, %swap3A_407], %swap3A_410 {strides = array<i32>} : memref<16x128xf32, #tpu.memory_space<vmem>>, vector<1x16xf32>,
      %get3A_411 = arith.constant 2 : i32
      %get3A_412 = arith.index_cast %get3A_411 : i32 to index
      %get3A_413 = arith.constant 0 : index
      %get3A_414 = tpu.vector_load %arg8[%get3A_412, %get3A_413] {strides = array<i32>} : memref<16x128xf32, #tpu.memory_space<vmem>>, vector<1x16xf32>,
      %get3A_415 = vector.shape_cast %get3A_414 : vector<1x16xf32> to vector<16xf32>
      %get3A_416 = arith.constant 2 : i32
      %get3A_417 = arith.index_cast %get3A_416 : i32 to index
      %get3A_418 = arith.constant 0 : index
      %get3A_419 = tpu.vector_load %arg9[%get3A_417, %get3A_418] {strides = array<i32>} : memref<16x128xf32, #tpu.memory_space<vmem>>, vector<1x16xf32>,
      %get3A_420 = vector.shape_cast %get3A_419 : vector<1x16xf32> to vector<16xf32>
      %add3A_421 = arith.addf %get3A_415, %get3A_420 : vector<16xf32>
      %get3A_422 = arith.constant 2 : i32
      %get3A_423 = arith.index_cast %get3A_422 : i32 to index
      %get3A_424 = arith.constant 0 : index
      %get3A_425 = tpu.vector_load %arg10[%get3A_423, %get3A_424] {strides = array<i32>} : memref<16x128xf32, #tpu.memory_space<vmem>>, vector<1x16xf32>,
      %get3A_426 = vector.shape_cast %get3A_425 : vector<1x16xf32> to vector<16xf32>
      %add3A_427 = arith.addf %add3A_421, %get3A_426 : vector<16xf32>
      %swap3A_428 = arith.constant 2 : i32
      %swap3A_429 = arith.index_cast %swap3A_428 : i32 to index
      %swap3A_430 = arith.constant 0 : index
      %swap3A_431 = tpu.vector_load %arg8[%swap3A_429, %swap3A_430] {strides = array<i32>} : memref<16x128xf32, #tpu.memory_space<vmem>>, vector<1x16xf32>,
      %swap3A_432 = vector.shape_cast %swap3A_431 : vector<1x16xf32> to vector<16xf32>
      %swap3A_433 = vector.shape_cast %add3A_427 : vector<16xf32> to vector<1x16xf32>
      tpu.vector_store %arg8[%swap3A_429, %swap3A_430], %swap3A_433 {strides = array<i32>} : memref<16x128xf32, #tpu.memory_space<vmem>>, vector<1x16xf32>,
      %get3A_434 = arith.constant 2 : i32
      %get3A_435 = arith.index_cast %get3A_434 : i32 to index
      %get3A_436 = arith.constant 16 : index
      %get3A_437 = tpu.vector_load %arg8[%get3A_435, %get3A_436] {strides = array<i32>} : memref<16x128xf32, #tpu.memory_space<vmem>>, vector<1x16xf32>,
      %get3A_438 = vector.shape_cast %get3A_437 : vector<1x16xf32> to vector<16xf32>
      %get3A_439 = arith.constant 2 : i32
      %get3A_440 = arith.index_cast %get3A_439 : i32 to index
      %get3A_441 = arith.constant 16 : index
      %get3A_442 = tpu.vector_load %arg9[%get3A_440, %get3A_441] {strides = array<i32>} : memref<16x128xf32, #tpu.memory_space<vmem>>, vector<1x16xf32>,
      %get3A_443 = vector.shape_cast %get3A_442 : vector<1x16xf32> to vector<16xf32>
      %add3A_444 = arith.addf %get3A_438, %get3A_443 : vector<16xf32>
      %get3A_445 = arith.constant 2 : i32
      %get3A_446 = arith.index_cast %get3A_445 : i32 to index
      %get3A_447 = arith.constant 16 : index
      %get3A_448 = tpu.vector_load %arg10[%get3A_446, %get3A_447] {strides = array<i32>} : memref<16x128xf32, #tpu.memory_space<vmem>>, vector<1x16xf32>,
      %get3A_449 = vector.shape_cast %get3A_448 : vector<1x16xf32> to vector<16xf32>
      %add3A_450 = arith.addf %add3A_444, %get3A_449 : vector<16xf32>
      %swap3A_451 = arith.constant 2 : i32
      %swap3A_452 = arith.index_cast %swap3A_451 : i32 to index
      %swap3A_453 = arith.constant 16 : index
      %swap3A_454 = tpu.vector_load %arg8[%swap3A_452, %swap3A_453] {strides = array<i32>} : memref<16x128xf32, #tpu.memory_space<vmem>>, vector<1x16xf32>,
      %swap3A_455 = vector.shape_cast %swap3A_454 : vector<1x16xf32> to vector<16xf32>
      %swap3A_456 = vector.shape_cast %add3A_450 : vector<16xf32> to vector<1x16xf32>
      tpu.vector_store %arg8[%swap3A_452, %swap3A_453], %swap3A_456 {strides = array<i32>} : memref<16x128xf32, #tpu.memory_space<vmem>>, vector<1x16xf32>,
      %get3A_457 = arith.constant 2 : i32
      %get3A_458 = arith.index_cast %get3A_457 : i32 to index
      %get3A_459 = arith.constant 32 : index
      %get3A_460 = tpu.vector_load %arg8[%get3A_458, %get3A_459] {strides = array<i32>} : memref<16x128xf32, #tpu.memory_space<vmem>>, vector<1x16xf32>,
      %get3A_461 = vector.shape_cast %get3A_460 : vector<1x16xf32> to vector<16xf32>
      %get3A_462 = arith.constant 2 : i32
      %get3A_463 = arith.index_cast %get3A_462 : i32 to index
      %get3A_464 = arith.constant 32 : index
      %get3A_465 = tpu.vector_load %arg9[%get3A_463, %get3A_464] {strides = array<i32>} : memref<16x128xf32, #tpu.memory_space<vmem>>, vector<1x16xf32>,
      %get3A_466 = vector.shape_cast %get3A_465 : vector<1x16xf32> to vector<16xf32>
      %add3A_467 = arith.addf %get3A_461, %get3A_466 : vector<16xf32>
      %get3A_468 = arith.constant 2 : i32
      %get3A_469 = arith.index_cast %get3A_468 : i32 to index
      %get3A_470 = arith.constant 32 : index
      %get3A_471 = tpu.vector_load %arg10[%get3A_469, %get3A_470] {strides = array<i32>} : memref<16x128xf32, #tpu.memory_space<vmem>>, vector<1x16xf32>,
      %get3A_472 = vector.shape_cast %get3A_471 : vector<1x16xf32> to vector<16xf32>
      %add3A_473 = arith.addf %add3A_467, %get3A_472 : vector<16xf32>
      %swap3A_474 = arith.constant 2 : i32
      %swap3A_475 = arith.index_cast %swap3A_474 : i32 to index
      %swap3A_476 = arith.constant 32 : index
      %swap3A_477 = tpu.vector_load %arg8[%swap3A_475, %swap3A_476] {strides = array<i32>} : memref<16x128xf32, #tpu.memory_space<vmem>>, vector<1x16xf32>,
      %swap3A_478 = vector.shape_cast %swap3A_477 : vector<1x16xf32> to vector<16xf32>
      %swap3A_479 = vector.shape_cast %add3A_473 : vector<16xf32> to vector<1x16xf32>
      tpu.vector_store %arg8[%swap3A_475, %swap3A_476], %swap3A_479 {strides = array<i32>} : memref<16x128xf32, #tpu.memory_space<vmem>>, vector<1x16xf32>,
      %get3A_480 = arith.constant 2 : i32
      %get3A_481 = arith.index_cast %get3A_480 : i32 to index
      %get3A_482 = arith.constant 48 : index
      %get3A_483 = tpu.vector_load %arg8[%get3A_481, %get3A_482] {strides = array<i32>} : memref<16x128xf32, #tpu.memory_space<vmem>>, vector<1x16xf32>,
      %get3A_484 = vector.shape_cast %get3A_483 : vector<1x16xf32> to vector<16xf32>
      %get3A_485 = arith.constant 2 : i32
      %get3A_486 = arith.index_cast %get3A_485 : i32 to index
      %get3A_487 = arith.constant 48 : index
      %get3A_488 = tpu.vector_load %arg9[%get3A_486, %get3A_487] {strides = array<i32>} : memref<16x128xf32, #tpu.memory_space<vmem>>, vector<1x16xf32>,
      %get3A_489 = vector.shape_cast %get3A_488 : vector<1x16xf32> to vector<16xf32>
      %add3A_490 = arith.addf %get3A_484, %get3A_489 : vector<16xf32>
      %get3A_491 = arith.constant 2 : i32
      %get3A_492 = arith.index_cast %get3A_491 : i32 to index
      %get3A_493 = arith.constant 48 : index
      %get3A_494 = tpu.vector_load %arg10[%get3A_492, %get3A_493] {strides = array<i32>} : memref<16x128xf32, #tpu.memory_space<vmem>>, vector<1x16xf32>,
      %get3A_495 = vector.shape_cast %get3A_494 : vector<1x16xf32> to vector<16xf32>
      %add3A_496 = arith.addf %add3A_490, %get3A_495 : vector<16xf32>
      %swap3A_497 = arith.constant 2 : i32
      %swap3A_498 = arith.index_cast %swap3A_497 : i32 to index
      %swap3A_499 = arith.constant 48 : index
      %swap3A_500 = tpu.vector_load %arg8[%swap3A_498, %swap3A_499] {strides = array<i32>} : memref<16x128xf32, #tpu.memory_space<vmem>>, vector<1x16xf32>,
      %swap3A_501 = vector.shape_cast %swap3A_500 : vector<1x16xf32> to vector<16xf32>
      %swap3A_502 = vector.shape_cast %add3A_496 : vector<16xf32> to vector<1x16xf32>
      tpu.vector_store %arg8[%swap3A_498, %swap3A_499], %swap3A_502 {strides = array<i32>} : memref<16x128xf32, #tpu.memory_space<vmem>>, vector<1x16xf32>,
      %get3A_503 = arith.constant 2 : i32
      %get3A_504 = arith.index_cast %get3A_503 : i32 to index
      %get3A_505 = arith.constant 64 : index
      %get3A_506 = tpu.vector_load %arg8[%get3A_504, %get3A_505] {strides = array<i32>} : memref<16x128xf32, #tpu.memory_space<vmem>>, vector<1x16xf32>,
      %get3A_507 = vector.shape_cast %get3A_506 : vector<1x16xf32> to vector<16xf32>
      %get3A_508 = arith.constant 2 : i32
      %get3A_509 = arith.index_cast %get3A_508 : i32 to index
      %get3A_510 = arith.constant 64 : index
      %get3A_511 = tpu.vector_load %arg9[%get3A_509, %get3A_510] {strides = array<i32>} : memref<16x128xf32, #tpu.memory_space<vmem>>, vector<1x16xf32>,
      %get3A_512 = vector.shape_cast %get3A_511 : vector<1x16xf32> to vector<16xf32>
      %add3A_513 = arith.addf %get3A_507, %get3A_512 : vector<16xf32>
      %get3A_514 = arith.constant 2 : i32
      %get3A_515 = arith.index_cast %get3A_514 : i32 to index
      %get3A_516 = arith.constant 64 : index
      %get3A_517 = tpu.vector_load %arg10[%get3A_515, %get3A_516] {strides = array<i32>} : memref<16x128xf32, #tpu.memory_space<vmem>>, vector<1x16xf32>,
      %get3A_518 = vector.shape_cast %get3A_517 : vector<1x16xf32> to vector<16xf32>
      %add3A_519 = arith.addf %add3A_513, %get3A_518 : vector<16xf32>
      %swap3A_520 = arith.constant 2 : i32
      %swap3A_521 = arith.index_cast %swap3A_520 : i32 to index
      %swap3A_522 = arith.constant 64 : index
      %swap3A_523 = tpu.vector_load %arg8[%swap3A_521, %swap3A_522] {strides = array<i32>} : memref<16x128xf32, #tpu.memory_space<vmem>>, vector<1x16xf32>,
      %swap3A_524 = vector.shape_cast %swap3A_523 : vector<1x16xf32> to vector<16xf32>
      %swap3A_525 = vector.shape_cast %add3A_519 : vector<16xf32> to vector<1x16xf32>
      tpu.vector_store %arg8[%swap3A_521, %swap3A_522], %swap3A_525 {strides = array<i32>} : memref<16x128xf32, #tpu.memory_space<vmem>>, vector<1x16xf32>,
      %get3A_526 = arith.constant 2 : i32
      %get3A_527 = arith.index_cast %get3A_526 : i32 to index
      %get3A_528 = arith.constant 80 : index
      %get3A_529 = tpu.vector_load %arg8[%get3A_527, %get3A_528] {strides = array<i32>} : memref<16x128xf32, #tpu.memory_space<vmem>>, vector<1x16xf32>,
      %get3A_530 = vector.shape_cast %get3A_529 : vector<1x16xf32> to vector<16xf32>
      %get3A_531 = arith.constant 2 : i32
      %get3A_532 = arith.index_cast %get3A_531 : i32 to index
      %get3A_533 = arith.constant 80 : index
      %get3A_534 = tpu.vector_load %arg9[%get3A_532, %get3A_533] {strides = array<i32>} : memref<16x128xf32, #tpu.memory_space<vmem>>, vector<1x16xf32>,
      %get3A_535 = vector.shape_cast %get3A_534 : vector<1x16xf32> to vector<16xf32>
      %add3A_536 = arith.addf %get3A_530, %get3A_535 : vector<16xf32>
      %get3A_537 = arith.constant 2 : i32
      %get3A_538 = arith.index_cast %get3A_537 : i32 to index
      %get3A_539 = arith.constant 80 : index
      %get3A_540 = tpu.vector_load %arg10[%get3A_538, %get3A_539] {strides = array<i32>} : memref<16x128xf32, #tpu.memory_space<vmem>>, vector<1x16xf32>,
      %get3A_541 = vector.shape_cast %get3A_540 : vector<1x16xf32> to vector<16xf32>
      %add3A_542 = arith.addf %add3A_536, %get3A_541 : vector<16xf32>
      %swap3A_543 = arith.constant 2 : i32
      %swap3A_544 = arith.index_cast %swap3A_543 : i32 to index
      %swap3A_545 = arith.constant 80 : index
      %swap3A_546 = tpu.vector_load %arg8[%swap3A_544, %swap3A_545] {strides = array<i32>} : memref<16x128xf32, #tpu.memory_space<vmem>>, vector<1x16xf32>,
      %swap3A_547 = vector.shape_cast %swap3A_546 : vector<1x16xf32> to vector<16xf32>
      %swap3A_548 = vector.shape_cast %add3A_542 : vector<16xf32> to vector<1x16xf32>
      tpu.vector_store %arg8[%swap3A_544, %swap3A_545], %swap3A_548 {strides = array<i32>} : memref<16x128xf32, #tpu.memory_space<vmem>>, vector<1x16xf32>,
      %get3A_549 = arith.constant 2 : i32
      %get3A_550 = arith.index_cast %get3A_549 : i32 to index
      %get3A_551 = arith.constant 96 : index
      %get3A_552 = tpu.vector_load %arg8[%get3A_550, %get3A_551] {strides = array<i32>} : memref<16x128xf32, #tpu.memory_space<vmem>>, vector<1x16xf32>,
      %get3A_553 = vector.shape_cast %get3A_552 : vector<1x16xf32> to vector<16xf32>
      %get3A_554 = arith.constant 2 : i32
      %get3A_555 = arith.index_cast %get3A_554 : i32 to index
      %get3A_556 = arith.constant 96 : index
      %get3A_557 = tpu.vector_load %arg9[%get3A_555, %get3A_556] {strides = array<i32>} : memref<16x128xf32, #tpu.memory_space<vmem>>, vector<1x16xf32>,
      %get3A_558 = vector.shape_cast %get3A_557 : vector<1x16xf32> to vector<16xf32>
      %add3A_559 = arith.addf %get3A_553, %get3A_558 : vector<16xf32>
      %get3A_560 = arith.constant 2 : i32
      %get3A_561 = arith.index_cast %get3A_560 : i32 to index
      %get3A_562 = arith.constant 96 : index
      %get3A_563 = tpu.vector_load %arg10[%get3A_561, %get3A_562] {strides = array<i32>} : memref<16x128xf32, #tpu.memory_space<vmem>>, vector<1x16xf32>,
      %get3A_564 = vector.shape_cast %get3A_563 : vector<1x16xf32> to vector<16xf32>
      %add3A_565 = arith.addf %add3A_559, %get3A_564 : vector<16xf32>
      %swap3A_566 = arith.constant 2 : i32
      %swap3A_567 = arith.index_cast %swap3A_566 : i32 to index
      %swap3A_568 = arith.constant 96 : index
      %swap3A_569 = tpu.vector_load %arg8[%swap3A_567, %swap3A_568] {strides = array<i32>} : memref<16x128xf32, #tpu.memory_space<vmem>>, vector<1x16xf32>,
      %swap3A_570 = vector.shape_cast %swap3A_569 : vector<1x16xf32> to vector<16xf32>
      %swap3A_571 = vector.shape_cast %add3A_565 : vector<16xf32> to vector<1x16xf32>
      tpu.vector_store %arg8[%swap3A_567, %swap3A_568], %swap3A_571 {strides = array<i32>} : memref<16x128xf32, #tpu.memory_space<vmem>>, vector<1x16xf32>,
      %get3A_572 = arith.constant 2 : i32
      %get3A_573 = arith.index_cast %get3A_572 : i32 to index
      %get3A_574 = arith.constant 112 : index
      %get3A_575 = tpu.vector_load %arg8[%get3A_573, %get3A_574] {strides = array<i32>} : memref<16x128xf32, #tpu.memory_space<vmem>>, vector<1x16xf32>,
      %get3A_576 = vector.shape_cast %get3A_575 : vector<1x16xf32> to vector<16xf32>
      %get3A_577 = arith.constant 2 : i32
      %get3A_578 = arith.index_cast %get3A_577 : i32 to index
      %get3A_579 = arith.constant 112 : index
      %get3A_580 = tpu.vector_load %arg9[%get3A_578, %get3A_579] {strides = array<i32>} : memref<16x128xf32, #tpu.memory_space<vmem>>, vector<1x16xf32>,
      %get3A_581 = vector.shape_cast %get3A_580 : vector<1x16xf32> to vector<16xf32>
      %add3A_582 = arith.addf %get3A_576, %get3A_581 : vector<16xf32>
      %get3A_583 = arith.constant 2 : i32
      %get3A_584 = arith.index_cast %get3A_583 : i32 to index
      %get3A_585 = arith.constant 112 : index
      %get3A_586 = tpu.vector_load %arg10[%get3A_584, %get3A_585] {strides = array<i32>} : memref<16x128xf32, #tpu.memory_space<vmem>>, vector<1x16xf32>,
      %get3A_587 = vector.shape_cast %get3A_586 : vector<1x16xf32> to vector<16xf32>
      %add3A_588 = arith.addf %add3A_582, %get3A_587 : vector<16xf32>
      %swap3A_589 = arith.constant 2 : i32
      %swap3A_590 = arith.index_cast %swap3A_589 : i32 to index
      %swap3A_591 = arith.constant 112 : index
      %swap3A_592 = tpu.vector_load %arg8[%swap3A_590, %swap3A_591] {strides = array<i32>} : memref<16x128xf32, #tpu.memory_space<vmem>>, vector<1x16xf32>,
      %swap3A_593 = vector.shape_cast %swap3A_592 : vector<1x16xf32> to vector<16xf32>
      %swap3A_594 = vector.shape_cast %add3A_588 : vector<16xf32> to vector<1x16xf32>
      tpu.vector_store %arg8[%swap3A_590, %swap3A_591], %swap3A_594 {strides = array<i32>} : memref<16x128xf32, #tpu.memory_space<vmem>>, vector<1x16xf32>,
      %get3A_595 = arith.constant 3 : i32
      %get3A_596 = arith.index_cast %get3A_595 : i32 to index
      %get3A_597 = arith.constant 0 : index
      %get3A_598 = tpu.vector_load %arg8[%get3A_596, %get3A_597] {strides = array<i32>} : memref<16x128xf32, #tpu.memory_space<vmem>>, vector<1x16xf32>,
      %get3A_599 = vector.shape_cast %get3A_598 : vector<1x16xf32> to vector<16xf32>
      %get3A_600 = arith.constant 3 : i32
      %get3A_601 = arith.index_cast %get3A_600 : i32 to index
      %get3A_602 = arith.constant 0 : index
      %get3A_603 = tpu.vector_load %arg9[%get3A_601, %get3A_602] {strides = array<i32>} : memref<16x128xf32, #tpu.memory_space<vmem>>, vector<1x16xf32>,
      %get3A_604 = vector.shape_cast %get3A_603 : vector<1x16xf32> to vector<16xf32>
      %add3A_605 = arith.addf %get3A_599, %get3A_604 : vector<16xf32>
      %get3A_606 = arith.constant 3 : i32
      %get3A_607 = arith.index_cast %get3A_606 : i32 to index
      %get3A_608 = arith.constant 0 : index
      %get3A_609 = tpu.vector_load %arg10[%get3A_607, %get3A_608] {strides = array<i32>} : memref<16x128xf32, #tpu.memory_space<vmem>>, vector<1x16xf32>,
      %get3A_610 = vector.shape_cast %get3A_609 : vector<1x16xf32> to vector<16xf32>
      %add3A_611 = arith.addf %add3A_605, %get3A_610 : vector<16xf32>
      %swap3A_612 = arith.constant 3 : i32
      %swap3A_613 = arith.index_cast %swap3A_612 : i32 to index
      %swap3A_614 = arith.constant 0 : index
      %swap3A_615 = tpu.vector_load %arg8[%swap3A_613, %swap3A_614] {strides = array<i32>} : memref<16x128xf32, #tpu.memory_space<vmem>>, vector<1x16xf32>,
      %swap3A_616 = vector.shape_cast %swap3A_615 : vector<1x16xf32> to vector<16xf32>
      %swap3A_617 = vector.shape_cast %add3A_611 : vector<16xf32> to vector<1x16xf32>
      tpu.vector_store %arg8[%swap3A_613, %swap3A_614], %swap3A_617 {strides = array<i32>} : memref<16x128xf32, #tpu.memory_space<vmem>>, vector<1x16xf32>,
      %get3A_618 = arith.constant 3 : i32
      %get3A_619 = arith.index_cast %get3A_618 : i32 to index
      %get3A_620 = arith.constant 16 : index
      %get3A_621 = tpu.vector_load %arg8[%get3A_619, %get3A_620] {strides = array<i32>} : memref<16x128xf32, #tpu.memory_space<vmem>>, vector<1x16xf32>,
      %get3A_622 = vector.shape_cast %get3A_621 : vector<1x16xf32> to vector<16xf32>
      %get3A_623 = arith.constant 3 : i32
      %get3A_624 = arith.index_cast %get3A_623 : i32 to index
      %get3A_625 = arith.constant 16 : index
      %get3A_626 = tpu.vector_load %arg9[%get3A_624, %get3A_625] {strides = array<i32>} : memref<16x128xf32, #tpu.memory_space<vmem>>, vector<1x16xf32>,
      %get3A_627 = vector.shape_cast %get3A_626 : vector<1x16xf32> to vector<16xf32>
      %add3A_628 = arith.addf %get3A_622, %get3A_627 : vector<16xf32>
      %get3A_629 = arith.constant 3 : i32
      %get3A_630 = arith.index_cast %get3A_629 : i32 to index
      %get3A_631 = arith.constant 16 : index
      %get3A_632 = tpu.vector_load %arg10[%get3A_630, %get3A_631] {strides = array<i32>} : memref<16x128xf32, #tpu.memory_space<vmem>>, vector<1x16xf32>,
      %get3A_633 = vector.shape_cast %get3A_632 : vector<1x16xf32> to vector<16xf32>
      %add3A_634 = arith.addf %add3A_628, %get3A_633 : vector<16xf32>
      %swap3A_635 = arith.constant 3 : i32
      %swap3A_636 = arith.index_cast %swap3A_635 : i32 to index
      %swap3A_637 = arith.constant 16 : index
      %swap3A_638 = tpu.vector_load %arg8[%swap3A_636, %swap3A_637] {strides = array<i32>} : memref<16x128xf32, #tpu.memory_space<vmem>>, vector<1x16xf32>,
      %swap3A_639 = vector.shape_cast %swap3A_638 : vector<1x16xf32> to vector<16xf32>
      %swap3A_640 = vector.shape_cast %add3A_634 : vector<16xf32> to vector<1x16xf32>
      tpu.vector_store %arg8[%swap3A_636, %swap3A_637], %swap3A_640 {strides = array<i32>} : memref<16x128xf32, #tpu.memory_space<vmem>>, vector<1x16xf32>,
      %get3A_641 = arith.constant 3 : i32
      %get3A_642 = arith.index_cast %get3A_641 : i32 to index
      %get3A_643 = arith.constant 32 : index
      %get3A_644 = tpu.vector_load %arg8[%get3A_642, %get3A_643] {strides = array<i32>} : memref<16x128xf32, #tpu.memory_space<vmem>>, vector<1x16xf32>,
      %get3A_645 = vector.shape_cast %get3A_644 : vector<1x16xf32> to vector<16xf32>
      %get3A_646 = arith.constant 3 : i32
      %get3A_647 = arith.index_cast %get3A_646 : i32 to index
      %get3A_648 = arith.constant 32 : index
      %get3A_649 = tpu.vector_load %arg9[%get3A_647, %get3A_648] {strides = array<i32>} : memref<16x128xf32, #tpu.memory_space<vmem>>, vector<1x16xf32>,
      %get3A_650 = vector.shape_cast %get3A_649 : vector<1x16xf32> to vector<16xf32>
      %add3A_651 = arith.addf %get3A_645, %get3A_650 : vector<16xf32>
      %get3A_652 = arith.constant 3 : i32
      %get3A_653 = arith.index_cast %get3A_652 : i32 to index
      %get3A_654 = arith.constant 32 : index
      %get3A_655 = tpu.vector_load %arg10[%get3A_653, %get3A_654] {strides = array<i32>} : memref<16x128xf32, #tpu.memory_space<vmem>>, vector<1x16xf32>,
      %get3A_656 = vector.shape_cast %get3A_655 : vector<1x16xf32> to vector<16xf32>
      %add3A_657 = arith.addf %add3A_651, %get3A_656 : vector<16xf32>
      %swap3A_658 = arith.constant 3 : i32
      %swap3A_659 = arith.index_cast %swap3A_658 : i32 to index
      %swap3A_660 = arith.constant 32 : index
      %swap3A_661 = tpu.vector_load %arg8[%swap3A_659, %swap3A_660] {strides = array<i32>} : memref<16x128xf32, #tpu.memory_space<vmem>>, vector<1x16xf32>,
      %swap3A_662 = vector.shape_cast %swap3A_661 : vector<1x16xf32> to vector<16xf32>
      %swap3A_663 = vector.shape_cast %add3A_657 : vector<16xf32> to vector<1x16xf32>
      tpu.vector_store %arg8[%swap3A_659, %swap3A_660], %swap3A_663 {strides = array<i32>} : memref<16x128xf32, #tpu.memory_space<vmem>>, vector<1x16xf32>,
      %get3A_664 = arith.constant 3 : i32
      %get3A_665 = arith.index_cast %get3A_664 : i32 to index
      %get3A_666 = arith.constant 48 : index
      %get3A_667 = tpu.vector_load %arg8[%get3A_665, %get3A_666] {strides = array<i32>} : memref<16x128xf32, #tpu.memory_space<vmem>>, vector<1x16xf32>,
      %get3A_668 = vector.shape_cast %get3A_667 : vector<1x16xf32> to vector<16xf32>
      %get3A_669 = arith.constant 3 : i32
      %get3A_670 = arith.index_cast %get3A_669 : i32 to index
      %get3A_671 = arith.constant 48 : index
      %get3A_672 = tpu.vector_load %arg9[%get3A_670, %get3A_671] {strides = array<i32>} : memref<16x128xf32, #tpu.memory_space<vmem>>, vector<1x16xf32>,
      %get3A_673 = vector.shape_cast %get3A_672 : vector<1x16xf32> to vector<16xf32>
      %add3A_674 = arith.addf %get3A_668, %get3A_673 : vector<16xf32>
      %get3A_675 = arith.constant 3 : i32
      %get3A_676 = arith.index_cast %get3A_675 : i32 to index
      %get3A_677 = arith.constant 48 : index
      %get3A_678 = tpu.vector_load %arg10[%get3A_676, %get3A_677] {strides = array<i32>} : memref<16x128xf32, #tpu.memory_space<vmem>>, vector<1x16xf32>,
      %get3A_679 = vector.shape_cast %get3A_678 : vector<1x16xf32> to vector<16xf32>
      %add3A_680 = arith.addf %add3A_674, %get3A_679 : vector<16xf32>
      %swap3A_681 = arith.constant 3 : i32
      %swap3A_682 = arith.index_cast %swap3A_681 : i32 to index
      %swap3A_683 = arith.constant 48 : index
      %swap3A_684 = tpu.vector_load %arg8[%swap3A_682, %swap3A_683] {strides = array<i32>} : memref<16x128xf32, #tpu.memory_space<vmem>>, vector<1x16xf32>,
      %swap3A_685 = vector.shape_cast %swap3A_684 : vector<1x16xf32> to vector<16xf32>
      %swap3A_686 = vector.shape_cast %add3A_680 : vector<16xf32> to vector<1x16xf32>
      tpu.vector_store %arg8[%swap3A_682, %swap3A_683], %swap3A_686 {strides = array<i32>} : memref<16x128xf32, #tpu.memory_space<vmem>>, vector<1x16xf32>,
      %get3A_687 = arith.constant 3 : i32
      %get3A_688 = arith.index_cast %get3A_687 : i32 to index
      %get3A_689 = arith.constant 64 : index
      %get3A_690 = tpu.vector_load %arg8[%get3A_688, %get3A_689] {strides = array<i32>} : memref<16x128xf32, #tpu.memory_space<vmem>>, vector<1x16xf32>,
      %get3A_691 = vector.shape_cast %get3A_690 : vector<1x16xf32> to vector<16xf32>
      %get3A_692 = arith.constant 3 : i32
      %get3A_693 = arith.index_cast %get3A_692 : i32 to index
      %get3A_694 = arith.constant 64 : index
      %get3A_695 = tpu.vector_load %arg9[%get3A_693, %get3A_694] {strides = array<i32>} : memref<16x128xf32, #tpu.memory_space<vmem>>, vector<1x16xf32>,
      %get3A_696 = vector.shape_cast %get3A_695 : vector<1x16xf32> to vector<16xf32>
      %add3A_697 = arith.addf %get3A_691, %get3A_696 : vector<16xf32>
      %get3A_698 = arith.constant 3 : i32
      %get3A_699 = arith.index_cast %get3A_698 : i32 to index
      %get3A_700 = arith.constant 64 : index
      %get3A_701 = tpu.vector_load %arg10[%get3A_699, %get3A_700] {strides = array<i32>} : memref<16x128xf32, #tpu.memory_space<vmem>>, vector<1x16xf32>,
      %get3A_702 = vector.shape_cast %get3A_701 : vector<1x16xf32> to vector<16xf32>
      %add3A_703 = arith.addf %add3A_697, %get3A_702 : vector<16xf32>
      %swap3A_704 = arith.constant 3 : i32
      %swap3A_705 = arith.index_cast %swap3A_704 : i32 to index
      %swap3A_706 = arith.constant 64 : index
      %swap3A_707 = tpu.vector_load %arg8[%swap3A_705, %swap3A_706] {strides = array<i32>} : memref<16x128xf32, #tpu.memory_space<vmem>>, vector<1x16xf32>,
      %swap3A_708 = vector.shape_cast %swap3A_707 : vector<1x16xf32> to vector<16xf32>
      %swap3A_709 = vector.shape_cast %add3A_703 : vector<16xf32> to vector<1x16xf32>
      tpu.vector_store %arg8[%swap3A_705, %swap3A_706], %swap3A_709 {strides = array<i32>} : memref<16x128xf32, #tpu.memory_space<vmem>>, vector<1x16xf32>,
      %get3A_710 = arith.constant 3 : i32
      %get3A_711 = arith.index_cast %get3A_710 : i32 to index
      %get3A_712 = arith.constant 80 : index
      %get3A_713 = tpu.vector_load %arg8[%get3A_711, %get3A_712] {strides = array<i32>} : memref<16x128xf32, #tpu.memory_space<vmem>>, vector<1x16xf32>,
      %get3A_714 = vector.shape_cast %get3A_713 : vector<1x16xf32> to vector<16xf32>
      %get3A_715 = arith.constant 3 : i32
      %get3A_716 = arith.index_cast %get3A_715 : i32 to index
      %get3A_717 = arith.constant 80 : index
      %get3A_718 = tpu.vector_load %arg9[%get3A_716, %get3A_717] {strides = array<i32>} : memref<16x128xf32, #tpu.memory_space<vmem>>, vector<1x16xf32>,
      %get3A_719 = vector.shape_cast %get3A_718 : vector<1x16xf32> to vector<16xf32>
      %add3A_720 = arith.addf %get3A_714, %get3A_719 : vector<16xf32>
      %get3A_721 = arith.constant 3 : i32
      %get3A_722 = arith.index_cast %get3A_721 : i32 to index
      %get3A_723 = arith.constant 80 : index
      %get3A_724 = tpu.vector_load %arg10[%get3A_722, %get3A_723] {strides = array<i32>} : memref<16x128xf32, #tpu.memory_space<vmem>>, vector<1x16xf32>,
      %get3A_725 = vector.shape_cast %get3A_724 : vector<1x16xf32> to vector<16xf32>
      %add3A_726 = arith.addf %add3A_720, %get3A_725 : vector<16xf32>
      %swap3A_727 = arith.constant 3 : i32
      %swap3A_728 = arith.index_cast %swap3A_727 : i32 to index
      %swap3A_729 = arith.constant 80 : index
      %swap3A_730 = tpu.vector_load %arg8[%swap3A_728, %swap3A_729] {strides = array<i32>} : memref<16x128xf32, #tpu.memory_space<vmem>>, vector<1x16xf32>,
      %swap3A_731 = vector.shape_cast %swap3A_730 : vector<1x16xf32> to vector<16xf32>
      %swap3A_732 = vector.shape_cast %add3A_726 : vector<16xf32> to vector<1x16xf32>
      tpu.vector_store %arg8[%swap3A_728, %swap3A_729], %swap3A_732 {strides = array<i32>} : memref<16x128xf32, #tpu.memory_space<vmem>>, vector<1x16xf32>,
      %get3A_733 = arith.constant 3 : i32
      %get3A_734 = arith.index_cast %get3A_733 : i32 to index
      %get3A_735 = arith.constant 96 : index
      %get3A_736 = tpu.vector_load %arg8[%get3A_734, %get3A_735] {strides = array<i32>} : memref<16x128xf32, #tpu.memory_space<vmem>>, vector<1x16xf32>,
      %get3A_737 = vector.shape_cast %get3A_736 : vector<1x16xf32> to vector<16xf32>
      %get3A_738 = arith.constant 3 : i32
      %get3A_739 = arith.index_cast %get3A_738 : i32 to index
      %get3A_740 = arith.constant 96 : index
      %get3A_741 = tpu.vector_load %arg9[%get3A_739, %get3A_740] {strides = array<i32>} : memref<16x128xf32, #tpu.memory_space<vmem>>, vector<1x16xf32>,
      %get3A_742 = vector.shape_cast %get3A_741 : vector<1x16xf32> to vector<16xf32>
      %add3A_743 = arith.addf %get3A_737, %get3A_742 : vector<16xf32>
      %get3A_744 = arith.constant 3 : i32
      %get3A_745 = arith.index_cast %get3A_744 : i32 to index
      %get3A_746 = arith.constant 96 : index
      %get3A_747 = tpu.vector_load %arg10[%get3A_745, %get3A_746] {strides = array<i32>} : memref<16x128xf32, #tpu.memory_space<vmem>>, vector<1x16xf32>,
      %get3A_748 = vector.shape_cast %get3A_747 : vector<1x16xf32> to vector<16xf32>
      %add3A_749 = arith.addf %add3A_743, %get3A_748 : vector<16xf32>
      %swap3A_750 = arith.constant 3 : i32
      %swap3A_751 = arith.index_cast %swap3A_750 : i32 to index
      %swap3A_752 = arith.constant 96 : index
      %swap3A_753 = tpu.vector_load %arg8[%swap3A_751, %swap3A_752] {strides = array<i32>} : memref<16x128xf32, #tpu.memory_space<vmem>>, vector<1x16xf32>,
      %swap3A_754 = vector.shape_cast %swap3A_753 : vector<1x16xf32> to vector<16xf32>
      %swap3A_755 = vector.shape_cast %add3A_749 : vector<16xf32> to vector<1x16xf32>
      tpu.vector_store %arg8[%swap3A_751, %swap3A_752], %swap3A_755 {strides = array<i32>} : memref<16x128xf32, #tpu.memory_space<vmem>>, vector<1x16xf32>,
      %get3A_756 = arith.constant 3 : i32
      %get3A_757 = arith.index_cast %get3A_756 : i32 to index
      %get3A_758 = arith.constant 112 : index
      %get3A_759 = tpu.vector_load %arg8[%get3A_757, %get3A_758] {strides = array<i32>} : memref<16x128xf32, #tpu.memory_space<vmem>>, vector<1x16xf32>,
      %get3A_760 = vector.shape_cast %get3A_759 : vector<1x16xf32> to vector<16xf32>
      %get3A_761 = arith.constant 3 : i32
      %get3A_762 = arith.index_cast %get3A_761 : i32 to index
      %get3A_763 = arith.constant 112 : index
      %get3A_764 = tpu.vector_load %arg9[%get3A_762, %get3A_763] {strides = array<i32>} : memref<16x128xf32, #tpu.memory_space<vmem>>, vector<1x16xf32>,
      %get3A_765 = vector.shape_cast %get3A_764 : vector<1x16xf32> to vector<16xf32>
      %add3A_766 = arith.addf %get3A_760, %get3A_765 : vector<16xf32>
      %get3A_767 = arith.constant 3 : i32
      %get3A_768 = arith.index_cast %get3A_767 : i32 to index
      %get3A_769 = arith.constant 112 : index
      %get3A_770 = tpu.vector_load %arg10[%get3A_768, %get3A_769] {strides = array<i32>} : memref<16x128xf32, #tpu.memory_space<vmem>>, vector<1x16xf32>,
      %get3A_771 = vector.shape_cast %get3A_770 : vector<1x16xf32> to vector<16xf32>
      %add3A_772 = arith.addf %add3A_766, %get3A_771 : vector<16xf32>
      %swap3A_773 = arith.constant 3 : i32
      %swap3A_774 = arith.index_cast %swap3A_773 : i32 to index
      %swap3A_775 = arith.constant 112 : index
      %swap3A_776 = tpu.vector_load %arg8[%swap3A_774, %swap3A_775] {strides = array<i32>} : memref<16x128xf32, #tpu.memory_space<vmem>>, vector<1x16xf32>,
      %swap3A_777 = vector.shape_cast %swap3A_776 : vector<1x16xf32> to vector<16xf32>
      %swap3A_778 = vector.shape_cast %add3A_772 : vector<16xf32> to vector<1x16xf32>
      tpu.vector_store %arg8[%swap3A_774, %swap3A_775], %swap3A_778 {strides = array<i32>} : memref<16x128xf32, #tpu.memory_space<vmem>>, vector<1x16xf32>,
      %get3A_779 = arith.constant 4 : i32
      %get3A_780 = arith.index_cast %get3A_779 : i32 to index
      %get3A_781 = arith.constant 0 : index
      %get3A_782 = tpu.vector_load %arg8[%get3A_780, %get3A_781] {strides = array<i32>} : memref<16x128xf32, #tpu.memory_space<vmem>>, vector<1x16xf32>,
      %get3A_783 = vector.shape_cast %get3A_782 : vector<1x16xf32> to vector<16xf32>
      %get3A_784 = arith.constant 4 : i32
      %get3A_785 = arith.index_cast %get3A_784 : i32 to index
      %get3A_786 = arith.constant 0 : index
      %get3A_787 = tpu.vector_load %arg9[%get3A_785, %get3A_786] {strides = array<i32>} : memref<16x128xf32, #tpu.memory_space<vmem>>, vector<1x16xf32>,
      %get3A_788 = vector.shape_cast %get3A_787 : vector<1x16xf32> to vector<16xf32>
      %add3A_789 = arith.addf %get3A_783, %get3A_788 : vector<16xf32>
      %get3A_790 = arith.constant 4 : i32
      %get3A_791 = arith.index_cast %get3A_790 : i32 to index
      %get3A_792 = arith.constant 0 : index
      %get3A_793 = tpu.vector_load %arg10[%get3A_791, %get3A_792] {strides = array<i32>} : memref<16x128xf32, #tpu.memory_space<vmem>>, vector<1x16xf32>,
      %get3A_794 = vector.shape_cast %get3A_793 : vector<1x16xf32> to vector<16xf32>
      %add3A_795 = arith.addf %add3A_789, %get3A_794 : vector<16xf32>
      %swap3A_796 = arith.constant 4 : i32
      %swap3A_797 = arith.index_cast %swap3A_796 : i32 to index
      %swap3A_798 = arith.constant 0 : index
      %swap3A_799 = tpu.vector_load %arg8[%swap3A_797, %swap3A_798] {strides = array<i32>} : memref<16x128xf32, #tpu.memory_space<vmem>>, vector<1x16xf32>,
      %swap3A_800 = vector.shape_cast %swap3A_799 : vector<1x16xf32> to vector<16xf32>
      %swap3A_801 = vector.shape_cast %add3A_795 : vector<16xf32> to vector<1x16xf32>
      tpu.vector_store %arg8[%swap3A_797, %swap3A_798], %swap3A_801 {strides = array<i32>} : memref<16x128xf32, #tpu.memory_space<vmem>>, vector<1x16xf32>,
      %get3A_802 = arith.constant 4 : i32
      %get3A_803 = arith.index_cast %get3A_802 : i32 to index
      %get3A_804 = arith.constant 16 : index
      %get3A_805 = tpu.vector_load %arg8[%get3A_803, %get3A_804] {strides = array<i32>} : memref<16x128xf32, #tpu.memory_space<vmem>>, vector<1x16xf32>,
      %get3A_806 = vector.shape_cast %get3A_805 : vector<1x16xf32> to vector<16xf32>
      %get3A_807 = arith.constant 4 : i32
      %get3A_808 = arith.index_cast %get3A_807 : i32 to index
      %get3A_809 = arith.constant 16 : index
      %get3A_810 = tpu.vector_load %arg9[%get3A_808, %get3A_809] {strides = array<i32>} : memref<16x128xf32, #tpu.memory_space<vmem>>, vector<1x16xf32>,
      %get3A_811 = vector.shape_cast %get3A_810 : vector<1x16xf32> to vector<16xf32>
      %add3A_812 = arith.addf %get3A_806, %get3A_811 : vector<16xf32>
      %get3A_813 = arith.constant 4 : i32
      %get3A_814 = arith.index_cast %get3A_813 : i32 to index
      %get3A_815 = arith.constant 16 : index
      %get3A_816 = tpu.vector_load %arg10[%get3A_814, %get3A_815] {strides = array<i32>} : memref<16x128xf32, #tpu.memory_space<vmem>>, vector<1x16xf32>,
      %get3A_817 = vector.shape_cast %get3A_816 : vector<1x16xf32> to vector<16xf32>
      %add3A_818 = arith.addf %add3A_812, %get3A_817 : vector<16xf32>
      %swap3A_819 = arith.constant 4 : i32
      %swap3A_820 = arith.index_cast %swap3A_819 : i32 to index
      %swap3A_821 = arith.constant 16 : index
      %swap3A_822 = tpu.vector_load %arg8[%swap3A_820, %swap3A_821] {strides = array<i32>} : memref<16x128xf32, #tpu.memory_space<vmem>>, vector<1x16xf32>,
      %swap3A_823 = vector.shape_cast %swap3A_822 : vector<1x16xf32> to vector<16xf32>
      %swap3A_824 = vector.shape_cast %add3A_818 : vector<16xf32> to vector<1x16xf32>
      tpu.vector_store %arg8[%swap3A_820, %swap3A_821], %swap3A_824 {strides = array<i32>} : memref<16x128xf32, #tpu.memory_space<vmem>>, vector<1x16xf32>,
      %get3A_825 = arith.constant 4 : i32
      %get3A_826 = arith.index_cast %get3A_825 : i32 to index
      %get3A_827 = arith.constant 32 : index
      %get3A_828 = tpu.vector_load %arg8[%get3A_826, %get3A_827] {strides = array<i32>} : memref<16x128xf32, #tpu.memory_space<vmem>>, vector<1x16xf32>,
      %get3A_829 = vector.shape_cast %get3A_828 : vector<1x16xf32> to vector<16xf32>
      %get3A_830 = arith.constant 4 : i32
      %get3A_831 = arith.index_cast %get3A_830 : i32 to index
      %get3A_832 = arith.constant 32 : index
      %get3A_833 = tpu.vector_load %arg9[%get3A_831, %get3A_832] {strides = array<i32>} : memref<16x128xf32, #tpu.memory_space<vmem>>, vector<1x16xf32>,
      %get3A_834 = vector.shape_cast %get3A_833 : vector<1x16xf32> to vector<16xf32>
      %add3A_835 = arith.addf %get3A_829, %get3A_834 : vector<16xf32>
      %get3A_836 = arith.constant 4 : i32
      %get3A_837 = arith.index_cast %get3A_836 : i32 to index
      %get3A_838 = arith.constant 32 : index
      %get3A_839 = tpu.vector_load %arg10[%get3A_837, %get3A_838] {strides = array<i32>} : memref<16x128xf32, #tpu.memory_space<vmem>>, vector<1x16xf32>,
      %get3A_840 = vector.shape_cast %get3A_839 : vector<1x16xf32> to vector<16xf32>
      %add3A_841 = arith.addf %add3A_835, %get3A_840 : vector<16xf32>
      %swap3A_842 = arith.constant 4 : i32
      %swap3A_843 = arith.index_cast %swap3A_842 : i32 to index
      %swap3A_844 = arith.constant 32 : index
      %swap3A_845 = tpu.vector_load %arg8[%swap3A_843, %swap3A_844] {strides = array<i32>} : memref<16x128xf32, #tpu.memory_space<vmem>>, vector<1x16xf32>,
      %swap3A_846 = vector.shape_cast %swap3A_845 : vector<1x16xf32> to vector<16xf32>
      %swap3A_847 = vector.shape_cast %add3A_841 : vector<16xf32> to vector<1x16xf32>
      tpu.vector_store %arg8[%swap3A_843, %swap3A_844], %swap3A_847 {strides = array<i32>} : memref<16x128xf32, #tpu.memory_space<vmem>>, vector<1x16xf32>,
      %get3A_848 = arith.constant 4 : i32
      %get3A_849 = arith.index_cast %get3A_848 : i32 to index
      %get3A_850 = arith.constant 48 : index
      %get3A_851 = tpu.vector_load %arg8[%get3A_849, %get3A_850] {strides = array<i32>} : memref<16x128xf32, #tpu.memory_space<vmem>>, vector<1x16xf32>,
      %get3A_852 = vector.shape_cast %get3A_851 : vector<1x16xf32> to vector<16xf32>
      %get3A_853 = arith.constant 4 : i32
      %get3A_854 = arith.index_cast %get3A_853 : i32 to index
      %get3A_855 = arith.constant 48 : index
      %get3A_856 = tpu.vector_load %arg9[%get3A_854, %get3A_855] {strides = array<i32>} : memref<16x128xf32, #tpu.memory_space<vmem>>, vector<1x16xf32>,
      %get3A_857 = vector.shape_cast %get3A_856 : vector<1x16xf32> to vector<16xf32>
      %add3A_858 = arith.addf %get3A_852, %get3A_857 : vector<16xf32>
      %get3A_859 = arith.constant 4 : i32
      %get3A_860 = arith.index_cast %get3A_859 : i32 to index
      %get3A_861 = arith.constant 48 : index
      %get3A_862 = tpu.vector_load %arg10[%get3A_860, %get3A_861] {strides = array<i32>} : memref<16x128xf32, #tpu.memory_space<vmem>>, vector<1x16xf32>,
      %get3A_863 = vector.shape_cast %get3A_862 : vector<1x16xf32> to vector<16xf32>
      %add3A_864 = arith.addf %add3A_858, %get3A_863 : vector<16xf32>
      %swap3A_865 = arith.constant 4 : i32
      %swap3A_866 = arith.index_cast %swap3A_865 : i32 to index
      %swap3A_867 = arith.constant 48 : index
      %swap3A_868 = tpu.vector_load %arg8[%swap3A_866, %swap3A_867] {strides = array<i32>} : memref<16x128xf32, #tpu.memory_space<vmem>>, vector<1x16xf32>,
      %swap3A_869 = vector.shape_cast %swap3A_868 : vector<1x16xf32> to vector<16xf32>
      %swap3A_870 = vector.shape_cast %add3A_864 : vector<16xf32> to vector<1x16xf32>
      tpu.vector_store %arg8[%swap3A_866, %swap3A_867], %swap3A_870 {strides = array<i32>} : memref<16x128xf32, #tpu.memory_space<vmem>>, vector<1x16xf32>,
      %get3A_871 = arith.constant 4 : i32
      %get3A_872 = arith.index_cast %get3A_871 : i32 to index
      %get3A_873 = arith.constant 64 : index
      %get3A_874 = tpu.vector_load %arg8[%get3A_872, %get3A_873] {strides = array<i32>} : memref<16x128xf32, #tpu.memory_space<vmem>>, vector<1x16xf32>,
      %get3A_875 = vector.shape_cast %get3A_874 : vector<1x16xf32> to vector<16xf32>
      %get3A_876 = arith.constant 4 : i32
      %get3A_877 = arith.index_cast %get3A_876 : i32 to index
      %get3A_878 = arith.constant 64 : index
      %get3A_879 = tpu.vector_load %arg9[%get3A_877, %get3A_878] {strides = array<i32>} : memref<16x128xf32, #tpu.memory_space<vmem>>, vector<1x16xf32>,
      %get3A_880 = vector.shape_cast %get3A_879 : vector<1x16xf32> to vector<16xf32>
      %add3A_881 = arith.addf %get3A_875, %get3A_880 : vector<16xf32>
      %get3A_882 = arith.constant 4 : i32
      %get3A_883 = arith.index_cast %get3A_882 : i32 to index
      %get3A_884 = arith.constant 64 : index
      %get3A_885 = tpu.vector_load %arg10[%get3A_883, %get3A_884] {strides = array<i32>} : memref<16x128xf32, #tpu.memory_space<vmem>>, vector<1x16xf32>,
      %get3A_886 = vector.shape_cast %get3A_885 : vector<1x16xf32> to vector<16xf32>
      %add3A_887 = arith.addf %add3A_881, %get3A_886 : vector<16xf32>
      %swap3A_888 = arith.constant 4 : i32
      %swap3A_889 = arith.index_cast %swap3A_888 : i32 to index
      %swap3A_890 = arith.constant 64 : index
      %swap3A_891 = tpu.vector_load %arg8[%swap3A_889, %swap3A_890] {strides = array<i32>} : memref<16x128xf32, #tpu.memory_space<vmem>>, vector<1x16xf32>,
      %swap3A_892 = vector.shape_cast %swap3A_891 : vector<1x16xf32> to vector<16xf32>
      %swap3A_893 = vector.shape_cast %add3A_887 : vector<16xf32> to vector<1x16xf32>
      tpu.vector_store %arg8[%swap3A_889, %swap3A_890], %swap3A_893 {strides = array<i32>} : memref<16x128xf32, #tpu.memory_space<vmem>>, vector<1x16xf32>,
      %get3A_894 = arith.constant 4 : i32
      %get3A_895 = arith.index_cast %get3A_894 : i32 to index
      %get3A_896 = arith.constant 80 : index
      %get3A_897 = tpu.vector_load %arg8[%get3A_895, %get3A_896] {strides = array<i32>} : memref<16x128xf32, #tpu.memory_space<vmem>>, vector<1x16xf32>,
      %get3A_898 = vector.shape_cast %get3A_897 : vector<1x16xf32> to vector<16xf32>
      %get3A_899 = arith.constant 4 : i32
      %get3A_900 = arith.index_cast %get3A_899 : i32 to index
      %get3A_901 = arith.constant 80 : index
      %get3A_902 = tpu.vector_load %arg9[%get3A_900, %get3A_901] {strides = array<i32>} : memref<16x128xf32, #tpu.memory_space<vmem>>, vector<1x16xf32>,
      %get3A_903 = vector.shape_cast %get3A_902 : vector<1x16xf32> to vector<16xf32>
      %add3A_904 = arith.addf %get3A_898, %get3A_903 : vector<16xf32>
      %get3A_905 = arith.constant 4 : i32
      %get3A_906 = arith.index_cast %get3A_905 : i32 to index
      %get3A_907 = arith.constant 80 : index
      %get3A_908 = tpu.vector_load %arg10[%get3A_906, %get3A_907] {strides = array<i32>} : memref<16x128xf32, #tpu.memory_space<vmem>>, vector<1x16xf32>,
      %get3A_909 = vector.shape_cast %get3A_908 : vector<1x16xf32> to vector<16xf32>
      %add3A_910 = arith.addf %add3A_904, %get3A_909 : vector<16xf32>
      %swap3A_911 = arith.constant 4 : i32
      %swap3A_912 = arith.index_cast %swap3A_911 : i32 to index
      %swap3A_913 = arith.constant 80 : index
      %swap3A_914 = tpu.vector_load %arg8[%swap3A_912, %swap3A_913] {strides = array<i32>} : memref<16x128xf32, #tpu.memory_space<vmem>>, vector<1x16xf32>,
      %swap3A_915 = vector.shape_cast %swap3A_914 : vector<1x16xf32> to vector<16xf32>
      %swap3A_916 = vector.shape_cast %add3A_910 : vector<16xf32> to vector<1x16xf32>
      tpu.vector_store %arg8[%swap3A_912, %swap3A_913], %swap3A_916 {strides = array<i32>} : memref<16x128xf32, #tpu.memory_space<vmem>>, vector<1x16xf32>,
      %get3A_917 = arith.constant 4 : i32
      %get3A_918 = arith.index_cast %get3A_917 : i32 to index
      %get3A_919 = arith.constant 96 : index
      %get3A_920 = tpu.vector_load %arg8[%get3A_918, %get3A_919] {strides = array<i32>} : memref<16x128xf32, #tpu.memory_space<vmem>>, vector<1x16xf32>,
      %get3A_921 = vector.shape_cast %get3A_920 : vector<1x16xf32> to vector<16xf32>
      %get3A_922 = arith.constant 4 : i32
      %get3A_923 = arith.index_cast %get3A_922 : i32 to index
      %get3A_924 = arith.constant 96 : index
      %get3A_925 = tpu.vector_load %arg9[%get3A_923, %get3A_924] {strides = array<i32>} : memref<16x128xf32, #tpu.memory_space<vmem>>, vector<1x16xf32>,
      %get3A_926 = vector.shape_cast %get3A_925 : vector<1x16xf32> to vector<16xf32>
      %add3A_927 = arith.addf %get3A_921, %get3A_926 : vector<16xf32>
      %get3A_928 = arith.constant 4 : i32
      %get3A_929 = arith.index_cast %get3A_928 : i32 to index
      %get3A_930 = arith.constant 96 : index
      %get3A_931 = tpu.vector_load %arg10[%get3A_929, %get3A_930] {strides = array<i32>} : memref<16x128xf32, #tpu.memory_space<vmem>>, vector<1x16xf32>,
      %get3A_932 = vector.shape_cast %get3A_931 : vector<1x16xf32> to vector<16xf32>
      %add3A_933 = arith.addf %add3A_927, %get3A_932 : vector<16xf32>
      %swap3A_934 = arith.constant 4 : i32
      %swap3A_935 = arith.index_cast %swap3A_934 : i32 to index
      %swap3A_936 = arith.constant 96 : index
      %swap3A_937 = tpu.vector_load %arg8[%swap3A_935, %swap3A_936] {strides = array<i32>} : memref<16x128xf32, #tpu.memory_space<vmem>>, vector<1x16xf32>,
      %swap3A_938 = vector.shape_cast %swap3A_937 : vector<1x16xf32> to vector<16xf32>
      %swap3A_939 = vector.shape_cast %add3A_933 : vector<16xf32> to vector<1x16xf32>
      tpu.vector_store %arg8[%swap3A_935, %swap3A_936], %swap3A_939 {strides = array<i32>} : memref<16x128xf32, #tpu.memory_space<vmem>>, vector<1x16xf32>,
      %get3A_940 = arith.constant 4 : i32
      %get3A_941 = arith.index_cast %get3A_940 : i32 to index
      %get3A_942 = arith.constant 112 : index
      %get3A_943 = tpu.vector_load %arg8[%get3A_941, %get3A_942] {strides = array<i32>} : memref<16x128xf32, #tpu.memory_space<vmem>>, vector<1x16xf32>,
      %get3A_944 = vector.shape_cast %get3A_943 : vector<1x16xf32> to vector<16xf32>
      %get3A_945 = arith.constant 4 : i32
      %get3A_946 = arith.index_cast %get3A_945 : i32 to index
      %get3A_947 = arith.constant 112 : index
      %get3A_948 = tpu.vector_load %arg9[%get3A_946, %get3A_947] {strides = array<i32>} : memref<16x128xf32, #tpu.memory_space<vmem>>, vector<1x16xf32>,
      %get3A_949 = vector.shape_cast %get3A_948 : vector<1x16xf32> to vector<16xf32>
      %add3A_950 = arith.addf %get3A_944, %get3A_949 : vector<16xf32>
      %get3A_951 = arith.constant 4 : i32
      %get3A_952 = arith.index_cast %get3A_951 : i32 to index
      %get3A_953 = arith.constant 112 : index
      %get3A_954 = tpu.vector_load %arg10[%get3A_952, %get3A_953] {strides = array<i32>} : memref<16x128xf32, #tpu.memory_space<vmem>>, vector<1x16xf32>,
      %get3A_955 = vector.shape_cast %get3A_954 : vector<1x16xf32> to vector<16xf32>
      %add3A_956 = arith.addf %add3A_950, %get3A_955 : vector<16xf32>
      %swap3A_957 = arith.constant 4 : i32
      %swap3A_958 = arith.index_cast %swap3A_957 : i32 to index
      %swap3A_959 = arith.constant 112 : index
      %swap3A_960 = tpu.vector_load %arg8[%swap3A_958, %swap3A_959] {strides = array<i32>} : memref<16x128xf32, #tpu.memory_space<vmem>>, vector<1x16xf32>,
      %swap3A_961 = vector.shape_cast %swap3A_960 : vector<1x16xf32> to vector<16xf32>
      %swap3A_962 = vector.shape_cast %add3A_956 : vector<16xf32> to vector<1x16xf32>
      tpu.vector_store %arg8[%swap3A_958, %swap3A_959], %swap3A_962 {strides = array<i32>} : memref<16x128xf32, #tpu.memory_space<vmem>>, vector<1x16xf32>,
      %get3A_963 = arith.constant 5 : i32
      %get3A_964 = arith.index_cast %get3A_963 : i32 to index
      %get3A_965 = arith.constant 0 : index
      %get3A_966 = tpu.vector_load %arg8[%get3A_964, %get3A_965] {strides = array<i32>} : memref<16x128xf32, #tpu.memory_space<vmem>>, vector<1x16xf32>,
      %get3A_967 = vector.shape_cast %get3A_966 : vector<1x16xf32> to vector<16xf32>
      %get3A_968 = arith.constant 5 : i32
      %get3A_969 = arith.index_cast %get3A_968 : i32 to index
      %get3A_970 = arith.constant 0 : index
      %get3A_971 = tpu.vector_load %arg9[%get3A_969, %get3A_970] {strides = array<i32>} : memref<16x128xf32, #tpu.memory_space<vmem>>, vector<1x16xf32>,
      %get3A_972 = vector.shape_cast %get3A_971 : vector<1x16xf32> to vector<16xf32>
      %add3A_973 = arith.addf %get3A_967, %get3A_972 : vector<16xf32>
      %get3A_974 = arith.constant 5 : i32
      %get3A_975 = arith.index_cast %get3A_974 : i32 to index
      %get3A_976 = arith.constant 0 : index
      %get3A_977 = tpu.vector_load %arg10[%get3A_975, %get3A_976] {strides = array<i32>} : memref<16x128xf32, #tpu.memory_space<vmem>>, vector<1x16xf32>,
      %get3A_978 = vector.shape_cast %get3A_977 : vector<1x16xf32> to vector<16xf32>
      %add3A_979 = arith.addf %add3A_973, %get3A_978 : vector<16xf32>
      %swap3A_980 = arith.constant 5 : i32
      %swap3A_981 = arith.index_cast %swap3A_980 : i32 to index
      %swap3A_982 = arith.constant 0 : index
      %swap3A_983 = tpu.vector_load %arg8[%swap3A_981, %swap3A_982] {strides = array<i32>} : memref<16x128xf32, #tpu.memory_space<vmem>>, vector<1x16xf32>,
      %swap3A_984 = vector.shape_cast %swap3A_983 : vector<1x16xf32> to vector<16xf32>
      %swap3A_985 = vector.shape_cast %add3A_979 : vector<16xf32> to vector<1x16xf32>
      tpu.vector_store %arg8[%swap3A_981, %swap3A_982], %swap3A_985 {strides = array<i32>} : memref<16x128xf32, #tpu.memory_space<vmem>>, vector<1x16xf32>,
      %get3A_986 = arith.constant 5 : i32
      %get3A_987 = arith.index_cast %get3A_986 : i32 to index
      %get3A_988 = arith.constant 16 : index
      %get3A_989 = tpu.vector_load %arg8[%get3A_987, %get3A_988] {strides = array<i32>} : memref<16x128xf32, #tpu.memory_space<vmem>>, vector<1x16xf32>,
      %get3A_990 = vector.shape_cast %get3A_989 : vector<1x16xf32> to vector<16xf32>
      %get3A_991 = arith.constant 5 : i32
      %get3A_992 = arith.index_cast %get3A_991 : i32 to index
      %get3A_993 = arith.constant 16 : index
      %get3A_994 = tpu.vector_load %arg9[%get3A_992, %get3A_993] {strides = array<i32>} : memref<16x128xf32, #tpu.memory_space<vmem>>, vector<1x16xf32>,
      %get3A_995 = vector.shape_cast %get3A_994 : vector<1x16xf32> to vector<16xf32>
      %add3A_996 = arith.addf %get3A_990, %get3A_995 : vector<16xf32>
      %get3A_997 = arith.constant 5 : i32
      %get3A_998 = arith.index_cast %get3A_997 : i32 to index
      %get3A_999 = arith.constant 16 : index
      %get3A_1000 = tpu.vector_load %arg10[%get3A_998, %get3A_999] {strides = array<i32>} : memref<16x128xf32, #tpu.memory_space<vmem>>, vector<1x16xf32>,
      %get3A_1001 = vector.shape_cast %get3A_1000 : vector<1x16xf32> to vector<16xf32>
      %add3A_1002 = arith.addf %add3A_996, %get3A_1001 : vector<16xf32>
      %swap3A_1003 = arith.constant 5 : i32
      %swap3A_1004 = arith.index_cast %swap3A_1003 : i32 to index
      %swap3A_1005 = arith.constant 16 : index
      %swap3A_1006 = tpu.vector_load %arg8[%swap3A_1004, %swap3A_1005] {strides = array<i32>} : memref<16x128xf32, #tpu.memory_space<vmem>>, vector<1x16xf32>,
      %swap3A_1007 = vector.shape_cast %swap3A_1006 : vector<1x16xf32> to vector<16xf32>
      %swap3A_1008 = vector.shape_cast %add3A_1002 : vector<16xf32> to vector<1x16xf32>
      tpu.vector_store %arg8[%swap3A_1004, %swap3A_1005], %swap3A_1008 {strides = array<i32>} : memref<16x128xf32, #tpu.memory_space<vmem>>, vector<1x16xf32>,
      %get3A_1009 = arith.constant 5 : i32
      %get3A_1010 = arith.index_cast %get3A_1009 : i32 to index
      %get3A_1011 = arith.constant 32 : index
      %get3A_1012 = tpu.vector_load %arg8[%get3A_1010, %get3A_1011] {strides = array<i32>} : memref<16x128xf32, #tpu.memory_space<vmem>>, vector<1x16xf32>,
      %get3A_1013 = vector.shape_cast %get3A_1012 : vector<1x16xf32> to vector<16xf32>
      %get3A_1014 = arith.constant 5 : i32
      %get3A_1015 = arith.index_cast %get3A_1014 : i32 to index
      %get3A_1016 = arith.constant 32 : index
      %get3A_1017 = tpu.vector_load %arg9[%get3A_1015, %get3A_1016] {strides = array<i32>} : memref<16x128xf32, #tpu.memory_space<vmem>>, vector<1x16xf32>,
      %get3A_1018 = vector.shape_cast %get3A_1017 : vector<1x16xf32> to vector<16xf32>
      %add3A_1019 = arith.addf %get3A_1013, %get3A_1018 : vector<16xf32>
      %get3A_1020 = arith.constant 5 : i32
      %get3A_1021 = arith.index_cast %get3A_1020 : i32 to index
      %get3A_1022 = arith.constant 32 : index
      %get3A_1023 = tpu.vector_load %arg10[%get3A_1021, %get3A_1022] {strides = array<i32>} : memref<16x128xf32, #tpu.memory_space<vmem>>, vector<1x16xf32>,
      %get3A_1024 = vector.shape_cast %get3A_1023 : vector<1x16xf32> to vector<16xf32>
      %add3A_1025 = arith.addf %add3A_1019, %get3A_1024 : vector<16xf32>
      %swap3A_1026 = arith.constant 5 : i32
      %swap3A_1027 = arith.index_cast %swap3A_1026 : i32 to index
      %swap3A_1028 = arith.constant 32 : index
      %swap3A_1029 = tpu.vector_load %arg8[%swap3A_1027, %swap3A_1028] {strides = array<i32>} : memref<16x128xf32, #tpu.memory_space<vmem>>, vector<1x16xf32>,
      %swap3A_1030 = vector.shape_cast %swap3A_1029 : vector<1x16xf32> to vector<16xf32>
      %swap3A_1031 = vector.shape_cast %add3A_1025 : vector<16xf32> to vector<1x16xf32>
      tpu.vector_store %arg8[%swap3A_1027, %swap3A_1028], %swap3A_1031 {strides = array<i32>} : memref<16x128xf32, #tpu.memory_space<vmem>>, vector<1x16xf32>,
      %get3A_1032 = arith.constant 5 : i32
      %get3A_1033 = arith.index_cast %get3A_1032 : i32 to index
      %get3A_1034 = arith.constant 48 : index
      %get3A_1035 = tpu.vector_load %arg8[%get3A_1033, %get3A_1034] {strides = array<i32>} : memref<16x128xf32, #tpu.memory_space<vmem>>, vector<1x16xf32>,
      %get3A_1036 = vector.shape_cast %get3A_1035 : vector<1x16xf32> to vector<16xf32>
      %get3A_1037 = arith.constant 5 : i32
      %get3A_1038 = arith.index_cast %get3A_1037 : i32 to index
      %get3A_1039 = arith.constant 48 : index
      %get3A_1040 = tpu.vector_load %arg9[%get3A_1038, %get3A_1039] {strides = array<i32>} : memref<16x128xf32, #tpu.memory_space<vmem>>, vector<1x16xf32>,
      %get3A_1041 = vector.shape_cast %get3A_1040 : vector<1x16xf32> to vector<16xf32>
      %add3A_1042 = arith.addf %get3A_1036, %get3A_1041 : vector<16xf32>
      %get3A_1043 = arith.constant 5 : i32
      %get3A_1044 = arith.index_cast %get3A_1043 : i32 to index
      %get3A_1045 = arith.constant 48 : index
      %get3A_1046 = tpu.vector_load %arg10[%get3A_1044, %get3A_1045] {strides = array<i32>} : memref<16x128xf32, #tpu.memory_space<vmem>>, vector<1x16xf32>,
      %get3A_1047 = vector.shape_cast %get3A_1046 : vector<1x16xf32> to vector<16xf32>
      %add3A_1048 = arith.addf %add3A_1042, %get3A_1047 : vector<16xf32>
      %swap3A_1049 = arith.constant 5 : i32
      %swap3A_1050 = arith.index_cast %swap3A_1049 : i32 to index
      %swap3A_1051 = arith.constant 48 : index
      %swap3A_1052 = tpu.vector_load %arg8[%swap3A_1050, %swap3A_1051] {strides = array<i32>} : memref<16x128xf32, #tpu.memory_space<vmem>>, vector<1x16xf32>,
      %swap3A_1053 = vector.shape_cast %swap3A_1052 : vector<1x16xf32> to vector<16xf32>
      %swap3A_1054 = vector.shape_cast %add3A_1048 : vector<16xf32> to vector<1x16xf32>
      tpu.vector_store %arg8[%swap3A_1050, %swap3A_1051], %swap3A_1054 {strides = array<i32>} : memref<16x128xf32, #tpu.memory_space<vmem>>, vector<1x16xf32>,
      %get3A_1055 = arith.constant 5 : i32
      %get3A_1056 = arith.index_cast %get3A_1055 : i32 to index
      %get3A_1057 = arith.constant 64 : index
      %get3A_1058 = tpu.vector_load %arg8[%get3A_1056, %get3A_1057] {strides = array<i32>} : memref<16x128xf32, #tpu.memory_space<vmem>>, vector<1x16xf32>,
      %get3A_1059 = vector.shape_cast %get3A_1058 : vector<1x16xf32> to vector<16xf32>
      %get3A_1060 = arith.constant 5 : i32
      %get3A_1061 = arith.index_cast %get3A_1060 : i32 to index
      %get3A_1062 = arith.constant 64 : index
      %get3A_1063 = tpu.vector_load %arg9[%get3A_1061, %get3A_1062] {strides = array<i32>} : memref<16x128xf32, #tpu.memory_space<vmem>>, vector<1x16xf32>,
      %get3A_1064 = vector.shape_cast %get3A_1063 : vector<1x16xf32> to vector<16xf32>
      %add3A_1065 = arith.addf %get3A_1059, %get3A_1064 : vector<16xf32>
      %get3A_1066 = arith.constant 5 : i32
      %get3A_1067 = arith.index_cast %get3A_1066 : i32 to index
      %get3A_1068 = arith.constant 64 : index
      %get3A_1069 = tpu.vector_load %arg10[%get3A_1067, %get3A_1068] {strides = array<i32>} : memref<16x128xf32, #tpu.memory_space<vmem>>, vector<1x16xf32>,
      %get3A_1070 = vector.shape_cast %get3A_1069 : vector<1x16xf32> to vector<16xf32>
      %add3A_1071 = arith.addf %add3A_1065, %get3A_1070 : vector<16xf32>
      %swap3A_1072 = arith.constant 5 : i32
      %swap3A_1073 = arith.index_cast %swap3A_1072 : i32 to index
      %swap3A_1074 = arith.constant 64 : index
      %swap3A_1075 = tpu.vector_load %arg8[%swap3A_1073, %swap3A_1074] {strides = array<i32>} : memref<16x128xf32, #tpu.memory_space<vmem>>, vector<1x16xf32>,
      %swap3A_1076 = vector.shape_cast %swap3A_1075 : vector<1x16xf32> to vector<16xf32>
      %swap3A_1077 = vector.shape_cast %add3A_1071 : vector<16xf32> to vector<1x16xf32>
      tpu.vector_store %arg8[%swap3A_1073, %swap3A_1074], %swap3A_1077 {strides = array<i32>} : memref<16x128xf32, #tpu.memory_space<vmem>>, vector<1x16xf32>,
      %get3A_1078 = arith.constant 5 : i32
      %get3A_1079 = arith.index_cast %get3A_1078 : i32 to index
      %get3A_1080 = arith.constant 80 : index
      %get3A_1081 = tpu.vector_load %arg8[%get3A_1079, %get3A_1080] {strides = array<i32>} : memref<16x128xf32, #tpu.memory_space<vmem>>, vector<1x16xf32>,
      %get3A_1082 = vector.shape_cast %get3A_1081 : vector<1x16xf32> to vector<16xf32>
      %get3A_1083 = arith.constant 5 : i32
      %get3A_1084 = arith.index_cast %get3A_1083 : i32 to index
      %get3A_1085 = arith.constant 80 : index
      %get3A_1086 = tpu.vector_load %arg9[%get3A_1084, %get3A_1085] {strides = array<i32>} : memref<16x128xf32, #tpu.memory_space<vmem>>, vector<1x16xf32>,
      %get3A_1087 = vector.shape_cast %get3A_1086 : vector<1x16xf32> to vector<16xf32>
      %add3A_1088 = arith.addf %get3A_1082, %get3A_1087 : vector<16xf32>
      %get3A_1089 = arith.constant 5 : i32
      %get3A_1090 = arith.index_cast %get3A_1089 : i32 to index
      %get3A_1091 = arith.constant 80 : index
      %get3A_1092 = tpu.vector_load %arg10[%get3A_1090, %get3A_1091] {strides = array<i32>} : memref<16x128xf32, #tpu.memory_space<vmem>>, vector<1x16xf32>,
      %get3A_1093 = vector.shape_cast %get3A_1092 : vector<1x16xf32> to vector<16xf32>
      %add3A_1094 = arith.addf %add3A_1088, %get3A_1093 : vector<16xf32>
      %swap3A_1095 = arith.constant 5 : i32
      %swap3A_1096 = arith.index_cast %swap3A_1095 : i32 to index
      %swap3A_1097 = arith.constant 80 : index
      %swap3A_1098 = tpu.vector_load %arg8[%swap3A_1096, %swap3A_1097] {strides = array<i32>} : memref<16x128xf32, #tpu.memory_space<vmem>>, vector<1x16xf32>,
      %swap3A_1099 = vector.shape_cast %swap3A_1098 : vector<1x16xf32> to vector<16xf32>
      %swap3A_1100 = vector.shape_cast %add3A_1094 : vector<16xf32> to vector<1x16xf32>
      tpu.vector_store %arg8[%swap3A_1096, %swap3A_1097], %swap3A_1100 {strides = array<i32>} : memref<16x128xf32, #tpu.memory_space<vmem>>, vector<1x16xf32>,
      %get3A_1101 = arith.constant 5 : i32
      %get3A_1102 = arith.index_cast %get3A_1101 : i32 to index
      %get3A_1103 = arith.constant 96 : index
      %get3A_1104 = tpu.vector_load %arg8[%get3A_1102, %get3A_1103] {strides = array<i32>} : memref<16x128xf32, #tpu.memory_space<vmem>>, vector<1x16xf32>,
      %get3A_1105 = vector.shape_cast %get3A_1104 : vector<1x16xf32> to vector<16xf32>
      %get3A_1106 = arith.constant 5 : i32
      %get3A_1107 = arith.index_cast %get3A_1106 : i32 to index
      %get3A_1108 = arith.constant 96 : index
      %get3A_1109 = tpu.vector_load %arg9[%get3A_1107, %get3A_1108] {strides = array<i32>} : memref<16x128xf32, #tpu.memory_space<vmem>>, vector<1x16xf32>,
      %get3A_1110 = vector.shape_cast %get3A_1109 : vector<1x16xf32> to vector<16xf32>
      %add3A_1111 = arith.addf %get3A_1105, %get3A_1110 : vector<16xf32>
      %get3A_1112 = arith.constant 5 : i32
      %get3A_1113 = arith.index_cast %get3A_1112 : i32 to index
      %get3A_1114 = arith.constant 96 : index
      %get3A_1115 = tpu.vector_load %arg10[%get3A_1113, %get3A_1114] {strides = array<i32>} : memref<16x128xf32, #tpu.memory_space<vmem>>, vector<1x16xf32>,
      %get3A_1116 = vector.shape_cast %get3A_1115 : vector<1x16xf32> to vector<16xf32>
      %add3A_1117 = arith.addf %add3A_1111, %get3A_1116 : vector<16xf32>
      %swap3A_1118 = arith.constant 5 : i32
      %swap3A_1119 = arith.index_cast %swap3A_1118 : i32 to index
      %swap3A_1120 = arith.constant 96 : index
      %swap3A_1121 = tpu.vector_load %arg8[%swap3A_1119, %swap3A_1120] {strides = array<i32>} : memref<16x128xf32, #tpu.memory_space<vmem>>, vector<1x16xf32>,
      %swap3A_1122 = vector.shape_cast %swap3A_1121 : vector<1x16xf32> to vector<16xf32>
      %swap3A_1123 = vector.shape_cast %add3A_1117 : vector<16xf32> to vector<1x16xf32>
      tpu.vector_store %arg8[%swap3A_1119, %swap3A_1120], %swap3A_1123 {strides = array<i32>} : memref<16x128xf32, #tpu.memory_space<vmem>>, vector<1x16xf32>,
      %get3A_1124 = arith.constant 5 : i32
      %get3A_1125 = arith.index_cast %get3A_1124 : i32 to index
      %get3A_1126 = arith.constant 112 : index
      %get3A_1127 = tpu.vector_load %arg8[%get3A_1125, %get3A_1126] {strides = array<i32>} : memref<16x128xf32, #tpu.memory_space<vmem>>, vector<1x16xf32>,
      %get3A_1128 = vector.shape_cast %get3A_1127 : vector<1x16xf32> to vector<16xf32>
      %get3A_1129 = arith.constant 5 : i32
      %get3A_1130 = arith.index_cast %get3A_1129 : i32 to index
      %get3A_1131 = arith.constant 112 : index
      %get3A_1132 = tpu.vector_load %arg9[%get3A_1130, %get3A_1131] {strides = array<i32>} : memref<16x128xf32, #tpu.memory_space<vmem>>, vector<1x16xf32>,
      %get3A_1133 = vector.shape_cast %get3A_1132 : vector<1x16xf32> to vector<16xf32>
      %add3A_1134 = arith.addf %get3A_1128, %get3A_1133 : vector<16xf32>
      %get3A_1135 = arith.constant 5 : i32
      %get3A_1136 = arith.index_cast %get3A_1135 : i32 to index
      %get3A_1137 = arith.constant 112 : index
      %get3A_1138 = tpu.vector_load %arg10[%get3A_1136, %get3A_1137] {strides = array<i32>} : memref<16x128xf32, #tpu.memory_space<vmem>>, vector<1x16xf32>,
      %get3A_1139 = vector.shape_cast %get3A_1138 : vector<1x16xf32> to vector<16xf32>
      %add3A_1140 = arith.addf %add3A_1134, %get3A_1139 : vector<16xf32>
      %swap3A_1141 = arith.constant 5 : i32
      %swap3A_1142 = arith.index_cast %swap3A_1141 : i32 to index
      %swap3A_1143 = arith.constant 112 : index
      %swap3A_1144 = tpu.vector_load %arg8[%swap3A_1142, %swap3A_1143] {strides = array<i32>} : memref<16x128xf32, #tpu.memory_space<vmem>>, vector<1x16xf32>,
      %swap3A_1145 = vector.shape_cast %swap3A_1144 : vector<1x16xf32> to vector<16xf32>
      %swap3A_1146 = vector.shape_cast %add3A_1140 : vector<16xf32> to vector<1x16xf32>
      tpu.vector_store %arg8[%swap3A_1142, %swap3A_1143], %swap3A_1146 {strides = array<i32>} : memref<16x128xf32, #tpu.memory_space<vmem>>, vector<1x16xf32>,
      %get3A_1147 = arith.constant 6 : i32
      %get3A_1148 = arith.index_cast %get3A_1147 : i32 to index
      %get3A_1149 = arith.constant 0 : index
      %get3A_1150 = tpu.vector_load %arg8[%get3A_1148, %get3A_1149] {strides = array<i32>} : memref<16x128xf32, #tpu.memory_space<vmem>>, vector<1x16xf32>,
      %get3A_1151 = vector.shape_cast %get3A_1150 : vector<1x16xf32> to vector<16xf32>
      %get3A_1152 = arith.constant 6 : i32
      %get3A_1153 = arith.index_cast %get3A_1152 : i32 to index
      %get3A_1154 = arith.constant 0 : index
      %get3A_1155 = tpu.vector_load %arg9[%get3A_1153, %get3A_1154] {strides = array<i32>} : memref<16x128xf32, #tpu.memory_space<vmem>>, vector<1x16xf32>,
      %get3A_1156 = vector.shape_cast %get3A_1155 : vector<1x16xf32> to vector<16xf32>
      %add3A_1157 = arith.addf %get3A_1151, %get3A_1156 : vector<16xf32>
      %get3A_1158 = arith.constant 6 : i32
      %get3A_1159 = arith.index_cast %get3A_1158 : i32 to index
      %get3A_1160 = arith.constant 0 : index
      %get3A_1161 = tpu.vector_load %arg10[%get3A_1159, %get3A_1160] {strides = array<i32>} : memref<16x128xf32, #tpu.memory_space<vmem>>, vector<1x16xf32>,
      %get3A_1162 = vector.shape_cast %get3A_1161 : vector<1x16xf32> to vector<16xf32>
      %add3A_1163 = arith.addf %add3A_1157, %get3A_1162 : vector<16xf32>
      %swap3A_1164 = arith.constant 6 : i32
      %swap3A_1165 = arith.index_cast %swap3A_1164 : i32 to index
      %swap3A_1166 = arith.constant 0 : index
      %swap3A_1167 = tpu.vector_load %arg8[%swap3A_1165, %swap3A_1166] {strides = array<i32>} : memref<16x128xf32, #tpu.memory_space<vmem>>, vector<1x16xf32>,
      %swap3A_1168 = vector.shape_cast %swap3A_1167 : vector<1x16xf32> to vector<16xf32>
      %swap3A_1169 = vector.shape_cast %add3A_1163 : vector<16xf32> to vector<1x16xf32>
      tpu.vector_store %arg8[%swap3A_1165, %swap3A_1166], %swap3A_1169 {strides = array<i32>} : memref<16x128xf32, #tpu.memory_space<vmem>>, vector<1x16xf32>,
      %get3A_1170 = arith.constant 6 : i32
      %get3A_1171 = arith.index_cast %get3A_1170 : i32 to index
      %get3A_1172 = arith.constant 16 : index
      %get3A_1173 = tpu.vector_load %arg8[%get3A_1171, %get3A_1172] {strides = array<i32>} : memref<16x128xf32, #tpu.memory_space<vmem>>, vector<1x16xf32>,
      %get3A_1174 = vector.shape_cast %get3A_1173 : vector<1x16xf32> to vector<16xf32>
      %get3A_1175 = arith.constant 6 : i32
      %get3A_1176 = arith.index_cast %get3A_1175 : i32 to index
      %get3A_1177 = arith.constant 16 : index
      %get3A_1178 = tpu.vector_load %arg9[%get3A_1176, %get3A_1177] {strides = array<i32>} : memref<16x128xf32, #tpu.memory_space<vmem>>, vector<1x16xf32>,
      %get3A_1179 = vector.shape_cast %get3A_1178 : vector<1x16xf32> to vector<16xf32>
      %add3A_1180 = arith.addf %get3A_1174, %get3A_1179 : vector<16xf32>
      %get3A_1181 = arith.constant 6 : i32
      %get3A_1182 = arith.index_cast %get3A_1181 : i32 to index
      %get3A_1183 = arith.constant 16 : index
      %get3A_1184 = tpu.vector_load %arg10[%get3A_1182, %get3A_1183] {strides = array<i32>} : memref<16x128xf32, #tpu.memory_space<vmem>>, vector<1x16xf32>,
      %get3A_1185 = vector.shape_cast %get3A_1184 : vector<1x16xf32> to vector<16xf32>
      %add3A_1186 = arith.addf %add3A_1180, %get3A_1185 : vector<16xf32>
      %swap3A_1187 = arith.constant 6 : i32
      %swap3A_1188 = arith.index_cast %swap3A_1187 : i32 to index
      %swap3A_1189 = arith.constant 16 : index
      %swap3A_1190 = tpu.vector_load %arg8[%swap3A_1188, %swap3A_1189] {strides = array<i32>} : memref<16x128xf32, #tpu.memory_space<vmem>>, vector<1x16xf32>,
      %swap3A_1191 = vector.shape_cast %swap3A_1190 : vector<1x16xf32> to vector<16xf32>
      %swap3A_1192 = vector.shape_cast %add3A_1186 : vector<16xf32> to vector<1x16xf32>
      tpu.vector_store %arg8[%swap3A_1188, %swap3A_1189], %swap3A_1192 {strides = array<i32>} : memref<16x128xf32, #tpu.memory_space<vmem>>, vector<1x16xf32>,
      %get3A_1193 = arith.constant 6 : i32
      %get3A_1194 = arith.index_cast %get3A_1193 : i32 to index
      %get3A_1195 = arith.constant 32 : index
      %get3A_1196 = tpu.vector_load %arg8[%get3A_1194, %get3A_1195] {strides = array<i32>} : memref<16x128xf32, #tpu.memory_space<vmem>>, vector<1x16xf32>,
      %get3A_1197 = vector.shape_cast %get3A_1196 : vector<1x16xf32> to vector<16xf32>
      %get3A_1198 = arith.constant 6 : i32
      %get3A_1199 = arith.index_cast %get3A_1198 : i32 to index
      %get3A_1200 = arith.constant 32 : index
      %get3A_1201 = tpu.vector_load %arg9[%get3A_1199, %get3A_1200] {strides = array<i32>} : memref<16x128xf32, #tpu.memory_space<vmem>>, vector<1x16xf32>,
      %get3A_1202 = vector.shape_cast %get3A_1201 : vector<1x16xf32> to vector<16xf32>
      %add3A_1203 = arith.addf %get3A_1197, %get3A_1202 : vector<16xf32>
      %get3A_1204 = arith.constant 6 : i32
      %get3A_1205 = arith.index_cast %get3A_1204 : i32 to index
      %get3A_1206 = arith.constant 32 : index
      %get3A_1207 = tpu.vector_load %arg10[%get3A_1205, %get3A_1206] {strides = array<i32>} : memref<16x128xf32, #tpu.memory_space<vmem>>, vector<1x16xf32>,
      %get3A_1208 = vector.shape_cast %get3A_1207 : vector<1x16xf32> to vector<16xf32>
      %add3A_1209 = arith.addf %add3A_1203, %get3A_1208 : vector<16xf32>
      %swap3A_1210 = arith.constant 6 : i32
      %swap3A_1211 = arith.index_cast %swap3A_1210 : i32 to index
      %swap3A_1212 = arith.constant 32 : index
      %swap3A_1213 = tpu.vector_load %arg8[%swap3A_1211, %swap3A_1212] {strides = array<i32>} : memref<16x128xf32, #tpu.memory_space<vmem>>, vector<1x16xf32>,
      %swap3A_1214 = vector.shape_cast %swap3A_1213 : vector<1x16xf32> to vector<16xf32>
      %swap3A_1215 = vector.shape_cast %add3A_1209 : vector<16xf32> to vector<1x16xf32>
      tpu.vector_store %arg8[%swap3A_1211, %swap3A_1212], %swap3A_1215 {strides = array<i32>} : memref<16x128xf32, #tpu.memory_space<vmem>>, vector<1x16xf32>,
      %get3A_1216 = arith.constant 6 : i32
      %get3A_1217 = arith.index_cast %get3A_1216 : i32 to index
      %get3A_1218 = arith.constant 48 : index
      %get3A_1219 = tpu.vector_load %arg8[%get3A_1217, %get3A_1218] {strides = array<i32>} : memref<16x128xf32, #tpu.memory_space<vmem>>, vector<1x16xf32>,
      %get3A_1220 = vector.shape_cast %get3A_1219 : vector<1x16xf32> to vector<16xf32>
      %get3A_1221 = arith.constant 6 : i32
      %get3A_1222 = arith.index_cast %get3A_1221 : i32 to index
      %get3A_1223 = arith.constant 48 : index
      %get3A_1224 = tpu.vector_load %arg9[%get3A_1222, %get3A_1223] {strides = array<i32>} : memref<16x128xf32, #tpu.memory_space<vmem>>, vector<1x16xf32>,
      %get3A_1225 = vector.shape_cast %get3A_1224 : vector<1x16xf32> to vector<16xf32>
      %add3A_1226 = arith.addf %get3A_1220, %get3A_1225 : vector<16xf32>
      %get3A_1227 = arith.constant 6 : i32
      %get3A_1228 = arith.index_cast %get3A_1227 : i32 to index
      %get3A_1229 = arith.constant 48 : index
      %get3A_1230 = tpu.vector_load %arg10[%get3A_1228, %get3A_1229] {strides = array<i32>} : memref<16x128xf32, #tpu.memory_space<vmem>>, vector<1x16xf32>,
      %get3A_1231 = vector.shape_cast %get3A_1230 : vector<1x16xf32> to vector<16xf32>
      %add3A_1232 = arith.addf %add3A_1226, %get3A_1231 : vector<16xf32>
      %swap3A_1233 = arith.constant 6 : i32
      %swap3A_1234 = arith.index_cast %swap3A_1233 : i32 to index
      %swap3A_1235 = arith.constant 48 : index
      %swap3A_1236 = tpu.vector_load %arg8[%swap3A_1234, %swap3A_1235] {strides = array<i32>} : memref<16x128xf32, #tpu.memory_space<vmem>>, vector<1x16xf32>,
      %swap3A_1237 = vector.shape_cast %swap3A_1236 : vector<1x16xf32> to vector<16xf32>
      %swap3A_1238 = vector.shape_cast %add3A_1232 : vector<16xf32> to vector<1x16xf32>
      tpu.vector_store %arg8[%swap3A_1234, %swap3A_1235], %swap3A_1238 {strides = array<i32>} : memref<16x128xf32, #tpu.memory_space<vmem>>, vector<1x16xf32>,
      %get3A_1239 = arith.constant 6 : i32
      %get3A_1240 = arith.index_cast %get3A_1239 : i32 to index
      %get3A_1241 = arith.constant 64 : index
      %get3A_1242 = tpu.vector_load %arg8[%get3A_1240, %get3A_1241] {strides = array<i32>} : memref<16x128xf32, #tpu.memory_space<vmem>>, vector<1x16xf32>,
      %get3A_1243 = vector.shape_cast %get3A_1242 : vector<1x16xf32> to vector<16xf32>
      %get3A_1244 = arith.constant 6 : i32
      %get3A_1245 = arith.index_cast %get3A_1244 : i32 to index
      %get3A_1246 = arith.constant 64 : index
      %get3A_1247 = tpu.vector_load %arg9[%get3A_1245, %get3A_1246] {strides = array<i32>} : memref<16x128xf32, #tpu.memory_space<vmem>>, vector<1x16xf32>,
      %get3A_1248 = vector.shape_cast %get3A_1247 : vector<1x16xf32> to vector<16xf32>
      %add3A_1249 = arith.addf %get3A_1243, %get3A_1248 : vector<16xf32>
      %get3A_1250 = arith.constant 6 : i32
      %get3A_1251 = arith.index_cast %get3A_1250 : i32 to index
      %get3A_1252 = arith.constant 64 : index
      %get3A_1253 = tpu.vector_load %arg10[%get3A_1251, %get3A_1252] {strides = array<i32>} : memref<16x128xf32, #tpu.memory_space<vmem>>, vector<1x16xf32>,
      %get3A_1254 = vector.shape_cast %get3A_1253 : vector<1x16xf32> to vector<16xf32>
      %add3A_1255 = arith.addf %add3A_1249, %get3A_1254 : vector<16xf32>
      %swap3A_1256 = arith.constant 6 : i32
      %swap3A_1257 = arith.index_cast %swap3A_1256 : i32 to index
      %swap3A_1258 = arith.constant 64 : index
      %swap3A_1259 = tpu.vector_load %arg8[%swap3A_1257, %swap3A_1258] {strides = array<i32>} : memref<16x128xf32, #tpu.memory_space<vmem>>, vector<1x16xf32>,
      %swap3A_1260 = vector.shape_cast %swap3A_1259 : vector<1x16xf32> to vector<16xf32>
      %swap3A_1261 = vector.shape_cast %add3A_1255 : vector<16xf32> to vector<1x16xf32>
      tpu.vector_store %arg8[%swap3A_1257, %swap3A_1258], %swap3A_1261 {strides = array<i32>} : memref<16x128xf32, #tpu.memory_space<vmem>>, vector<1x16xf32>,
      %get3A_1262 = arith.constant 6 : i32
      %get3A_1263 = arith.index_cast %get3A_1262 : i32 to index
      %get3A_1264 = arith.constant 80 : index
      %get3A_1265 = tpu.vector_load %arg8[%get3A_1263, %get3A_1264] {strides = array<i32>} : memref<16x128xf32, #tpu.memory_space<vmem>>, vector<1x16xf32>,
      %get3A_1266 = vector.shape_cast %get3A_1265 : vector<1x16xf32> to vector<16xf32>
      %get3A_1267 = arith.constant 6 : i32
      %get3A_1268 = arith.index_cast %get3A_1267 : i32 to index
      %get3A_1269 = arith.constant 80 : index
      %get3A_1270 = tpu.vector_load %arg9[%get3A_1268, %get3A_1269] {strides = array<i32>} : memref<16x128xf32, #tpu.memory_space<vmem>>, vector<1x16xf32>,
      %get3A_1271 = vector.shape_cast %get3A_1270 : vector<1x16xf32> to vector<16xf32>
      %add3A_1272 = arith.addf %get3A_1266, %get3A_1271 : vector<16xf32>
      %get3A_1273 = arith.constant 6 : i32
      %get3A_1274 = arith.index_cast %get3A_1273 : i32 to index
      %get3A_1275 = arith.constant 80 : index
      %get3A_1276 = tpu.vector_load %arg10[%get3A_1274, %get3A_1275] {strides = array<i32>} : memref<16x128xf32, #tpu.memory_space<vmem>>, vector<1x16xf32>,
      %get3A_1277 = vector.shape_cast %get3A_1276 : vector<1x16xf32> to vector<16xf32>
      %add3A_1278 = arith.addf %add3A_1272, %get3A_1277 : vector<16xf32>
      %swap3A_1279 = arith.constant 6 : i32
      %swap3A_1280 = arith.index_cast %swap3A_1279 : i32 to index
      %swap3A_1281 = arith.constant 80 : index
      %swap3A_1282 = tpu.vector_load %arg8[%swap3A_1280, %swap3A_1281] {strides = array<i32>} : memref<16x128xf32, #tpu.memory_space<vmem>>, vector<1x16xf32>,
      %swap3A_1283 = vector.shape_cast %swap3A_1282 : vector<1x16xf32> to vector<16xf32>
      %swap3A_1284 = vector.shape_cast %add3A_1278 : vector<16xf32> to vector<1x16xf32>
      tpu.vector_store %arg8[%swap3A_1280, %swap3A_1281], %swap3A_1284 {strides = array<i32>} : memref<16x128xf32, #tpu.memory_space<vmem>>, vector<1x16xf32>,
      %get3A_1285 = arith.constant 6 : i32
      %get3A_1286 = arith.index_cast %get3A_1285 : i32 to index
      %get3A_1287 = arith.constant 96 : index
      %get3A_1288 = tpu.vector_load %arg8[%get3A_1286, %get3A_1287] {strides = array<i32>} : memref<16x128xf32, #tpu.memory_space<vmem>>, vector<1x16xf32>,
      %get3A_1289 = vector.shape_cast %get3A_1288 : vector<1x16xf32> to vector<16xf32>
      %get3A_1290 = arith.constant 6 : i32
      %get3A_1291 = arith.index_cast %get3A_1290 : i32 to index
      %get3A_1292 = arith.constant 96 : index
      %get3A_1293 = tpu.vector_load %arg9[%get3A_1291, %get3A_1292] {strides = array<i32>} : memref<16x128xf32, #tpu.memory_space<vmem>>, vector<1x16xf32>,
      %get3A_1294 = vector.shape_cast %get3A_1293 : vector<1x16xf32> to vector<16xf32>
      %add3A_1295 = arith.addf %get3A_1289, %get3A_1294 : vector<16xf32>
      %get3A_1296 = arith.constant 6 : i32
      %get3A_1297 = arith.index_cast %get3A_1296 : i32 to index
      %get3A_1298 = arith.constant 96 : index
      %get3A_1299 = tpu.vector_load %arg10[%get3A_1297, %get3A_1298] {strides = array<i32>} : memref<16x128xf32, #tpu.memory_space<vmem>>, vector<1x16xf32>,
      %get3A_1300 = vector.shape_cast %get3A_1299 : vector<1x16xf32> to vector<16xf32>
      %add3A_1301 = arith.addf %add3A_1295, %get3A_1300 : vector<16xf32>
      %swap3A_1302 = arith.constant 6 : i32
      %swap3A_1303 = arith.index_cast %swap3A_1302 : i32 to index
      %swap3A_1304 = arith.constant 96 : index
      %swap3A_1305 = tpu.vector_load %arg8[%swap3A_1303, %swap3A_1304] {strides = array<i32>} : memref<16x128xf32, #tpu.memory_space<vmem>>, vector<1x16xf32>,
      %swap3A_1306 = vector.shape_cast %swap3A_1305 : vector<1x16xf32> to vector<16xf32>
      %swap3A_1307 = vector.shape_cast %add3A_1301 : vector<16xf32> to vector<1x16xf32>
      tpu.vector_store %arg8[%swap3A_1303, %swap3A_1304], %swap3A_1307 {strides = array<i32>} : memref<16x128xf32, #tpu.memory_space<vmem>>, vector<1x16xf32>,
      %get3A_1308 = arith.constant 6 : i32
      %get3A_1309 = arith.index_cast %get3A_1308 : i32 to index
      %get3A_1310 = arith.constant 112 : index
      %get3A_1311 = tpu.vector_load %arg8[%get3A_1309, %get3A_1310] {strides = array<i32>} : memref<16x128xf32, #tpu.memory_space<vmem>>, vector<1x16xf32>,
      %get3A_1312 = vector.shape_cast %get3A_1311 : vector<1x16xf32> to vector<16xf32>
      %get3A_1313 = arith.constant 6 : i32
      %get3A_1314 = arith.index_cast %get3A_1313 : i32 to index
      %get3A_1315 = arith.constant 112 : index
      %get3A_1316 = tpu.vector_load %arg9[%get3A_1314, %get3A_1315] {strides = array<i32>} : memref<16x128xf32, #tpu.memory_space<vmem>>, vector<1x16xf32>,
      %get3A_1317 = vector.shape_cast %get3A_1316 : vector<1x16xf32> to vector<16xf32>
      %add3A_1318 = arith.addf %get3A_1312, %get3A_1317 : vector<16xf32>
      %get3A_1319 = arith.constant 6 : i32
      %get3A_1320 = arith.index_cast %get3A_1319 : i32 to index
      %get3A_1321 = arith.constant 112 : index
      %get3A_1322 = tpu.vector_load %arg10[%get3A_1320, %get3A_1321] {strides = array<i32>} : memref<16x128xf32, #tpu.memory_space<vmem>>, vector<1x16xf32>,
      %get3A_1323 = vector.shape_cast %get3A_1322 : vector<1x16xf32> to vector<16xf32>
      %add3A_1324 = arith.addf %add3A_1318, %get3A_1323 : vector<16xf32>
      %swap3A_1325 = arith.constant 6 : i32
      %swap3A_1326 = arith.index_cast %swap3A_1325 : i32 to index
      %swap3A_1327 = arith.constant 112 : index
      %swap3A_1328 = tpu.vector_load %arg8[%swap3A_1326, %swap3A_1327] {strides = array<i32>} : memref<16x128xf32, #tpu.memory_space<vmem>>, vector<1x16xf32>,
      %swap3A_1329 = vector.shape_cast %swap3A_1328 : vector<1x16xf32> to vector<16xf32>
      %swap3A_1330 = vector.shape_cast %add3A_1324 : vector<16xf32> to vector<1x16xf32>
      tpu.vector_store %arg8[%swap3A_1326, %swap3A_1327], %swap3A_1330 {strides = array<i32>} : memref<16x128xf32, #tpu.memory_space<vmem>>, vector<1x16xf32>,
      %get3A_1331 = arith.constant 7 : i32
      %get3A_1332 = arith.index_cast %get3A_1331 : i32 to index
      %get3A_1333 = arith.constant 0 : index
      %get3A_1334 = tpu.vector_load %arg8[%get3A_1332, %get3A_1333] {strides = array<i32>} : memref<16x128xf32, #tpu.memory_space<vmem>>, vector<1x16xf32>,
      %get3A_1335 = vector.shape_cast %get3A_1334 : vector<1x16xf32> to vector<16xf32>
      %get3A_1336 = arith.constant 7 : i32
      %get3A_1337 = arith.index_cast %get3A_1336 : i32 to index
      %get3A_1338 = arith.constant 0 : index
      %get3A_1339 = tpu.vector_load %arg9[%get3A_1337, %get3A_1338] {strides = array<i32>} : memref<16x128xf32, #tpu.memory_space<vmem>>, vector<1x16xf32>,
      %get3A_1340 = vector.shape_cast %get3A_1339 : vector<1x16xf32> to vector<16xf32>
      %add3A_1341 = arith.addf %get3A_1335, %get3A_1340 : vector<16xf32>
      %get3A_1342 = arith.constant 7 : i32
      %get3A_1343 = arith.index_cast %get3A_1342 : i32 to index
      %get3A_1344 = arith.constant 0 : index
      %get3A_1345 = tpu.vector_load %arg10[%get3A_1343, %get3A_1344] {strides = array<i32>} : memref<16x128xf32, #tpu.memory_space<vmem>>, vector<1x16xf32>,
      %get3A_1346 = vector.shape_cast %get3A_1345 : vector<1x16xf32> to vector<16xf32>
      %add3A_1347 = arith.addf %add3A_1341, %get3A_1346 : vector<16xf32>
      %swap3A_1348 = arith.constant 7 : i32
      %swap3A_1349 = arith.index_cast %swap3A_1348 : i32 to index
      %swap3A_1350 = arith.constant 0 : index
      %swap3A_1351 = tpu.vector_load %arg8[%swap3A_1349, %swap3A_1350] {strides = array<i32>} : memref<16x128xf32, #tpu.memory_space<vmem>>, vector<1x16xf32>,
      %swap3A_1352 = vector.shape_cast %swap3A_1351 : vector<1x16xf32> to vector<16xf32>
      %swap3A_1353 = vector.shape_cast %add3A_1347 : vector<16xf32> to vector<1x16xf32>
      tpu.vector_store %arg8[%swap3A_1349, %swap3A_1350], %swap3A_1353 {strides = array<i32>} : memref<16x128xf32, #tpu.memory_space<vmem>>, vector<1x16xf32>,
      %get3A_1354 = arith.constant 7 : i32
      %get3A_1355 = arith.index_cast %get3A_1354 : i32 to index
      %get3A_1356 = arith.constant 16 : index
      %get3A_1357 = tpu.vector_load %arg8[%get3A_1355, %get3A_1356] {strides = array<i32>} : memref<16x128xf32, #tpu.memory_space<vmem>>, vector<1x16xf32>,
      %get3A_1358 = vector.shape_cast %get3A_1357 : vector<1x16xf32> to vector<16xf32>
      %get3A_1359 = arith.constant 7 : i32
      %get3A_1360 = arith.index_cast %get3A_1359 : i32 to index
      %get3A_1361 = arith.constant 16 : index
      %get3A_1362 = tpu.vector_load %arg9[%get3A_1360, %get3A_1361] {strides = array<i32>} : memref<16x128xf32, #tpu.memory_space<vmem>>, vector<1x16xf32>,
      %get3A_1363 = vector.shape_cast %get3A_1362 : vector<1x16xf32> to vector<16xf32>
      %add3A_1364 = arith.addf %get3A_1358, %get3A_1363 : vector<16xf32>
      %get3A_1365 = arith.constant 7 : i32
      %get3A_1366 = arith.index_cast %get3A_1365 : i32 to index
      %get3A_1367 = arith.constant 16 : index
      %get3A_1368 = tpu.vector_load %arg10[%get3A_1366, %get3A_1367] {strides = array<i32>} : memref<16x128xf32, #tpu.memory_space<vmem>>, vector<1x16xf32>,
      %get3A_1369 = vector.shape_cast %get3A_1368 : vector<1x16xf32> to vector<16xf32>
      %add3A_1370 = arith.addf %add3A_1364, %get3A_1369 : vector<16xf32>
      %swap3A_1371 = arith.constant 7 : i32
      %swap3A_1372 = arith.index_cast %swap3A_1371 : i32 to index
      %swap3A_1373 = arith.constant 16 : index
      %swap3A_1374 = tpu.vector_load %arg8[%swap3A_1372, %swap3A_1373] {strides = array<i32>} : memref<16x128xf32, #tpu.memory_space<vmem>>, vector<1x16xf32>,
      %swap3A_1375 = vector.shape_cast %swap3A_1374 : vector<1x16xf32> to vector<16xf32>
      %swap3A_1376 = vector.shape_cast %add3A_1370 : vector<16xf32> to vector<1x16xf32>
      tpu.vector_store %arg8[%swap3A_1372, %swap3A_1373], %swap3A_1376 {strides = array<i32>} : memref<16x128xf32, #tpu.memory_space<vmem>>, vector<1x16xf32>,
      %get3A_1377 = arith.constant 7 : i32
      %get3A_1378 = arith.index_cast %get3A_1377 : i32 to index
      %get3A_1379 = arith.constant 32 : index
      %get3A_1380 = tpu.vector_load %arg8[%get3A_1378, %get3A_1379] {strides = array<i32>} : memref<16x128xf32, #tpu.memory_space<vmem>>, vector<1x16xf32>,
      %get3A_1381 = vector.shape_cast %get3A_1380 : vector<1x16xf32> to vector<16xf32>
      %get3A_1382 = arith.constant 7 : i32
      %get3A_1383 = arith.index_cast %get3A_1382 : i32 to index
      %get3A_1384 = arith.constant 32 : index
      %get3A_1385 = tpu.vector_load %arg9[%get3A_1383, %get3A_1384] {strides = array<i32>} : memref<16x128xf32, #tpu.memory_space<vmem>>, vector<1x16xf32>,
      %get3A_1386 = vector.shape_cast %get3A_1385 : vector<1x16xf32> to vector<16xf32>
      %add3A_1387 = arith.addf %get3A_1381, %get3A_1386 : vector<16xf32>
      %get3A_1388 = arith.constant 7 : i32
      %get3A_1389 = arith.index_cast %get3A_1388 : i32 to index
      %get3A_1390 = arith.constant 32 : index
      %get3A_1391 = tpu.vector_load %arg10[%get3A_1389, %get3A_1390] {strides = array<i32>} : memref<16x128xf32, #tpu.memory_space<vmem>>, vector<1x16xf32>,
      %get3A_1392 = vector.shape_cast %get3A_1391 : vector<1x16xf32> to vector<16xf32>
      %add3A_1393 = arith.addf %add3A_1387, %get3A_1392 : vector<16xf32>
      %swap3A_1394 = arith.constant 7 : i32
      %swap3A_1395 = arith.index_cast %swap3A_1394 : i32 to index
      %swap3A_1396 = arith.constant 32 : index
      %swap3A_1397 = tpu.vector_load %arg8[%swap3A_1395, %swap3A_1396] {strides = array<i32>} : memref<16x128xf32, #tpu.memory_space<vmem>>, vector<1x16xf32>,
      %swap3A_1398 = vector.shape_cast %swap3A_1397 : vector<1x16xf32> to vector<16xf32>
      %swap3A_1399 = vector.shape_cast %add3A_1393 : vector<16xf32> to vector<1x16xf32>
      tpu.vector_store %arg8[%swap3A_1395, %swap3A_1396], %swap3A_1399 {strides = array<i32>} : memref<16x128xf32, #tpu.memory_space<vmem>>, vector<1x16xf32>,
      %get3A_1400 = arith.constant 7 : i32
      %get3A_1401 = arith.index_cast %get3A_1400 : i32 to index
      %get3A_1402 = arith.constant 48 : index
      %get3A_1403 = tpu.vector_load %arg8[%get3A_1401, %get3A_1402] {strides = array<i32>} : memref<16x128xf32, #tpu.memory_space<vmem>>, vector<1x16xf32>,
      %get3A_1404 = vector.shape_cast %get3A_1403 : vector<1x16xf32> to vector<16xf32>
      %get3A_1405 = arith.constant 7 : i32
      %get3A_1406 = arith.index_cast %get3A_1405 : i32 to index
      %get3A_1407 = arith.constant 48 : index
      %get3A_1408 = tpu.vector_load %arg9[%get3A_1406, %get3A_1407] {strides = array<i32>} : memref<16x128xf32, #tpu.memory_space<vmem>>, vector<1x16xf32>,
      %get3A_1409 = vector.shape_cast %get3A_1408 : vector<1x16xf32> to vector<16xf32>
      %add3A_1410 = arith.addf %get3A_1404, %get3A_1409 : vector<16xf32>
      %get3A_1411 = arith.constant 7 : i32
      %get3A_1412 = arith.index_cast %get3A_1411 : i32 to index
      %get3A_1413 = arith.constant 48 : index
      %get3A_1414 = tpu.vector_load %arg10[%get3A_1412, %get3A_1413] {strides = array<i32>} : memref<16x128xf32, #tpu.memory_space<vmem>>, vector<1x16xf32>,
      %get3A_1415 = vector.shape_cast %get3A_1414 : vector<1x16xf32> to vector<16xf32>
      %add3A_1416 = arith.addf %add3A_1410, %get3A_1415 : vector<16xf32>
      %swap3A_1417 = arith.constant 7 : i32
      %swap3A_1418 = arith.index_cast %swap3A_1417 : i32 to index
      %swap3A_1419 = arith.constant 48 : index
      %swap3A_1420 = tpu.vector_load %arg8[%swap3A_1418, %swap3A_1419] {strides = array<i32>} : memref<16x128xf32, #tpu.memory_space<vmem>>, vector<1x16xf32>,
      %swap3A_1421 = vector.shape_cast %swap3A_1420 : vector<1x16xf32> to vector<16xf32>
      %swap3A_1422 = vector.shape_cast %add3A_1416 : vector<16xf32> to vector<1x16xf32>
      tpu.vector_store %arg8[%swap3A_1418, %swap3A_1419], %swap3A_1422 {strides = array<i32>} : memref<16x128xf32, #tpu.memory_space<vmem>>, vector<1x16xf32>,
      %get3A_1423 = arith.constant 7 : i32
      %get3A_1424 = arith.index_cast %get3A_1423 : i32 to index
      %get3A_1425 = arith.constant 64 : index
      %get3A_1426 = tpu.vector_load %arg8[%get3A_1424, %get3A_1425] {strides = array<i32>} : memref<16x128xf32, #tpu.memory_space<vmem>>, vector<1x16xf32>,
      %get3A_1427 = vector.shape_cast %get3A_1426 : vector<1x16xf32> to vector<16xf32>
      %get3A_1428 = arith.constant 7 : i32
      %get3A_1429 = arith.index_cast %get3A_1428 : i32 to index
      %get3A_1430 = arith.constant 64 : index
      %get3A_1431 = tpu.vector_load %arg9[%get3A_1429, %get3A_1430] {strides = array<i32>} : memref<16x128xf32, #tpu.memory_space<vmem>>, vector<1x16xf32>,
      %get3A_1432 = vector.shape_cast %get3A_1431 : vector<1x16xf32> to vector<16xf32>
      %add3A_1433 = arith.addf %get3A_1427, %get3A_1432 : vector<16xf32>
      %get3A_1434 = arith.constant 7 : i32
      %get3A_1435 = arith.index_cast %get3A_1434 : i32 to index
      %get3A_1436 = arith.constant 64 : index
      %get3A_1437 = tpu.vector_load %arg10[%get3A_1435, %get3A_1436] {strides = array<i32>} : memref<16x128xf32, #tpu.memory_space<vmem>>, vector<1x16xf32>,
      %get3A_1438 = vector.shape_cast %get3A_1437 : vector<1x16xf32> to vector<16xf32>
      %add3A_1439 = arith.addf %add3A_1433, %get3A_1438 : vector<16xf32>
      %swap3A_1440 = arith.constant 7 : i32
      %swap3A_1441 = arith.index_cast %swap3A_1440 : i32 to index
      %swap3A_1442 = arith.constant 64 : index
      %swap3A_1443 = tpu.vector_load %arg8[%swap3A_1441, %swap3A_1442] {strides = array<i32>} : memref<16x128xf32, #tpu.memory_space<vmem>>, vector<1x16xf32>,
      %swap3A_1444 = vector.shape_cast %swap3A_1443 : vector<1x16xf32> to vector<16xf32>
      %swap3A_1445 = vector.shape_cast %add3A_1439 : vector<16xf32> to vector<1x16xf32>
      tpu.vector_store %arg8[%swap3A_1441, %swap3A_1442], %swap3A_1445 {strides = array<i32>} : memref<16x128xf32, #tpu.memory_space<vmem>>, vector<1x16xf32>,
      %get3A_1446 = arith.constant 7 : i32
      %get3A_1447 = arith.index_cast %get3A_1446 : i32 to index
      %get3A_1448 = arith.constant 80 : index
      %get3A_1449 = tpu.vector_load %arg8[%get3A_1447, %get3A_1448] {strides = array<i32>} : memref<16x128xf32, #tpu.memory_space<vmem>>, vector<1x16xf32>,
      %get3A_1450 = vector.shape_cast %get3A_1449 : vector<1x16xf32> to vector<16xf32>
      %get3A_1451 = arith.constant 7 : i32
      %get3A_1452 = arith.index_cast %get3A_1451 : i32 to index
      %get3A_1453 = arith.constant 80 : index
      %get3A_1454 = tpu.vector_load %arg9[%get3A_1452, %get3A_1453] {strides = array<i32>} : memref<16x128xf32, #tpu.memory_space<vmem>>, vector<1x16xf32>,
      %get3A_1455 = vector.shape_cast %get3A_1454 : vector<1x16xf32> to vector<16xf32>
      %add3A_1456 = arith.addf %get3A_1450, %get3A_1455 : vector<16xf32>
      %get3A_1457 = arith.constant 7 : i32
      %get3A_1458 = arith.index_cast %get3A_1457 : i32 to index
      %get3A_1459 = arith.constant 80 : index
      %get3A_1460 = tpu.vector_load %arg10[%get3A_1458, %get3A_1459] {strides = array<i32>} : memref<16x128xf32, #tpu.memory_space<vmem>>, vector<1x16xf32>,
      %get3A_1461 = vector.shape_cast %get3A_1460 : vector<1x16xf32> to vector<16xf32>
      %add3A_1462 = arith.addf %add3A_1456, %get3A_1461 : vector<16xf32>
      %swap3A_1463 = arith.constant 7 : i32
      %swap3A_1464 = arith.index_cast %swap3A_1463 : i32 to index
      %swap3A_1465 = arith.constant 80 : index
      %swap3A_1466 = tpu.vector_load %arg8[%swap3A_1464, %swap3A_1465] {strides = array<i32>} : memref<16x128xf32, #tpu.memory_space<vmem>>, vector<1x16xf32>,
      %swap3A_1467 = vector.shape_cast %swap3A_1466 : vector<1x16xf32> to vector<16xf32>
      %swap3A_1468 = vector.shape_cast %add3A_1462 : vector<16xf32> to vector<1x16xf32>
      tpu.vector_store %arg8[%swap3A_1464, %swap3A_1465], %swap3A_1468 {strides = array<i32>} : memref<16x128xf32, #tpu.memory_space<vmem>>, vector<1x16xf32>,
      %get3A_1469 = arith.constant 7 : i32
      %get3A_1470 = arith.index_cast %get3A_1469 : i32 to index
      %get3A_1471 = arith.constant 96 : index
      %get3A_1472 = tpu.vector_load %arg8[%get3A_1470, %get3A_1471] {strides = array<i32>} : memref<16x128xf32, #tpu.memory_space<vmem>>, vector<1x16xf32>,
      %get3A_1473 = vector.shape_cast %get3A_1472 : vector<1x16xf32> to vector<16xf32>
      %get3A_1474 = arith.constant 7 : i32
      %get3A_1475 = arith.index_cast %get3A_1474 : i32 to index
      %get3A_1476 = arith.constant 96 : index
      %get3A_1477 = tpu.vector_load %arg9[%get3A_1475, %get3A_1476] {strides = array<i32>} : memref<16x128xf32, #tpu.memory_space<vmem>>, vector<1x16xf32>,
      %get3A_1478 = vector.shape_cast %get3A_1477 : vector<1x16xf32> to vector<16xf32>
      %add3A_1479 = arith.addf %get3A_1473, %get3A_1478 : vector<16xf32>
      %get3A_1480 = arith.constant 7 : i32
      %get3A_1481 = arith.index_cast %get3A_1480 : i32 to index
      %get3A_1482 = arith.constant 96 : index
      %get3A_1483 = tpu.vector_load %arg10[%get3A_1481, %get3A_1482] {strides = array<i32>} : memref<16x128xf32, #tpu.memory_space<vmem>>, vector<1x16xf32>,
      %get3A_1484 = vector.shape_cast %get3A_1483 : vector<1x16xf32> to vector<16xf32>
      %add3A_1485 = arith.addf %add3A_1479, %get3A_1484 : vector<16xf32>
      %swap3A_1486 = arith.constant 7 : i32
      %swap3A_1487 = arith.index_cast %swap3A_1486 : i32 to index
      %swap3A_1488 = arith.constant 96 : index
      %swap3A_1489 = tpu.vector_load %arg8[%swap3A_1487, %swap3A_1488] {strides = array<i32>} : memref<16x128xf32, #tpu.memory_space<vmem>>, vector<1x16xf32>,
      %swap3A_1490 = vector.shape_cast %swap3A_1489 : vector<1x16xf32> to vector<16xf32>
      %swap3A_1491 = vector.shape_cast %add3A_1485 : vector<16xf32> to vector<1x16xf32>
      tpu.vector_store %arg8[%swap3A_1487, %swap3A_1488], %swap3A_1491 {strides = array<i32>} : memref<16x128xf32, #tpu.memory_space<vmem>>, vector<1x16xf32>,
      %get3A_1492 = arith.constant 7 : i32
      %get3A_1493 = arith.index_cast %get3A_1492 : i32 to index
      %get3A_1494 = arith.constant 112 : index
      %get3A_1495 = tpu.vector_load %arg8[%get3A_1493, %get3A_1494] {strides = array<i32>} : memref<16x128xf32, #tpu.memory_space<vmem>>, vector<1x16xf32>,
      %get3A_1496 = vector.shape_cast %get3A_1495 : vector<1x16xf32> to vector<16xf32>
      %get3A_1497 = arith.constant 7 : i32
      %get3A_1498 = arith.index_cast %get3A_1497 : i32 to index
      %get3A_1499 = arith.constant 112 : index
      %get3A_1500 = tpu.vector_load %arg9[%get3A_1498, %get3A_1499] {strides = array<i32>} : memref<16x128xf32, #tpu.memory_space<vmem>>, vector<1x16xf32>,
      %get3A_1501 = vector.shape_cast %get3A_1500 : vector<1x16xf32> to vector<16xf32>
      %add3A_1502 = arith.addf %get3A_1496, %get3A_1501 : vector<16xf32>
      %get3A_1503 = arith.constant 7 : i32
      %get3A_1504 = arith.index_cast %get3A_1503 : i32 to index
      %get3A_1505 = arith.constant 112 : index
      %get3A_1506 = tpu.vector_load %arg10[%get3A_1504, %get3A_1505] {strides = array<i32>} : memref<16x128xf32, #tpu.memory_space<vmem>>, vector<1x16xf32>,
      %get3A_1507 = vector.shape_cast %get3A_1506 : vector<1x16xf32> to vector<16xf32>
      %add3A_1508 = arith.addf %add3A_1502, %get3A_1507 : vector<16xf32>
      %swap3A_1509 = arith.constant 7 : i32
      %swap3A_1510 = arith.index_cast %swap3A_1509 : i32 to index
      %swap3A_1511 = arith.constant 112 : index
      %swap3A_1512 = tpu.vector_load %arg8[%swap3A_1510, %swap3A_1511] {strides = array<i32>} : memref<16x128xf32, #tpu.memory_space<vmem>>, vector<1x16xf32>,
      %swap3A_1513 = vector.shape_cast %swap3A_1512 : vector<1x16xf32> to vector<16xf32>
      %swap3A_1514 = vector.shape_cast %add3A_1508 : vector<16xf32> to vector<1x16xf32>
      tpu.vector_store %arg8[%swap3A_1510, %swap3A_1511], %swap3A_1514 {strides = array<i32>} : memref<16x128xf32, #tpu.memory_space<vmem>>, vector<1x16xf32>,
      %get3A_1515 = arith.constant 8 : i32
      %get3A_1516 = arith.index_cast %get3A_1515 : i32 to index
      %get3A_1517 = arith.constant 0 : index
      %get3A_1518 = tpu.vector_load %arg8[%get3A_1516, %get3A_1517] {strides = array<i32>} : memref<16x128xf32, #tpu.memory_space<vmem>>, vector<1x16xf32>,
      %get3A_1519 = vector.shape_cast %get3A_1518 : vector<1x16xf32> to vector<16xf32>
      %get3A_1520 = arith.constant 8 : i32
      %get3A_1521 = arith.index_cast %get3A_1520 : i32 to index
      %get3A_1522 = arith.constant 0 : index
      %get3A_1523 = tpu.vector_load %arg9[%get3A_1521, %get3A_1522] {strides = array<i32>} : memref<16x128xf32, #tpu.memory_space<vmem>>, vector<1x16xf32>,
      %get3A_1524 = vector.shape_cast %get3A_1523 : vector<1x16xf32> to vector<16xf32>
      %add3A_1525 = arith.addf %get3A_1519, %get3A_1524 : vector<16xf32>
      %get3A_1526 = arith.constant 8 : i32
      %get3A_1527 = arith.index_cast %get3A_1526 : i32 to index
      %get3A_1528 = arith.constant 0 : index
      %get3A_1529 = tpu.vector_load %arg10[%get3A_1527, %get3A_1528] {strides = array<i32>} : memref<16x128xf32, #tpu.memory_space<vmem>>, vector<1x16xf32>,
      %get3A_1530 = vector.shape_cast %get3A_1529 : vector<1x16xf32> to vector<16xf32>
      %add3A_1531 = arith.addf %add3A_1525, %get3A_1530 : vector<16xf32>
      %swap3A_1532 = arith.constant 8 : i32
      %swap3A_1533 = arith.index_cast %swap3A_1532 : i32 to index
      %swap3A_1534 = arith.constant 0 : index
      %swap3A_1535 = tpu.vector_load %arg8[%swap3A_1533, %swap3A_1534] {strides = array<i32>} : memref<16x128xf32, #tpu.memory_space<vmem>>, vector<1x16xf32>,
      %swap3A_1536 = vector.shape_cast %swap3A_1535 : vector<1x16xf32> to vector<16xf32>
      %swap3A_1537 = vector.shape_cast %add3A_1531 : vector<16xf32> to vector<1x16xf32>
      tpu.vector_store %arg8[%swap3A_1533, %swap3A_1534], %swap3A_1537 {strides = array<i32>} : memref<16x128xf32, #tpu.memory_space<vmem>>, vector<1x16xf32>,
      %get3A_1538 = arith.constant 8 : i32
      %get3A_1539 = arith.index_cast %get3A_1538 : i32 to index
      %get3A_1540 = arith.constant 16 : index
      %get3A_1541 = tpu.vector_load %arg8[%get3A_1539, %get3A_1540] {strides = array<i32>} : memref<16x128xf32, #tpu.memory_space<vmem>>, vector<1x16xf32>,
      %get3A_1542 = vector.shape_cast %get3A_1541 : vector<1x16xf32> to vector<16xf32>
      %get3A_1543 = arith.constant 8 : i32
      %get3A_1544 = arith.index_cast %get3A_1543 : i32 to index
      %get3A_1545 = arith.constant 16 : index
      %get3A_1546 = tpu.vector_load %arg9[%get3A_1544, %get3A_1545] {strides = array<i32>} : memref<16x128xf32, #tpu.memory_space<vmem>>, vector<1x16xf32>,
      %get3A_1547 = vector.shape_cast %get3A_1546 : vector<1x16xf32> to vector<16xf32>
      %add3A_1548 = arith.addf %get3A_1542, %get3A_1547 : vector<16xf32>
      %get3A_1549 = arith.constant 8 : i32
      %get3A_1550 = arith.index_cast %get3A_1549 : i32 to index
      %get3A_1551 = arith.constant 16 : index
      %get3A_1552 = tpu.vector_load %arg10[%get3A_1550, %get3A_1551] {strides = array<i32>} : memref<16x128xf32, #tpu.memory_space<vmem>>, vector<1x16xf32>,
      %get3A_1553 = vector.shape_cast %get3A_1552 : vector<1x16xf32> to vector<16xf32>
      %add3A_1554 = arith.addf %add3A_1548, %get3A_1553 : vector<16xf32>
      %swap3A_1555 = arith.constant 8 : i32
      %swap3A_1556 = arith.index_cast %swap3A_1555 : i32 to index
      %swap3A_1557 = arith.constant 16 : index
      %swap3A_1558 = tpu.vector_load %arg8[%swap3A_1556, %swap3A_1557] {strides = array<i32>} : memref<16x128xf32, #tpu.memory_space<vmem>>, vector<1x16xf32>,
      %swap3A_1559 = vector.shape_cast %swap3A_1558 : vector<1x16xf32> to vector<16xf32>
      %swap3A_1560 = vector.shape_cast %add3A_1554 : vector<16xf32> to vector<1x16xf32>
      tpu.vector_store %arg8[%swap3A_1556, %swap3A_1557], %swap3A_1560 {strides = array<i32>} : memref<16x128xf32, #tpu.memory_space<vmem>>, vector<1x16xf32>,
      %get3A_1561 = arith.constant 8 : i32
      %get3A_1562 = arith.index_cast %get3A_1561 : i32 to index
      %get3A_1563 = arith.constant 32 : index
      %get3A_1564 = tpu.vector_load %arg8[%get3A_1562, %get3A_1563] {strides = array<i32>} : memref<16x128xf32, #tpu.memory_space<vmem>>, vector<1x16xf32>,
      %get3A_1565 = vector.shape_cast %get3A_1564 : vector<1x16xf32> to vector<16xf32>
      %get3A_1566 = arith.constant 8 : i32
      %get3A_1567 = arith.index_cast %get3A_1566 : i32 to index
      %get3A_1568 = arith.constant 32 : index
      %get3A_1569 = tpu.vector_load %arg9[%get3A_1567, %get3A_1568] {strides = array<i32>} : memref<16x128xf32, #tpu.memory_space<vmem>>, vector<1x16xf32>,
      %get3A_1570 = vector.shape_cast %get3A_1569 : vector<1x16xf32> to vector<16xf32>
      %add3A_1571 = arith.addf %get3A_1565, %get3A_1570 : vector<16xf32>
      %get3A_1572 = arith.constant 8 : i32
      %get3A_1573 = arith.index_cast %get3A_1572 : i32 to index
      %get3A_1574 = arith.constant 32 : index
      %get3A_1575 = tpu.vector_load %arg10[%get3A_1573, %get3A_1574] {strides = array<i32>} : memref<16x128xf32, #tpu.memory_space<vmem>>, vector<1x16xf32>,
      %get3A_1576 = vector.shape_cast %get3A_1575 : vector<1x16xf32> to vector<16xf32>
      %add3A_1577 = arith.addf %add3A_1571, %get3A_1576 : vector<16xf32>
      %swap3A_1578 = arith.constant 8 : i32
      %swap3A_1579 = arith.index_cast %swap3A_1578 : i32 to index
      %swap3A_1580 = arith.constant 32 : index
      %swap3A_1581 = tpu.vector_load %arg8[%swap3A_1579, %swap3A_1580] {strides = array<i32>} : memref<16x128xf32, #tpu.memory_space<vmem>>, vector<1x16xf32>,
      %swap3A_1582 = vector.shape_cast %swap3A_1581 : vector<1x16xf32> to vector<16xf32>
      %swap3A_1583 = vector.shape_cast %add3A_1577 : vector<16xf32> to vector<1x16xf32>
      tpu.vector_store %arg8[%swap3A_1579, %swap3A_1580], %swap3A_1583 {strides = array<i32>} : memref<16x128xf32, #tpu.memory_space<vmem>>, vector<1x16xf32>,
      %get3A_1584 = arith.constant 8 : i32
      %get3A_1585 = arith.index_cast %get3A_1584 : i32 to index
      %get3A_1586 = arith.constant 48 : index
      %get3A_1587 = tpu.vector_load %arg8[%get3A_1585, %get3A_1586] {strides = array<i32>} : memref<16x128xf32, #tpu.memory_space<vmem>>, vector<1x16xf32>,
      %get3A_1588 = vector.shape_cast %get3A_1587 : vector<1x16xf32> to vector<16xf32>
      %get3A_1589 = arith.constant 8 : i32
      %get3A_1590 = arith.index_cast %get3A_1589 : i32 to index
      %get3A_1591 = arith.constant 48 : index
      %get3A_1592 = tpu.vector_load %arg9[%get3A_1590, %get3A_1591] {strides = array<i32>} : memref<16x128xf32, #tpu.memory_space<vmem>>, vector<1x16xf32>,
      %get3A_1593 = vector.shape_cast %get3A_1592 : vector<1x16xf32> to vector<16xf32>
      %add3A_1594 = arith.addf %get3A_1588, %get3A_1593 : vector<16xf32>
      %get3A_1595 = arith.constant 8 : i32
      %get3A_1596 = arith.index_cast %get3A_1595 : i32 to index
      %get3A_1597 = arith.constant 48 : index
      %get3A_1598 = tpu.vector_load %arg10[%get3A_1596, %get3A_1597] {strides = array<i32>} : memref<16x128xf32, #tpu.memory_space<vmem>>, vector<1x16xf32>,
      %get3A_1599 = vector.shape_cast %get3A_1598 : vector<1x16xf32> to vector<16xf32>
      %add3A_1600 = arith.addf %add3A_1594, %get3A_1599 : vector<16xf32>
      %swap3A_1601 = arith.constant 8 : i32
      %swap3A_1602 = arith.index_cast %swap3A_1601 : i32 to index
      %swap3A_1603 = arith.constant 48 : index
      %swap3A_1604 = tpu.vector_load %arg8[%swap3A_1602, %swap3A_1603] {strides = array<i32>} : memref<16x128xf32, #tpu.memory_space<vmem>>, vector<1x16xf32>,
      %swap3A_1605 = vector.shape_cast %swap3A_1604 : vector<1x16xf32> to vector<16xf32>
      %swap3A_1606 = vector.shape_cast %add3A_1600 : vector<16xf32> to vector<1x16xf32>
      tpu.vector_store %arg8[%swap3A_1602, %swap3A_1603], %swap3A_1606 {strides = array<i32>} : memref<16x128xf32, #tpu.memory_space<vmem>>, vector<1x16xf32>,
      %get3A_1607 = arith.constant 8 : i32
      %get3A_1608 = arith.index_cast %get3A_1607 : i32 to index
      %get3A_1609 = arith.constant 64 : index
      %get3A_1610 = tpu.vector_load %arg8[%get3A_1608, %get3A_1609] {strides = array<i32>} : memref<16x128xf32, #tpu.memory_space<vmem>>, vector<1x16xf32>,
      %get3A_1611 = vector.shape_cast %get3A_1610 : vector<1x16xf32> to vector<16xf32>
      %get3A_1612 = arith.constant 8 : i32
      %get3A_1613 = arith.index_cast %get3A_1612 : i32 to index
      %get3A_1614 = arith.constant 64 : index
      %get3A_1615 = tpu.vector_load %arg9[%get3A_1613, %get3A_1614] {strides = array<i32>} : memref<16x128xf32, #tpu.memory_space<vmem>>, vector<1x16xf32>,
      %get3A_1616 = vector.shape_cast %get3A_1615 : vector<1x16xf32> to vector<16xf32>
      %add3A_1617 = arith.addf %get3A_1611, %get3A_1616 : vector<16xf32>
      %get3A_1618 = arith.constant 8 : i32
      %get3A_1619 = arith.index_cast %get3A_1618 : i32 to index
      %get3A_1620 = arith.constant 64 : index
      %get3A_1621 = tpu.vector_load %arg10[%get3A_1619, %get3A_1620] {strides = array<i32>} : memref<16x128xf32, #tpu.memory_space<vmem>>, vector<1x16xf32>,
      %get3A_1622 = vector.shape_cast %get3A_1621 : vector<1x16xf32> to vector<16xf32>
      %add3A_1623 = arith.addf %add3A_1617, %get3A_1622 : vector<16xf32>
      %swap3A_1624 = arith.constant 8 : i32
      %swap3A_1625 = arith.index_cast %swap3A_1624 : i32 to index
      %swap3A_1626 = arith.constant 64 : index
      %swap3A_1627 = tpu.vector_load %arg8[%swap3A_1625, %swap3A_1626] {strides = array<i32>} : memref<16x128xf32, #tpu.memory_space<vmem>>, vector<1x16xf32>,
      %swap3A_1628 = vector.shape_cast %swap3A_1627 : vector<1x16xf32> to vector<16xf32>
      %swap3A_1629 = vector.shape_cast %add3A_1623 : vector<16xf32> to vector<1x16xf32>
      tpu.vector_store %arg8[%swap3A_1625, %swap3A_1626], %swap3A_1629 {strides = array<i32>} : memref<16x128xf32, #tpu.memory_space<vmem>>, vector<1x16xf32>,
      %get3A_1630 = arith.constant 8 : i32
      %get3A_1631 = arith.index_cast %get3A_1630 : i32 to index
      %get3A_1632 = arith.constant 80 : index
      %get3A_1633 = tpu.vector_load %arg8[%get3A_1631, %get3A_1632] {strides = array<i32>} : memref<16x128xf32, #tpu.memory_space<vmem>>, vector<1x16xf32>,
      %get3A_1634 = vector.shape_cast %get3A_1633 : vector<1x16xf32> to vector<16xf32>
      %get3A_1635 = arith.constant 8 : i32
      %get3A_1636 = arith.index_cast %get3A_1635 : i32 to index
      %get3A_1637 = arith.constant 80 : index
      %get3A_1638 = tpu.vector_load %arg9[%get3A_1636, %get3A_1637] {strides = array<i32>} : memref<16x128xf32, #tpu.memory_space<vmem>>, vector<1x16xf32>,
      %get3A_1639 = vector.shape_cast %get3A_1638 : vector<1x16xf32> to vector<16xf32>
      %add3A_1640 = arith.addf %get3A_1634, %get3A_1639 : vector<16xf32>
      %get3A_1641 = arith.constant 8 : i32
      %get3A_1642 = arith.index_cast %get3A_1641 : i32 to index
      %get3A_1643 = arith.constant 80 : index
      %get3A_1644 = tpu.vector_load %arg10[%get3A_1642, %get3A_1643] {strides = array<i32>} : memref<16x128xf32, #tpu.memory_space<vmem>>, vector<1x16xf32>,
      %get3A_1645 = vector.shape_cast %get3A_1644 : vector<1x16xf32> to vector<16xf32>
      %add3A_1646 = arith.addf %add3A_1640, %get3A_1645 : vector<16xf32>
      %swap3A_1647 = arith.constant 8 : i32
      %swap3A_1648 = arith.index_cast %swap3A_1647 : i32 to index
      %swap3A_1649 = arith.constant 80 : index
      %swap3A_1650 = tpu.vector_load %arg8[%swap3A_1648, %swap3A_1649] {strides = array<i32>} : memref<16x128xf32, #tpu.memory_space<vmem>>, vector<1x16xf32>,
      %swap3A_1651 = vector.shape_cast %swap3A_1650 : vector<1x16xf32> to vector<16xf32>
      %swap3A_1652 = vector.shape_cast %add3A_1646 : vector<16xf32> to vector<1x16xf32>
      tpu.vector_store %arg8[%swap3A_1648, %swap3A_1649], %swap3A_1652 {strides = array<i32>} : memref<16x128xf32, #tpu.memory_space<vmem>>, vector<1x16xf32>,
      %get3A_1653 = arith.constant 8 : i32
      %get3A_1654 = arith.index_cast %get3A_1653 : i32 to index
      %get3A_1655 = arith.constant 96 : index
      %get3A_1656 = tpu.vector_load %arg8[%get3A_1654, %get3A_1655] {strides = array<i32>} : memref<16x128xf32, #tpu.memory_space<vmem>>, vector<1x16xf32>,
      %get3A_1657 = vector.shape_cast %get3A_1656 : vector<1x16xf32> to vector<16xf32>
      %get3A_1658 = arith.constant 8 : i32
      %get3A_1659 = arith.index_cast %get3A_1658 : i32 to index
      %get3A_1660 = arith.constant 96 : index
      %get3A_1661 = tpu.vector_load %arg9[%get3A_1659, %get3A_1660] {strides = array<i32>} : memref<16x128xf32, #tpu.memory_space<vmem>>, vector<1x16xf32>,
      %get3A_1662 = vector.shape_cast %get3A_1661 : vector<1x16xf32> to vector<16xf32>
      %add3A_1663 = arith.addf %get3A_1657, %get3A_1662 : vector<16xf32>
      %get3A_1664 = arith.constant 8 : i32
      %get3A_1665 = arith.index_cast %get3A_1664 : i32 to index
      %get3A_1666 = arith.constant 96 : index
      %get3A_1667 = tpu.vector_load %arg10[%get3A_1665, %get3A_1666] {strides = array<i32>} : memref<16x128xf32, #tpu.memory_space<vmem>>, vector<1x16xf32>,
      %get3A_1668 = vector.shape_cast %get3A_1667 : vector<1x16xf32> to vector<16xf32>
      %add3A_1669 = arith.addf %add3A_1663, %get3A_1668 : vector<16xf32>
      %swap3A_1670 = arith.constant 8 : i32
      %swap3A_1671 = arith.index_cast %swap3A_1670 : i32 to index
      %swap3A_1672 = arith.constant 96 : index
      %swap3A_1673 = tpu.vector_load %arg8[%swap3A_1671, %swap3A_1672] {strides = array<i32>} : memref<16x128xf32, #tpu.memory_space<vmem>>, vector<1x16xf32>,
      %swap3A_1674 = vector.shape_cast %swap3A_1673 : vector<1x16xf32> to vector<16xf32>
      %swap3A_1675 = vector.shape_cast %add3A_1669 : vector<16xf32> to vector<1x16xf32>
      tpu.vector_store %arg8[%swap3A_1671, %swap3A_1672], %swap3A_1675 {strides = array<i32>} : memref<16x128xf32, #tpu.memory_space<vmem>>, vector<1x16xf32>,
      %get3A_1676 = arith.constant 8 : i32
      %get3A_1677 = arith.index_cast %get3A_1676 : i32 to index
      %get3A_1678 = arith.constant 112 : index
      %get3A_1679 = tpu.vector_load %arg8[%get3A_1677, %get3A_1678] {strides = array<i32>} : memref<16x128xf32, #tpu.memory_space<vmem>>, vector<1x16xf32>,
      %get3A_1680 = vector.shape_cast %get3A_1679 : vector<1x16xf32> to vector<16xf32>
      %get3A_1681 = arith.constant 8 : i32
      %get3A_1682 = arith.index_cast %get3A_1681 : i32 to index
      %get3A_1683 = arith.constant 112 : index
      %get3A_1684 = tpu.vector_load %arg9[%get3A_1682, %get3A_1683] {strides = array<i32>} : memref<16x128xf32, #tpu.memory_space<vmem>>, vector<1x16xf32>,
      %get3A_1685 = vector.shape_cast %get3A_1684 : vector<1x16xf32> to vector<16xf32>
      %add3A_1686 = arith.addf %get3A_1680, %get3A_1685 : vector<16xf32>
      %get3A_1687 = arith.constant 8 : i32
      %get3A_1688 = arith.index_cast %get3A_1687 : i32 to index
      %get3A_1689 = arith.constant 112 : index
      %get3A_1690 = tpu.vector_load %arg10[%get3A_1688, %get3A_1689] {strides = array<i32>} : memref<16x128xf32, #tpu.memory_space<vmem>>, vector<1x16xf32>,
      %get3A_1691 = vector.shape_cast %get3A_1690 : vector<1x16xf32> to vector<16xf32>
      %add3A_1692 = arith.addf %add3A_1686, %get3A_1691 : vector<16xf32>
      %swap3A_1693 = arith.constant 8 : i32
      %swap3A_1694 = arith.index_cast %swap3A_1693 : i32 to index
      %swap3A_1695 = arith.constant 112 : index
      %swap3A_1696 = tpu.vector_load %arg8[%swap3A_1694, %swap3A_1695] {strides = array<i32>} : memref<16x128xf32, #tpu.memory_space<vmem>>, vector<1x16xf32>,
      %swap3A_1697 = vector.shape_cast %swap3A_1696 : vector<1x16xf32> to vector<16xf32>
      %swap3A_1698 = vector.shape_cast %add3A_1692 : vector<16xf32> to vector<1x16xf32>
      tpu.vector_store %arg8[%swap3A_1694, %swap3A_1695], %swap3A_1698 {strides = array<i32>} : memref<16x128xf32, #tpu.memory_space<vmem>>, vector<1x16xf32>,
      %get3A_1699 = arith.constant 9 : i32
      %get3A_1700 = arith.index_cast %get3A_1699 : i32 to index
      %get3A_1701 = arith.constant 0 : index
      %get3A_1702 = tpu.vector_load %arg8[%get3A_1700, %get3A_1701] {strides = array<i32>} : memref<16x128xf32, #tpu.memory_space<vmem>>, vector<1x16xf32>,
      %get3A_1703 = vector.shape_cast %get3A_1702 : vector<1x16xf32> to vector<16xf32>
      %get3A_1704 = arith.constant 9 : i32
      %get3A_1705 = arith.index_cast %get3A_1704 : i32 to index
      %get3A_1706 = arith.constant 0 : index
      %get3A_1707 = tpu.vector_load %arg9[%get3A_1705, %get3A_1706] {strides = array<i32>} : memref<16x128xf32, #tpu.memory_space<vmem>>, vector<1x16xf32>,
      %get3A_1708 = vector.shape_cast %get3A_1707 : vector<1x16xf32> to vector<16xf32>
      %add3A_1709 = arith.addf %get3A_1703, %get3A_1708 : vector<16xf32>
      %get3A_1710 = arith.constant 9 : i32
      %get3A_1711 = arith.index_cast %get3A_1710 : i32 to index
      %get3A_1712 = arith.constant 0 : index
      %get3A_1713 = tpu.vector_load %arg10[%get3A_1711, %get3A_1712] {strides = array<i32>} : memref<16x128xf32, #tpu.memory_space<vmem>>, vector<1x16xf32>,
      %get3A_1714 = vector.shape_cast %get3A_1713 : vector<1x16xf32> to vector<16xf32>
      %add3A_1715 = arith.addf %add3A_1709, %get3A_1714 : vector<16xf32>
      %swap3A_1716 = arith.constant 9 : i32
      %swap3A_1717 = arith.index_cast %swap3A_1716 : i32 to index
      %swap3A_1718 = arith.constant 0 : index
      %swap3A_1719 = tpu.vector_load %arg8[%swap3A_1717, %swap3A_1718] {strides = array<i32>} : memref<16x128xf32, #tpu.memory_space<vmem>>, vector<1x16xf32>,
      %swap3A_1720 = vector.shape_cast %swap3A_1719 : vector<1x16xf32> to vector<16xf32>
      %swap3A_1721 = vector.shape_cast %add3A_1715 : vector<16xf32> to vector<1x16xf32>
      tpu.vector_store %arg8[%swap3A_1717, %swap3A_1718], %swap3A_1721 {strides = array<i32>} : memref<16x128xf32, #tpu.memory_space<vmem>>, vector<1x16xf32>,
      %get3A_1722 = arith.constant 9 : i32
      %get3A_1723 = arith.index_cast %get3A_1722 : i32 to index
      %get3A_1724 = arith.constant 16 : index
      %get3A_1725 = tpu.vector_load %arg8[%get3A_1723, %get3A_1724] {strides = array<i32>} : memref<16x128xf32, #tpu.memory_space<vmem>>, vector<1x16xf32>,
      %get3A_1726 = vector.shape_cast %get3A_1725 : vector<1x16xf32> to vector<16xf32>
      %get3A_1727 = arith.constant 9 : i32
      %get3A_1728 = arith.index_cast %get3A_1727 : i32 to index
      %get3A_1729 = arith.constant 16 : index
      %get3A_1730 = tpu.vector_load %arg9[%get3A_1728, %get3A_1729] {strides = array<i32>} : memref<16x128xf32, #tpu.memory_space<vmem>>, vector<1x16xf32>,
      %get3A_1731 = vector.shape_cast %get3A_1730 : vector<1x16xf32> to vector<16xf32>
      %add3A_1732 = arith.addf %get3A_1726, %get3A_1731 : vector<16xf32>
      %get3A_1733 = arith.constant 9 : i32
      %get3A_1734 = arith.index_cast %get3A_1733 : i32 to index
      %get3A_1735 = arith.constant 16 : index
      %get3A_1736 = tpu.vector_load %arg10[%get3A_1734, %get3A_1735] {strides = array<i32>} : memref<16x128xf32, #tpu.memory_space<vmem>>, vector<1x16xf32>,
      %get3A_1737 = vector.shape_cast %get3A_1736 : vector<1x16xf32> to vector<16xf32>
      %add3A_1738 = arith.addf %add3A_1732, %get3A_1737 : vector<16xf32>
      %swap3A_1739 = arith.constant 9 : i32
      %swap3A_1740 = arith.index_cast %swap3A_1739 : i32 to index
      %swap3A_1741 = arith.constant 16 : index
      %swap3A_1742 = tpu.vector_load %arg8[%swap3A_1740, %swap3A_1741] {strides = array<i32>} : memref<16x128xf32, #tpu.memory_space<vmem>>, vector<1x16xf32>,
      %swap3A_1743 = vector.shape_cast %swap3A_1742 : vector<1x16xf32> to vector<16xf32>
      %swap3A_1744 = vector.shape_cast %add3A_1738 : vector<16xf32> to vector<1x16xf32>
      tpu.vector_store %arg8[%swap3A_1740, %swap3A_1741], %swap3A_1744 {strides = array<i32>} : memref<16x128xf32, #tpu.memory_space<vmem>>, vector<1x16xf32>,
      %get3A_1745 = arith.constant 9 : i32
      %get3A_1746 = arith.index_cast %get3A_1745 : i32 to index
      %get3A_1747 = arith.constant 32 : index
      %get3A_1748 = tpu.vector_load %arg8[%get3A_1746, %get3A_1747] {strides = array<i32>} : memref<16x128xf32, #tpu.memory_space<vmem>>, vector<1x16xf32>,
      %get3A_1749 = vector.shape_cast %get3A_1748 : vector<1x16xf32> to vector<16xf32>
      %get3A_1750 = arith.constant 9 : i32
      %get3A_1751 = arith.index_cast %get3A_1750 : i32 to index
      %get3A_1752 = arith.constant 32 : index
      %get3A_1753 = tpu.vector_load %arg9[%get3A_1751, %get3A_1752] {strides = array<i32>} : memref<16x128xf32, #tpu.memory_space<vmem>>, vector<1x16xf32>,
      %get3A_1754 = vector.shape_cast %get3A_1753 : vector<1x16xf32> to vector<16xf32>
      %add3A_1755 = arith.addf %get3A_1749, %get3A_1754 : vector<16xf32>
      %get3A_1756 = arith.constant 9 : i32
      %get3A_1757 = arith.index_cast %get3A_1756 : i32 to index
      %get3A_1758 = arith.constant 32 : index
      %get3A_1759 = tpu.vector_load %arg10[%get3A_1757, %get3A_1758] {strides = array<i32>} : memref<16x128xf32, #tpu.memory_space<vmem>>, vector<1x16xf32>,
      %get3A_1760 = vector.shape_cast %get3A_1759 : vector<1x16xf32> to vector<16xf32>
      %add3A_1761 = arith.addf %add3A_1755, %get3A_1760 : vector<16xf32>
      %swap3A_1762 = arith.constant 9 : i32
      %swap3A_1763 = arith.index_cast %swap3A_1762 : i32 to index
      %swap3A_1764 = arith.constant 32 : index
      %swap3A_1765 = tpu.vector_load %arg8[%swap3A_1763, %swap3A_1764] {strides = array<i32>} : memref<16x128xf32, #tpu.memory_space<vmem>>, vector<1x16xf32>,
      %swap3A_1766 = vector.shape_cast %swap3A_1765 : vector<1x16xf32> to vector<16xf32>
      %swap3A_1767 = vector.shape_cast %add3A_1761 : vector<16xf32> to vector<1x16xf32>
      tpu.vector_store %arg8[%swap3A_1763, %swap3A_1764], %swap3A_1767 {strides = array<i32>} : memref<16x128xf32, #tpu.memory_space<vmem>>, vector<1x16xf32>,
      %get3A_1768 = arith.constant 9 : i32
      %get3A_1769 = arith.index_cast %get3A_1768 : i32 to index
      %get3A_1770 = arith.constant 48 : index
      %get3A_1771 = tpu.vector_load %arg8[%get3A_1769, %get3A_1770] {strides = array<i32>} : memref<16x128xf32, #tpu.memory_space<vmem>>, vector<1x16xf32>,
      %get3A_1772 = vector.shape_cast %get3A_1771 : vector<1x16xf32> to vector<16xf32>
      %get3A_1773 = arith.constant 9 : i32
      %get3A_1774 = arith.index_cast %get3A_1773 : i32 to index
      %get3A_1775 = arith.constant 48 : index
      %get3A_1776 = tpu.vector_load %arg9[%get3A_1774, %get3A_1775] {strides = array<i32>} : memref<16x128xf32, #tpu.memory_space<vmem>>, vector<1x16xf32>,
      %get3A_1777 = vector.shape_cast %get3A_1776 : vector<1x16xf32> to vector<16xf32>
      %add3A_1778 = arith.addf %get3A_1772, %get3A_1777 : vector<16xf32>
      %get3A_1779 = arith.constant 9 : i32
      %get3A_1780 = arith.index_cast %get3A_1779 : i32 to index
      %get3A_1781 = arith.constant 48 : index
      %get3A_1782 = tpu.vector_load %arg10[%get3A_1780, %get3A_1781] {strides = array<i32>} : memref<16x128xf32, #tpu.memory_space<vmem>>, vector<1x16xf32>,
      %get3A_1783 = vector.shape_cast %get3A_1782 : vector<1x16xf32> to vector<16xf32>
      %add3A_1784 = arith.addf %add3A_1778, %get3A_1783 : vector<16xf32>
      %swap3A_1785 = arith.constant 9 : i32
      %swap3A_1786 = arith.index_cast %swap3A_1785 : i32 to index
      %swap3A_1787 = arith.constant 48 : index
      %swap3A_1788 = tpu.vector_load %arg8[%swap3A_1786, %swap3A_1787] {strides = array<i32>} : memref<16x128xf32, #tpu.memory_space<vmem>>, vector<1x16xf32>,
      %swap3A_1789 = vector.shape_cast %swap3A_1788 : vector<1x16xf32> to vector<16xf32>
      %swap3A_1790 = vector.shape_cast %add3A_1784 : vector<16xf32> to vector<1x16xf32>
      tpu.vector_store %arg8[%swap3A_1786, %swap3A_1787], %swap3A_1790 {strides = array<i32>} : memref<16x128xf32, #tpu.memory_space<vmem>>, vector<1x16xf32>,
      %get3A_1791 = arith.constant 9 : i32
      %get3A_1792 = arith.index_cast %get3A_1791 : i32 to index
      %get3A_1793 = arith.constant 64 : index
      %get3A_1794 = tpu.vector_load %arg8[%get3A_1792, %get3A_1793] {strides = array<i32>} : memref<16x128xf32, #tpu.memory_space<vmem>>, vector<1x16xf32>,
      %get3A_1795 = vector.shape_cast %get3A_1794 : vector<1x16xf32> to vector<16xf32>
      %get3A_1796 = arith.constant 9 : i32
      %get3A_1797 = arith.index_cast %get3A_1796 : i32 to index
      %get3A_1798 = arith.constant 64 : index
      %get3A_1799 = tpu.vector_load %arg9[%get3A_1797, %get3A_1798] {strides = array<i32>} : memref<16x128xf32, #tpu.memory_space<vmem>>, vector<1x16xf32>,
      %get3A_1800 = vector.shape_cast %get3A_1799 : vector<1x16xf32> to vector<16xf32>
      %add3A_1801 = arith.addf %get3A_1795, %get3A_1800 : vector<16xf32>
      %get3A_1802 = arith.constant 9 : i32
      %get3A_1803 = arith.index_cast %get3A_1802 : i32 to index
      %get3A_1804 = arith.constant 64 : index
      %get3A_1805 = tpu.vector_load %arg10[%get3A_1803, %get3A_1804] {strides = array<i32>} : memref<16x128xf32, #tpu.memory_space<vmem>>, vector<1x16xf32>,
      %get3A_1806 = vector.shape_cast %get3A_1805 : vector<1x16xf32> to vector<16xf32>
      %add3A_1807 = arith.addf %add3A_1801, %get3A_1806 : vector<16xf32>
      %swap3A_1808 = arith.constant 9 : i32
      %swap3A_1809 = arith.index_cast %swap3A_1808 : i32 to index
      %swap3A_1810 = arith.constant 64 : index
      %swap3A_1811 = tpu.vector_load %arg8[%swap3A_1809, %swap3A_1810] {strides = array<i32>} : memref<16x128xf32, #tpu.memory_space<vmem>>, vector<1x16xf32>,
      %swap3A_1812 = vector.shape_cast %swap3A_1811 : vector<1x16xf32> to vector<16xf32>
      %swap3A_1813 = vector.shape_cast %add3A_1807 : vector<16xf32> to vector<1x16xf32>
      tpu.vector_store %arg8[%swap3A_1809, %swap3A_1810], %swap3A_1813 {strides = array<i32>} : memref<16x128xf32, #tpu.memory_space<vmem>>, vector<1x16xf32>,
      %get3A_1814 = arith.constant 9 : i32
      %get3A_1815 = arith.index_cast %get3A_1814 : i32 to index
      %get3A_1816 = arith.constant 80 : index
      %get3A_1817 = tpu.vector_load %arg8[%get3A_1815, %get3A_1816] {strides = array<i32>} : memref<16x128xf32, #tpu.memory_space<vmem>>, vector<1x16xf32>,
      %get3A_1818 = vector.shape_cast %get3A_1817 : vector<1x16xf32> to vector<16xf32>
      %get3A_1819 = arith.constant 9 : i32
      %get3A_1820 = arith.index_cast %get3A_1819 : i32 to index
      %get3A_1821 = arith.constant 80 : index
      %get3A_1822 = tpu.vector_load %arg9[%get3A_1820, %get3A_1821] {strides = array<i32>} : memref<16x128xf32, #tpu.memory_space<vmem>>, vector<1x16xf32>,
      %get3A_1823 = vector.shape_cast %get3A_1822 : vector<1x16xf32> to vector<16xf32>
      %add3A_1824 = arith.addf %get3A_1818, %get3A_1823 : vector<16xf32>
      %get3A_1825 = arith.constant 9 : i32
      %get3A_1826 = arith.index_cast %get3A_1825 : i32 to index
      %get3A_1827 = arith.constant 80 : index
      %get3A_1828 = tpu.vector_load %arg10[%get3A_1826, %get3A_1827] {strides = array<i32>} : memref<16x128xf32, #tpu.memory_space<vmem>>, vector<1x16xf32>,
      %get3A_1829 = vector.shape_cast %get3A_1828 : vector<1x16xf32> to vector<16xf32>
      %add3A_1830 = arith.addf %add3A_1824, %get3A_1829 : vector<16xf32>
      %swap3A_1831 = arith.constant 9 : i32
      %swap3A_1832 = arith.index_cast %swap3A_1831 : i32 to index
      %swap3A_1833 = arith.constant 80 : index
      %swap3A_1834 = tpu.vector_load %arg8[%swap3A_1832, %swap3A_1833] {strides = array<i32>} : memref<16x128xf32, #tpu.memory_space<vmem>>, vector<1x16xf32>,
      %swap3A_1835 = vector.shape_cast %swap3A_1834 : vector<1x16xf32> to vector<16xf32>
      %swap3A_1836 = vector.shape_cast %add3A_1830 : vector<16xf32> to vector<1x16xf32>
      tpu.vector_store %arg8[%swap3A_1832, %swap3A_1833], %swap3A_1836 {strides = array<i32>} : memref<16x128xf32, #tpu.memory_space<vmem>>, vector<1x16xf32>,
      %get3A_1837 = arith.constant 9 : i32
      %get3A_1838 = arith.index_cast %get3A_1837 : i32 to index
      %get3A_1839 = arith.constant 96 : index
      %get3A_1840 = tpu.vector_load %arg8[%get3A_1838, %get3A_1839] {strides = array<i32>} : memref<16x128xf32, #tpu.memory_space<vmem>>, vector<1x16xf32>,
      %get3A_1841 = vector.shape_cast %get3A_1840 : vector<1x16xf32> to vector<16xf32>
      %get3A_1842 = arith.constant 9 : i32
      %get3A_1843 = arith.index_cast %get3A_1842 : i32 to index
      %get3A_1844 = arith.constant 96 : index
      %get3A_1845 = tpu.vector_load %arg9[%get3A_1843, %get3A_1844] {strides = array<i32>} : memref<16x128xf32, #tpu.memory_space<vmem>>, vector<1x16xf32>,
      %get3A_1846 = vector.shape_cast %get3A_1845 : vector<1x16xf32> to vector<16xf32>
      %add3A_1847 = arith.addf %get3A_1841, %get3A_1846 : vector<16xf32>
      %get3A_1848 = arith.constant 9 : i32
      %get3A_1849 = arith.index_cast %get3A_1848 : i32 to index
      %get3A_1850 = arith.constant 96 : index
      %get3A_1851 = tpu.vector_load %arg10[%get3A_1849, %get3A_1850] {strides = array<i32>} : memref<16x128xf32, #tpu.memory_space<vmem>>, vector<1x16xf32>,
      %get3A_1852 = vector.shape_cast %get3A_1851 : vector<1x16xf32> to vector<16xf32>
      %add3A_1853 = arith.addf %add3A_1847, %get3A_1852 : vector<16xf32>
      %swap3A_1854 = arith.constant 9 : i32
      %swap3A_1855 = arith.index_cast %swap3A_1854 : i32 to index
      %swap3A_1856 = arith.constant 96 : index
      %swap3A_1857 = tpu.vector_load %arg8[%swap3A_1855, %swap3A_1856] {strides = array<i32>} : memref<16x128xf32, #tpu.memory_space<vmem>>, vector<1x16xf32>,
      %swap3A_1858 = vector.shape_cast %swap3A_1857 : vector<1x16xf32> to vector<16xf32>
      %swap3A_1859 = vector.shape_cast %add3A_1853 : vector<16xf32> to vector<1x16xf32>
      tpu.vector_store %arg8[%swap3A_1855, %swap3A_1856], %swap3A_1859 {strides = array<i32>} : memref<16x128xf32, #tpu.memory_space<vmem>>, vector<1x16xf32>,
      %get3A_1860 = arith.constant 9 : i32
      %get3A_1861 = arith.index_cast %get3A_1860 : i32 to index
      %get3A_1862 = arith.constant 112 : index
      %get3A_1863 = tpu.vector_load %arg8[%get3A_1861, %get3A_1862] {strides = array<i32>} : memref<16x128xf32, #tpu.memory_space<vmem>>, vector<1x16xf32>,
      %get3A_1864 = vector.shape_cast %get3A_1863 : vector<1x16xf32> to vector<16xf32>
      %get3A_1865 = arith.constant 9 : i32
      %get3A_1866 = arith.index_cast %get3A_1865 : i32 to index
      %get3A_1867 = arith.constant 112 : index
      %get3A_1868 = tpu.vector_load %arg9[%get3A_1866, %get3A_1867] {strides = array<i32>} : memref<16x128xf32, #tpu.memory_space<vmem>>, vector<1x16xf32>,
      %get3A_1869 = vector.shape_cast %get3A_1868 : vector<1x16xf32> to vector<16xf32>
      %add3A_1870 = arith.addf %get3A_1864, %get3A_1869 : vector<16xf32>
      %get3A_1871 = arith.constant 9 : i32
      %get3A_1872 = arith.index_cast %get3A_1871 : i32 to index
      %get3A_1873 = arith.constant 112 : index
      %get3A_1874 = tpu.vector_load %arg10[%get3A_1872, %get3A_1873] {strides = array<i32>} : memref<16x128xf32, #tpu.memory_space<vmem>>, vector<1x16xf32>,
      %get3A_1875 = vector.shape_cast %get3A_1874 : vector<1x16xf32> to vector<16xf32>
      %add3A_1876 = arith.addf %add3A_1870, %get3A_1875 : vector<16xf32>
      %swap3A_1877 = arith.constant 9 : i32
      %swap3A_1878 = arith.index_cast %swap3A_1877 : i32 to index
      %swap3A_1879 = arith.constant 112 : index
      %swap3A_1880 = tpu.vector_load %arg8[%swap3A_1878, %swap3A_1879] {strides = array<i32>} : memref<16x128xf32, #tpu.memory_space<vmem>>, vector<1x16xf32>,
      %swap3A_1881 = vector.shape_cast %swap3A_1880 : vector<1x16xf32> to vector<16xf32>
      %swap3A_1882 = vector.shape_cast %add3A_1876 : vector<16xf32> to vector<1x16xf32>
      tpu.vector_store %arg8[%swap3A_1878, %swap3A_1879], %swap3A_1882 {strides = array<i32>} : memref<16x128xf32, #tpu.memory_space<vmem>>, vector<1x16xf32>,
      %get3A_1883 = arith.constant 10 : i32
      %get3A_1884 = arith.index_cast %get3A_1883 : i32 to index
      %get3A_1885 = arith.constant 0 : index
      %get3A_1886 = tpu.vector_load %arg8[%get3A_1884, %get3A_1885] {strides = array<i32>} : memref<16x128xf32, #tpu.memory_space<vmem>>, vector<1x16xf32>,
      %get3A_1887 = vector.shape_cast %get3A_1886 : vector<1x16xf32> to vector<16xf32>
      %get3A_1888 = arith.constant 10 : i32
      %get3A_1889 = arith.index_cast %get3A_1888 : i32 to index
      %get3A_1890 = arith.constant 0 : index
      %get3A_1891 = tpu.vector_load %arg9[%get3A_1889, %get3A_1890] {strides = array<i32>} : memref<16x128xf32, #tpu.memory_space<vmem>>, vector<1x16xf32>,
      %get3A_1892 = vector.shape_cast %get3A_1891 : vector<1x16xf32> to vector<16xf32>
      %add3A_1893 = arith.addf %get3A_1887, %get3A_1892 : vector<16xf32>
      %get3A_1894 = arith.constant 10 : i32
      %get3A_1895 = arith.index_cast %get3A_1894 : i32 to index
      %get3A_1896 = arith.constant 0 : index
      %get3A_1897 = tpu.vector_load %arg10[%get3A_1895, %get3A_1896] {strides = array<i32>} : memref<16x128xf32, #tpu.memory_space<vmem>>, vector<1x16xf32>,
      %get3A_1898 = vector.shape_cast %get3A_1897 : vector<1x16xf32> to vector<16xf32>
      %add3A_1899 = arith.addf %add3A_1893, %get3A_1898 : vector<16xf32>
      %swap3A_1900 = arith.constant 10 : i32
      %swap3A_1901 = arith.index_cast %swap3A_1900 : i32 to index
      %swap3A_1902 = arith.constant 0 : index
      %swap3A_1903 = tpu.vector_load %arg8[%swap3A_1901, %swap3A_1902] {strides = array<i32>} : memref<16x128xf32, #tpu.memory_space<vmem>>, vector<1x16xf32>,
      %swap3A_1904 = vector.shape_cast %swap3A_1903 : vector<1x16xf32> to vector<16xf32>
      %swap3A_1905 = vector.shape_cast %add3A_1899 : vector<16xf32> to vector<1x16xf32>
      tpu.vector_store %arg8[%swap3A_1901, %swap3A_1902], %swap3A_1905 {strides = array<i32>} : memref<16x128xf32, #tpu.memory_space<vmem>>, vector<1x16xf32>,
      %get3A_1906 = arith.constant 10 : i32
      %get3A_1907 = arith.index_cast %get3A_1906 : i32 to index
      %get3A_1908 = arith.constant 16 : index
      %get3A_1909 = tpu.vector_load %arg8[%get3A_1907, %get3A_1908] {strides = array<i32>} : memref<16x128xf32, #tpu.memory_space<vmem>>, vector<1x16xf32>,
      %get3A_1910 = vector.shape_cast %get3A_1909 : vector<1x16xf32> to vector<16xf32>
      %get3A_1911 = arith.constant 10 : i32
      %get3A_1912 = arith.index_cast %get3A_1911 : i32 to index
      %get3A_1913 = arith.constant 16 : index
      %get3A_1914 = tpu.vector_load %arg9[%get3A_1912, %get3A_1913] {strides = array<i32>} : memref<16x128xf32, #tpu.memory_space<vmem>>, vector<1x16xf32>,
      %get3A_1915 = vector.shape_cast %get3A_1914 : vector<1x16xf32> to vector<16xf32>
      %add3A_1916 = arith.addf %get3A_1910, %get3A_1915 : vector<16xf32>
      %get3A_1917 = arith.constant 10 : i32
      %get3A_1918 = arith.index_cast %get3A_1917 : i32 to index
      %get3A_1919 = arith.constant 16 : index
      %get3A_1920 = tpu.vector_load %arg10[%get3A_1918, %get3A_1919] {strides = array<i32>} : memref<16x128xf32, #tpu.memory_space<vmem>>, vector<1x16xf32>,
      %get3A_1921 = vector.shape_cast %get3A_1920 : vector<1x16xf32> to vector<16xf32>
      %add3A_1922 = arith.addf %add3A_1916, %get3A_1921 : vector<16xf32>
      %swap3A_1923 = arith.constant 10 : i32
      %swap3A_1924 = arith.index_cast %swap3A_1923 : i32 to index
      %swap3A_1925 = arith.constant 16 : index
      %swap3A_1926 = tpu.vector_load %arg8[%swap3A_1924, %swap3A_1925] {strides = array<i32>} : memref<16x128xf32, #tpu.memory_space<vmem>>, vector<1x16xf32>,
      %swap3A_1927 = vector.shape_cast %swap3A_1926 : vector<1x16xf32> to vector<16xf32>
      %swap3A_1928 = vector.shape_cast %add3A_1922 : vector<16xf32> to vector<1x16xf32>
      tpu.vector_store %arg8[%swap3A_1924, %swap3A_1925], %swap3A_1928 {strides = array<i32>} : memref<16x128xf32, #tpu.memory_space<vmem>>, vector<1x16xf32>,
      %get3A_1929 = arith.constant 10 : i32
      %get3A_1930 = arith.index_cast %get3A_1929 : i32 to index
      %get3A_1931 = arith.constant 32 : index
      %get3A_1932 = tpu.vector_load %arg8[%get3A_1930, %get3A_1931] {strides = array<i32>} : memref<16x128xf32, #tpu.memory_space<vmem>>, vector<1x16xf32>,
      %get3A_1933 = vector.shape_cast %get3A_1932 : vector<1x16xf32> to vector<16xf32>
      %get3A_1934 = arith.constant 10 : i32
      %get3A_1935 = arith.index_cast %get3A_1934 : i32 to index
      %get3A_1936 = arith.constant 32 : index
      %get3A_1937 = tpu.vector_load %arg9[%get3A_1935, %get3A_1936] {strides = array<i32>} : memref<16x128xf32, #tpu.memory_space<vmem>>, vector<1x16xf32>,
      %get3A_1938 = vector.shape_cast %get3A_1937 : vector<1x16xf32> to vector<16xf32>
      %add3A_1939 = arith.addf %get3A_1933, %get3A_1938 : vector<16xf32>
      %get3A_1940 = arith.constant 10 : i32
      %get3A_1941 = arith.index_cast %get3A_1940 : i32 to index
      %get3A_1942 = arith.constant 32 : index
      %get3A_1943 = tpu.vector_load %arg10[%get3A_1941, %get3A_1942] {strides = array<i32>} : memref<16x128xf32, #tpu.memory_space<vmem>>, vector<1x16xf32>,
      %get3A_1944 = vector.shape_cast %get3A_1943 : vector<1x16xf32> to vector<16xf32>
      %add3A_1945 = arith.addf %add3A_1939, %get3A_1944 : vector<16xf32>
      %swap3A_1946 = arith.constant 10 : i32
      %swap3A_1947 = arith.index_cast %swap3A_1946 : i32 to index
      %swap3A_1948 = arith.constant 32 : index
      %swap3A_1949 = tpu.vector_load %arg8[%swap3A_1947, %swap3A_1948] {strides = array<i32>} : memref<16x128xf32, #tpu.memory_space<vmem>>, vector<1x16xf32>,
      %swap3A_1950 = vector.shape_cast %swap3A_1949 : vector<1x16xf32> to vector<16xf32>
      %swap3A_1951 = vector.shape_cast %add3A_1945 : vector<16xf32> to vector<1x16xf32>
      tpu.vector_store %arg8[%swap3A_1947, %swap3A_1948], %swap3A_1951 {strides = array<i32>} : memref<16x128xf32, #tpu.memory_space<vmem>>, vector<1x16xf32>,
      %get3A_1952 = arith.constant 10 : i32
      %get3A_1953 = arith.index_cast %get3A_1952 : i32 to index
      %get3A_1954 = arith.constant 48 : index
      %get3A_1955 = tpu.vector_load %arg8[%get3A_1953, %get3A_1954] {strides = array<i32>} : memref<16x128xf32, #tpu.memory_space<vmem>>, vector<1x16xf32>,
      %get3A_1956 = vector.shape_cast %get3A_1955 : vector<1x16xf32> to vector<16xf32>
      %get3A_1957 = arith.constant 10 : i32
      %get3A_1958 = arith.index_cast %get3A_1957 : i32 to index
      %get3A_1959 = arith.constant 48 : index
      %get3A_1960 = tpu.vector_load %arg9[%get3A_1958, %get3A_1959] {strides = array<i32>} : memref<16x128xf32, #tpu.memory_space<vmem>>, vector<1x16xf32>,
      %get3A_1961 = vector.shape_cast %get3A_1960 : vector<1x16xf32> to vector<16xf32>
      %add3A_1962 = arith.addf %get3A_1956, %get3A_1961 : vector<16xf32>
      %get3A_1963 = arith.constant 10 : i32
      %get3A_1964 = arith.index_cast %get3A_1963 : i32 to index
      %get3A_1965 = arith.constant 48 : index
      %get3A_1966 = tpu.vector_load %arg10[%get3A_1964, %get3A_1965] {strides = array<i32>} : memref<16x128xf32, #tpu.memory_space<vmem>>, vector<1x16xf32>,
      %get3A_1967 = vector.shape_cast %get3A_1966 : vector<1x16xf32> to vector<16xf32>
      %add3A_1968 = arith.addf %add3A_1962, %get3A_1967 : vector<16xf32>
      %swap3A_1969 = arith.constant 10 : i32
      %swap3A_1970 = arith.index_cast %swap3A_1969 : i32 to index
      %swap3A_1971 = arith.constant 48 : index
      %swap3A_1972 = tpu.vector_load %arg8[%swap3A_1970, %swap3A_1971] {strides = array<i32>} : memref<16x128xf32, #tpu.memory_space<vmem>>, vector<1x16xf32>,
      %swap3A_1973 = vector.shape_cast %swap3A_1972 : vector<1x16xf32> to vector<16xf32>
      %swap3A_1974 = vector.shape_cast %add3A_1968 : vector<16xf32> to vector<1x16xf32>
      tpu.vector_store %arg8[%swap3A_1970, %swap3A_1971], %swap3A_1974 {strides = array<i32>} : memref<16x128xf32, #tpu.memory_space<vmem>>, vector<1x16xf32>,
      %get3A_1975 = arith.constant 10 : i32
      %get3A_1976 = arith.index_cast %get3A_1975 : i32 to index
      %get3A_1977 = arith.constant 64 : index
      %get3A_1978 = tpu.vector_load %arg8[%get3A_1976, %get3A_1977] {strides = array<i32>} : memref<16x128xf32, #tpu.memory_space<vmem>>, vector<1x16xf32>,
      %get3A_1979 = vector.shape_cast %get3A_1978 : vector<1x16xf32> to vector<16xf32>
      %get3A_1980 = arith.constant 10 : i32
      %get3A_1981 = arith.index_cast %get3A_1980 : i32 to index
      %get3A_1982 = arith.constant 64 : index
      %get3A_1983 = tpu.vector_load %arg9[%get3A_1981, %get3A_1982] {strides = array<i32>} : memref<16x128xf32, #tpu.memory_space<vmem>>, vector<1x16xf32>,
      %get3A_1984 = vector.shape_cast %get3A_1983 : vector<1x16xf32> to vector<16xf32>
      %add3A_1985 = arith.addf %get3A_1979, %get3A_1984 : vector<16xf32>
      %get3A_1986 = arith.constant 10 : i32
      %get3A_1987 = arith.index_cast %get3A_1986 : i32 to index
      %get3A_1988 = arith.constant 64 : index
      %get3A_1989 = tpu.vector_load %arg10[%get3A_1987, %get3A_1988] {strides = array<i32>} : memref<16x128xf32, #tpu.memory_space<vmem>>, vector<1x16xf32>,
      %get3A_1990 = vector.shape_cast %get3A_1989 : vector<1x16xf32> to vector<16xf32>
      %add3A_1991 = arith.addf %add3A_1985, %get3A_1990 : vector<16xf32>
      %swap3A_1992 = arith.constant 10 : i32
      %swap3A_1993 = arith.index_cast %swap3A_1992 : i32 to index
      %swap3A_1994 = arith.constant 64 : index
      %swap3A_1995 = tpu.vector_load %arg8[%swap3A_1993, %swap3A_1994] {strides = array<i32>} : memref<16x128xf32, #tpu.memory_space<vmem>>, vector<1x16xf32>,
      %swap3A_1996 = vector.shape_cast %swap3A_1995 : vector<1x16xf32> to vector<16xf32>
      %swap3A_1997 = vector.shape_cast %add3A_1991 : vector<16xf32> to vector<1x16xf32>
      tpu.vector_store %arg8[%swap3A_1993, %swap3A_1994], %swap3A_1997 {strides = array<i32>} : memref<16x128xf32, #tpu.memory_space<vmem>>, vector<1x16xf32>,
      %get3A_1998 = arith.constant 10 : i32
      %get3A_1999 = arith.index_cast %get3A_1998 : i32 to index
      %get3A_2000 = arith.constant 80 : index
      %get3A_2001 = tpu.vector_load %arg8[%get3A_1999, %get3A_2000] {strides = array<i32>} : memref<16x128xf32, #tpu.memory_space<vmem>>, vector<1x16xf32>,
      %get3A_2002 = vector.shape_cast %get3A_2001 : vector<1x16xf32> to vector<16xf32>
      %get3A_2003 = arith.constant 10 : i32
      %get3A_2004 = arith.index_cast %get3A_2003 : i32 to index
      %get3A_2005 = arith.constant 80 : index
      %get3A_2006 = tpu.vector_load %arg9[%get3A_2004, %get3A_2005] {strides = array<i32>} : memref<16x128xf32, #tpu.memory_space<vmem>>, vector<1x16xf32>,
      %get3A_2007 = vector.shape_cast %get3A_2006 : vector<1x16xf32> to vector<16xf32>
      %add3A_2008 = arith.addf %get3A_2002, %get3A_2007 : vector<16xf32>
      %get3A_2009 = arith.constant 10 : i32
      %get3A_2010 = arith.index_cast %get3A_2009 : i32 to index
      %get3A_2011 = arith.constant 80 : index
      %get3A_2012 = tpu.vector_load %arg10[%get3A_2010, %get3A_2011] {strides = array<i32>} : memref<16x128xf32, #tpu.memory_space<vmem>>, vector<1x16xf32>,
      %get3A_2013 = vector.shape_cast %get3A_2012 : vector<1x16xf32> to vector<16xf32>
      %add3A_2014 = arith.addf %add3A_2008, %get3A_2013 : vector<16xf32>
      %swap3A_2015 = arith.constant 10 : i32
      %swap3A_2016 = arith.index_cast %swap3A_2015 : i32 to index
      %swap3A_2017 = arith.constant 80 : index
      %swap3A_2018 = tpu.vector_load %arg8[%swap3A_2016, %swap3A_2017] {strides = array<i32>} : memref<16x128xf32, #tpu.memory_space<vmem>>, vector<1x16xf32>,
      %swap3A_2019 = vector.shape_cast %swap3A_2018 : vector<1x16xf32> to vector<16xf32>
      %swap3A_2020 = vector.shape_cast %add3A_2014 : vector<16xf32> to vector<1x16xf32>
      tpu.vector_store %arg8[%swap3A_2016, %swap3A_2017], %swap3A_2020 {strides = array<i32>} : memref<16x128xf32, #tpu.memory_space<vmem>>, vector<1x16xf32>,
      %get3A_2021 = arith.constant 10 : i32
      %get3A_2022 = arith.index_cast %get3A_2021 : i32 to index
      %get3A_2023 = arith.constant 96 : index
      %get3A_2024 = tpu.vector_load %arg8[%get3A_2022, %get3A_2023] {strides = array<i32>} : memref<16x128xf32, #tpu.memory_space<vmem>>, vector<1x16xf32>,
      %get3A_2025 = vector.shape_cast %get3A_2024 : vector<1x16xf32> to vector<16xf32>
      %get3A_2026 = arith.constant 10 : i32
      %get3A_2027 = arith.index_cast %get3A_2026 : i32 to index
      %get3A_2028 = arith.constant 96 : index
      %get3A_2029 = tpu.vector_load %arg9[%get3A_2027, %get3A_2028] {strides = array<i32>} : memref<16x128xf32, #tpu.memory_space<vmem>>, vector<1x16xf32>,
      %get3A_2030 = vector.shape_cast %get3A_2029 : vector<1x16xf32> to vector<16xf32>
      %add3A_2031 = arith.addf %get3A_2025, %get3A_2030 : vector<16xf32>
      %get3A_2032 = arith.constant 10 : i32
      %get3A_2033 = arith.index_cast %get3A_2032 : i32 to index
      %get3A_2034 = arith.constant 96 : index
      %get3A_2035 = tpu.vector_load %arg10[%get3A_2033, %get3A_2034] {strides = array<i32>} : memref<16x128xf32, #tpu.memory_space<vmem>>, vector<1x16xf32>,
      %get3A_2036 = vector.shape_cast %get3A_2035 : vector<1x16xf32> to vector<16xf32>
      %add3A_2037 = arith.addf %add3A_2031, %get3A_2036 : vector<16xf32>
      %swap3A_2038 = arith.constant 10 : i32
      %swap3A_2039 = arith.index_cast %swap3A_2038 : i32 to index
      %swap3A_2040 = arith.constant 96 : index
      %swap3A_2041 = tpu.vector_load %arg8[%swap3A_2039, %swap3A_2040] {strides = array<i32>} : memref<16x128xf32, #tpu.memory_space<vmem>>, vector<1x16xf32>,
      %swap3A_2042 = vector.shape_cast %swap3A_2041 : vector<1x16xf32> to vector<16xf32>
      %swap3A_2043 = vector.shape_cast %add3A_2037 : vector<16xf32> to vector<1x16xf32>
      tpu.vector_store %arg8[%swap3A_2039, %swap3A_2040], %swap3A_2043 {strides = array<i32>} : memref<16x128xf32, #tpu.memory_space<vmem>>, vector<1x16xf32>,
      %get3A_2044 = arith.constant 10 : i32
      %get3A_2045 = arith.index_cast %get3A_2044 : i32 to index
      %get3A_2046 = arith.constant 112 : index
      %get3A_2047 = tpu.vector_load %arg8[%get3A_2045, %get3A_2046] {strides = array<i32>} : memref<16x128xf32, #tpu.memory_space<vmem>>, vector<1x16xf32>,
      %get3A_2048 = vector.shape_cast %get3A_2047 : vector<1x16xf32> to vector<16xf32>
      %get3A_2049 = arith.constant 10 : i32
      %get3A_2050 = arith.index_cast %get3A_2049 : i32 to index
      %get3A_2051 = arith.constant 112 : index
      %get3A_2052 = tpu.vector_load %arg9[%get3A_2050, %get3A_2051] {strides = array<i32>} : memref<16x128xf32, #tpu.memory_space<vmem>>, vector<1x16xf32>,
      %get3A_2053 = vector.shape_cast %get3A_2052 : vector<1x16xf32> to vector<16xf32>
      %add3A_2054 = arith.addf %get3A_2048, %get3A_2053 : vector<16xf32>
      %get3A_2055 = arith.constant 10 : i32
      %get3A_2056 = arith.index_cast %get3A_2055 : i32 to index
      %get3A_2057 = arith.constant 112 : index
      %get3A_2058 = tpu.vector_load %arg10[%get3A_2056, %get3A_2057] {strides = array<i32>} : memref<16x128xf32, #tpu.memory_space<vmem>>, vector<1x16xf32>,
      %get3A_2059 = vector.shape_cast %get3A_2058 : vector<1x16xf32> to vector<16xf32>
      %add3A_2060 = arith.addf %add3A_2054, %get3A_2059 : vector<16xf32>
      %swap3A_2061 = arith.constant 10 : i32
      %swap3A_2062 = arith.index_cast %swap3A_2061 : i32 to index
      %swap3A_2063 = arith.constant 112 : index
      %swap3A_2064 = tpu.vector_load %arg8[%swap3A_2062, %swap3A_2063] {strides = array<i32>} : memref<16x128xf32, #tpu.memory_space<vmem>>, vector<1x16xf32>,
      %swap3A_2065 = vector.shape_cast %swap3A_2064 : vector<1x16xf32> to vector<16xf32>
      %swap3A_2066 = vector.shape_cast %add3A_2060 : vector<16xf32> to vector<1x16xf32>
      tpu.vector_store %arg8[%swap3A_2062, %swap3A_2063], %swap3A_2066 {strides = array<i32>} : memref<16x128xf32, #tpu.memory_space<vmem>>, vector<1x16xf32>,
      %get3A_2067 = arith.constant 11 : i32
      %get3A_2068 = arith.index_cast %get3A_2067 : i32 to index
      %get3A_2069 = arith.constant 0 : index
      %get3A_2070 = tpu.vector_load %arg8[%get3A_2068, %get3A_2069] {strides = array<i32>} : memref<16x128xf32, #tpu.memory_space<vmem>>, vector<1x16xf32>,
      %get3A_2071 = vector.shape_cast %get3A_2070 : vector<1x16xf32> to vector<16xf32>
      %get3A_2072 = arith.constant 11 : i32
      %get3A_2073 = arith.index_cast %get3A_2072 : i32 to index
      %get3A_2074 = arith.constant 0 : index
      %get3A_2075 = tpu.vector_load %arg9[%get3A_2073, %get3A_2074] {strides = array<i32>} : memref<16x128xf32, #tpu.memory_space<vmem>>, vector<1x16xf32>,
      %get3A_2076 = vector.shape_cast %get3A_2075 : vector<1x16xf32> to vector<16xf32>
      %add3A_2077 = arith.addf %get3A_2071, %get3A_2076 : vector<16xf32>
      %get3A_2078 = arith.constant 11 : i32
      %get3A_2079 = arith.index_cast %get3A_2078 : i32 to index
      %get3A_2080 = arith.constant 0 : index
      %get3A_2081 = tpu.vector_load %arg10[%get3A_2079, %get3A_2080] {strides = array<i32>} : memref<16x128xf32, #tpu.memory_space<vmem>>, vector<1x16xf32>,
      %get3A_2082 = vector.shape_cast %get3A_2081 : vector<1x16xf32> to vector<16xf32>
      %add3A_2083 = arith.addf %add3A_2077, %get3A_2082 : vector<16xf32>
      %swap3A_2084 = arith.constant 11 : i32
      %swap3A_2085 = arith.index_cast %swap3A_2084 : i32 to index
      %swap3A_2086 = arith.constant 0 : index
      %swap3A_2087 = tpu.vector_load %arg8[%swap3A_2085, %swap3A_2086] {strides = array<i32>} : memref<16x128xf32, #tpu.memory_space<vmem>>, vector<1x16xf32>,
      %swap3A_2088 = vector.shape_cast %swap3A_2087 : vector<1x16xf32> to vector<16xf32>
      %swap3A_2089 = vector.shape_cast %add3A_2083 : vector<16xf32> to vector<1x16xf32>
      tpu.vector_store %arg8[%swap3A_2085, %swap3A_2086], %swap3A_2089 {strides = array<i32>} : memref<16x128xf32, #tpu.memory_space<vmem>>, vector<1x16xf32>,
      %get3A_2090 = arith.constant 11 : i32
      %get3A_2091 = arith.index_cast %get3A_2090 : i32 to index
      %get3A_2092 = arith.constant 16 : index
      %get3A_2093 = tpu.vector_load %arg8[%get3A_2091, %get3A_2092] {strides = array<i32>} : memref<16x128xf32, #tpu.memory_space<vmem>>, vector<1x16xf32>,
      %get3A_2094 = vector.shape_cast %get3A_2093 : vector<1x16xf32> to vector<16xf32>
      %get3A_2095 = arith.constant 11 : i32
      %get3A_2096 = arith.index_cast %get3A_2095 : i32 to index
      %get3A_2097 = arith.constant 16 : index
      %get3A_2098 = tpu.vector_load %arg9[%get3A_2096, %get3A_2097] {strides = array<i32>} : memref<16x128xf32, #tpu.memory_space<vmem>>, vector<1x16xf32>,
      %get3A_2099 = vector.shape_cast %get3A_2098 : vector<1x16xf32> to vector<16xf32>
      %add3A_2100 = arith.addf %get3A_2094, %get3A_2099 : vector<16xf32>
      %get3A_2101 = arith.constant 11 : i32
      %get3A_2102 = arith.index_cast %get3A_2101 : i32 to index
      %get3A_2103 = arith.constant 16 : index
      %get3A_2104 = tpu.vector_load %arg10[%get3A_2102, %get3A_2103] {strides = array<i32>} : memref<16x128xf32, #tpu.memory_space<vmem>>, vector<1x16xf32>,
      %get3A_2105 = vector.shape_cast %get3A_2104 : vector<1x16xf32> to vector<16xf32>
      %add3A_2106 = arith.addf %add3A_2100, %get3A_2105 : vector<16xf32>
      %swap3A_2107 = arith.constant 11 : i32
      %swap3A_2108 = arith.index_cast %swap3A_2107 : i32 to index
      %swap3A_2109 = arith.constant 16 : index
      %swap3A_2110 = tpu.vector_load %arg8[%swap3A_2108, %swap3A_2109] {strides = array<i32>} : memref<16x128xf32, #tpu.memory_space<vmem>>, vector<1x16xf32>,
      %swap3A_2111 = vector.shape_cast %swap3A_2110 : vector<1x16xf32> to vector<16xf32>
      %swap3A_2112 = vector.shape_cast %add3A_2106 : vector<16xf32> to vector<1x16xf32>
      tpu.vector_store %arg8[%swap3A_2108, %swap3A_2109], %swap3A_2112 {strides = array<i32>} : memref<16x128xf32, #tpu.memory_space<vmem>>, vector<1x16xf32>,
      %get3A_2113 = arith.constant 11 : i32
      %get3A_2114 = arith.index_cast %get3A_2113 : i32 to index
      %get3A_2115 = arith.constant 32 : index
      %get3A_2116 = tpu.vector_load %arg8[%get3A_2114, %get3A_2115] {strides = array<i32>} : memref<16x128xf32, #tpu.memory_space<vmem>>, vector<1x16xf32>,
      %get3A_2117 = vector.shape_cast %get3A_2116 : vector<1x16xf32> to vector<16xf32>
      %get3A_2118 = arith.constant 11 : i32
      %get3A_2119 = arith.index_cast %get3A_2118 : i32 to index
      %get3A_2120 = arith.constant 32 : index
      %get3A_2121 = tpu.vector_load %arg9[%get3A_2119, %get3A_2120] {strides = array<i32>} : memref<16x128xf32, #tpu.memory_space<vmem>>, vector<1x16xf32>,
      %get3A_2122 = vector.shape_cast %get3A_2121 : vector<1x16xf32> to vector<16xf32>
      %add3A_2123 = arith.addf %get3A_2117, %get3A_2122 : vector<16xf32>
      %get3A_2124 = arith.constant 11 : i32
      %get3A_2125 = arith.index_cast %get3A_2124 : i32 to index
      %get3A_2126 = arith.constant 32 : index
      %get3A_2127 = tpu.vector_load %arg10[%get3A_2125, %get3A_2126] {strides = array<i32>} : memref<16x128xf32, #tpu.memory_space<vmem>>, vector<1x16xf32>,
      %get3A_2128 = vector.shape_cast %get3A_2127 : vector<1x16xf32> to vector<16xf32>
      %add3A_2129 = arith.addf %add3A_2123, %get3A_2128 : vector<16xf32>
      %swap3A_2130 = arith.constant 11 : i32
      %swap3A_2131 = arith.index_cast %swap3A_2130 : i32 to index
      %swap3A_2132 = arith.constant 32 : index
      %swap3A_2133 = tpu.vector_load %arg8[%swap3A_2131, %swap3A_2132] {strides = array<i32>} : memref<16x128xf32, #tpu.memory_space<vmem>>, vector<1x16xf32>,
      %swap3A_2134 = vector.shape_cast %swap3A_2133 : vector<1x16xf32> to vector<16xf32>
      %swap3A_2135 = vector.shape_cast %add3A_2129 : vector<16xf32> to vector<1x16xf32>
      tpu.vector_store %arg8[%swap3A_2131, %swap3A_2132], %swap3A_2135 {strides = array<i32>} : memref<16x128xf32, #tpu.memory_space<vmem>>, vector<1x16xf32>,
      %get3A_2136 = arith.constant 11 : i32
      %get3A_2137 = arith.index_cast %get3A_2136 : i32 to index
      %get3A_2138 = arith.constant 48 : index
      %get3A_2139 = tpu.vector_load %arg8[%get3A_2137, %get3A_2138] {strides = array<i32>} : memref<16x128xf32, #tpu.memory_space<vmem>>, vector<1x16xf32>,
      %get3A_2140 = vector.shape_cast %get3A_2139 : vector<1x16xf32> to vector<16xf32>
      %get3A_2141 = arith.constant 11 : i32
      %get3A_2142 = arith.index_cast %get3A_2141 : i32 to index
      %get3A_2143 = arith.constant 48 : index
      %get3A_2144 = tpu.vector_load %arg9[%get3A_2142, %get3A_2143] {strides = array<i32>} : memref<16x128xf32, #tpu.memory_space<vmem>>, vector<1x16xf32>,
      %get3A_2145 = vector.shape_cast %get3A_2144 : vector<1x16xf32> to vector<16xf32>
      %add3A_2146 = arith.addf %get3A_2140, %get3A_2145 : vector<16xf32>
      %get3A_2147 = arith.constant 11 : i32
      %get3A_2148 = arith.index_cast %get3A_2147 : i32 to index
      %get3A_2149 = arith.constant 48 : index
      %get3A_2150 = tpu.vector_load %arg10[%get3A_2148, %get3A_2149] {strides = array<i32>} : memref<16x128xf32, #tpu.memory_space<vmem>>, vector<1x16xf32>,
      %get3A_2151 = vector.shape_cast %get3A_2150 : vector<1x16xf32> to vector<16xf32>
      %add3A_2152 = arith.addf %add3A_2146, %get3A_2151 : vector<16xf32>
      %swap3A_2153 = arith.constant 11 : i32
      %swap3A_2154 = arith.index_cast %swap3A_2153 : i32 to index
      %swap3A_2155 = arith.constant 48 : index
      %swap3A_2156 = tpu.vector_load %arg8[%swap3A_2154, %swap3A_2155] {strides = array<i32>} : memref<16x128xf32, #tpu.memory_space<vmem>>, vector<1x16xf32>,
      %swap3A_2157 = vector.shape_cast %swap3A_2156 : vector<1x16xf32> to vector<16xf32>
      %swap3A_2158 = vector.shape_cast %add3A_2152 : vector<16xf32> to vector<1x16xf32>
      tpu.vector_store %arg8[%swap3A_2154, %swap3A_2155], %swap3A_2158 {strides = array<i32>} : memref<16x128xf32, #tpu.memory_space<vmem>>, vector<1x16xf32>,
      %get3A_2159 = arith.constant 11 : i32
      %get3A_2160 = arith.index_cast %get3A_2159 : i32 to index
      %get3A_2161 = arith.constant 64 : index
      %get3A_2162 = tpu.vector_load %arg8[%get3A_2160, %get3A_2161] {strides = array<i32>} : memref<16x128xf32, #tpu.memory_space<vmem>>, vector<1x16xf32>,
      %get3A_2163 = vector.shape_cast %get3A_2162 : vector<1x16xf32> to vector<16xf32>
      %get3A_2164 = arith.constant 11 : i32
      %get3A_2165 = arith.index_cast %get3A_2164 : i32 to index
      %get3A_2166 = arith.constant 64 : index
      %get3A_2167 = tpu.vector_load %arg9[%get3A_2165, %get3A_2166] {strides = array<i32>} : memref<16x128xf32, #tpu.memory_space<vmem>>, vector<1x16xf32>,
      %get3A_2168 = vector.shape_cast %get3A_2167 : vector<1x16xf32> to vector<16xf32>
      %add3A_2169 = arith.addf %get3A_2163, %get3A_2168 : vector<16xf32>
      %get3A_2170 = arith.constant 11 : i32
      %get3A_2171 = arith.index_cast %get3A_2170 : i32 to index
      %get3A_2172 = arith.constant 64 : index
      %get3A_2173 = tpu.vector_load %arg10[%get3A_2171, %get3A_2172] {strides = array<i32>} : memref<16x128xf32, #tpu.memory_space<vmem>>, vector<1x16xf32>,
      %get3A_2174 = vector.shape_cast %get3A_2173 : vector<1x16xf32> to vector<16xf32>
      %add3A_2175 = arith.addf %add3A_2169, %get3A_2174 : vector<16xf32>
      %swap3A_2176 = arith.constant 11 : i32
      %swap3A_2177 = arith.index_cast %swap3A_2176 : i32 to index
      %swap3A_2178 = arith.constant 64 : index
      %swap3A_2179 = tpu.vector_load %arg8[%swap3A_2177, %swap3A_2178] {strides = array<i32>} : memref<16x128xf32, #tpu.memory_space<vmem>>, vector<1x16xf32>,
      %swap3A_2180 = vector.shape_cast %swap3A_2179 : vector<1x16xf32> to vector<16xf32>
      %swap3A_2181 = vector.shape_cast %add3A_2175 : vector<16xf32> to vector<1x16xf32>
      tpu.vector_store %arg8[%swap3A_2177, %swap3A_2178], %swap3A_2181 {strides = array<i32>} : memref<16x128xf32, #tpu.memory_space<vmem>>, vector<1x16xf32>,
      %get3A_2182 = arith.constant 11 : i32
      %get3A_2183 = arith.index_cast %get3A_2182 : i32 to index
      %get3A_2184 = arith.constant 80 : index
      %get3A_2185 = tpu.vector_load %arg8[%get3A_2183, %get3A_2184] {strides = array<i32>} : memref<16x128xf32, #tpu.memory_space<vmem>>, vector<1x16xf32>,
      %get3A_2186 = vector.shape_cast %get3A_2185 : vector<1x16xf32> to vector<16xf32>
      %get3A_2187 = arith.constant 11 : i32
      %get3A_2188 = arith.index_cast %get3A_2187 : i32 to index
      %get3A_2189 = arith.constant 80 : index
      %get3A_2190 = tpu.vector_load %arg9[%get3A_2188, %get3A_2189] {strides = array<i32>} : memref<16x128xf32, #tpu.memory_space<vmem>>, vector<1x16xf32>,
      %get3A_2191 = vector.shape_cast %get3A_2190 : vector<1x16xf32> to vector<16xf32>
      %add3A_2192 = arith.addf %get3A_2186, %get3A_2191 : vector<16xf32>
      %get3A_2193 = arith.constant 11 : i32
      %get3A_2194 = arith.index_cast %get3A_2193 : i32 to index
      %get3A_2195 = arith.constant 80 : index
      %get3A_2196 = tpu.vector_load %arg10[%get3A_2194, %get3A_2195] {strides = array<i32>} : memref<16x128xf32, #tpu.memory_space<vmem>>, vector<1x16xf32>,
      %get3A_2197 = vector.shape_cast %get3A_2196 : vector<1x16xf32> to vector<16xf32>
      %add3A_2198 = arith.addf %add3A_2192, %get3A_2197 : vector<16xf32>
      %swap3A_2199 = arith.constant 11 : i32
      %swap3A_2200 = arith.index_cast %swap3A_2199 : i32 to index
      %swap3A_2201 = arith.constant 80 : index
      %swap3A_2202 = tpu.vector_load %arg8[%swap3A_2200, %swap3A_2201] {strides = array<i32>} : memref<16x128xf32, #tpu.memory_space<vmem>>, vector<1x16xf32>,
      %swap3A_2203 = vector.shape_cast %swap3A_2202 : vector<1x16xf32> to vector<16xf32>
      %swap3A_2204 = vector.shape_cast %add3A_2198 : vector<16xf32> to vector<1x16xf32>
      tpu.vector_store %arg8[%swap3A_2200, %swap3A_2201], %swap3A_2204 {strides = array<i32>} : memref<16x128xf32, #tpu.memory_space<vmem>>, vector<1x16xf32>,
      %get3A_2205 = arith.constant 11 : i32
      %get3A_2206 = arith.index_cast %get3A_2205 : i32 to index
      %get3A_2207 = arith.constant 96 : index
      %get3A_2208 = tpu.vector_load %arg8[%get3A_2206, %get3A_2207] {strides = array<i32>} : memref<16x128xf32, #tpu.memory_space<vmem>>, vector<1x16xf32>,
      %get3A_2209 = vector.shape_cast %get3A_2208 : vector<1x16xf32> to vector<16xf32>
      %get3A_2210 = arith.constant 11 : i32
      %get3A_2211 = arith.index_cast %get3A_2210 : i32 to index
      %get3A_2212 = arith.constant 96 : index
      %get3A_2213 = tpu.vector_load %arg9[%get3A_2211, %get3A_2212] {strides = array<i32>} : memref<16x128xf32, #tpu.memory_space<vmem>>, vector<1x16xf32>,
      %get3A_2214 = vector.shape_cast %get3A_2213 : vector<1x16xf32> to vector<16xf32>
      %add3A_2215 = arith.addf %get3A_2209, %get3A_2214 : vector<16xf32>
      %get3A_2216 = arith.constant 11 : i32
      %get3A_2217 = arith.index_cast %get3A_2216 : i32 to index
      %get3A_2218 = arith.constant 96 : index
      %get3A_2219 = tpu.vector_load %arg10[%get3A_2217, %get3A_2218] {strides = array<i32>} : memref<16x128xf32, #tpu.memory_space<vmem>>, vector<1x16xf32>,
      %get3A_2220 = vector.shape_cast %get3A_2219 : vector<1x16xf32> to vector<16xf32>
      %add3A_2221 = arith.addf %add3A_2215, %get3A_2220 : vector<16xf32>
      %swap3A_2222 = arith.constant 11 : i32
      %swap3A_2223 = arith.index_cast %swap3A_2222 : i32 to index
      %swap3A_2224 = arith.constant 96 : index
      %swap3A_2225 = tpu.vector_load %arg8[%swap3A_2223, %swap3A_2224] {strides = array<i32>} : memref<16x128xf32, #tpu.memory_space<vmem>>, vector<1x16xf32>,
      %swap3A_2226 = vector.shape_cast %swap3A_2225 : vector<1x16xf32> to vector<16xf32>
      %swap3A_2227 = vector.shape_cast %add3A_2221 : vector<16xf32> to vector<1x16xf32>
      tpu.vector_store %arg8[%swap3A_2223, %swap3A_2224], %swap3A_2227 {strides = array<i32>} : memref<16x128xf32, #tpu.memory_space<vmem>>, vector<1x16xf32>,
      %get3A_2228 = arith.constant 11 : i32
      %get3A_2229 = arith.index_cast %get3A_2228 : i32 to index
      %get3A_2230 = arith.constant 112 : index
      %get3A_2231 = tpu.vector_load %arg8[%get3A_2229, %get3A_2230] {strides = array<i32>} : memref<16x128xf32, #tpu.memory_space<vmem>>, vector<1x16xf32>,
      %get3A_2232 = vector.shape_cast %get3A_2231 : vector<1x16xf32> to vector<16xf32>
      %get3A_2233 = arith.constant 11 : i32
      %get3A_2234 = arith.index_cast %get3A_2233 : i32 to index
      %get3A_2235 = arith.constant 112 : index
      %get3A_2236 = tpu.vector_load %arg9[%get3A_2234, %get3A_2235] {strides = array<i32>} : memref<16x128xf32, #tpu.memory_space<vmem>>, vector<1x16xf32>,
      %get3A_2237 = vector.shape_cast %get3A_2236 : vector<1x16xf32> to vector<16xf32>
      %add3A_2238 = arith.addf %get3A_2232, %get3A_2237 : vector<16xf32>
      %get3A_2239 = arith.constant 11 : i32
      %get3A_2240 = arith.index_cast %get3A_2239 : i32 to index
      %get3A_2241 = arith.constant 112 : index
      %get3A_2242 = tpu.vector_load %arg10[%get3A_2240, %get3A_2241] {strides = array<i32>} : memref<16x128xf32, #tpu.memory_space<vmem>>, vector<1x16xf32>,
      %get3A_2243 = vector.shape_cast %get3A_2242 : vector<1x16xf32> to vector<16xf32>
      %add3A_2244 = arith.addf %add3A_2238, %get3A_2243 : vector<16xf32>
      %swap3A_2245 = arith.constant 11 : i32
      %swap3A_2246 = arith.index_cast %swap3A_2245 : i32 to index
      %swap3A_2247 = arith.constant 112 : index
      %swap3A_2248 = tpu.vector_load %arg8[%swap3A_2246, %swap3A_2247] {strides = array<i32>} : memref<16x128xf32, #tpu.memory_space<vmem>>, vector<1x16xf32>,
      %swap3A_2249 = vector.shape_cast %swap3A_2248 : vector<1x16xf32> to vector<16xf32>
      %swap3A_2250 = vector.shape_cast %add3A_2244 : vector<16xf32> to vector<1x16xf32>
      tpu.vector_store %arg8[%swap3A_2246, %swap3A_2247], %swap3A_2250 {strides = array<i32>} : memref<16x128xf32, #tpu.memory_space<vmem>>, vector<1x16xf32>,
      %get3A_2251 = arith.constant 12 : i32
      %get3A_2252 = arith.index_cast %get3A_2251 : i32 to index
      %get3A_2253 = arith.constant 0 : index
      %get3A_2254 = tpu.vector_load %arg8[%get3A_2252, %get3A_2253] {strides = array<i32>} : memref<16x128xf32, #tpu.memory_space<vmem>>, vector<1x16xf32>,
      %get3A_2255 = vector.shape_cast %get3A_2254 : vector<1x16xf32> to vector<16xf32>
      %get3A_2256 = arith.constant 12 : i32
      %get3A_2257 = arith.index_cast %get3A_2256 : i32 to index
      %get3A_2258 = arith.constant 0 : index
      %get3A_2259 = tpu.vector_load %arg9[%get3A_2257, %get3A_2258] {strides = array<i32>} : memref<16x128xf32, #tpu.memory_space<vmem>>, vector<1x16xf32>,
      %get3A_2260 = vector.shape_cast %get3A_2259 : vector<1x16xf32> to vector<16xf32>
      %add3A_2261 = arith.addf %get3A_2255, %get3A_2260 : vector<16xf32>
      %get3A_2262 = arith.constant 12 : i32
      %get3A_2263 = arith.index_cast %get3A_2262 : i32 to index
      %get3A_2264 = arith.constant 0 : index
      %get3A_2265 = tpu.vector_load %arg10[%get3A_2263, %get3A_2264] {strides = array<i32>} : memref<16x128xf32, #tpu.memory_space<vmem>>, vector<1x16xf32>,
      %get3A_2266 = vector.shape_cast %get3A_2265 : vector<1x16xf32> to vector<16xf32>
      %add3A_2267 = arith.addf %add3A_2261, %get3A_2266 : vector<16xf32>
      %swap3A_2268 = arith.constant 12 : i32
      %swap3A_2269 = arith.index_cast %swap3A_2268 : i32 to index
      %swap3A_2270 = arith.constant 0 : index
      %swap3A_2271 = tpu.vector_load %arg8[%swap3A_2269, %swap3A_2270] {strides = array<i32>} : memref<16x128xf32, #tpu.memory_space<vmem>>, vector<1x16xf32>,
      %swap3A_2272 = vector.shape_cast %swap3A_2271 : vector<1x16xf32> to vector<16xf32>
      %swap3A_2273 = vector.shape_cast %add3A_2267 : vector<16xf32> to vector<1x16xf32>
      tpu.vector_store %arg8[%swap3A_2269, %swap3A_2270], %swap3A_2273 {strides = array<i32>} : memref<16x128xf32, #tpu.memory_space<vmem>>, vector<1x16xf32>,
      %get3A_2274 = arith.constant 12 : i32
      %get3A_2275 = arith.index_cast %get3A_2274 : i32 to index
      %get3A_2276 = arith.constant 16 : index
      %get3A_2277 = tpu.vector_load %arg8[%get3A_2275, %get3A_2276] {strides = array<i32>} : memref<16x128xf32, #tpu.memory_space<vmem>>, vector<1x16xf32>,
      %get3A_2278 = vector.shape_cast %get3A_2277 : vector<1x16xf32> to vector<16xf32>
      %get3A_2279 = arith.constant 12 : i32
      %get3A_2280 = arith.index_cast %get3A_2279 : i32 to index
      %get3A_2281 = arith.constant 16 : index
      %get3A_2282 = tpu.vector_load %arg9[%get3A_2280, %get3A_2281] {strides = array<i32>} : memref<16x128xf32, #tpu.memory_space<vmem>>, vector<1x16xf32>,
      %get3A_2283 = vector.shape_cast %get3A_2282 : vector<1x16xf32> to vector<16xf32>
      %add3A_2284 = arith.addf %get3A_2278, %get3A_2283 : vector<16xf32>
      %get3A_2285 = arith.constant 12 : i32
      %get3A_2286 = arith.index_cast %get3A_2285 : i32 to index
      %get3A_2287 = arith.constant 16 : index
      %get3A_2288 = tpu.vector_load %arg10[%get3A_2286, %get3A_2287] {strides = array<i32>} : memref<16x128xf32, #tpu.memory_space<vmem>>, vector<1x16xf32>,
      %get3A_2289 = vector.shape_cast %get3A_2288 : vector<1x16xf32> to vector<16xf32>
      %add3A_2290 = arith.addf %add3A_2284, %get3A_2289 : vector<16xf32>
      %swap3A_2291 = arith.constant 12 : i32
      %swap3A_2292 = arith.index_cast %swap3A_2291 : i32 to index
      %swap3A_2293 = arith.constant 16 : index
      %swap3A_2294 = tpu.vector_load %arg8[%swap3A_2292, %swap3A_2293] {strides = array<i32>} : memref<16x128xf32, #tpu.memory_space<vmem>>, vector<1x16xf32>,
      %swap3A_2295 = vector.shape_cast %swap3A_2294 : vector<1x16xf32> to vector<16xf32>
      %swap3A_2296 = vector.shape_cast %add3A_2290 : vector<16xf32> to vector<1x16xf32>
      tpu.vector_store %arg8[%swap3A_2292, %swap3A_2293], %swap3A_2296 {strides = array<i32>} : memref<16x128xf32, #tpu.memory_space<vmem>>, vector<1x16xf32>,
      %get3A_2297 = arith.constant 12 : i32
      %get3A_2298 = arith.index_cast %get3A_2297 : i32 to index
      %get3A_2299 = arith.constant 32 : index
      %get3A_2300 = tpu.vector_load %arg8[%get3A_2298, %get3A_2299] {strides = array<i32>} : memref<16x128xf32, #tpu.memory_space<vmem>>, vector<1x16xf32>,
      %get3A_2301 = vector.shape_cast %get3A_2300 : vector<1x16xf32> to vector<16xf32>
      %get3A_2302 = arith.constant 12 : i32
      %get3A_2303 = arith.index_cast %get3A_2302 : i32 to index
      %get3A_2304 = arith.constant 32 : index
      %get3A_2305 = tpu.vector_load %arg9[%get3A_2303, %get3A_2304] {strides = array<i32>} : memref<16x128xf32, #tpu.memory_space<vmem>>, vector<1x16xf32>,
      %get3A_2306 = vector.shape_cast %get3A_2305 : vector<1x16xf32> to vector<16xf32>
      %add3A_2307 = arith.addf %get3A_2301, %get3A_2306 : vector<16xf32>
      %get3A_2308 = arith.constant 12 : i32
      %get3A_2309 = arith.index_cast %get3A_2308 : i32 to index
      %get3A_2310 = arith.constant 32 : index
      %get3A_2311 = tpu.vector_load %arg10[%get3A_2309, %get3A_2310] {strides = array<i32>} : memref<16x128xf32, #tpu.memory_space<vmem>>, vector<1x16xf32>,
      %get3A_2312 = vector.shape_cast %get3A_2311 : vector<1x16xf32> to vector<16xf32>
      %add3A_2313 = arith.addf %add3A_2307, %get3A_2312 : vector<16xf32>
      %swap3A_2314 = arith.constant 12 : i32
      %swap3A_2315 = arith.index_cast %swap3A_2314 : i32 to index
      %swap3A_2316 = arith.constant 32 : index
      %swap3A_2317 = tpu.vector_load %arg8[%swap3A_2315, %swap3A_2316] {strides = array<i32>} : memref<16x128xf32, #tpu.memory_space<vmem>>, vector<1x16xf32>,
      %swap3A_2318 = vector.shape_cast %swap3A_2317 : vector<1x16xf32> to vector<16xf32>
      %swap3A_2319 = vector.shape_cast %add3A_2313 : vector<16xf32> to vector<1x16xf32>
      tpu.vector_store %arg8[%swap3A_2315, %swap3A_2316], %swap3A_2319 {strides = array<i32>} : memref<16x128xf32, #tpu.memory_space<vmem>>, vector<1x16xf32>,
      %get3A_2320 = arith.constant 12 : i32
      %get3A_2321 = arith.index_cast %get3A_2320 : i32 to index
      %get3A_2322 = arith.constant 48 : index
      %get3A_2323 = tpu.vector_load %arg8[%get3A_2321, %get3A_2322] {strides = array<i32>} : memref<16x128xf32, #tpu.memory_space<vmem>>, vector<1x16xf32>,
      %get3A_2324 = vector.shape_cast %get3A_2323 : vector<1x16xf32> to vector<16xf32>
      %get3A_2325 = arith.constant 12 : i32
      %get3A_2326 = arith.index_cast %get3A_2325 : i32 to index
      %get3A_2327 = arith.constant 48 : index
      %get3A_2328 = tpu.vector_load %arg9[%get3A_2326, %get3A_2327] {strides = array<i32>} : memref<16x128xf32, #tpu.memory_space<vmem>>, vector<1x16xf32>,
      %get3A_2329 = vector.shape_cast %get3A_2328 : vector<1x16xf32> to vector<16xf32>
      %add3A_2330 = arith.addf %get3A_2324, %get3A_2329 : vector<16xf32>
      %get3A_2331 = arith.constant 12 : i32
      %get3A_2332 = arith.index_cast %get3A_2331 : i32 to index
      %get3A_2333 = arith.constant 48 : index
      %get3A_2334 = tpu.vector_load %arg10[%get3A_2332, %get3A_2333] {strides = array<i32>} : memref<16x128xf32, #tpu.memory_space<vmem>>, vector<1x16xf32>,
      %get3A_2335 = vector.shape_cast %get3A_2334 : vector<1x16xf32> to vector<16xf32>
      %add3A_2336 = arith.addf %add3A_2330, %get3A_2335 : vector<16xf32>
      %swap3A_2337 = arith.constant 12 : i32
      %swap3A_2338 = arith.index_cast %swap3A_2337 : i32 to index
      %swap3A_2339 = arith.constant 48 : index
      %swap3A_2340 = tpu.vector_load %arg8[%swap3A_2338, %swap3A_2339] {strides = array<i32>} : memref<16x128xf32, #tpu.memory_space<vmem>>, vector<1x16xf32>,
      %swap3A_2341 = vector.shape_cast %swap3A_2340 : vector<1x16xf32> to vector<16xf32>
      %swap3A_2342 = vector.shape_cast %add3A_2336 : vector<16xf32> to vector<1x16xf32>
      tpu.vector_store %arg8[%swap3A_2338, %swap3A_2339], %swap3A_2342 {strides = array<i32>} : memref<16x128xf32, #tpu.memory_space<vmem>>, vector<1x16xf32>,
      %get3A_2343 = arith.constant 12 : i32
      %get3A_2344 = arith.index_cast %get3A_2343 : i32 to index
      %get3A_2345 = arith.constant 64 : index
      %get3A_2346 = tpu.vector_load %arg8[%get3A_2344, %get3A_2345] {strides = array<i32>} : memref<16x128xf32, #tpu.memory_space<vmem>>, vector<1x16xf32>,
      %get3A_2347 = vector.shape_cast %get3A_2346 : vector<1x16xf32> to vector<16xf32>
      %get3A_2348 = arith.constant 12 : i32
      %get3A_2349 = arith.index_cast %get3A_2348 : i32 to index
      %get3A_2350 = arith.constant 64 : index
      %get3A_2351 = tpu.vector_load %arg9[%get3A_2349, %get3A_2350] {strides = array<i32>} : memref<16x128xf32, #tpu.memory_space<vmem>>, vector<1x16xf32>,
      %get3A_2352 = vector.shape_cast %get3A_2351 : vector<1x16xf32> to vector<16xf32>
      %add3A_2353 = arith.addf %get3A_2347, %get3A_2352 : vector<16xf32>
      %get3A_2354 = arith.constant 12 : i32
      %get3A_2355 = arith.index_cast %get3A_2354 : i32 to index
      %get3A_2356 = arith.constant 64 : index
      %get3A_2357 = tpu.vector_load %arg10[%get3A_2355, %get3A_2356] {strides = array<i32>} : memref<16x128xf32, #tpu.memory_space<vmem>>, vector<1x16xf32>,
      %get3A_2358 = vector.shape_cast %get3A_2357 : vector<1x16xf32> to vector<16xf32>
      %add3A_2359 = arith.addf %add3A_2353, %get3A_2358 : vector<16xf32>
      %swap3A_2360 = arith.constant 12 : i32
      %swap3A_2361 = arith.index_cast %swap3A_2360 : i32 to index
      %swap3A_2362 = arith.constant 64 : index
      %swap3A_2363 = tpu.vector_load %arg8[%swap3A_2361, %swap3A_2362] {strides = array<i32>} : memref<16x128xf32, #tpu.memory_space<vmem>>, vector<1x16xf32>,
      %swap3A_2364 = vector.shape_cast %swap3A_2363 : vector<1x16xf32> to vector<16xf32>
      %swap3A_2365 = vector.shape_cast %add3A_2359 : vector<16xf32> to vector<1x16xf32>
      tpu.vector_store %arg8[%swap3A_2361, %swap3A_2362], %swap3A_2365 {strides = array<i32>} : memref<16x128xf32, #tpu.memory_space<vmem>>, vector<1x16xf32>,
      %get3A_2366 = arith.constant 12 : i32
      %get3A_2367 = arith.index_cast %get3A_2366 : i32 to index
      %get3A_2368 = arith.constant 80 : index
      %get3A_2369 = tpu.vector_load %arg8[%get3A_2367, %get3A_2368] {strides = array<i32>} : memref<16x128xf32, #tpu.memory_space<vmem>>, vector<1x16xf32>,
      %get3A_2370 = vector.shape_cast %get3A_2369 : vector<1x16xf32> to vector<16xf32>
      %get3A_2371 = arith.constant 12 : i32
      %get3A_2372 = arith.index_cast %get3A_2371 : i32 to index
      %get3A_2373 = arith.constant 80 : index
      %get3A_2374 = tpu.vector_load %arg9[%get3A_2372, %get3A_2373] {strides = array<i32>} : memref<16x128xf32, #tpu.memory_space<vmem>>, vector<1x16xf32>,
      %get3A_2375 = vector.shape_cast %get3A_2374 : vector<1x16xf32> to vector<16xf32>
      %add3A_2376 = arith.addf %get3A_2370, %get3A_2375 : vector<16xf32>
      %get3A_2377 = arith.constant 12 : i32
      %get3A_2378 = arith.index_cast %get3A_2377 : i32 to index
      %get3A_2379 = arith.constant 80 : index
      %get3A_2380 = tpu.vector_load %arg10[%get3A_2378, %get3A_2379] {strides = array<i32>} : memref<16x128xf32, #tpu.memory_space<vmem>>, vector<1x16xf32>,
      %get3A_2381 = vector.shape_cast %get3A_2380 : vector<1x16xf32> to vector<16xf32>
      %add3A_2382 = arith.addf %add3A_2376, %get3A_2381 : vector<16xf32>
      %swap3A_2383 = arith.constant 12 : i32
      %swap3A_2384 = arith.index_cast %swap3A_2383 : i32 to index
      %swap3A_2385 = arith.constant 80 : index
      %swap3A_2386 = tpu.vector_load %arg8[%swap3A_2384, %swap3A_2385] {strides = array<i32>} : memref<16x128xf32, #tpu.memory_space<vmem>>, vector<1x16xf32>,
      %swap3A_2387 = vector.shape_cast %swap3A_2386 : vector<1x16xf32> to vector<16xf32>
      %swap3A_2388 = vector.shape_cast %add3A_2382 : vector<16xf32> to vector<1x16xf32>
      tpu.vector_store %arg8[%swap3A_2384, %swap3A_2385], %swap3A_2388 {strides = array<i32>} : memref<16x128xf32, #tpu.memory_space<vmem>>, vector<1x16xf32>,
      %get3A_2389 = arith.constant 12 : i32
      %get3A_2390 = arith.index_cast %get3A_2389 : i32 to index
      %get3A_2391 = arith.constant 96 : index
      %get3A_2392 = tpu.vector_load %arg8[%get3A_2390, %get3A_2391] {strides = array<i32>} : memref<16x128xf32, #tpu.memory_space<vmem>>, vector<1x16xf32>,
      %get3A_2393 = vector.shape_cast %get3A_2392 : vector<1x16xf32> to vector<16xf32>
      %get3A_2394 = arith.constant 12 : i32
      %get3A_2395 = arith.index_cast %get3A_2394 : i32 to index
      %get3A_2396 = arith.constant 96 : index
      %get3A_2397 = tpu.vector_load %arg9[%get3A_2395, %get3A_2396] {strides = array<i32>} : memref<16x128xf32, #tpu.memory_space<vmem>>, vector<1x16xf32>,
      %get3A_2398 = vector.shape_cast %get3A_2397 : vector<1x16xf32> to vector<16xf32>
      %add3A_2399 = arith.addf %get3A_2393, %get3A_2398 : vector<16xf32>
      %get3A_2400 = arith.constant 12 : i32
      %get3A_2401 = arith.index_cast %get3A_2400 : i32 to index
      %get3A_2402 = arith.constant 96 : index
      %get3A_2403 = tpu.vector_load %arg10[%get3A_2401, %get3A_2402] {strides = array<i32>} : memref<16x128xf32, #tpu.memory_space<vmem>>, vector<1x16xf32>,
      %get3A_2404 = vector.shape_cast %get3A_2403 : vector<1x16xf32> to vector<16xf32>
      %add3A_2405 = arith.addf %add3A_2399, %get3A_2404 : vector<16xf32>
      %swap3A_2406 = arith.constant 12 : i32
      %swap3A_2407 = arith.index_cast %swap3A_2406 : i32 to index
      %swap3A_2408 = arith.constant 96 : index
      %swap3A_2409 = tpu.vector_load %arg8[%swap3A_2407, %swap3A_2408] {strides = array<i32>} : memref<16x128xf32, #tpu.memory_space<vmem>>, vector<1x16xf32>,
      %swap3A_2410 = vector.shape_cast %swap3A_2409 : vector<1x16xf32> to vector<16xf32>
      %swap3A_2411 = vector.shape_cast %add3A_2405 : vector<16xf32> to vector<1x16xf32>
      tpu.vector_store %arg8[%swap3A_2407, %swap3A_2408], %swap3A_2411 {strides = array<i32>} : memref<16x128xf32, #tpu.memory_space<vmem>>, vector<1x16xf32>,
      %get3A_2412 = arith.constant 12 : i32
      %get3A_2413 = arith.index_cast %get3A_2412 : i32 to index
      %get3A_2414 = arith.constant 112 : index
      %get3A_2415 = tpu.vector_load %arg8[%get3A_2413, %get3A_2414] {strides = array<i32>} : memref<16x128xf32, #tpu.memory_space<vmem>>, vector<1x16xf32>,
      %get3A_2416 = vector.shape_cast %get3A_2415 : vector<1x16xf32> to vector<16xf32>
      %get3A_2417 = arith.constant 12 : i32
      %get3A_2418 = arith.index_cast %get3A_2417 : i32 to index
      %get3A_2419 = arith.constant 112 : index
      %get3A_2420 = tpu.vector_load %arg9[%get3A_2418, %get3A_2419] {strides = array<i32>} : memref<16x128xf32, #tpu.memory_space<vmem>>, vector<1x16xf32>,
      %get3A_2421 = vector.shape_cast %get3A_2420 : vector<1x16xf32> to vector<16xf32>
      %add3A_2422 = arith.addf %get3A_2416, %get3A_2421 : vector<16xf32>
      %get3A_2423 = arith.constant 12 : i32
      %get3A_2424 = arith.index_cast %get3A_2423 : i32 to index
      %get3A_2425 = arith.constant 112 : index
      %get3A_2426 = tpu.vector_load %arg10[%get3A_2424, %get3A_2425] {strides = array<i32>} : memref<16x128xf32, #tpu.memory_space<vmem>>, vector<1x16xf32>,
      %get3A_2427 = vector.shape_cast %get3A_2426 : vector<1x16xf32> to vector<16xf32>
      %add3A_2428 = arith.addf %add3A_2422, %get3A_2427 : vector<16xf32>
      %swap3A_2429 = arith.constant 12 : i32
      %swap3A_2430 = arith.index_cast %swap3A_2429 : i32 to index
      %swap3A_2431 = arith.constant 112 : index
      %swap3A_2432 = tpu.vector_load %arg8[%swap3A_2430, %swap3A_2431] {strides = array<i32>} : memref<16x128xf32, #tpu.memory_space<vmem>>, vector<1x16xf32>,
      %swap3A_2433 = vector.shape_cast %swap3A_2432 : vector<1x16xf32> to vector<16xf32>
      %swap3A_2434 = vector.shape_cast %add3A_2428 : vector<16xf32> to vector<1x16xf32>
      tpu.vector_store %arg8[%swap3A_2430, %swap3A_2431], %swap3A_2434 {strides = array<i32>} : memref<16x128xf32, #tpu.memory_space<vmem>>, vector<1x16xf32>,
      %get3A_2435 = arith.constant 13 : i32
      %get3A_2436 = arith.index_cast %get3A_2435 : i32 to index
      %get3A_2437 = arith.constant 0 : index
      %get3A_2438 = tpu.vector_load %arg8[%get3A_2436, %get3A_2437] {strides = array<i32>} : memref<16x128xf32, #tpu.memory_space<vmem>>, vector<1x16xf32>,
      %get3A_2439 = vector.shape_cast %get3A_2438 : vector<1x16xf32> to vector<16xf32>
      %get3A_2440 = arith.constant 13 : i32
      %get3A_2441 = arith.index_cast %get3A_2440 : i32 to index
      %get3A_2442 = arith.constant 0 : index
      %get3A_2443 = tpu.vector_load %arg9[%get3A_2441, %get3A_2442] {strides = array<i32>} : memref<16x128xf32, #tpu.memory_space<vmem>>, vector<1x16xf32>,
      %get3A_2444 = vector.shape_cast %get3A_2443 : vector<1x16xf32> to vector<16xf32>
      %add3A_2445 = arith.addf %get3A_2439, %get3A_2444 : vector<16xf32>
      %get3A_2446 = arith.constant 13 : i32
      %get3A_2447 = arith.index_cast %get3A_2446 : i32 to index
      %get3A_2448 = arith.constant 0 : index
      %get3A_2449 = tpu.vector_load %arg10[%get3A_2447, %get3A_2448] {strides = array<i32>} : memref<16x128xf32, #tpu.memory_space<vmem>>, vector<1x16xf32>,
      %get3A_2450 = vector.shape_cast %get3A_2449 : vector<1x16xf32> to vector<16xf32>
      %add3A_2451 = arith.addf %add3A_2445, %get3A_2450 : vector<16xf32>
      %swap3A_2452 = arith.constant 13 : i32
      %swap3A_2453 = arith.index_cast %swap3A_2452 : i32 to index
      %swap3A_2454 = arith.constant 0 : index
      %swap3A_2455 = tpu.vector_load %arg8[%swap3A_2453, %swap3A_2454] {strides = array<i32>} : memref<16x128xf32, #tpu.memory_space<vmem>>, vector<1x16xf32>,
      %swap3A_2456 = vector.shape_cast %swap3A_2455 : vector<1x16xf32> to vector<16xf32>
      %swap3A_2457 = vector.shape_cast %add3A_2451 : vector<16xf32> to vector<1x16xf32>
      tpu.vector_store %arg8[%swap3A_2453, %swap3A_2454], %swap3A_2457 {strides = array<i32>} : memref<16x128xf32, #tpu.memory_space<vmem>>, vector<1x16xf32>,
      %get3A_2458 = arith.constant 13 : i32
      %get3A_2459 = arith.index_cast %get3A_2458 : i32 to index
      %get3A_2460 = arith.constant 16 : index
      %get3A_2461 = tpu.vector_load %arg8[%get3A_2459, %get3A_2460] {strides = array<i32>} : memref<16x128xf32, #tpu.memory_space<vmem>>, vector<1x16xf32>,
      %get3A_2462 = vector.shape_cast %get3A_2461 : vector<1x16xf32> to vector<16xf32>
      %get3A_2463 = arith.constant 13 : i32
      %get3A_2464 = arith.index_cast %get3A_2463 : i32 to index
      %get3A_2465 = arith.constant 16 : index
      %get3A_2466 = tpu.vector_load %arg9[%get3A_2464, %get3A_2465] {strides = array<i32>} : memref<16x128xf32, #tpu.memory_space<vmem>>, vector<1x16xf32>,
      %get3A_2467 = vector.shape_cast %get3A_2466 : vector<1x16xf32> to vector<16xf32>
      %add3A_2468 = arith.addf %get3A_2462, %get3A_2467 : vector<16xf32>
      %get3A_2469 = arith.constant 13 : i32
      %get3A_2470 = arith.index_cast %get3A_2469 : i32 to index
      %get3A_2471 = arith.constant 16 : index
      %get3A_2472 = tpu.vector_load %arg10[%get3A_2470, %get3A_2471] {strides = array<i32>} : memref<16x128xf32, #tpu.memory_space<vmem>>, vector<1x16xf32>,
      %get3A_2473 = vector.shape_cast %get3A_2472 : vector<1x16xf32> to vector<16xf32>
      %add3A_2474 = arith.addf %add3A_2468, %get3A_2473 : vector<16xf32>
      %swap3A_2475 = arith.constant 13 : i32
      %swap3A_2476 = arith.index_cast %swap3A_2475 : i32 to index
      %swap3A_2477 = arith.constant 16 : index
      %swap3A_2478 = tpu.vector_load %arg8[%swap3A_2476, %swap3A_2477] {strides = array<i32>} : memref<16x128xf32, #tpu.memory_space<vmem>>, vector<1x16xf32>,
      %swap3A_2479 = vector.shape_cast %swap3A_2478 : vector<1x16xf32> to vector<16xf32>
      %swap3A_2480 = vector.shape_cast %add3A_2474 : vector<16xf32> to vector<1x16xf32>
      tpu.vector_store %arg8[%swap3A_2476, %swap3A_2477], %swap3A_2480 {strides = array<i32>} : memref<16x128xf32, #tpu.memory_space<vmem>>, vector<1x16xf32>,
      %get3A_2481 = arith.constant 13 : i32
      %get3A_2482 = arith.index_cast %get3A_2481 : i32 to index
      %get3A_2483 = arith.constant 32 : index
      %get3A_2484 = tpu.vector_load %arg8[%get3A_2482, %get3A_2483] {strides = array<i32>} : memref<16x128xf32, #tpu.memory_space<vmem>>, vector<1x16xf32>,
      %get3A_2485 = vector.shape_cast %get3A_2484 : vector<1x16xf32> to vector<16xf32>
      %get3A_2486 = arith.constant 13 : i32
      %get3A_2487 = arith.index_cast %get3A_2486 : i32 to index
      %get3A_2488 = arith.constant 32 : index
      %get3A_2489 = tpu.vector_load %arg9[%get3A_2487, %get3A_2488] {strides = array<i32>} : memref<16x128xf32, #tpu.memory_space<vmem>>, vector<1x16xf32>,
      %get3A_2490 = vector.shape_cast %get3A_2489 : vector<1x16xf32> to vector<16xf32>
      %add3A_2491 = arith.addf %get3A_2485, %get3A_2490 : vector<16xf32>
      %get3A_2492 = arith.constant 13 : i32
      %get3A_2493 = arith.index_cast %get3A_2492 : i32 to index
      %get3A_2494 = arith.constant 32 : index
      %get3A_2495 = tpu.vector_load %arg10[%get3A_2493, %get3A_2494] {strides = array<i32>} : memref<16x128xf32, #tpu.memory_space<vmem>>, vector<1x16xf32>,
      %get3A_2496 = vector.shape_cast %get3A_2495 : vector<1x16xf32> to vector<16xf32>
      %add3A_2497 = arith.addf %add3A_2491, %get3A_2496 : vector<16xf32>
      %swap3A_2498 = arith.constant 13 : i32
      %swap3A_2499 = arith.index_cast %swap3A_2498 : i32 to index
      %swap3A_2500 = arith.constant 32 : index
      %swap3A_2501 = tpu.vector_load %arg8[%swap3A_2499, %swap3A_2500] {strides = array<i32>} : memref<16x128xf32, #tpu.memory_space<vmem>>, vector<1x16xf32>,
      %swap3A_2502 = vector.shape_cast %swap3A_2501 : vector<1x16xf32> to vector<16xf32>
      %swap3A_2503 = vector.shape_cast %add3A_2497 : vector<16xf32> to vector<1x16xf32>
      tpu.vector_store %arg8[%swap3A_2499, %swap3A_2500], %swap3A_2503 {strides = array<i32>} : memref<16x128xf32, #tpu.memory_space<vmem>>, vector<1x16xf32>,
      %get3A_2504 = arith.constant 13 : i32
      %get3A_2505 = arith.index_cast %get3A_2504 : i32 to index
      %get3A_2506 = arith.constant 48 : index
      %get3A_2507 = tpu.vector_load %arg8[%get3A_2505, %get3A_2506] {strides = array<i32>} : memref<16x128xf32, #tpu.memory_space<vmem>>, vector<1x16xf32>,
      %get3A_2508 = vector.shape_cast %get3A_2507 : vector<1x16xf32> to vector<16xf32>
      %get3A_2509 = arith.constant 13 : i32
      %get3A_2510 = arith.index_cast %get3A_2509 : i32 to index
      %get3A_2511 = arith.constant 48 : index
      %get3A_2512 = tpu.vector_load %arg9[%get3A_2510, %get3A_2511] {strides = array<i32>} : memref<16x128xf32, #tpu.memory_space<vmem>>, vector<1x16xf32>,
      %get3A_2513 = vector.shape_cast %get3A_2512 : vector<1x16xf32> to vector<16xf32>
      %add3A_2514 = arith.addf %get3A_2508, %get3A_2513 : vector<16xf32>
      %get3A_2515 = arith.constant 13 : i32
      %get3A_2516 = arith.index_cast %get3A_2515 : i32 to index
      %get3A_2517 = arith.constant 48 : index
      %get3A_2518 = tpu.vector_load %arg10[%get3A_2516, %get3A_2517] {strides = array<i32>} : memref<16x128xf32, #tpu.memory_space<vmem>>, vector<1x16xf32>,
      %get3A_2519 = vector.shape_cast %get3A_2518 : vector<1x16xf32> to vector<16xf32>
      %add3A_2520 = arith.addf %add3A_2514, %get3A_2519 : vector<16xf32>
      %swap3A_2521 = arith.constant 13 : i32
      %swap3A_2522 = arith.index_cast %swap3A_2521 : i32 to index
      %swap3A_2523 = arith.constant 48 : index
      %swap3A_2524 = tpu.vector_load %arg8[%swap3A_2522, %swap3A_2523] {strides = array<i32>} : memref<16x128xf32, #tpu.memory_space<vmem>>, vector<1x16xf32>,
      %swap3A_2525 = vector.shape_cast %swap3A_2524 : vector<1x16xf32> to vector<16xf32>
      %swap3A_2526 = vector.shape_cast %add3A_2520 : vector<16xf32> to vector<1x16xf32>
      tpu.vector_store %arg8[%swap3A_2522, %swap3A_2523], %swap3A_2526 {strides = array<i32>} : memref<16x128xf32, #tpu.memory_space<vmem>>, vector<1x16xf32>,
      %get3A_2527 = arith.constant 13 : i32
      %get3A_2528 = arith.index_cast %get3A_2527 : i32 to index
      %get3A_2529 = arith.constant 64 : index
      %get3A_2530 = tpu.vector_load %arg8[%get3A_2528, %get3A_2529] {strides = array<i32>} : memref<16x128xf32, #tpu.memory_space<vmem>>, vector<1x16xf32>,
      %get3A_2531 = vector.shape_cast %get3A_2530 : vector<1x16xf32> to vector<16xf32>
      %get3A_2532 = arith.constant 13 : i32
      %get3A_2533 = arith.index_cast %get3A_2532 : i32 to index
      %get3A_2534 = arith.constant 64 : index
      %get3A_2535 = tpu.vector_load %arg9[%get3A_2533, %get3A_2534] {strides = array<i32>} : memref<16x128xf32, #tpu.memory_space<vmem>>, vector<1x16xf32>,
      %get3A_2536 = vector.shape_cast %get3A_2535 : vector<1x16xf32> to vector<16xf32>
      %add3A_2537 = arith.addf %get3A_2531, %get3A_2536 : vector<16xf32>
      %get3A_2538 = arith.constant 13 : i32
      %get3A_2539 = arith.index_cast %get3A_2538 : i32 to index
      %get3A_2540 = arith.constant 64 : index
      %get3A_2541 = tpu.vector_load %arg10[%get3A_2539, %get3A_2540] {strides = array<i32>} : memref<16x128xf32, #tpu.memory_space<vmem>>, vector<1x16xf32>,
      %get3A_2542 = vector.shape_cast %get3A_2541 : vector<1x16xf32> to vector<16xf32>
      %add3A_2543 = arith.addf %add3A_2537, %get3A_2542 : vector<16xf32>
      %swap3A_2544 = arith.constant 13 : i32
      %swap3A_2545 = arith.index_cast %swap3A_2544 : i32 to index
      %swap3A_2546 = arith.constant 64 : index
      %swap3A_2547 = tpu.vector_load %arg8[%swap3A_2545, %swap3A_2546] {strides = array<i32>} : memref<16x128xf32, #tpu.memory_space<vmem>>, vector<1x16xf32>,
      %swap3A_2548 = vector.shape_cast %swap3A_2547 : vector<1x16xf32> to vector<16xf32>
      %swap3A_2549 = vector.shape_cast %add3A_2543 : vector<16xf32> to vector<1x16xf32>
      tpu.vector_store %arg8[%swap3A_2545, %swap3A_2546], %swap3A_2549 {strides = array<i32>} : memref<16x128xf32, #tpu.memory_space<vmem>>, vector<1x16xf32>,
      %get3A_2550 = arith.constant 13 : i32
      %get3A_2551 = arith.index_cast %get3A_2550 : i32 to index
      %get3A_2552 = arith.constant 80 : index
      %get3A_2553 = tpu.vector_load %arg8[%get3A_2551, %get3A_2552] {strides = array<i32>} : memref<16x128xf32, #tpu.memory_space<vmem>>, vector<1x16xf32>,
      %get3A_2554 = vector.shape_cast %get3A_2553 : vector<1x16xf32> to vector<16xf32>
      %get3A_2555 = arith.constant 13 : i32
      %get3A_2556 = arith.index_cast %get3A_2555 : i32 to index
      %get3A_2557 = arith.constant 80 : index
      %get3A_2558 = tpu.vector_load %arg9[%get3A_2556, %get3A_2557] {strides = array<i32>} : memref<16x128xf32, #tpu.memory_space<vmem>>, vector<1x16xf32>,
      %get3A_2559 = vector.shape_cast %get3A_2558 : vector<1x16xf32> to vector<16xf32>
      %add3A_2560 = arith.addf %get3A_2554, %get3A_2559 : vector<16xf32>
      %get3A_2561 = arith.constant 13 : i32
      %get3A_2562 = arith.index_cast %get3A_2561 : i32 to index
      %get3A_2563 = arith.constant 80 : index
      %get3A_2564 = tpu.vector_load %arg10[%get3A_2562, %get3A_2563] {strides = array<i32>} : memref<16x128xf32, #tpu.memory_space<vmem>>, vector<1x16xf32>,
      %get3A_2565 = vector.shape_cast %get3A_2564 : vector<1x16xf32> to vector<16xf32>
      %add3A_2566 = arith.addf %add3A_2560, %get3A_2565 : vector<16xf32>
      %swap3A_2567 = arith.constant 13 : i32
      %swap3A_2568 = arith.index_cast %swap3A_2567 : i32 to index
      %swap3A_2569 = arith.constant 80 : index
      %swap3A_2570 = tpu.vector_load %arg8[%swap3A_2568, %swap3A_2569] {strides = array<i32>} : memref<16x128xf32, #tpu.memory_space<vmem>>, vector<1x16xf32>,
      %swap3A_2571 = vector.shape_cast %swap3A_2570 : vector<1x16xf32> to vector<16xf32>
      %swap3A_2572 = vector.shape_cast %add3A_2566 : vector<16xf32> to vector<1x16xf32>
      tpu.vector_store %arg8[%swap3A_2568, %swap3A_2569], %swap3A_2572 {strides = array<i32>} : memref<16x128xf32, #tpu.memory_space<vmem>>, vector<1x16xf32>,
      %get3A_2573 = arith.constant 13 : i32
      %get3A_2574 = arith.index_cast %get3A_2573 : i32 to index
      %get3A_2575 = arith.constant 96 : index
      %get3A_2576 = tpu.vector_load %arg8[%get3A_2574, %get3A_2575] {strides = array<i32>} : memref<16x128xf32, #tpu.memory_space<vmem>>, vector<1x16xf32>,
      %get3A_2577 = vector.shape_cast %get3A_2576 : vector<1x16xf32> to vector<16xf32>
      %get3A_2578 = arith.constant 13 : i32
      %get3A_2579 = arith.index_cast %get3A_2578 : i32 to index
      %get3A_2580 = arith.constant 96 : index
      %get3A_2581 = tpu.vector_load %arg9[%get3A_2579, %get3A_2580] {strides = array<i32>} : memref<16x128xf32, #tpu.memory_space<vmem>>, vector<1x16xf32>,
      %get3A_2582 = vector.shape_cast %get3A_2581 : vector<1x16xf32> to vector<16xf32>
      %add3A_2583 = arith.addf %get3A_2577, %get3A_2582 : vector<16xf32>
      %get3A_2584 = arith.constant 13 : i32
      %get3A_2585 = arith.index_cast %get3A_2584 : i32 to index
      %get3A_2586 = arith.constant 96 : index
      %get3A_2587 = tpu.vector_load %arg10[%get3A_2585, %get3A_2586] {strides = array<i32>} : memref<16x128xf32, #tpu.memory_space<vmem>>, vector<1x16xf32>,
      %get3A_2588 = vector.shape_cast %get3A_2587 : vector<1x16xf32> to vector<16xf32>
      %add3A_2589 = arith.addf %add3A_2583, %get3A_2588 : vector<16xf32>
      %swap3A_2590 = arith.constant 13 : i32
      %swap3A_2591 = arith.index_cast %swap3A_2590 : i32 to index
      %swap3A_2592 = arith.constant 96 : index
      %swap3A_2593 = tpu.vector_load %arg8[%swap3A_2591, %swap3A_2592] {strides = array<i32>} : memref<16x128xf32, #tpu.memory_space<vmem>>, vector<1x16xf32>,
      %swap3A_2594 = vector.shape_cast %swap3A_2593 : vector<1x16xf32> to vector<16xf32>
      %swap3A_2595 = vector.shape_cast %add3A_2589 : vector<16xf32> to vector<1x16xf32>
      tpu.vector_store %arg8[%swap3A_2591, %swap3A_2592], %swap3A_2595 {strides = array<i32>} : memref<16x128xf32, #tpu.memory_space<vmem>>, vector<1x16xf32>,
      %get3A_2596 = arith.constant 13 : i32
      %get3A_2597 = arith.index_cast %get3A_2596 : i32 to index
      %get3A_2598 = arith.constant 112 : index
      %get3A_2599 = tpu.vector_load %arg8[%get3A_2597, %get3A_2598] {strides = array<i32>} : memref<16x128xf32, #tpu.memory_space<vmem>>, vector<1x16xf32>,
      %get3A_2600 = vector.shape_cast %get3A_2599 : vector<1x16xf32> to vector<16xf32>
      %get3A_2601 = arith.constant 13 : i32
      %get3A_2602 = arith.index_cast %get3A_2601 : i32 to index
      %get3A_2603 = arith.constant 112 : index
      %get3A_2604 = tpu.vector_load %arg9[%get3A_2602, %get3A_2603] {strides = array<i32>} : memref<16x128xf32, #tpu.memory_space<vmem>>, vector<1x16xf32>,
      %get3A_2605 = vector.shape_cast %get3A_2604 : vector<1x16xf32> to vector<16xf32>
      %add3A_2606 = arith.addf %get3A_2600, %get3A_2605 : vector<16xf32>
      %get3A_2607 = arith.constant 13 : i32
      %get3A_2608 = arith.index_cast %get3A_2607 : i32 to index
      %get3A_2609 = arith.constant 112 : index
      %get3A_2610 = tpu.vector_load %arg10[%get3A_2608, %get3A_2609] {strides = array<i32>} : memref<16x128xf32, #tpu.memory_space<vmem>>, vector<1x16xf32>,
      %get3A_2611 = vector.shape_cast %get3A_2610 : vector<1x16xf32> to vector<16xf32>
      %add3A_2612 = arith.addf %add3A_2606, %get3A_2611 : vector<16xf32>
      %swap3A_2613 = arith.constant 13 : i32
      %swap3A_2614 = arith.index_cast %swap3A_2613 : i32 to index
      %swap3A_2615 = arith.constant 112 : index
      %swap3A_2616 = tpu.vector_load %arg8[%swap3A_2614, %swap3A_2615] {strides = array<i32>} : memref<16x128xf32, #tpu.memory_space<vmem>>, vector<1x16xf32>,
      %swap3A_2617 = vector.shape_cast %swap3A_2616 : vector<1x16xf32> to vector<16xf32>
      %swap3A_2618 = vector.shape_cast %add3A_2612 : vector<16xf32> to vector<1x16xf32>
      tpu.vector_store %arg8[%swap3A_2614, %swap3A_2615], %swap3A_2618 {strides = array<i32>} : memref<16x128xf32, #tpu.memory_space<vmem>>, vector<1x16xf32>,
      %get3A_2619 = arith.constant 14 : i32
      %get3A_2620 = arith.index_cast %get3A_2619 : i32 to index
      %get3A_2621 = arith.constant 0 : index
      %get3A_2622 = tpu.vector_load %arg8[%get3A_2620, %get3A_2621] {strides = array<i32>} : memref<16x128xf32, #tpu.memory_space<vmem>>, vector<1x16xf32>,
      %get3A_2623 = vector.shape_cast %get3A_2622 : vector<1x16xf32> to vector<16xf32>
      %get3A_2624 = arith.constant 14 : i32
      %get3A_2625 = arith.index_cast %get3A_2624 : i32 to index
      %get3A_2626 = arith.constant 0 : index
      %get3A_2627 = tpu.vector_load %arg9[%get3A_2625, %get3A_2626] {strides = array<i32>} : memref<16x128xf32, #tpu.memory_space<vmem>>, vector<1x16xf32>,
      %get3A_2628 = vector.shape_cast %get3A_2627 : vector<1x16xf32> to vector<16xf32>
      %add3A_2629 = arith.addf %get3A_2623, %get3A_2628 : vector<16xf32>
      %get3A_2630 = arith.constant 14 : i32
      %get3A_2631 = arith.index_cast %get3A_2630 : i32 to index
      %get3A_2632 = arith.constant 0 : index
      %get3A_2633 = tpu.vector_load %arg10[%get3A_2631, %get3A_2632] {strides = array<i32>} : memref<16x128xf32, #tpu.memory_space<vmem>>, vector<1x16xf32>,
      %get3A_2634 = vector.shape_cast %get3A_2633 : vector<1x16xf32> to vector<16xf32>
      %add3A_2635 = arith.addf %add3A_2629, %get3A_2634 : vector<16xf32>
      %swap3A_2636 = arith.constant 14 : i32
      %swap3A_2637 = arith.index_cast %swap3A_2636 : i32 to index
      %swap3A_2638 = arith.constant 0 : index
      %swap3A_2639 = tpu.vector_load %arg8[%swap3A_2637, %swap3A_2638] {strides = array<i32>} : memref<16x128xf32, #tpu.memory_space<vmem>>, vector<1x16xf32>,
      %swap3A_2640 = vector.shape_cast %swap3A_2639 : vector<1x16xf32> to vector<16xf32>
      %swap3A_2641 = vector.shape_cast %add3A_2635 : vector<16xf32> to vector<1x16xf32>
      tpu.vector_store %arg8[%swap3A_2637, %swap3A_2638], %swap3A_2641 {strides = array<i32>} : memref<16x128xf32, #tpu.memory_space<vmem>>, vector<1x16xf32>,
      %get3A_2642 = arith.constant 14 : i32
      %get3A_2643 = arith.index_cast %get3A_2642 : i32 to index
      %get3A_2644 = arith.constant 16 : index
      %get3A_2645 = tpu.vector_load %arg8[%get3A_2643, %get3A_2644] {strides = array<i32>} : memref<16x128xf32, #tpu.memory_space<vmem>>, vector<1x16xf32>,
      %get3A_2646 = vector.shape_cast %get3A_2645 : vector<1x16xf32> to vector<16xf32>
      %get3A_2647 = arith.constant 14 : i32
      %get3A_2648 = arith.index_cast %get3A_2647 : i32 to index
      %get3A_2649 = arith.constant 16 : index
      %get3A_2650 = tpu.vector_load %arg9[%get3A_2648, %get3A_2649] {strides = array<i32>} : memref<16x128xf32, #tpu.memory_space<vmem>>, vector<1x16xf32>,
      %get3A_2651 = vector.shape_cast %get3A_2650 : vector<1x16xf32> to vector<16xf32>
      %add3A_2652 = arith.addf %get3A_2646, %get3A_2651 : vector<16xf32>
      %get3A_2653 = arith.constant 14 : i32
      %get3A_2654 = arith.index_cast %get3A_2653 : i32 to index
      %get3A_2655 = arith.constant 16 : index
      %get3A_2656 = tpu.vector_load %arg10[%get3A_2654, %get3A_2655] {strides = array<i32>} : memref<16x128xf32, #tpu.memory_space<vmem>>, vector<1x16xf32>,
      %get3A_2657 = vector.shape_cast %get3A_2656 : vector<1x16xf32> to vector<16xf32>
      %add3A_2658 = arith.addf %add3A_2652, %get3A_2657 : vector<16xf32>
      %swap3A_2659 = arith.constant 14 : i32
      %swap3A_2660 = arith.index_cast %swap3A_2659 : i32 to index
      %swap3A_2661 = arith.constant 16 : index
      %swap3A_2662 = tpu.vector_load %arg8[%swap3A_2660, %swap3A_2661] {strides = array<i32>} : memref<16x128xf32, #tpu.memory_space<vmem>>, vector<1x16xf32>,
      %swap3A_2663 = vector.shape_cast %swap3A_2662 : vector<1x16xf32> to vector<16xf32>
      %swap3A_2664 = vector.shape_cast %add3A_2658 : vector<16xf32> to vector<1x16xf32>
      tpu.vector_store %arg8[%swap3A_2660, %swap3A_2661], %swap3A_2664 {strides = array<i32>} : memref<16x128xf32, #tpu.memory_space<vmem>>, vector<1x16xf32>,
      %get3A_2665 = arith.constant 14 : i32
      %get3A_2666 = arith.index_cast %get3A_2665 : i32 to index
      %get3A_2667 = arith.constant 32 : index
      %get3A_2668 = tpu.vector_load %arg8[%get3A_2666, %get3A_2667] {strides = array<i32>} : memref<16x128xf32, #tpu.memory_space<vmem>>, vector<1x16xf32>,
      %get3A_2669 = vector.shape_cast %get3A_2668 : vector<1x16xf32> to vector<16xf32>
      %get3A_2670 = arith.constant 14 : i32
      %get3A_2671 = arith.index_cast %get3A_2670 : i32 to index
      %get3A_2672 = arith.constant 32 : index
      %get3A_2673 = tpu.vector_load %arg9[%get3A_2671, %get3A_2672] {strides = array<i32>} : memref<16x128xf32, #tpu.memory_space<vmem>>, vector<1x16xf32>,
      %get3A_2674 = vector.shape_cast %get3A_2673 : vector<1x16xf32> to vector<16xf32>
      %add3A_2675 = arith.addf %get3A_2669, %get3A_2674 : vector<16xf32>
      %get3A_2676 = arith.constant 14 : i32
      %get3A_2677 = arith.index_cast %get3A_2676 : i32 to index
      %get3A_2678 = arith.constant 32 : index
      %get3A_2679 = tpu.vector_load %arg10[%get3A_2677, %get3A_2678] {strides = array<i32>} : memref<16x128xf32, #tpu.memory_space<vmem>>, vector<1x16xf32>,
      %get3A_2680 = vector.shape_cast %get3A_2679 : vector<1x16xf32> to vector<16xf32>
      %add3A_2681 = arith.addf %add3A_2675, %get3A_2680 : vector<16xf32>
      %swap3A_2682 = arith.constant 14 : i32
      %swap3A_2683 = arith.index_cast %swap3A_2682 : i32 to index
      %swap3A_2684 = arith.constant 32 : index
      %swap3A_2685 = tpu.vector_load %arg8[%swap3A_2683, %swap3A_2684] {strides = array<i32>} : memref<16x128xf32, #tpu.memory_space<vmem>>, vector<1x16xf32>,
      %swap3A_2686 = vector.shape_cast %swap3A_2685 : vector<1x16xf32> to vector<16xf32>
      %swap3A_2687 = vector.shape_cast %add3A_2681 : vector<16xf32> to vector<1x16xf32>
      tpu.vector_store %arg8[%swap3A_2683, %swap3A_2684], %swap3A_2687 {strides = array<i32>} : memref<16x128xf32, #tpu.memory_space<vmem>>, vector<1x16xf32>,
      %get3A_2688 = arith.constant 14 : i32
      %get3A_2689 = arith.index_cast %get3A_2688 : i32 to index
      %get3A_2690 = arith.constant 48 : index
      %get3A_2691 = tpu.vector_load %arg8[%get3A_2689, %get3A_2690] {strides = array<i32>} : memref<16x128xf32, #tpu.memory_space<vmem>>, vector<1x16xf32>,
      %get3A_2692 = vector.shape_cast %get3A_2691 : vector<1x16xf32> to vector<16xf32>
      %get3A_2693 = arith.constant 14 : i32
      %get3A_2694 = arith.index_cast %get3A_2693 : i32 to index
      %get3A_2695 = arith.constant 48 : index
      %get3A_2696 = tpu.vector_load %arg9[%get3A_2694, %get3A_2695] {strides = array<i32>} : memref<16x128xf32, #tpu.memory_space<vmem>>, vector<1x16xf32>,
      %get3A_2697 = vector.shape_cast %get3A_2696 : vector<1x16xf32> to vector<16xf32>
      %add3A_2698 = arith.addf %get3A_2692, %get3A_2697 : vector<16xf32>
      %get3A_2699 = arith.constant 14 : i32
      %get3A_2700 = arith.index_cast %get3A_2699 : i32 to index
      %get3A_2701 = arith.constant 48 : index
      %get3A_2702 = tpu.vector_load %arg10[%get3A_2700, %get3A_2701] {strides = array<i32>} : memref<16x128xf32, #tpu.memory_space<vmem>>, vector<1x16xf32>,
      %get3A_2703 = vector.shape_cast %get3A_2702 : vector<1x16xf32> to vector<16xf32>
      %add3A_2704 = arith.addf %add3A_2698, %get3A_2703 : vector<16xf32>
      %swap3A_2705 = arith.constant 14 : i32
      %swap3A_2706 = arith.index_cast %swap3A_2705 : i32 to index
      %swap3A_2707 = arith.constant 48 : index
      %swap3A_2708 = tpu.vector_load %arg8[%swap3A_2706, %swap3A_2707] {strides = array<i32>} : memref<16x128xf32, #tpu.memory_space<vmem>>, vector<1x16xf32>,
      %swap3A_2709 = vector.shape_cast %swap3A_2708 : vector<1x16xf32> to vector<16xf32>
      %swap3A_2710 = vector.shape_cast %add3A_2704 : vector<16xf32> to vector<1x16xf32>
      tpu.vector_store %arg8[%swap3A_2706, %swap3A_2707], %swap3A_2710 {strides = array<i32>} : memref<16x128xf32, #tpu.memory_space<vmem>>, vector<1x16xf32>,
      %get3A_2711 = arith.constant 14 : i32
      %get3A_2712 = arith.index_cast %get3A_2711 : i32 to index
      %get3A_2713 = arith.constant 64 : index
      %get3A_2714 = tpu.vector_load %arg8[%get3A_2712, %get3A_2713] {strides = array<i32>} : memref<16x128xf32, #tpu.memory_space<vmem>>, vector<1x16xf32>,
      %get3A_2715 = vector.shape_cast %get3A_2714 : vector<1x16xf32> to vector<16xf32>
      %get3A_2716 = arith.constant 14 : i32
      %get3A_2717 = arith.index_cast %get3A_2716 : i32 to index
      %get3A_2718 = arith.constant 64 : index
      %get3A_2719 = tpu.vector_load %arg9[%get3A_2717, %get3A_2718] {strides = array<i32>} : memref<16x128xf32, #tpu.memory_space<vmem>>, vector<1x16xf32>,
      %get3A_2720 = vector.shape_cast %get3A_2719 : vector<1x16xf32> to vector<16xf32>
      %add3A_2721 = arith.addf %get3A_2715, %get3A_2720 : vector<16xf32>
      %get3A_2722 = arith.constant 14 : i32
      %get3A_2723 = arith.index_cast %get3A_2722 : i32 to index
      %get3A_2724 = arith.constant 64 : index
      %get3A_2725 = tpu.vector_load %arg10[%get3A_2723, %get3A_2724] {strides = array<i32>} : memref<16x128xf32, #tpu.memory_space<vmem>>, vector<1x16xf32>,
      %get3A_2726 = vector.shape_cast %get3A_2725 : vector<1x16xf32> to vector<16xf32>
      %add3A_2727 = arith.addf %add3A_2721, %get3A_2726 : vector<16xf32>
      %swap3A_2728 = arith.constant 14 : i32
      %swap3A_2729 = arith.index_cast %swap3A_2728 : i32 to index
      %swap3A_2730 = arith.constant 64 : index
      %swap3A_2731 = tpu.vector_load %arg8[%swap3A_2729, %swap3A_2730] {strides = array<i32>} : memref<16x128xf32, #tpu.memory_space<vmem>>, vector<1x16xf32>,
      %swap3A_2732 = vector.shape_cast %swap3A_2731 : vector<1x16xf32> to vector<16xf32>
      %swap3A_2733 = vector.shape_cast %add3A_2727 : vector<16xf32> to vector<1x16xf32>
      tpu.vector_store %arg8[%swap3A_2729, %swap3A_2730], %swap3A_2733 {strides = array<i32>} : memref<16x128xf32, #tpu.memory_space<vmem>>, vector<1x16xf32>,
      %get3A_2734 = arith.constant 14 : i32
      %get3A_2735 = arith.index_cast %get3A_2734 : i32 to index
      %get3A_2736 = arith.constant 80 : index
      %get3A_2737 = tpu.vector_load %arg8[%get3A_2735, %get3A_2736] {strides = array<i32>} : memref<16x128xf32, #tpu.memory_space<vmem>>, vector<1x16xf32>,
      %get3A_2738 = vector.shape_cast %get3A_2737 : vector<1x16xf32> to vector<16xf32>
      %get3A_2739 = arith.constant 14 : i32
      %get3A_2740 = arith.index_cast %get3A_2739 : i32 to index
      %get3A_2741 = arith.constant 80 : index
      %get3A_2742 = tpu.vector_load %arg9[%get3A_2740, %get3A_2741] {strides = array<i32>} : memref<16x128xf32, #tpu.memory_space<vmem>>, vector<1x16xf32>,
      %get3A_2743 = vector.shape_cast %get3A_2742 : vector<1x16xf32> to vector<16xf32>
      %add3A_2744 = arith.addf %get3A_2738, %get3A_2743 : vector<16xf32>
      %get3A_2745 = arith.constant 14 : i32
      %get3A_2746 = arith.index_cast %get3A_2745 : i32 to index
      %get3A_2747 = arith.constant 80 : index
      %get3A_2748 = tpu.vector_load %arg10[%get3A_2746, %get3A_2747] {strides = array<i32>} : memref<16x128xf32, #tpu.memory_space<vmem>>, vector<1x16xf32>,
      %get3A_2749 = vector.shape_cast %get3A_2748 : vector<1x16xf32> to vector<16xf32>
      %add3A_2750 = arith.addf %add3A_2744, %get3A_2749 : vector<16xf32>
      %swap3A_2751 = arith.constant 14 : i32
      %swap3A_2752 = arith.index_cast %swap3A_2751 : i32 to index
      %swap3A_2753 = arith.constant 80 : index
      %swap3A_2754 = tpu.vector_load %arg8[%swap3A_2752, %swap3A_2753] {strides = array<i32>} : memref<16x128xf32, #tpu.memory_space<vmem>>, vector<1x16xf32>,
      %swap3A_2755 = vector.shape_cast %swap3A_2754 : vector<1x16xf32> to vector<16xf32>
      %swap3A_2756 = vector.shape_cast %add3A_2750 : vector<16xf32> to vector<1x16xf32>
      tpu.vector_store %arg8[%swap3A_2752, %swap3A_2753], %swap3A_2756 {strides = array<i32>} : memref<16x128xf32, #tpu.memory_space<vmem>>, vector<1x16xf32>,
      %get3A_2757 = arith.constant 14 : i32
      %get3A_2758 = arith.index_cast %get3A_2757 : i32 to index
      %get3A_2759 = arith.constant 96 : index
      %get3A_2760 = tpu.vector_load %arg8[%get3A_2758, %get3A_2759] {strides = array<i32>} : memref<16x128xf32, #tpu.memory_space<vmem>>, vector<1x16xf32>,
      %get3A_2761 = vector.shape_cast %get3A_2760 : vector<1x16xf32> to vector<16xf32>
      %get3A_2762 = arith.constant 14 : i32
      %get3A_2763 = arith.index_cast %get3A_2762 : i32 to index
      %get3A_2764 = arith.constant 96 : index
      %get3A_2765 = tpu.vector_load %arg9[%get3A_2763, %get3A_2764] {strides = array<i32>} : memref<16x128xf32, #tpu.memory_space<vmem>>, vector<1x16xf32>,
      %get3A_2766 = vector.shape_cast %get3A_2765 : vector<1x16xf32> to vector<16xf32>
      %add3A_2767 = arith.addf %get3A_2761, %get3A_2766 : vector<16xf32>
      %get3A_2768 = arith.constant 14 : i32
      %get3A_2769 = arith.index_cast %get3A_2768 : i32 to index
      %get3A_2770 = arith.constant 96 : index
      %get3A_2771 = tpu.vector_load %arg10[%get3A_2769, %get3A_2770] {strides = array<i32>} : memref<16x128xf32, #tpu.memory_space<vmem>>, vector<1x16xf32>,
      %get3A_2772 = vector.shape_cast %get3A_2771 : vector<1x16xf32> to vector<16xf32>
      %add3A_2773 = arith.addf %add3A_2767, %get3A_2772 : vector<16xf32>
      %swap3A_2774 = arith.constant 14 : i32
      %swap3A_2775 = arith.index_cast %swap3A_2774 : i32 to index
      %swap3A_2776 = arith.constant 96 : index
      %swap3A_2777 = tpu.vector_load %arg8[%swap3A_2775, %swap3A_2776] {strides = array<i32>} : memref<16x128xf32, #tpu.memory_space<vmem>>, vector<1x16xf32>,
      %swap3A_2778 = vector.shape_cast %swap3A_2777 : vector<1x16xf32> to vector<16xf32>
      %swap3A_2779 = vector.shape_cast %add3A_2773 : vector<16xf32> to vector<1x16xf32>
      tpu.vector_store %arg8[%swap3A_2775, %swap3A_2776], %swap3A_2779 {strides = array<i32>} : memref<16x128xf32, #tpu.memory_space<vmem>>, vector<1x16xf32>,
      %get3A_2780 = arith.constant 14 : i32
      %get3A_2781 = arith.index_cast %get3A_2780 : i32 to index
      %get3A_2782 = arith.constant 112 : index
      %get3A_2783 = tpu.vector_load %arg8[%get3A_2781, %get3A_2782] {strides = array<i32>} : memref<16x128xf32, #tpu.memory_space<vmem>>, vector<1x16xf32>,
      %get3A_2784 = vector.shape_cast %get3A_2783 : vector<1x16xf32> to vector<16xf32>
      %get3A_2785 = arith.constant 14 : i32
      %get3A_2786 = arith.index_cast %get3A_2785 : i32 to index
      %get3A_2787 = arith.constant 112 : index
      %get3A_2788 = tpu.vector_load %arg9[%get3A_2786, %get3A_2787] {strides = array<i32>} : memref<16x128xf32, #tpu.memory_space<vmem>>, vector<1x16xf32>,
      %get3A_2789 = vector.shape_cast %get3A_2788 : vector<1x16xf32> to vector<16xf32>
      %add3A_2790 = arith.addf %get3A_2784, %get3A_2789 : vector<16xf32>
      %get3A_2791 = arith.constant 14 : i32
      %get3A_2792 = arith.index_cast %get3A_2791 : i32 to index
      %get3A_2793 = arith.constant 112 : index
      %get3A_2794 = tpu.vector_load %arg10[%get3A_2792, %get3A_2793] {strides = array<i32>} : memref<16x128xf32, #tpu.memory_space<vmem>>, vector<1x16xf32>,
      %get3A_2795 = vector.shape_cast %get3A_2794 : vector<1x16xf32> to vector<16xf32>
      %add3A_2796 = arith.addf %add3A_2790, %get3A_2795 : vector<16xf32>
      %swap3A_2797 = arith.constant 14 : i32
      %swap3A_2798 = arith.index_cast %swap3A_2797 : i32 to index
      %swap3A_2799 = arith.constant 112 : index
      %swap3A_2800 = tpu.vector_load %arg8[%swap3A_2798, %swap3A_2799] {strides = array<i32>} : memref<16x128xf32, #tpu.memory_space<vmem>>, vector<1x16xf32>,
      %swap3A_2801 = vector.shape_cast %swap3A_2800 : vector<1x16xf32> to vector<16xf32>
      %swap3A_2802 = vector.shape_cast %add3A_2796 : vector<16xf32> to vector<1x16xf32>
      tpu.vector_store %arg8[%swap3A_2798, %swap3A_2799], %swap3A_2802 {strides = array<i32>} : memref<16x128xf32, #tpu.memory_space<vmem>>, vector<1x16xf32>,
      %get3A_2803 = arith.constant 15 : i32
      %get3A_2804 = arith.index_cast %get3A_2803 : i32 to index
      %get3A_2805 = arith.constant 0 : index
      %get3A_2806 = tpu.vector_load %arg8[%get3A_2804, %get3A_2805] {strides = array<i32>} : memref<16x128xf32, #tpu.memory_space<vmem>>, vector<1x16xf32>,
      %get3A_2807 = vector.shape_cast %get3A_2806 : vector<1x16xf32> to vector<16xf32>
      %get3A_2808 = arith.constant 15 : i32
      %get3A_2809 = arith.index_cast %get3A_2808 : i32 to index
      %get3A_2810 = arith.constant 0 : index
      %get3A_2811 = tpu.vector_load %arg9[%get3A_2809, %get3A_2810] {strides = array<i32>} : memref<16x128xf32, #tpu.memory_space<vmem>>, vector<1x16xf32>,
      %get3A_2812 = vector.shape_cast %get3A_2811 : vector<1x16xf32> to vector<16xf32>
      %add3A_2813 = arith.addf %get3A_2807, %get3A_2812 : vector<16xf32>
      %get3A_2814 = arith.constant 15 : i32
      %get3A_2815 = arith.index_cast %get3A_2814 : i32 to index
      %get3A_2816 = arith.constant 0 : index
      %get3A_2817 = tpu.vector_load %arg10[%get3A_2815, %get3A_2816] {strides = array<i32>} : memref<16x128xf32, #tpu.memory_space<vmem>>, vector<1x16xf32>,
      %get3A_2818 = vector.shape_cast %get3A_2817 : vector<1x16xf32> to vector<16xf32>
      %add3A_2819 = arith.addf %add3A_2813, %get3A_2818 : vector<16xf32>
      %swap3A_2820 = arith.constant 15 : i32
      %swap3A_2821 = arith.index_cast %swap3A_2820 : i32 to index
      %swap3A_2822 = arith.constant 0 : index
      %swap3A_2823 = tpu.vector_load %arg8[%swap3A_2821, %swap3A_2822] {strides = array<i32>} : memref<16x128xf32, #tpu.memory_space<vmem>>, vector<1x16xf32>,
      %swap3A_2824 = vector.shape_cast %swap3A_2823 : vector<1x16xf32> to vector<16xf32>
      %swap3A_2825 = vector.shape_cast %add3A_2819 : vector<16xf32> to vector<1x16xf32>
      tpu.vector_store %arg8[%swap3A_2821, %swap3A_2822], %swap3A_2825 {strides = array<i32>} : memref<16x128xf32, #tpu.memory_space<vmem>>, vector<1x16xf32>,
      %get3A_2826 = arith.constant 15 : i32
      %get3A_2827 = arith.index_cast %get3A_2826 : i32 to index
      %get3A_2828 = arith.constant 16 : index
      %get3A_2829 = tpu.vector_load %arg8[%get3A_2827, %get3A_2828] {strides = array<i32>} : memref<16x128xf32, #tpu.memory_space<vmem>>, vector<1x16xf32>,
      %get3A_2830 = vector.shape_cast %get3A_2829 : vector<1x16xf32> to vector<16xf32>
      %get3A_2831 = arith.constant 15 : i32
      %get3A_2832 = arith.index_cast %get3A_2831 : i32 to index
      %get3A_2833 = arith.constant 16 : index
      %get3A_2834 = tpu.vector_load %arg9[%get3A_2832, %get3A_2833] {strides = array<i32>} : memref<16x128xf32, #tpu.memory_space<vmem>>, vector<1x16xf32>,
      %get3A_2835 = vector.shape_cast %get3A_2834 : vector<1x16xf32> to vector<16xf32>
      %add3A_2836 = arith.addf %get3A_2830, %get3A_2835 : vector<16xf32>
      %get3A_2837 = arith.constant 15 : i32
      %get3A_2838 = arith.index_cast %get3A_2837 : i32 to index
      %get3A_2839 = arith.constant 16 : index
      %get3A_2840 = tpu.vector_load %arg10[%get3A_2838, %get3A_2839] {strides = array<i32>} : memref<16x128xf32, #tpu.memory_space<vmem>>, vector<1x16xf32>,
      %get3A_2841 = vector.shape_cast %get3A_2840 : vector<1x16xf32> to vector<16xf32>
      %add3A_2842 = arith.addf %add3A_2836, %get3A_2841 : vector<16xf32>
      %swap3A_2843 = arith.constant 15 : i32
      %swap3A_2844 = arith.index_cast %swap3A_2843 : i32 to index
      %swap3A_2845 = arith.constant 16 : index
      %swap3A_2846 = tpu.vector_load %arg8[%swap3A_2844, %swap3A_2845] {strides = array<i32>} : memref<16x128xf32, #tpu.memory_space<vmem>>, vector<1x16xf32>,
      %swap3A_2847 = vector.shape_cast %swap3A_2846 : vector<1x16xf32> to vector<16xf32>
      %swap3A_2848 = vector.shape_cast %add3A_2842 : vector<16xf32> to vector<1x16xf32>
      tpu.vector_store %arg8[%swap3A_2844, %swap3A_2845], %swap3A_2848 {strides = array<i32>} : memref<16x128xf32, #tpu.memory_space<vmem>>, vector<1x16xf32>,
      %get3A_2849 = arith.constant 15 : i32
      %get3A_2850 = arith.index_cast %get3A_2849 : i32 to index
      %get3A_2851 = arith.constant 32 : index
      %get3A_2852 = tpu.vector_load %arg8[%get3A_2850, %get3A_2851] {strides = array<i32>} : memref<16x128xf32, #tpu.memory_space<vmem>>, vector<1x16xf32>,
      %get3A_2853 = vector.shape_cast %get3A_2852 : vector<1x16xf32> to vector<16xf32>
      %get3A_2854 = arith.constant 15 : i32
      %get3A_2855 = arith.index_cast %get3A_2854 : i32 to index
      %get3A_2856 = arith.constant 32 : index
      %get3A_2857 = tpu.vector_load %arg9[%get3A_2855, %get3A_2856] {strides = array<i32>} : memref<16x128xf32, #tpu.memory_space<vmem>>, vector<1x16xf32>,
      %get3A_2858 = vector.shape_cast %get3A_2857 : vector<1x16xf32> to vector<16xf32>
      %add3A_2859 = arith.addf %get3A_2853, %get3A_2858 : vector<16xf32>
      %get3A_2860 = arith.constant 15 : i32
      %get3A_2861 = arith.index_cast %get3A_2860 : i32 to index
      %get3A_2862 = arith.constant 32 : index
      %get3A_2863 = tpu.vector_load %arg10[%get3A_2861, %get3A_2862] {strides = array<i32>} : memref<16x128xf32, #tpu.memory_space<vmem>>, vector<1x16xf32>,
      %get3A_2864 = vector.shape_cast %get3A_2863 : vector<1x16xf32> to vector<16xf32>
      %add3A_2865 = arith.addf %add3A_2859, %get3A_2864 : vector<16xf32>
      %swap3A_2866 = arith.constant 15 : i32
      %swap3A_2867 = arith.index_cast %swap3A_2866 : i32 to index
      %swap3A_2868 = arith.constant 32 : index
      %swap3A_2869 = tpu.vector_load %arg8[%swap3A_2867, %swap3A_2868] {strides = array<i32>} : memref<16x128xf32, #tpu.memory_space<vmem>>, vector<1x16xf32>,
      %swap3A_2870 = vector.shape_cast %swap3A_2869 : vector<1x16xf32> to vector<16xf32>
      %swap3A_2871 = vector.shape_cast %add3A_2865 : vector<16xf32> to vector<1x16xf32>
      tpu.vector_store %arg8[%swap3A_2867, %swap3A_2868], %swap3A_2871 {strides = array<i32>} : memref<16x128xf32, #tpu.memory_space<vmem>>, vector<1x16xf32>,
      %get3A_2872 = arith.constant 15 : i32
      %get3A_2873 = arith.index_cast %get3A_2872 : i32 to index
      %get3A_2874 = arith.constant 48 : index
      %get3A_2875 = tpu.vector_load %arg8[%get3A_2873, %get3A_2874] {strides = array<i32>} : memref<16x128xf32, #tpu.memory_space<vmem>>, vector<1x16xf32>,
      %get3A_2876 = vector.shape_cast %get3A_2875 : vector<1x16xf32> to vector<16xf32>
      %get3A_2877 = arith.constant 15 : i32
      %get3A_2878 = arith.index_cast %get3A_2877 : i32 to index
      %get3A_2879 = arith.constant 48 : index
      %get3A_2880 = tpu.vector_load %arg9[%get3A_2878, %get3A_2879] {strides = array<i32>} : memref<16x128xf32, #tpu.memory_space<vmem>>, vector<1x16xf32>,
      %get3A_2881 = vector.shape_cast %get3A_2880 : vector<1x16xf32> to vector<16xf32>
      %add3A_2882 = arith.addf %get3A_2876, %get3A_2881 : vector<16xf32>
      %get3A_2883 = arith.constant 15 : i32
      %get3A_2884 = arith.index_cast %get3A_2883 : i32 to index
      %get3A_2885 = arith.constant 48 : index
      %get3A_2886 = tpu.vector_load %arg10[%get3A_2884, %get3A_2885] {strides = array<i32>} : memref<16x128xf32, #tpu.memory_space<vmem>>, vector<1x16xf32>,
      %get3A_2887 = vector.shape_cast %get3A_2886 : vector<1x16xf32> to vector<16xf32>
      %add3A_2888 = arith.addf %add3A_2882, %get3A_2887 : vector<16xf32>
      %swap3A_2889 = arith.constant 15 : i32
      %swap3A_2890 = arith.index_cast %swap3A_2889 : i32 to index
      %swap3A_2891 = arith.constant 48 : index
      %swap3A_2892 = tpu.vector_load %arg8[%swap3A_2890, %swap3A_2891] {strides = array<i32>} : memref<16x128xf32, #tpu.memory_space<vmem>>, vector<1x16xf32>,
      %swap3A_2893 = vector.shape_cast %swap3A_2892 : vector<1x16xf32> to vector<16xf32>
      %swap3A_2894 = vector.shape_cast %add3A_2888 : vector<16xf32> to vector<1x16xf32>
      tpu.vector_store %arg8[%swap3A_2890, %swap3A_2891], %swap3A_2894 {strides = array<i32>} : memref<16x128xf32, #tpu.memory_space<vmem>>, vector<1x16xf32>,
      %get3A_2895 = arith.constant 15 : i32
      %get3A_2896 = arith.index_cast %get3A_2895 : i32 to index
      %get3A_2897 = arith.constant 64 : index
      %get3A_2898 = tpu.vector_load %arg8[%get3A_2896, %get3A_2897] {strides = array<i32>} : memref<16x128xf32, #tpu.memory_space<vmem>>, vector<1x16xf32>,
      %get3A_2899 = vector.shape_cast %get3A_2898 : vector<1x16xf32> to vector<16xf32>
      %get3A_2900 = arith.constant 15 : i32
      %get3A_2901 = arith.index_cast %get3A_2900 : i32 to index
      %get3A_2902 = arith.constant 64 : index
      %get3A_2903 = tpu.vector_load %arg9[%get3A_2901, %get3A_2902] {strides = array<i32>} : memref<16x128xf32, #tpu.memory_space<vmem>>, vector<1x16xf32>,
      %get3A_2904 = vector.shape_cast %get3A_2903 : vector<1x16xf32> to vector<16xf32>
      %add3A_2905 = arith.addf %get3A_2899, %get3A_2904 : vector<16xf32>
      %get3A_2906 = arith.constant 15 : i32
      %get3A_2907 = arith.index_cast %get3A_2906 : i32 to index
      %get3A_2908 = arith.constant 64 : index
      %get3A_2909 = tpu.vector_load %arg10[%get3A_2907, %get3A_2908] {strides = array<i32>} : memref<16x128xf32, #tpu.memory_space<vmem>>, vector<1x16xf32>,
      %get3A_2910 = vector.shape_cast %get3A_2909 : vector<1x16xf32> to vector<16xf32>
      %add3A_2911 = arith.addf %add3A_2905, %get3A_2910 : vector<16xf32>
      %swap3A_2912 = arith.constant 15 : i32
      %swap3A_2913 = arith.index_cast %swap3A_2912 : i32 to index
      %swap3A_2914 = arith.constant 64 : index
      %swap3A_2915 = tpu.vector_load %arg8[%swap3A_2913, %swap3A_2914] {strides = array<i32>} : memref<16x128xf32, #tpu.memory_space<vmem>>, vector<1x16xf32>,
      %swap3A_2916 = vector.shape_cast %swap3A_2915 : vector<1x16xf32> to vector<16xf32>
      %swap3A_2917 = vector.shape_cast %add3A_2911 : vector<16xf32> to vector<1x16xf32>
      tpu.vector_store %arg8[%swap3A_2913, %swap3A_2914], %swap3A_2917 {strides = array<i32>} : memref<16x128xf32, #tpu.memory_space<vmem>>, vector<1x16xf32>,
      %get3A_2918 = arith.constant 15 : i32
      %get3A_2919 = arith.index_cast %get3A_2918 : i32 to index
      %get3A_2920 = arith.constant 80 : index
      %get3A_2921 = tpu.vector_load %arg8[%get3A_2919, %get3A_2920] {strides = array<i32>} : memref<16x128xf32, #tpu.memory_space<vmem>>, vector<1x16xf32>,
      %get3A_2922 = vector.shape_cast %get3A_2921 : vector<1x16xf32> to vector<16xf32>
      %get3A_2923 = arith.constant 15 : i32
      %get3A_2924 = arith.index_cast %get3A_2923 : i32 to index
      %get3A_2925 = arith.constant 80 : index
      %get3A_2926 = tpu.vector_load %arg9[%get3A_2924, %get3A_2925] {strides = array<i32>} : memref<16x128xf32, #tpu.memory_space<vmem>>, vector<1x16xf32>,
      %get3A_2927 = vector.shape_cast %get3A_2926 : vector<1x16xf32> to vector<16xf32>
      %add3A_2928 = arith.addf %get3A_2922, %get3A_2927 : vector<16xf32>
      %get3A_2929 = arith.constant 15 : i32
      %get3A_2930 = arith.index_cast %get3A_2929 : i32 to index
      %get3A_2931 = arith.constant 80 : index
      %get3A_2932 = tpu.vector_load %arg10[%get3A_2930, %get3A_2931] {strides = array<i32>} : memref<16x128xf32, #tpu.memory_space<vmem>>, vector<1x16xf32>,
      %get3A_2933 = vector.shape_cast %get3A_2932 : vector<1x16xf32> to vector<16xf32>
      %add3A_2934 = arith.addf %add3A_2928, %get3A_2933 : vector<16xf32>
      %swap3A_2935 = arith.constant 15 : i32
      %swap3A_2936 = arith.index_cast %swap3A_2935 : i32 to index
      %swap3A_2937 = arith.constant 80 : index
      %swap3A_2938 = tpu.vector_load %arg8[%swap3A_2936, %swap3A_2937] {strides = array<i32>} : memref<16x128xf32, #tpu.memory_space<vmem>>, vector<1x16xf32>,
      %swap3A_2939 = vector.shape_cast %swap3A_2938 : vector<1x16xf32> to vector<16xf32>
      %swap3A_2940 = vector.shape_cast %add3A_2934 : vector<16xf32> to vector<1x16xf32>
      tpu.vector_store %arg8[%swap3A_2936, %swap3A_2937], %swap3A_2940 {strides = array<i32>} : memref<16x128xf32, #tpu.memory_space<vmem>>, vector<1x16xf32>,
      %get3A_2941 = arith.constant 15 : i32
      %get3A_2942 = arith.index_cast %get3A_2941 : i32 to index
      %get3A_2943 = arith.constant 96 : index
      %get3A_2944 = tpu.vector_load %arg8[%get3A_2942, %get3A_2943] {strides = array<i32>} : memref<16x128xf32, #tpu.memory_space<vmem>>, vector<1x16xf32>,
      %get3A_2945 = vector.shape_cast %get3A_2944 : vector<1x16xf32> to vector<16xf32>
      %get3A_2946 = arith.constant 15 : i32
      %get3A_2947 = arith.index_cast %get3A_2946 : i32 to index
      %get3A_2948 = arith.constant 96 : index
      %get3A_2949 = tpu.vector_load %arg9[%get3A_2947, %get3A_2948] {strides = array<i32>} : memref<16x128xf32, #tpu.memory_space<vmem>>, vector<1x16xf32>,
      %get3A_2950 = vector.shape_cast %get3A_2949 : vector<1x16xf32> to vector<16xf32>
      %add3A_2951 = arith.addf %get3A_2945, %get3A_2950 : vector<16xf32>
      %get3A_2952 = arith.constant 15 : i32
      %get3A_2953 = arith.index_cast %get3A_2952 : i32 to index
      %get3A_2954 = arith.constant 96 : index
      %get3A_2955 = tpu.vector_load %arg10[%get3A_2953, %get3A_2954] {strides = array<i32>} : memref<16x128xf32, #tpu.memory_space<vmem>>, vector<1x16xf32>,
      %get3A_2956 = vector.shape_cast %get3A_2955 : vector<1x16xf32> to vector<16xf32>
      %add3A_2957 = arith.addf %add3A_2951, %get3A_2956 : vector<16xf32>
      %swap3A_2958 = arith.constant 15 : i32
      %swap3A_2959 = arith.index_cast %swap3A_2958 : i32 to index
      %swap3A_2960 = arith.constant 96 : index
      %swap3A_2961 = tpu.vector_load %arg8[%swap3A_2959, %swap3A_2960] {strides = array<i32>} : memref<16x128xf32, #tpu.memory_space<vmem>>, vector<1x16xf32>,
      %swap3A_2962 = vector.shape_cast %swap3A_2961 : vector<1x16xf32> to vector<16xf32>
      %swap3A_2963 = vector.shape_cast %add3A_2957 : vector<16xf32> to vector<1x16xf32>
      tpu.vector_store %arg8[%swap3A_2959, %swap3A_2960], %swap3A_2963 {strides = array<i32>} : memref<16x128xf32, #tpu.memory_space<vmem>>, vector<1x16xf32>,
      %get3A_2964 = arith.constant 15 : i32
      %get3A_2965 = arith.index_cast %get3A_2964 : i32 to index
      %get3A_2966 = arith.constant 112 : index
      %get3A_2967 = tpu.vector_load %arg8[%get3A_2965, %get3A_2966] {strides = array<i32>} : memref<16x128xf32, #tpu.memory_space<vmem>>, vector<1x16xf32>,
      %get3A_2968 = vector.shape_cast %get3A_2967 : vector<1x16xf32> to vector<16xf32>
      %get3A_2969 = arith.constant 15 : i32
      %get3A_2970 = arith.index_cast %get3A_2969 : i32 to index
      %get3A_2971 = arith.constant 112 : index
      %get3A_2972 = tpu.vector_load %arg9[%get3A_2970, %get3A_2971] {strides = array<i32>} : memref<16x128xf32, #tpu.memory_space<vmem>>, vector<1x16xf32>,
      %get3A_2973 = vector.shape_cast %get3A_2972 : vector<1x16xf32> to vector<16xf32>
      %add3A_2974 = arith.addf %get3A_2968, %get3A_2973 : vector<16xf32>
      %get3A_2975 = arith.constant 15 : i32
      %get3A_2976 = arith.index_cast %get3A_2975 : i32 to index
      %get3A_2977 = arith.constant 112 : index
      %get3A_2978 = tpu.vector_load %arg10[%get3A_2976, %get3A_2977] {strides = array<i32>} : memref<16x128xf32, #tpu.memory_space<vmem>>, vector<1x16xf32>,
      %get3A_2979 = vector.shape_cast %get3A_2978 : vector<1x16xf32> to vector<16xf32>
      %add3A_2980 = arith.addf %add3A_2974, %get3A_2979 : vector<16xf32>
      %swap3A_2981 = arith.constant 15 : i32
      %swap3A_2982 = arith.index_cast %swap3A_2981 : i32 to index
      %swap3A_2983 = arith.constant 112 : index
      %swap3A_2984 = tpu.vector_load %arg8[%swap3A_2982, %swap3A_2983] {strides = array<i32>} : memref<16x128xf32, #tpu.memory_space<vmem>>, vector<1x16xf32>,
      %swap3A_2985 = vector.shape_cast %swap3A_2984 : vector<1x16xf32> to vector<16xf32>
      %swap3A_2986 = vector.shape_cast %add3A_2980 : vector<16xf32> to vector<1x16xf32>
      tpu.vector_store %arg8[%swap3A_2982, %swap3A_2983], %swap3A_2986 {strides = array<i32>} : memref<16x128xf32, #tpu.memory_space<vmem>>, vector<1x16xf32>,
      "tpu.region"() ({
        %run_scoped3A = tpu.sem_alloc : memref<!tpu.dma_semaphore, #tpu.memory_space<semaphore_mem>>
        tpu.enqueue_dma source(%arg8 : memref<16x128xf32, #tpu.memory_space<vmem>>) target(%arg6 : memref<16x128xf32, #tpu.memory_space<hbm>>) target_semaphore(%run_scoped3A : memref<!tpu.dma_semaphore, #tpu.memory_space<semaphore_mem>>)
        tpu.wait_dma2 semaphore(%run_scoped3A : memref<!tpu.dma_semaphore, #tpu.memory_space<semaphore_mem>>) src(%arg8 : memref<16x128xf32, #tpu.memory_space<vmem>>) dst(%arg6 : memref<16x128xf32, #tpu.memory_space<hbm>>)
        tpu.yield
      }) : () -> ()
    } else {
    }
    return
  }
}

module attributes {stable_mosaic.version = 14 : i64} {
  func.func @_stream_body(%arg0: memref<32x4x1024x128xf32, #tpu.memory_space<hbm>>, %arg1: memref<16x1x128xf32, #tpu.memory_space<vmem>>, %arg2: memref<1024x3xf32, #tpu.memory_space<vmem>>, %arg3: memref<3x128xf32, #tpu.memory_space<vmem>>, %arg4: memref<1x128xf32, #tpu.memory_space<vmem>>, %arg5: memref<128x128xf32, #tpu.memory_space<vmem>>, %arg6: memref<1x128xf32, #tpu.memory_space<vmem>>, %arg7: memref<32x4x1024x128xf32, #tpu.memory_space<hbm>>, %arg8: memref<1024x128xf32, #tpu.memory_space<vmem>>, %arg9: memref<3x4x1024x128xf32, #tpu.memory_space<vmem>>, %arg10: memref<3x4x1024x128xf32, #tpu.memory_space<vmem>>, %arg11: memref<3x!tpu.dma_semaphore, #tpu.memory_space<semaphore_mem>>, %arg12: memref<3x!tpu.dma_semaphore, #tpu.memory_space<semaphore_mem>>) attributes {dimension_semantics = [], scalar_prefetch = 0 : i64, scratch_operands = 5 : i64, tpu.core_type = #tpu.core_type<tc>} {
    %get3A = arith.constant 0 : index
    %get3A_0 = arith.constant 0 : index
    %get3A_1 = vector.load %arg2[%get3A, %get3A_0] : memref<1024x3xf32, #tpu.memory_space<vmem>>, vector<1024x1xf32>
    %get3A_2 = arith.constant 0 : index
    %get3A_3 = arith.constant 0 : index
    %get3A_4 = vector.load %arg3[%get3A_2, %get3A_3] : memref<3x128xf32, #tpu.memory_space<vmem>>, vector<1x128xf32>
    %mul3A = vector.broadcast %get3A_1 : vector<1024x1xf32> to vector<1024x128xf32>
    %mul3A_5 = vector.broadcast %get3A_4 : vector<1x128xf32> to vector<1024x128xf32>
    %mul3A_6 = arith.mulf %mul3A, %mul3A_5 : vector<1024x128xf32>
    %get3A_7 = arith.constant 0 : index
    %get3A_8 = arith.constant 1 : index
    %get3A_9 = vector.load %arg2[%get3A_7, %get3A_8] : memref<1024x3xf32, #tpu.memory_space<vmem>>, vector<1024x1xf32>
    %get3A_10 = arith.constant 1 : index
    %get3A_11 = arith.constant 0 : index
    %get3A_12 = vector.load %arg3[%get3A_10, %get3A_11] : memref<3x128xf32, #tpu.memory_space<vmem>>, vector<1x128xf32>
    %mul3A_13 = vector.broadcast %get3A_9 : vector<1024x1xf32> to vector<1024x128xf32>
    %mul3A_14 = vector.broadcast %get3A_12 : vector<1x128xf32> to vector<1024x128xf32>
    %mul3A_15 = arith.mulf %mul3A_13, %mul3A_14 : vector<1024x128xf32>
    %add3A = arith.addf %mul3A_6, %mul3A_15 : vector<1024x128xf32>
    %get3A_16 = arith.constant 0 : index
    %get3A_17 = arith.constant 2 : index
    %get3A_18 = vector.load %arg2[%get3A_16, %get3A_17] : memref<1024x3xf32, #tpu.memory_space<vmem>>, vector<1024x1xf32>
    %get3A_19 = arith.constant 2 : index
    %get3A_20 = arith.constant 0 : index
    %get3A_21 = vector.load %arg3[%get3A_19, %get3A_20] : memref<3x128xf32, #tpu.memory_space<vmem>>, vector<1x128xf32>
    %mul3A_22 = vector.broadcast %get3A_18 : vector<1024x1xf32> to vector<1024x128xf32>
    %mul3A_23 = vector.broadcast %get3A_21 : vector<1x128xf32> to vector<1024x128xf32>
    %mul3A_24 = arith.mulf %mul3A_22, %mul3A_23 : vector<1024x128xf32>
    %add3A_25 = arith.addf %add3A, %mul3A_24 : vector<1024x128xf32>
    %get3A_26 = arith.constant 0 : index
    %get3A_27 = arith.constant 0 : index
    %get3A_28 = vector.load %arg4[%get3A_26, %get3A_27] : memref<1x128xf32, #tpu.memory_space<vmem>>, vector<1x128xf32>
    %add3A_29 = vector.broadcast %get3A_28 : vector<1x128xf32> to vector<1024x128xf32>
    %add3A_30 = arith.addf %add3A_25, %add3A_29 : vector<1024x128xf32>
    %max3A = arith.constant 0.000000e+00 : f32
    %max3A_31 = vector.broadcast %max3A : f32 to vector<1024x128xf32>
    %max3A_32 = arith.maximumf %add3A_30, %max3A_31 : vector<1024x128xf32>
    %get3A_33 = arith.constant 0 : index
    %get3A_34 = arith.constant 0 : index
    %get3A_35 = vector.load %arg5[%get3A_33, %get3A_34] : memref<128x128xf32, #tpu.memory_space<vmem>>, vector<128x128xf32>
    %dot_general3A = arith.constant dense<0.000000e+00> : vector<1024x128xf32>
    %dot_general3A_36 = tpu.matmul %max3A_32, %get3A_35, %dot_general3A {dimension_numbers = #tpu.dot_dimension_numbers<[1], [0], [0], [1], [0, 0, 1, 1], [], []>, transpose_lhs_hint = false} : vector<1024x128xf32>, vector<128x128xf32>, vector<1024x128xf32> -> vector<1024x128xf32>
    %get3A_37 = arith.constant 0 : index
    %get3A_38 = arith.constant 0 : index
    %get3A_39 = vector.load %arg6[%get3A_37, %get3A_38] : memref<1x128xf32, #tpu.memory_space<vmem>>, vector<1x128xf32>
    %add3A_40 = vector.broadcast %get3A_39 : vector<1x128xf32> to vector<1024x128xf32>
    %add3A_41 = arith.addf %dot_general3A_36, %add3A_40 : vector<1024x128xf32>
    %swap3A = arith.constant 0 : index
    %swap3A_42 = arith.constant 0 : index
    %swap3A_43 = vector.load %arg8[%swap3A, %swap3A_42] : memref<1024x128xf32, #tpu.memory_space<vmem>>, vector<1024x128xf32>
    tpu.vector_store %arg8[%swap3A, %swap3A_42], %add3A_41 {strides = array<i32>} : memref<1024x128xf32, #tpu.memory_space<vmem>>, vector<1024x128xf32>,
    %dma_start3A = arith.constant 0 : i32
    %dma_start3A_44 = arith.constant 0 : i32
    %dma_start3A_45 = arith.constant 0 : i32
    %dma_start3A_46 = tpu.memref_slice %arg11[%dma_start3A_45] : memref<3x!tpu.dma_semaphore, #tpu.memory_space<semaphore_mem>> -> memref<1x!tpu.dma_semaphore, #tpu.memory_space<semaphore_mem>>
    %dma_start3A_47 = tpu.memref_squeeze %dma_start3A_46 : memref<1x!tpu.dma_semaphore, #tpu.memory_space<semaphore_mem>> -> memref<!tpu.dma_semaphore, #tpu.memory_space<semaphore_mem>>
    %dma_start3A_48 = arith.constant 0 : i32
    %dma_start3A_49 = arith.constant 0 : i32
    %dma_start3A_50 = arith.constant 0 : i32
    %dma_start3A_51 = tpu.memref_slice %arg7[%dma_start3A_44, %dma_start3A_48, %dma_start3A_49, %dma_start3A_50] : memref<32x4x1024x128xf32, #tpu.memory_space<hbm>> -> memref<1x4x1024x128xf32, #tpu.memory_space<hbm>>
    %dma_start3A_52 = tpu.memref_squeeze %dma_start3A_51 : memref<1x4x1024x128xf32, #tpu.memory_space<hbm>> -> memref<4x1024x128xf32, #tpu.memory_space<hbm>>
    %dma_start3A_53 = arith.constant 0 : i32
    %dma_start3A_54 = arith.constant 0 : i32
    %dma_start3A_55 = arith.constant 0 : i32
    %dma_start3A_56 = tpu.memref_slice %arg0[%dma_start3A, %dma_start3A_53, %dma_start3A_54, %dma_start3A_55] : memref<32x4x1024x128xf32, #tpu.memory_space<hbm>> -> memref<1x4x1024x128xf32, #tpu.memory_space<hbm>>
    %dma_start3A_57 = tpu.memref_squeeze %dma_start3A_56 : memref<1x4x1024x128xf32, #tpu.memory_space<hbm>> -> memref<4x1024x128xf32, #tpu.memory_space<hbm>>
    tpu.enqueue_dma source(%dma_start3A_57 : memref<4x1024x128xf32, #tpu.memory_space<hbm>>) target(%dma_start3A_52 : memref<4x1024x128xf32, #tpu.memory_space<hbm>>) target_semaphore(%dma_start3A_47 : memref<!tpu.dma_semaphore, #tpu.memory_space<semaphore_mem>>)
    %dma_start3A_58 = arith.constant 1 : i32
    %dma_start3A_59 = arith.constant 1 : i32
    %dma_start3A_60 = arith.constant 1 : i32
    %dma_start3A_61 = tpu.memref_slice %arg11[%dma_start3A_60] : memref<3x!tpu.dma_semaphore, #tpu.memory_space<semaphore_mem>> -> memref<1x!tpu.dma_semaphore, #tpu.memory_space<semaphore_mem>>
    %dma_start3A_62 = tpu.memref_squeeze %dma_start3A_61 : memref<1x!tpu.dma_semaphore, #tpu.memory_space<semaphore_mem>> -> memref<!tpu.dma_semaphore, #tpu.memory_space<semaphore_mem>>
    %dma_start3A_63 = arith.constant 0 : i32
    %dma_start3A_64 = arith.constant 0 : i32
    %dma_start3A_65 = arith.constant 0 : i32
    %dma_start3A_66 = tpu.memref_slice %arg7[%dma_start3A_59, %dma_start3A_63, %dma_start3A_64, %dma_start3A_65] : memref<32x4x1024x128xf32, #tpu.memory_space<hbm>> -> memref<1x4x1024x128xf32, #tpu.memory_space<hbm>>
    %dma_start3A_67 = tpu.memref_squeeze %dma_start3A_66 : memref<1x4x1024x128xf32, #tpu.memory_space<hbm>> -> memref<4x1024x128xf32, #tpu.memory_space<hbm>>
    %dma_start3A_68 = arith.constant 0 : i32
    %dma_start3A_69 = arith.constant 0 : i32
    %dma_start3A_70 = arith.constant 0 : i32
    %dma_start3A_71 = tpu.memref_slice %arg0[%dma_start3A_58, %dma_start3A_68, %dma_start3A_69, %dma_start3A_70] : memref<32x4x1024x128xf32, #tpu.memory_space<hbm>> -> memref<1x4x1024x128xf32, #tpu.memory_space<hbm>>
    %dma_start3A_72 = tpu.memref_squeeze %dma_start3A_71 : memref<1x4x1024x128xf32, #tpu.memory_space<hbm>> -> memref<4x1024x128xf32, #tpu.memory_space<hbm>>
    tpu.enqueue_dma source(%dma_start3A_72 : memref<4x1024x128xf32, #tpu.memory_space<hbm>>) target(%dma_start3A_67 : memref<4x1024x128xf32, #tpu.memory_space<hbm>>) target_semaphore(%dma_start3A_62 : memref<!tpu.dma_semaphore, #tpu.memory_space<semaphore_mem>>)
    %dma_start3A_73 = arith.constant 2 : i32
    %dma_start3A_74 = arith.constant 2 : i32
    %dma_start3A_75 = arith.constant 2 : i32
    %dma_start3A_76 = tpu.memref_slice %arg11[%dma_start3A_75] : memref<3x!tpu.dma_semaphore, #tpu.memory_space<semaphore_mem>> -> memref<1x!tpu.dma_semaphore, #tpu.memory_space<semaphore_mem>>
    %dma_start3A_77 = tpu.memref_squeeze %dma_start3A_76 : memref<1x!tpu.dma_semaphore, #tpu.memory_space<semaphore_mem>> -> memref<!tpu.dma_semaphore, #tpu.memory_space<semaphore_mem>>
    %dma_start3A_78 = arith.constant 0 : i32
    %dma_start3A_79 = arith.constant 0 : i32
    %dma_start3A_80 = arith.constant 0 : i32
    %dma_start3A_81 = tpu.memref_slice %arg7[%dma_start3A_74, %dma_start3A_78, %dma_start3A_79, %dma_start3A_80] : memref<32x4x1024x128xf32, #tpu.memory_space<hbm>> -> memref<1x4x1024x128xf32, #tpu.memory_space<hbm>>
    %dma_start3A_82 = tpu.memref_squeeze %dma_start3A_81 : memref<1x4x1024x128xf32, #tpu.memory_space<hbm>> -> memref<4x1024x128xf32, #tpu.memory_space<hbm>>
    %dma_start3A_83 = arith.constant 0 : i32
    %dma_start3A_84 = arith.constant 0 : i32
    %dma_start3A_85 = arith.constant 0 : i32
    %dma_start3A_86 = tpu.memref_slice %arg0[%dma_start3A_73, %dma_start3A_83, %dma_start3A_84, %dma_start3A_85] : memref<32x4x1024x128xf32, #tpu.memory_space<hbm>> -> memref<1x4x1024x128xf32, #tpu.memory_space<hbm>>
    %dma_start3A_87 = tpu.memref_squeeze %dma_start3A_86 : memref<1x4x1024x128xf32, #tpu.memory_space<hbm>> -> memref<4x1024x128xf32, #tpu.memory_space<hbm>>
    tpu.enqueue_dma source(%dma_start3A_87 : memref<4x1024x128xf32, #tpu.memory_space<hbm>>) target(%dma_start3A_82 : memref<4x1024x128xf32, #tpu.memory_space<hbm>>) target_semaphore(%dma_start3A_77 : memref<!tpu.dma_semaphore, #tpu.memory_space<semaphore_mem>>)
    %dma_start3A_88 = arith.constant 3 : i32
    %dma_start3A_89 = arith.constant 3 : i32
    %dma_start3A_90 = arith.constant 0 : i32
    %dma_start3A_91 = tpu.memref_slice %arg11[%dma_start3A_90] : memref<3x!tpu.dma_semaphore, #tpu.memory_space<semaphore_mem>> -> memref<1x!tpu.dma_semaphore, #tpu.memory_space<semaphore_mem>>
    %dma_start3A_92 = tpu.memref_squeeze %dma_start3A_91 : memref<1x!tpu.dma_semaphore, #tpu.memory_space<semaphore_mem>> -> memref<!tpu.dma_semaphore, #tpu.memory_space<semaphore_mem>>
    %dma_start3A_93 = arith.constant 0 : i32
    %dma_start3A_94 = arith.constant 0 : i32
    %dma_start3A_95 = arith.constant 0 : i32
    %dma_start3A_96 = tpu.memref_slice %arg7[%dma_start3A_89, %dma_start3A_93, %dma_start3A_94, %dma_start3A_95] : memref<32x4x1024x128xf32, #tpu.memory_space<hbm>> -> memref<1x4x1024x128xf32, #tpu.memory_space<hbm>>
    %dma_start3A_97 = tpu.memref_squeeze %dma_start3A_96 : memref<1x4x1024x128xf32, #tpu.memory_space<hbm>> -> memref<4x1024x128xf32, #tpu.memory_space<hbm>>
    %dma_start3A_98 = arith.constant 0 : i32
    %dma_start3A_99 = arith.constant 0 : i32
    %dma_start3A_100 = arith.constant 0 : i32
    %dma_start3A_101 = tpu.memref_slice %arg0[%dma_start3A_88, %dma_start3A_98, %dma_start3A_99, %dma_start3A_100] : memref<32x4x1024x128xf32, #tpu.memory_space<hbm>> -> memref<1x4x1024x128xf32, #tpu.memory_space<hbm>>
    %dma_start3A_102 = tpu.memref_squeeze %dma_start3A_101 : memref<1x4x1024x128xf32, #tpu.memory_space<hbm>> -> memref<4x1024x128xf32, #tpu.memory_space<hbm>>
    tpu.enqueue_dma source(%dma_start3A_102 : memref<4x1024x128xf32, #tpu.memory_space<hbm>>) target(%dma_start3A_97 : memref<4x1024x128xf32, #tpu.memory_space<hbm>>) target_semaphore(%dma_start3A_92 : memref<!tpu.dma_semaphore, #tpu.memory_space<semaphore_mem>>)
    %dma_start3A_103 = arith.constant 4 : i32
    %dma_start3A_104 = arith.constant 4 : i32
    %dma_start3A_105 = arith.constant 1 : i32
    %dma_start3A_106 = tpu.memref_slice %arg11[%dma_start3A_105] : memref<3x!tpu.dma_semaphore, #tpu.memory_space<semaphore_mem>> -> memref<1x!tpu.dma_semaphore, #tpu.memory_space<semaphore_mem>>
    %dma_start3A_107 = tpu.memref_squeeze %dma_start3A_106 : memref<1x!tpu.dma_semaphore, #tpu.memory_space<semaphore_mem>> -> memref<!tpu.dma_semaphore, #tpu.memory_space<semaphore_mem>>
    %dma_start3A_108 = arith.constant 0 : i32
    %dma_start3A_109 = arith.constant 0 : i32
    %dma_start3A_110 = arith.constant 0 : i32
    %dma_start3A_111 = tpu.memref_slice %arg7[%dma_start3A_104, %dma_start3A_108, %dma_start3A_109, %dma_start3A_110] : memref<32x4x1024x128xf32, #tpu.memory_space<hbm>> -> memref<1x4x1024x128xf32, #tpu.memory_space<hbm>>
    %dma_start3A_112 = tpu.memref_squeeze %dma_start3A_111 : memref<1x4x1024x128xf32, #tpu.memory_space<hbm>> -> memref<4x1024x128xf32, #tpu.memory_space<hbm>>
    %dma_start3A_113 = arith.constant 0 : i32
    %dma_start3A_114 = arith.constant 0 : i32
    %dma_start3A_115 = arith.constant 0 : i32
    %dma_start3A_116 = tpu.memref_slice %arg0[%dma_start3A_103, %dma_start3A_113, %dma_start3A_114, %dma_start3A_115] : memref<32x4x1024x128xf32, #tpu.memory_space<hbm>> -> memref<1x4x1024x128xf32, #tpu.memory_space<hbm>>
    %dma_start3A_117 = tpu.memref_squeeze %dma_start3A_116 : memref<1x4x1024x128xf32, #tpu.memory_space<hbm>> -> memref<4x1024x128xf32, #tpu.memory_space<hbm>>
    tpu.enqueue_dma source(%dma_start3A_117 : memref<4x1024x128xf32, #tpu.memory_space<hbm>>) target(%dma_start3A_112 : memref<4x1024x128xf32, #tpu.memory_space<hbm>>) target_semaphore(%dma_start3A_107 : memref<!tpu.dma_semaphore, #tpu.memory_space<semaphore_mem>>)
    %dma_start3A_118 = arith.constant 5 : i32
    %dma_start3A_119 = arith.constant 5 : i32
    %dma_start3A_120 = arith.constant 2 : i32
    %dma_start3A_121 = tpu.memref_slice %arg11[%dma_start3A_120] : memref<3x!tpu.dma_semaphore, #tpu.memory_space<semaphore_mem>> -> memref<1x!tpu.dma_semaphore, #tpu.memory_space<semaphore_mem>>
    %dma_start3A_122 = tpu.memref_squeeze %dma_start3A_121 : memref<1x!tpu.dma_semaphore, #tpu.memory_space<semaphore_mem>> -> memref<!tpu.dma_semaphore, #tpu.memory_space<semaphore_mem>>
    %dma_start3A_123 = arith.constant 0 : i32
    %dma_start3A_124 = arith.constant 0 : i32
    %dma_start3A_125 = arith.constant 0 : i32
    %dma_start3A_126 = tpu.memref_slice %arg7[%dma_start3A_119, %dma_start3A_123, %dma_start3A_124, %dma_start3A_125] : memref<32x4x1024x128xf32, #tpu.memory_space<hbm>> -> memref<1x4x1024x128xf32, #tpu.memory_space<hbm>>
    %dma_start3A_127 = tpu.memref_squeeze %dma_start3A_126 : memref<1x4x1024x128xf32, #tpu.memory_space<hbm>> -> memref<4x1024x128xf32, #tpu.memory_space<hbm>>
    %dma_start3A_128 = arith.constant 0 : i32
    %dma_start3A_129 = arith.constant 0 : i32
    %dma_start3A_130 = arith.constant 0 : i32
    %dma_start3A_131 = tpu.memref_slice %arg0[%dma_start3A_118, %dma_start3A_128, %dma_start3A_129, %dma_start3A_130] : memref<32x4x1024x128xf32, #tpu.memory_space<hbm>> -> memref<1x4x1024x128xf32, #tpu.memory_space<hbm>>
    %dma_start3A_132 = tpu.memref_squeeze %dma_start3A_131 : memref<1x4x1024x128xf32, #tpu.memory_space<hbm>> -> memref<4x1024x128xf32, #tpu.memory_space<hbm>>
    tpu.enqueue_dma source(%dma_start3A_132 : memref<4x1024x128xf32, #tpu.memory_space<hbm>>) target(%dma_start3A_127 : memref<4x1024x128xf32, #tpu.memory_space<hbm>>) target_semaphore(%dma_start3A_122 : memref<!tpu.dma_semaphore, #tpu.memory_space<semaphore_mem>>)
    %dma_start3A_133 = arith.constant 6 : i32
    %dma_start3A_134 = arith.constant 6 : i32
    %dma_start3A_135 = arith.constant 0 : i32
    %dma_start3A_136 = tpu.memref_slice %arg11[%dma_start3A_135] : memref<3x!tpu.dma_semaphore, #tpu.memory_space<semaphore_mem>> -> memref<1x!tpu.dma_semaphore, #tpu.memory_space<semaphore_mem>>
    %dma_start3A_137 = tpu.memref_squeeze %dma_start3A_136 : memref<1x!tpu.dma_semaphore, #tpu.memory_space<semaphore_mem>> -> memref<!tpu.dma_semaphore, #tpu.memory_space<semaphore_mem>>
    %dma_start3A_138 = arith.constant 0 : i32
    %dma_start3A_139 = arith.constant 0 : i32
    %dma_start3A_140 = arith.constant 0 : i32
    %dma_start3A_141 = tpu.memref_slice %arg7[%dma_start3A_134, %dma_start3A_138, %dma_start3A_139, %dma_start3A_140] : memref<32x4x1024x128xf32, #tpu.memory_space<hbm>> -> memref<1x4x1024x128xf32, #tpu.memory_space<hbm>>
    %dma_start3A_142 = tpu.memref_squeeze %dma_start3A_141 : memref<1x4x1024x128xf32, #tpu.memory_space<hbm>> -> memref<4x1024x128xf32, #tpu.memory_space<hbm>>
    %dma_start3A_143 = arith.constant 0 : i32
    %dma_start3A_144 = arith.constant 0 : i32
    %dma_start3A_145 = arith.constant 0 : i32
    %dma_start3A_146 = tpu.memref_slice %arg0[%dma_start3A_133, %dma_start3A_143, %dma_start3A_144, %dma_start3A_145] : memref<32x4x1024x128xf32, #tpu.memory_space<hbm>> -> memref<1x4x1024x128xf32, #tpu.memory_space<hbm>>
    %dma_start3A_147 = tpu.memref_squeeze %dma_start3A_146 : memref<1x4x1024x128xf32, #tpu.memory_space<hbm>> -> memref<4x1024x128xf32, #tpu.memory_space<hbm>>
    tpu.enqueue_dma source(%dma_start3A_147 : memref<4x1024x128xf32, #tpu.memory_space<hbm>>) target(%dma_start3A_142 : memref<4x1024x128xf32, #tpu.memory_space<hbm>>) target_semaphore(%dma_start3A_137 : memref<!tpu.dma_semaphore, #tpu.memory_space<semaphore_mem>>)
    %dma_start3A_148 = arith.constant 7 : i32
    %dma_start3A_149 = arith.constant 7 : i32
    %dma_start3A_150 = arith.constant 1 : i32
    %dma_start3A_151 = tpu.memref_slice %arg11[%dma_start3A_150] : memref<3x!tpu.dma_semaphore, #tpu.memory_space<semaphore_mem>> -> memref<1x!tpu.dma_semaphore, #tpu.memory_space<semaphore_mem>>
    %dma_start3A_152 = tpu.memref_squeeze %dma_start3A_151 : memref<1x!tpu.dma_semaphore, #tpu.memory_space<semaphore_mem>> -> memref<!tpu.dma_semaphore, #tpu.memory_space<semaphore_mem>>
    %dma_start3A_153 = arith.constant 0 : i32
    %dma_start3A_154 = arith.constant 0 : i32
    %dma_start3A_155 = arith.constant 0 : i32
    %dma_start3A_156 = tpu.memref_slice %arg7[%dma_start3A_149, %dma_start3A_153, %dma_start3A_154, %dma_start3A_155] : memref<32x4x1024x128xf32, #tpu.memory_space<hbm>> -> memref<1x4x1024x128xf32, #tpu.memory_space<hbm>>
    %dma_start3A_157 = tpu.memref_squeeze %dma_start3A_156 : memref<1x4x1024x128xf32, #tpu.memory_space<hbm>> -> memref<4x1024x128xf32, #tpu.memory_space<hbm>>
    %dma_start3A_158 = arith.constant 0 : i32
    %dma_start3A_159 = arith.constant 0 : i32
    %dma_start3A_160 = arith.constant 0 : i32
    %dma_start3A_161 = tpu.memref_slice %arg0[%dma_start3A_148, %dma_start3A_158, %dma_start3A_159, %dma_start3A_160] : memref<32x4x1024x128xf32, #tpu.memory_space<hbm>> -> memref<1x4x1024x128xf32, #tpu.memory_space<hbm>>
    %dma_start3A_162 = tpu.memref_squeeze %dma_start3A_161 : memref<1x4x1024x128xf32, #tpu.memory_space<hbm>> -> memref<4x1024x128xf32, #tpu.memory_space<hbm>>
    tpu.enqueue_dma source(%dma_start3A_162 : memref<4x1024x128xf32, #tpu.memory_space<hbm>>) target(%dma_start3A_157 : memref<4x1024x128xf32, #tpu.memory_space<hbm>>) target_semaphore(%dma_start3A_152 : memref<!tpu.dma_semaphore, #tpu.memory_space<semaphore_mem>>)
    %dma_start3A_163 = arith.constant 8 : i32
    %dma_start3A_164 = arith.constant 8 : i32
    %dma_start3A_165 = arith.constant 2 : i32
    %dma_start3A_166 = tpu.memref_slice %arg11[%dma_start3A_165] : memref<3x!tpu.dma_semaphore, #tpu.memory_space<semaphore_mem>> -> memref<1x!tpu.dma_semaphore, #tpu.memory_space<semaphore_mem>>
    %dma_start3A_167 = tpu.memref_squeeze %dma_start3A_166 : memref<1x!tpu.dma_semaphore, #tpu.memory_space<semaphore_mem>> -> memref<!tpu.dma_semaphore, #tpu.memory_space<semaphore_mem>>
    %dma_start3A_168 = arith.constant 0 : i32
    %dma_start3A_169 = arith.constant 0 : i32
    %dma_start3A_170 = arith.constant 0 : i32
    %dma_start3A_171 = tpu.memref_slice %arg7[%dma_start3A_164, %dma_start3A_168, %dma_start3A_169, %dma_start3A_170] : memref<32x4x1024x128xf32, #tpu.memory_space<hbm>> -> memref<1x4x1024x128xf32, #tpu.memory_space<hbm>>
    %dma_start3A_172 = tpu.memref_squeeze %dma_start3A_171 : memref<1x4x1024x128xf32, #tpu.memory_space<hbm>> -> memref<4x1024x128xf32, #tpu.memory_space<hbm>>
    %dma_start3A_173 = arith.constant 0 : i32
    %dma_start3A_174 = arith.constant 0 : i32
    %dma_start3A_175 = arith.constant 0 : i32
    %dma_start3A_176 = tpu.memref_slice %arg0[%dma_start3A_163, %dma_start3A_173, %dma_start3A_174, %dma_start3A_175] : memref<32x4x1024x128xf32, #tpu.memory_space<hbm>> -> memref<1x4x1024x128xf32, #tpu.memory_space<hbm>>
    %dma_start3A_177 = tpu.memref_squeeze %dma_start3A_176 : memref<1x4x1024x128xf32, #tpu.memory_space<hbm>> -> memref<4x1024x128xf32, #tpu.memory_space<hbm>>
    tpu.enqueue_dma source(%dma_start3A_177 : memref<4x1024x128xf32, #tpu.memory_space<hbm>>) target(%dma_start3A_172 : memref<4x1024x128xf32, #tpu.memory_space<hbm>>) target_semaphore(%dma_start3A_167 : memref<!tpu.dma_semaphore, #tpu.memory_space<semaphore_mem>>)
    %dma_start3A_178 = arith.constant 9 : i32
    %dma_start3A_179 = arith.constant 9 : i32
    %dma_start3A_180 = arith.constant 0 : i32
    %dma_start3A_181 = tpu.memref_slice %arg11[%dma_start3A_180] : memref<3x!tpu.dma_semaphore, #tpu.memory_space<semaphore_mem>> -> memref<1x!tpu.dma_semaphore, #tpu.memory_space<semaphore_mem>>
    %dma_start3A_182 = tpu.memref_squeeze %dma_start3A_181 : memref<1x!tpu.dma_semaphore, #tpu.memory_space<semaphore_mem>> -> memref<!tpu.dma_semaphore, #tpu.memory_space<semaphore_mem>>
    %dma_start3A_183 = arith.constant 0 : i32
    %dma_start3A_184 = arith.constant 0 : i32
    %dma_start3A_185 = arith.constant 0 : i32
    %dma_start3A_186 = tpu.memref_slice %arg7[%dma_start3A_179, %dma_start3A_183, %dma_start3A_184, %dma_start3A_185] : memref<32x4x1024x128xf32, #tpu.memory_space<hbm>> -> memref<1x4x1024x128xf32, #tpu.memory_space<hbm>>
    %dma_start3A_187 = tpu.memref_squeeze %dma_start3A_186 : memref<1x4x1024x128xf32, #tpu.memory_space<hbm>> -> memref<4x1024x128xf32, #tpu.memory_space<hbm>>
    %dma_start3A_188 = arith.constant 0 : i32
    %dma_start3A_189 = arith.constant 0 : i32
    %dma_start3A_190 = arith.constant 0 : i32
    %dma_start3A_191 = tpu.memref_slice %arg0[%dma_start3A_178, %dma_start3A_188, %dma_start3A_189, %dma_start3A_190] : memref<32x4x1024x128xf32, #tpu.memory_space<hbm>> -> memref<1x4x1024x128xf32, #tpu.memory_space<hbm>>
    %dma_start3A_192 = tpu.memref_squeeze %dma_start3A_191 : memref<1x4x1024x128xf32, #tpu.memory_space<hbm>> -> memref<4x1024x128xf32, #tpu.memory_space<hbm>>
    tpu.enqueue_dma source(%dma_start3A_192 : memref<4x1024x128xf32, #tpu.memory_space<hbm>>) target(%dma_start3A_187 : memref<4x1024x128xf32, #tpu.memory_space<hbm>>) target_semaphore(%dma_start3A_182 : memref<!tpu.dma_semaphore, #tpu.memory_space<semaphore_mem>>)
    %dma_start3A_193 = arith.constant 10 : i32
    %dma_start3A_194 = arith.constant 10 : i32
    %dma_start3A_195 = arith.constant 1 : i32
    %dma_start3A_196 = tpu.memref_slice %arg11[%dma_start3A_195] : memref<3x!tpu.dma_semaphore, #tpu.memory_space<semaphore_mem>> -> memref<1x!tpu.dma_semaphore, #tpu.memory_space<semaphore_mem>>
    %dma_start3A_197 = tpu.memref_squeeze %dma_start3A_196 : memref<1x!tpu.dma_semaphore, #tpu.memory_space<semaphore_mem>> -> memref<!tpu.dma_semaphore, #tpu.memory_space<semaphore_mem>>
    %dma_start3A_198 = arith.constant 0 : i32
    %dma_start3A_199 = arith.constant 0 : i32
    %dma_start3A_200 = arith.constant 0 : i32
    %dma_start3A_201 = tpu.memref_slice %arg7[%dma_start3A_194, %dma_start3A_198, %dma_start3A_199, %dma_start3A_200] : memref<32x4x1024x128xf32, #tpu.memory_space<hbm>> -> memref<1x4x1024x128xf32, #tpu.memory_space<hbm>>
    %dma_start3A_202 = tpu.memref_squeeze %dma_start3A_201 : memref<1x4x1024x128xf32, #tpu.memory_space<hbm>> -> memref<4x1024x128xf32, #tpu.memory_space<hbm>>
    %dma_start3A_203 = arith.constant 0 : i32
    %dma_start3A_204 = arith.constant 0 : i32
    %dma_start3A_205 = arith.constant 0 : i32
    %dma_start3A_206 = tpu.memref_slice %arg0[%dma_start3A_193, %dma_start3A_203, %dma_start3A_204, %dma_start3A_205] : memref<32x4x1024x128xf32, #tpu.memory_space<hbm>> -> memref<1x4x1024x128xf32, #tpu.memory_space<hbm>>
    %dma_start3A_207 = tpu.memref_squeeze %dma_start3A_206 : memref<1x4x1024x128xf32, #tpu.memory_space<hbm>> -> memref<4x1024x128xf32, #tpu.memory_space<hbm>>
    tpu.enqueue_dma source(%dma_start3A_207 : memref<4x1024x128xf32, #tpu.memory_space<hbm>>) target(%dma_start3A_202 : memref<4x1024x128xf32, #tpu.memory_space<hbm>>) target_semaphore(%dma_start3A_197 : memref<!tpu.dma_semaphore, #tpu.memory_space<semaphore_mem>>)
    %dma_start3A_208 = arith.constant 11 : i32
    %dma_start3A_209 = arith.constant 11 : i32
    %dma_start3A_210 = arith.constant 2 : i32
    %dma_start3A_211 = tpu.memref_slice %arg11[%dma_start3A_210] : memref<3x!tpu.dma_semaphore, #tpu.memory_space<semaphore_mem>> -> memref<1x!tpu.dma_semaphore, #tpu.memory_space<semaphore_mem>>
    %dma_start3A_212 = tpu.memref_squeeze %dma_start3A_211 : memref<1x!tpu.dma_semaphore, #tpu.memory_space<semaphore_mem>> -> memref<!tpu.dma_semaphore, #tpu.memory_space<semaphore_mem>>
    %dma_start3A_213 = arith.constant 0 : i32
    %dma_start3A_214 = arith.constant 0 : i32
    %dma_start3A_215 = arith.constant 0 : i32
    %dma_start3A_216 = tpu.memref_slice %arg7[%dma_start3A_209, %dma_start3A_213, %dma_start3A_214, %dma_start3A_215] : memref<32x4x1024x128xf32, #tpu.memory_space<hbm>> -> memref<1x4x1024x128xf32, #tpu.memory_space<hbm>>
    %dma_start3A_217 = tpu.memref_squeeze %dma_start3A_216 : memref<1x4x1024x128xf32, #tpu.memory_space<hbm>> -> memref<4x1024x128xf32, #tpu.memory_space<hbm>>
    %dma_start3A_218 = arith.constant 0 : i32
    %dma_start3A_219 = arith.constant 0 : i32
    %dma_start3A_220 = arith.constant 0 : i32
    %dma_start3A_221 = tpu.memref_slice %arg0[%dma_start3A_208, %dma_start3A_218, %dma_start3A_219, %dma_start3A_220] : memref<32x4x1024x128xf32, #tpu.memory_space<hbm>> -> memref<1x4x1024x128xf32, #tpu.memory_space<hbm>>
    %dma_start3A_222 = tpu.memref_squeeze %dma_start3A_221 : memref<1x4x1024x128xf32, #tpu.memory_space<hbm>> -> memref<4x1024x128xf32, #tpu.memory_space<hbm>>
    tpu.enqueue_dma source(%dma_start3A_222 : memref<4x1024x128xf32, #tpu.memory_space<hbm>>) target(%dma_start3A_217 : memref<4x1024x128xf32, #tpu.memory_space<hbm>>) target_semaphore(%dma_start3A_212 : memref<!tpu.dma_semaphore, #tpu.memory_space<semaphore_mem>>)
    %dma_start3A_223 = arith.constant 12 : i32
    %dma_start3A_224 = arith.constant 12 : i32
    %dma_start3A_225 = arith.constant 0 : i32
    %dma_start3A_226 = tpu.memref_slice %arg11[%dma_start3A_225] : memref<3x!tpu.dma_semaphore, #tpu.memory_space<semaphore_mem>> -> memref<1x!tpu.dma_semaphore, #tpu.memory_space<semaphore_mem>>
    %dma_start3A_227 = tpu.memref_squeeze %dma_start3A_226 : memref<1x!tpu.dma_semaphore, #tpu.memory_space<semaphore_mem>> -> memref<!tpu.dma_semaphore, #tpu.memory_space<semaphore_mem>>
    %dma_start3A_228 = arith.constant 0 : i32
    %dma_start3A_229 = arith.constant 0 : i32
    %dma_start3A_230 = arith.constant 0 : i32
    %dma_start3A_231 = tpu.memref_slice %arg7[%dma_start3A_224, %dma_start3A_228, %dma_start3A_229, %dma_start3A_230] : memref<32x4x1024x128xf32, #tpu.memory_space<hbm>> -> memref<1x4x1024x128xf32, #tpu.memory_space<hbm>>
    %dma_start3A_232 = tpu.memref_squeeze %dma_start3A_231 : memref<1x4x1024x128xf32, #tpu.memory_space<hbm>> -> memref<4x1024x128xf32, #tpu.memory_space<hbm>>
    %dma_start3A_233 = arith.constant 0 : i32
    %dma_start3A_234 = arith.constant 0 : i32
    %dma_start3A_235 = arith.constant 0 : i32
    %dma_start3A_236 = tpu.memref_slice %arg0[%dma_start3A_223, %dma_start3A_233, %dma_start3A_234, %dma_start3A_235] : memref<32x4x1024x128xf32, #tpu.memory_space<hbm>> -> memref<1x4x1024x128xf32, #tpu.memory_space<hbm>>
    %dma_start3A_237 = tpu.memref_squeeze %dma_start3A_236 : memref<1x4x1024x128xf32, #tpu.memory_space<hbm>> -> memref<4x1024x128xf32, #tpu.memory_space<hbm>>
    tpu.enqueue_dma source(%dma_start3A_237 : memref<4x1024x128xf32, #tpu.memory_space<hbm>>) target(%dma_start3A_232 : memref<4x1024x128xf32, #tpu.memory_space<hbm>>) target_semaphore(%dma_start3A_227 : memref<!tpu.dma_semaphore, #tpu.memory_space<semaphore_mem>>)
    %dma_start3A_238 = arith.constant 13 : i32
    %dma_start3A_239 = arith.constant 13 : i32
    %dma_start3A_240 = arith.constant 1 : i32
    %dma_start3A_241 = tpu.memref_slice %arg11[%dma_start3A_240] : memref<3x!tpu.dma_semaphore, #tpu.memory_space<semaphore_mem>> -> memref<1x!tpu.dma_semaphore, #tpu.memory_space<semaphore_mem>>
    %dma_start3A_242 = tpu.memref_squeeze %dma_start3A_241 : memref<1x!tpu.dma_semaphore, #tpu.memory_space<semaphore_mem>> -> memref<!tpu.dma_semaphore, #tpu.memory_space<semaphore_mem>>
    %dma_start3A_243 = arith.constant 0 : i32
    %dma_start3A_244 = arith.constant 0 : i32
    %dma_start3A_245 = arith.constant 0 : i32
    %dma_start3A_246 = tpu.memref_slice %arg7[%dma_start3A_239, %dma_start3A_243, %dma_start3A_244, %dma_start3A_245] : memref<32x4x1024x128xf32, #tpu.memory_space<hbm>> -> memref<1x4x1024x128xf32, #tpu.memory_space<hbm>>
    %dma_start3A_247 = tpu.memref_squeeze %dma_start3A_246 : memref<1x4x1024x128xf32, #tpu.memory_space<hbm>> -> memref<4x1024x128xf32, #tpu.memory_space<hbm>>
    %dma_start3A_248 = arith.constant 0 : i32
    %dma_start3A_249 = arith.constant 0 : i32
    %dma_start3A_250 = arith.constant 0 : i32
    %dma_start3A_251 = tpu.memref_slice %arg0[%dma_start3A_238, %dma_start3A_248, %dma_start3A_249, %dma_start3A_250] : memref<32x4x1024x128xf32, #tpu.memory_space<hbm>> -> memref<1x4x1024x128xf32, #tpu.memory_space<hbm>>
    %dma_start3A_252 = tpu.memref_squeeze %dma_start3A_251 : memref<1x4x1024x128xf32, #tpu.memory_space<hbm>> -> memref<4x1024x128xf32, #tpu.memory_space<hbm>>
    tpu.enqueue_dma source(%dma_start3A_252 : memref<4x1024x128xf32, #tpu.memory_space<hbm>>) target(%dma_start3A_247 : memref<4x1024x128xf32, #tpu.memory_space<hbm>>) target_semaphore(%dma_start3A_242 : memref<!tpu.dma_semaphore, #tpu.memory_space<semaphore_mem>>)
    %dma_start3A_253 = arith.constant 14 : i32
    %dma_start3A_254 = arith.constant 14 : i32
    %dma_start3A_255 = arith.constant 2 : i32
    %dma_start3A_256 = tpu.memref_slice %arg11[%dma_start3A_255] : memref<3x!tpu.dma_semaphore, #tpu.memory_space<semaphore_mem>> -> memref<1x!tpu.dma_semaphore, #tpu.memory_space<semaphore_mem>>
    %dma_start3A_257 = tpu.memref_squeeze %dma_start3A_256 : memref<1x!tpu.dma_semaphore, #tpu.memory_space<semaphore_mem>> -> memref<!tpu.dma_semaphore, #tpu.memory_space<semaphore_mem>>
    %dma_start3A_258 = arith.constant 0 : i32
    %dma_start3A_259 = arith.constant 0 : i32
    %dma_start3A_260 = arith.constant 0 : i32
    %dma_start3A_261 = tpu.memref_slice %arg7[%dma_start3A_254, %dma_start3A_258, %dma_start3A_259, %dma_start3A_260] : memref<32x4x1024x128xf32, #tpu.memory_space<hbm>> -> memref<1x4x1024x128xf32, #tpu.memory_space<hbm>>
    %dma_start3A_262 = tpu.memref_squeeze %dma_start3A_261 : memref<1x4x1024x128xf32, #tpu.memory_space<hbm>> -> memref<4x1024x128xf32, #tpu.memory_space<hbm>>
    %dma_start3A_263 = arith.constant 0 : i32
    %dma_start3A_264 = arith.constant 0 : i32
    %dma_start3A_265 = arith.constant 0 : i32
    %dma_start3A_266 = tpu.memref_slice %arg0[%dma_start3A_253, %dma_start3A_263, %dma_start3A_264, %dma_start3A_265] : memref<32x4x1024x128xf32, #tpu.memory_space<hbm>> -> memref<1x4x1024x128xf32, #tpu.memory_space<hbm>>
    %dma_start3A_267 = tpu.memref_squeeze %dma_start3A_266 : memref<1x4x1024x128xf32, #tpu.memory_space<hbm>> -> memref<4x1024x128xf32, #tpu.memory_space<hbm>>
    tpu.enqueue_dma source(%dma_start3A_267 : memref<4x1024x128xf32, #tpu.memory_space<hbm>>) target(%dma_start3A_262 : memref<4x1024x128xf32, #tpu.memory_space<hbm>>) target_semaphore(%dma_start3A_257 : memref<!tpu.dma_semaphore, #tpu.memory_space<semaphore_mem>>)
    %dma_start3A_268 = arith.constant 15 : i32
    %dma_start3A_269 = arith.constant 15 : i32
    %dma_start3A_270 = arith.constant 0 : i32
    %dma_start3A_271 = tpu.memref_slice %arg11[%dma_start3A_270] : memref<3x!tpu.dma_semaphore, #tpu.memory_space<semaphore_mem>> -> memref<1x!tpu.dma_semaphore, #tpu.memory_space<semaphore_mem>>
    %dma_start3A_272 = tpu.memref_squeeze %dma_start3A_271 : memref<1x!tpu.dma_semaphore, #tpu.memory_space<semaphore_mem>> -> memref<!tpu.dma_semaphore, #tpu.memory_space<semaphore_mem>>
    %dma_start3A_273 = arith.constant 0 : i32
    %dma_start3A_274 = arith.constant 0 : i32
    %dma_start3A_275 = arith.constant 0 : i32
    %dma_start3A_276 = tpu.memref_slice %arg7[%dma_start3A_269, %dma_start3A_273, %dma_start3A_274, %dma_start3A_275] : memref<32x4x1024x128xf32, #tpu.memory_space<hbm>> -> memref<1x4x1024x128xf32, #tpu.memory_space<hbm>>
    %dma_start3A_277 = tpu.memref_squeeze %dma_start3A_276 : memref<1x4x1024x128xf32, #tpu.memory_space<hbm>> -> memref<4x1024x128xf32, #tpu.memory_space<hbm>>
    %dma_start3A_278 = arith.constant 0 : i32
    %dma_start3A_279 = arith.constant 0 : i32
    %dma_start3A_280 = arith.constant 0 : i32
    %dma_start3A_281 = tpu.memref_slice %arg0[%dma_start3A_268, %dma_start3A_278, %dma_start3A_279, %dma_start3A_280] : memref<32x4x1024x128xf32, #tpu.memory_space<hbm>> -> memref<1x4x1024x128xf32, #tpu.memory_space<hbm>>
    %dma_start3A_282 = tpu.memref_squeeze %dma_start3A_281 : memref<1x4x1024x128xf32, #tpu.memory_space<hbm>> -> memref<4x1024x128xf32, #tpu.memory_space<hbm>>
    tpu.enqueue_dma source(%dma_start3A_282 : memref<4x1024x128xf32, #tpu.memory_space<hbm>>) target(%dma_start3A_277 : memref<4x1024x128xf32, #tpu.memory_space<hbm>>) target_semaphore(%dma_start3A_272 : memref<!tpu.dma_semaphore, #tpu.memory_space<semaphore_mem>>)
    %dma_start3A_283 = arith.constant 16 : i32
    %dma_start3A_284 = arith.constant 16 : i32
    %dma_start3A_285 = arith.constant 1 : i32
    %dma_start3A_286 = tpu.memref_slice %arg11[%dma_start3A_285] : memref<3x!tpu.dma_semaphore, #tpu.memory_space<semaphore_mem>> -> memref<1x!tpu.dma_semaphore, #tpu.memory_space<semaphore_mem>>
    %dma_start3A_287 = tpu.memref_squeeze %dma_start3A_286 : memref<1x!tpu.dma_semaphore, #tpu.memory_space<semaphore_mem>> -> memref<!tpu.dma_semaphore, #tpu.memory_space<semaphore_mem>>
    %dma_start3A_288 = arith.constant 0 : i32
    %dma_start3A_289 = arith.constant 0 : i32
    %dma_start3A_290 = arith.constant 0 : i32
    %dma_start3A_291 = tpu.memref_slice %arg7[%dma_start3A_284, %dma_start3A_288, %dma_start3A_289, %dma_start3A_290] : memref<32x4x1024x128xf32, #tpu.memory_space<hbm>> -> memref<1x4x1024x128xf32, #tpu.memory_space<hbm>>
    %dma_start3A_292 = tpu.memref_squeeze %dma_start3A_291 : memref<1x4x1024x128xf32, #tpu.memory_space<hbm>> -> memref<4x1024x128xf32, #tpu.memory_space<hbm>>
    %dma_start3A_293 = arith.constant 0 : i32
    %dma_start3A_294 = arith.constant 0 : i32
    %dma_start3A_295 = arith.constant 0 : i32
    %dma_start3A_296 = tpu.memref_slice %arg0[%dma_start3A_283, %dma_start3A_293, %dma_start3A_294, %dma_start3A_295] : memref<32x4x1024x128xf32, #tpu.memory_space<hbm>> -> memref<1x4x1024x128xf32, #tpu.memory_space<hbm>>
    %dma_start3A_297 = tpu.memref_squeeze %dma_start3A_296 : memref<1x4x1024x128xf32, #tpu.memory_space<hbm>> -> memref<4x1024x128xf32, #tpu.memory_space<hbm>>
    tpu.enqueue_dma source(%dma_start3A_297 : memref<4x1024x128xf32, #tpu.memory_space<hbm>>) target(%dma_start3A_292 : memref<4x1024x128xf32, #tpu.memory_space<hbm>>) target_semaphore(%dma_start3A_287 : memref<!tpu.dma_semaphore, #tpu.memory_space<semaphore_mem>>)
    %dma_start3A_298 = arith.constant 17 : i32
    %dma_start3A_299 = arith.constant 17 : i32
    %dma_start3A_300 = arith.constant 2 : i32
    %dma_start3A_301 = tpu.memref_slice %arg11[%dma_start3A_300] : memref<3x!tpu.dma_semaphore, #tpu.memory_space<semaphore_mem>> -> memref<1x!tpu.dma_semaphore, #tpu.memory_space<semaphore_mem>>
    %dma_start3A_302 = tpu.memref_squeeze %dma_start3A_301 : memref<1x!tpu.dma_semaphore, #tpu.memory_space<semaphore_mem>> -> memref<!tpu.dma_semaphore, #tpu.memory_space<semaphore_mem>>
    %dma_start3A_303 = arith.constant 0 : i32
    %dma_start3A_304 = arith.constant 0 : i32
    %dma_start3A_305 = arith.constant 0 : i32
    %dma_start3A_306 = tpu.memref_slice %arg7[%dma_start3A_299, %dma_start3A_303, %dma_start3A_304, %dma_start3A_305] : memref<32x4x1024x128xf32, #tpu.memory_space<hbm>> -> memref<1x4x1024x128xf32, #tpu.memory_space<hbm>>
    %dma_start3A_307 = tpu.memref_squeeze %dma_start3A_306 : memref<1x4x1024x128xf32, #tpu.memory_space<hbm>> -> memref<4x1024x128xf32, #tpu.memory_space<hbm>>
    %dma_start3A_308 = arith.constant 0 : i32
    %dma_start3A_309 = arith.constant 0 : i32
    %dma_start3A_310 = arith.constant 0 : i32
    %dma_start3A_311 = tpu.memref_slice %arg0[%dma_start3A_298, %dma_start3A_308, %dma_start3A_309, %dma_start3A_310] : memref<32x4x1024x128xf32, #tpu.memory_space<hbm>> -> memref<1x4x1024x128xf32, #tpu.memory_space<hbm>>
    %dma_start3A_312 = tpu.memref_squeeze %dma_start3A_311 : memref<1x4x1024x128xf32, #tpu.memory_space<hbm>> -> memref<4x1024x128xf32, #tpu.memory_space<hbm>>
    tpu.enqueue_dma source(%dma_start3A_312 : memref<4x1024x128xf32, #tpu.memory_space<hbm>>) target(%dma_start3A_307 : memref<4x1024x128xf32, #tpu.memory_space<hbm>>) target_semaphore(%dma_start3A_302 : memref<!tpu.dma_semaphore, #tpu.memory_space<semaphore_mem>>)
    %dma_start3A_313 = arith.constant 18 : i32
    %dma_start3A_314 = arith.constant 18 : i32
    %dma_start3A_315 = arith.constant 0 : i32
    %dma_start3A_316 = tpu.memref_slice %arg11[%dma_start3A_315] : memref<3x!tpu.dma_semaphore, #tpu.memory_space<semaphore_mem>> -> memref<1x!tpu.dma_semaphore, #tpu.memory_space<semaphore_mem>>
    %dma_start3A_317 = tpu.memref_squeeze %dma_start3A_316 : memref<1x!tpu.dma_semaphore, #tpu.memory_space<semaphore_mem>> -> memref<!tpu.dma_semaphore, #tpu.memory_space<semaphore_mem>>
    %dma_start3A_318 = arith.constant 0 : i32
    %dma_start3A_319 = arith.constant 0 : i32
    %dma_start3A_320 = arith.constant 0 : i32
    %dma_start3A_321 = tpu.memref_slice %arg7[%dma_start3A_314, %dma_start3A_318, %dma_start3A_319, %dma_start3A_320] : memref<32x4x1024x128xf32, #tpu.memory_space<hbm>> -> memref<1x4x1024x128xf32, #tpu.memory_space<hbm>>
    %dma_start3A_322 = tpu.memref_squeeze %dma_start3A_321 : memref<1x4x1024x128xf32, #tpu.memory_space<hbm>> -> memref<4x1024x128xf32, #tpu.memory_space<hbm>>
    %dma_start3A_323 = arith.constant 0 : i32
    %dma_start3A_324 = arith.constant 0 : i32
    %dma_start3A_325 = arith.constant 0 : i32
    %dma_start3A_326 = tpu.memref_slice %arg0[%dma_start3A_313, %dma_start3A_323, %dma_start3A_324, %dma_start3A_325] : memref<32x4x1024x128xf32, #tpu.memory_space<hbm>> -> memref<1x4x1024x128xf32, #tpu.memory_space<hbm>>
    %dma_start3A_327 = tpu.memref_squeeze %dma_start3A_326 : memref<1x4x1024x128xf32, #tpu.memory_space<hbm>> -> memref<4x1024x128xf32, #tpu.memory_space<hbm>>
    tpu.enqueue_dma source(%dma_start3A_327 : memref<4x1024x128xf32, #tpu.memory_space<hbm>>) target(%dma_start3A_322 : memref<4x1024x128xf32, #tpu.memory_space<hbm>>) target_semaphore(%dma_start3A_317 : memref<!tpu.dma_semaphore, #tpu.memory_space<semaphore_mem>>)
    %dma_start3A_328 = arith.constant 19 : i32
    %dma_start3A_329 = arith.constant 19 : i32
    %dma_start3A_330 = arith.constant 1 : i32
    %dma_start3A_331 = tpu.memref_slice %arg11[%dma_start3A_330] : memref<3x!tpu.dma_semaphore, #tpu.memory_space<semaphore_mem>> -> memref<1x!tpu.dma_semaphore, #tpu.memory_space<semaphore_mem>>
    %dma_start3A_332 = tpu.memref_squeeze %dma_start3A_331 : memref<1x!tpu.dma_semaphore, #tpu.memory_space<semaphore_mem>> -> memref<!tpu.dma_semaphore, #tpu.memory_space<semaphore_mem>>
    %dma_start3A_333 = arith.constant 0 : i32
    %dma_start3A_334 = arith.constant 0 : i32
    %dma_start3A_335 = arith.constant 0 : i32
    %dma_start3A_336 = tpu.memref_slice %arg7[%dma_start3A_329, %dma_start3A_333, %dma_start3A_334, %dma_start3A_335] : memref<32x4x1024x128xf32, #tpu.memory_space<hbm>> -> memref<1x4x1024x128xf32, #tpu.memory_space<hbm>>
    %dma_start3A_337 = tpu.memref_squeeze %dma_start3A_336 : memref<1x4x1024x128xf32, #tpu.memory_space<hbm>> -> memref<4x1024x128xf32, #tpu.memory_space<hbm>>
    %dma_start3A_338 = arith.constant 0 : i32
    %dma_start3A_339 = arith.constant 0 : i32
    %dma_start3A_340 = arith.constant 0 : i32
    %dma_start3A_341 = tpu.memref_slice %arg0[%dma_start3A_328, %dma_start3A_338, %dma_start3A_339, %dma_start3A_340] : memref<32x4x1024x128xf32, #tpu.memory_space<hbm>> -> memref<1x4x1024x128xf32, #tpu.memory_space<hbm>>
    %dma_start3A_342 = tpu.memref_squeeze %dma_start3A_341 : memref<1x4x1024x128xf32, #tpu.memory_space<hbm>> -> memref<4x1024x128xf32, #tpu.memory_space<hbm>>
    tpu.enqueue_dma source(%dma_start3A_342 : memref<4x1024x128xf32, #tpu.memory_space<hbm>>) target(%dma_start3A_337 : memref<4x1024x128xf32, #tpu.memory_space<hbm>>) target_semaphore(%dma_start3A_332 : memref<!tpu.dma_semaphore, #tpu.memory_space<semaphore_mem>>)
    %dma_start3A_343 = arith.constant 20 : i32
    %dma_start3A_344 = arith.constant 20 : i32
    %dma_start3A_345 = arith.constant 2 : i32
    %dma_start3A_346 = tpu.memref_slice %arg11[%dma_start3A_345] : memref<3x!tpu.dma_semaphore, #tpu.memory_space<semaphore_mem>> -> memref<1x!tpu.dma_semaphore, #tpu.memory_space<semaphore_mem>>
    %dma_start3A_347 = tpu.memref_squeeze %dma_start3A_346 : memref<1x!tpu.dma_semaphore, #tpu.memory_space<semaphore_mem>> -> memref<!tpu.dma_semaphore, #tpu.memory_space<semaphore_mem>>
    %dma_start3A_348 = arith.constant 0 : i32
    %dma_start3A_349 = arith.constant 0 : i32
    %dma_start3A_350 = arith.constant 0 : i32
    %dma_start3A_351 = tpu.memref_slice %arg7[%dma_start3A_344, %dma_start3A_348, %dma_start3A_349, %dma_start3A_350] : memref<32x4x1024x128xf32, #tpu.memory_space<hbm>> -> memref<1x4x1024x128xf32, #tpu.memory_space<hbm>>
    %dma_start3A_352 = tpu.memref_squeeze %dma_start3A_351 : memref<1x4x1024x128xf32, #tpu.memory_space<hbm>> -> memref<4x1024x128xf32, #tpu.memory_space<hbm>>
    %dma_start3A_353 = arith.constant 0 : i32
    %dma_start3A_354 = arith.constant 0 : i32
    %dma_start3A_355 = arith.constant 0 : i32
    %dma_start3A_356 = tpu.memref_slice %arg0[%dma_start3A_343, %dma_start3A_353, %dma_start3A_354, %dma_start3A_355] : memref<32x4x1024x128xf32, #tpu.memory_space<hbm>> -> memref<1x4x1024x128xf32, #tpu.memory_space<hbm>>
    %dma_start3A_357 = tpu.memref_squeeze %dma_start3A_356 : memref<1x4x1024x128xf32, #tpu.memory_space<hbm>> -> memref<4x1024x128xf32, #tpu.memory_space<hbm>>
    tpu.enqueue_dma source(%dma_start3A_357 : memref<4x1024x128xf32, #tpu.memory_space<hbm>>) target(%dma_start3A_352 : memref<4x1024x128xf32, #tpu.memory_space<hbm>>) target_semaphore(%dma_start3A_347 : memref<!tpu.dma_semaphore, #tpu.memory_space<semaphore_mem>>)
    %dma_start3A_358 = arith.constant 21 : i32
    %dma_start3A_359 = arith.constant 21 : i32
    %dma_start3A_360 = arith.constant 0 : i32
    %dma_start3A_361 = tpu.memref_slice %arg11[%dma_start3A_360] : memref<3x!tpu.dma_semaphore, #tpu.memory_space<semaphore_mem>> -> memref<1x!tpu.dma_semaphore, #tpu.memory_space<semaphore_mem>>
    %dma_start3A_362 = tpu.memref_squeeze %dma_start3A_361 : memref<1x!tpu.dma_semaphore, #tpu.memory_space<semaphore_mem>> -> memref<!tpu.dma_semaphore, #tpu.memory_space<semaphore_mem>>
    %dma_start3A_363 = arith.constant 0 : i32
    %dma_start3A_364 = arith.constant 0 : i32
    %dma_start3A_365 = arith.constant 0 : i32
    %dma_start3A_366 = tpu.memref_slice %arg7[%dma_start3A_359, %dma_start3A_363, %dma_start3A_364, %dma_start3A_365] : memref<32x4x1024x128xf32, #tpu.memory_space<hbm>> -> memref<1x4x1024x128xf32, #tpu.memory_space<hbm>>
    %dma_start3A_367 = tpu.memref_squeeze %dma_start3A_366 : memref<1x4x1024x128xf32, #tpu.memory_space<hbm>> -> memref<4x1024x128xf32, #tpu.memory_space<hbm>>
    %dma_start3A_368 = arith.constant 0 : i32
    %dma_start3A_369 = arith.constant 0 : i32
    %dma_start3A_370 = arith.constant 0 : i32
    %dma_start3A_371 = tpu.memref_slice %arg0[%dma_start3A_358, %dma_start3A_368, %dma_start3A_369, %dma_start3A_370] : memref<32x4x1024x128xf32, #tpu.memory_space<hbm>> -> memref<1x4x1024x128xf32, #tpu.memory_space<hbm>>
    %dma_start3A_372 = tpu.memref_squeeze %dma_start3A_371 : memref<1x4x1024x128xf32, #tpu.memory_space<hbm>> -> memref<4x1024x128xf32, #tpu.memory_space<hbm>>
    tpu.enqueue_dma source(%dma_start3A_372 : memref<4x1024x128xf32, #tpu.memory_space<hbm>>) target(%dma_start3A_367 : memref<4x1024x128xf32, #tpu.memory_space<hbm>>) target_semaphore(%dma_start3A_362 : memref<!tpu.dma_semaphore, #tpu.memory_space<semaphore_mem>>)
    %dma_start3A_373 = arith.constant 22 : i32
    %dma_start3A_374 = arith.constant 22 : i32
    %dma_start3A_375 = arith.constant 1 : i32
    %dma_start3A_376 = tpu.memref_slice %arg11[%dma_start3A_375] : memref<3x!tpu.dma_semaphore, #tpu.memory_space<semaphore_mem>> -> memref<1x!tpu.dma_semaphore, #tpu.memory_space<semaphore_mem>>
    %dma_start3A_377 = tpu.memref_squeeze %dma_start3A_376 : memref<1x!tpu.dma_semaphore, #tpu.memory_space<semaphore_mem>> -> memref<!tpu.dma_semaphore, #tpu.memory_space<semaphore_mem>>
    %dma_start3A_378 = arith.constant 0 : i32
    %dma_start3A_379 = arith.constant 0 : i32
    %dma_start3A_380 = arith.constant 0 : i32
    %dma_start3A_381 = tpu.memref_slice %arg7[%dma_start3A_374, %dma_start3A_378, %dma_start3A_379, %dma_start3A_380] : memref<32x4x1024x128xf32, #tpu.memory_space<hbm>> -> memref<1x4x1024x128xf32, #tpu.memory_space<hbm>>
    %dma_start3A_382 = tpu.memref_squeeze %dma_start3A_381 : memref<1x4x1024x128xf32, #tpu.memory_space<hbm>> -> memref<4x1024x128xf32, #tpu.memory_space<hbm>>
    %dma_start3A_383 = arith.constant 0 : i32
    %dma_start3A_384 = arith.constant 0 : i32
    %dma_start3A_385 = arith.constant 0 : i32
    %dma_start3A_386 = tpu.memref_slice %arg0[%dma_start3A_373, %dma_start3A_383, %dma_start3A_384, %dma_start3A_385] : memref<32x4x1024x128xf32, #tpu.memory_space<hbm>> -> memref<1x4x1024x128xf32, #tpu.memory_space<hbm>>
    %dma_start3A_387 = tpu.memref_squeeze %dma_start3A_386 : memref<1x4x1024x128xf32, #tpu.memory_space<hbm>> -> memref<4x1024x128xf32, #tpu.memory_space<hbm>>
    tpu.enqueue_dma source(%dma_start3A_387 : memref<4x1024x128xf32, #tpu.memory_space<hbm>>) target(%dma_start3A_382 : memref<4x1024x128xf32, #tpu.memory_space<hbm>>) target_semaphore(%dma_start3A_377 : memref<!tpu.dma_semaphore, #tpu.memory_space<semaphore_mem>>)
    %dma_start3A_388 = arith.constant 23 : i32
    %dma_start3A_389 = arith.constant 23 : i32
    %dma_start3A_390 = arith.constant 2 : i32
    %dma_start3A_391 = tpu.memref_slice %arg11[%dma_start3A_390] : memref<3x!tpu.dma_semaphore, #tpu.memory_space<semaphore_mem>> -> memref<1x!tpu.dma_semaphore, #tpu.memory_space<semaphore_mem>>
    %dma_start3A_392 = tpu.memref_squeeze %dma_start3A_391 : memref<1x!tpu.dma_semaphore, #tpu.memory_space<semaphore_mem>> -> memref<!tpu.dma_semaphore, #tpu.memory_space<semaphore_mem>>
    %dma_start3A_393 = arith.constant 0 : i32
    %dma_start3A_394 = arith.constant 0 : i32
    %dma_start3A_395 = arith.constant 0 : i32
    %dma_start3A_396 = tpu.memref_slice %arg7[%dma_start3A_389, %dma_start3A_393, %dma_start3A_394, %dma_start3A_395] : memref<32x4x1024x128xf32, #tpu.memory_space<hbm>> -> memref<1x4x1024x128xf32, #tpu.memory_space<hbm>>
    %dma_start3A_397 = tpu.memref_squeeze %dma_start3A_396 : memref<1x4x1024x128xf32, #tpu.memory_space<hbm>> -> memref<4x1024x128xf32, #tpu.memory_space<hbm>>
    %dma_start3A_398 = arith.constant 0 : i32
    %dma_start3A_399 = arith.constant 0 : i32
    %dma_start3A_400 = arith.constant 0 : i32
    %dma_start3A_401 = tpu.memref_slice %arg0[%dma_start3A_388, %dma_start3A_398, %dma_start3A_399, %dma_start3A_400] : memref<32x4x1024x128xf32, #tpu.memory_space<hbm>> -> memref<1x4x1024x128xf32, #tpu.memory_space<hbm>>
    %dma_start3A_402 = tpu.memref_squeeze %dma_start3A_401 : memref<1x4x1024x128xf32, #tpu.memory_space<hbm>> -> memref<4x1024x128xf32, #tpu.memory_space<hbm>>
    tpu.enqueue_dma source(%dma_start3A_402 : memref<4x1024x128xf32, #tpu.memory_space<hbm>>) target(%dma_start3A_397 : memref<4x1024x128xf32, #tpu.memory_space<hbm>>) target_semaphore(%dma_start3A_392 : memref<!tpu.dma_semaphore, #tpu.memory_space<semaphore_mem>>)
    %dma_start3A_403 = arith.constant 24 : i32
    %dma_start3A_404 = arith.constant 24 : i32
    %dma_start3A_405 = arith.constant 0 : i32
    %dma_start3A_406 = tpu.memref_slice %arg11[%dma_start3A_405] : memref<3x!tpu.dma_semaphore, #tpu.memory_space<semaphore_mem>> -> memref<1x!tpu.dma_semaphore, #tpu.memory_space<semaphore_mem>>
    %dma_start3A_407 = tpu.memref_squeeze %dma_start3A_406 : memref<1x!tpu.dma_semaphore, #tpu.memory_space<semaphore_mem>> -> memref<!tpu.dma_semaphore, #tpu.memory_space<semaphore_mem>>
    %dma_start3A_408 = arith.constant 0 : i32
    %dma_start3A_409 = arith.constant 0 : i32
    %dma_start3A_410 = arith.constant 0 : i32
    %dma_start3A_411 = tpu.memref_slice %arg7[%dma_start3A_404, %dma_start3A_408, %dma_start3A_409, %dma_start3A_410] : memref<32x4x1024x128xf32, #tpu.memory_space<hbm>> -> memref<1x4x1024x128xf32, #tpu.memory_space<hbm>>
    %dma_start3A_412 = tpu.memref_squeeze %dma_start3A_411 : memref<1x4x1024x128xf32, #tpu.memory_space<hbm>> -> memref<4x1024x128xf32, #tpu.memory_space<hbm>>
    %dma_start3A_413 = arith.constant 0 : i32
    %dma_start3A_414 = arith.constant 0 : i32
    %dma_start3A_415 = arith.constant 0 : i32
    %dma_start3A_416 = tpu.memref_slice %arg0[%dma_start3A_403, %dma_start3A_413, %dma_start3A_414, %dma_start3A_415] : memref<32x4x1024x128xf32, #tpu.memory_space<hbm>> -> memref<1x4x1024x128xf32, #tpu.memory_space<hbm>>
    %dma_start3A_417 = tpu.memref_squeeze %dma_start3A_416 : memref<1x4x1024x128xf32, #tpu.memory_space<hbm>> -> memref<4x1024x128xf32, #tpu.memory_space<hbm>>
    tpu.enqueue_dma source(%dma_start3A_417 : memref<4x1024x128xf32, #tpu.memory_space<hbm>>) target(%dma_start3A_412 : memref<4x1024x128xf32, #tpu.memory_space<hbm>>) target_semaphore(%dma_start3A_407 : memref<!tpu.dma_semaphore, #tpu.memory_space<semaphore_mem>>)
    %dma_start3A_418 = arith.constant 25 : i32
    %dma_start3A_419 = arith.constant 25 : i32
    %dma_start3A_420 = arith.constant 1 : i32
    %dma_start3A_421 = tpu.memref_slice %arg11[%dma_start3A_420] : memref<3x!tpu.dma_semaphore, #tpu.memory_space<semaphore_mem>> -> memref<1x!tpu.dma_semaphore, #tpu.memory_space<semaphore_mem>>
    %dma_start3A_422 = tpu.memref_squeeze %dma_start3A_421 : memref<1x!tpu.dma_semaphore, #tpu.memory_space<semaphore_mem>> -> memref<!tpu.dma_semaphore, #tpu.memory_space<semaphore_mem>>
    %dma_start3A_423 = arith.constant 0 : i32
    %dma_start3A_424 = arith.constant 0 : i32
    %dma_start3A_425 = arith.constant 0 : i32
    %dma_start3A_426 = tpu.memref_slice %arg7[%dma_start3A_419, %dma_start3A_423, %dma_start3A_424, %dma_start3A_425] : memref<32x4x1024x128xf32, #tpu.memory_space<hbm>> -> memref<1x4x1024x128xf32, #tpu.memory_space<hbm>>
    %dma_start3A_427 = tpu.memref_squeeze %dma_start3A_426 : memref<1x4x1024x128xf32, #tpu.memory_space<hbm>> -> memref<4x1024x128xf32, #tpu.memory_space<hbm>>
    %dma_start3A_428 = arith.constant 0 : i32
    %dma_start3A_429 = arith.constant 0 : i32
    %dma_start3A_430 = arith.constant 0 : i32
    %dma_start3A_431 = tpu.memref_slice %arg0[%dma_start3A_418, %dma_start3A_428, %dma_start3A_429, %dma_start3A_430] : memref<32x4x1024x128xf32, #tpu.memory_space<hbm>> -> memref<1x4x1024x128xf32, #tpu.memory_space<hbm>>
    %dma_start3A_432 = tpu.memref_squeeze %dma_start3A_431 : memref<1x4x1024x128xf32, #tpu.memory_space<hbm>> -> memref<4x1024x128xf32, #tpu.memory_space<hbm>>
    tpu.enqueue_dma source(%dma_start3A_432 : memref<4x1024x128xf32, #tpu.memory_space<hbm>>) target(%dma_start3A_427 : memref<4x1024x128xf32, #tpu.memory_space<hbm>>) target_semaphore(%dma_start3A_422 : memref<!tpu.dma_semaphore, #tpu.memory_space<semaphore_mem>>)
    %dma_start3A_433 = arith.constant 26 : i32
    %dma_start3A_434 = arith.constant 26 : i32
    %dma_start3A_435 = arith.constant 2 : i32
    %dma_start3A_436 = tpu.memref_slice %arg11[%dma_start3A_435] : memref<3x!tpu.dma_semaphore, #tpu.memory_space<semaphore_mem>> -> memref<1x!tpu.dma_semaphore, #tpu.memory_space<semaphore_mem>>
    %dma_start3A_437 = tpu.memref_squeeze %dma_start3A_436 : memref<1x!tpu.dma_semaphore, #tpu.memory_space<semaphore_mem>> -> memref<!tpu.dma_semaphore, #tpu.memory_space<semaphore_mem>>
    %dma_start3A_438 = arith.constant 0 : i32
    %dma_start3A_439 = arith.constant 0 : i32
    %dma_start3A_440 = arith.constant 0 : i32
    %dma_start3A_441 = tpu.memref_slice %arg7[%dma_start3A_434, %dma_start3A_438, %dma_start3A_439, %dma_start3A_440] : memref<32x4x1024x128xf32, #tpu.memory_space<hbm>> -> memref<1x4x1024x128xf32, #tpu.memory_space<hbm>>
    %dma_start3A_442 = tpu.memref_squeeze %dma_start3A_441 : memref<1x4x1024x128xf32, #tpu.memory_space<hbm>> -> memref<4x1024x128xf32, #tpu.memory_space<hbm>>
    %dma_start3A_443 = arith.constant 0 : i32
    %dma_start3A_444 = arith.constant 0 : i32
    %dma_start3A_445 = arith.constant 0 : i32
    %dma_start3A_446 = tpu.memref_slice %arg0[%dma_start3A_433, %dma_start3A_443, %dma_start3A_444, %dma_start3A_445] : memref<32x4x1024x128xf32, #tpu.memory_space<hbm>> -> memref<1x4x1024x128xf32, #tpu.memory_space<hbm>>
    %dma_start3A_447 = tpu.memref_squeeze %dma_start3A_446 : memref<1x4x1024x128xf32, #tpu.memory_space<hbm>> -> memref<4x1024x128xf32, #tpu.memory_space<hbm>>
    tpu.enqueue_dma source(%dma_start3A_447 : memref<4x1024x128xf32, #tpu.memory_space<hbm>>) target(%dma_start3A_442 : memref<4x1024x128xf32, #tpu.memory_space<hbm>>) target_semaphore(%dma_start3A_437 : memref<!tpu.dma_semaphore, #tpu.memory_space<semaphore_mem>>)
    %dma_start3A_448 = arith.constant 27 : i32
    %dma_start3A_449 = arith.constant 27 : i32
    %dma_start3A_450 = arith.constant 0 : i32
    %dma_start3A_451 = tpu.memref_slice %arg11[%dma_start3A_450] : memref<3x!tpu.dma_semaphore, #tpu.memory_space<semaphore_mem>> -> memref<1x!tpu.dma_semaphore, #tpu.memory_space<semaphore_mem>>
    %dma_start3A_452 = tpu.memref_squeeze %dma_start3A_451 : memref<1x!tpu.dma_semaphore, #tpu.memory_space<semaphore_mem>> -> memref<!tpu.dma_semaphore, #tpu.memory_space<semaphore_mem>>
    %dma_start3A_453 = arith.constant 0 : i32
    %dma_start3A_454 = arith.constant 0 : i32
    %dma_start3A_455 = arith.constant 0 : i32
    %dma_start3A_456 = tpu.memref_slice %arg7[%dma_start3A_449, %dma_start3A_453, %dma_start3A_454, %dma_start3A_455] : memref<32x4x1024x128xf32, #tpu.memory_space<hbm>> -> memref<1x4x1024x128xf32, #tpu.memory_space<hbm>>
    %dma_start3A_457 = tpu.memref_squeeze %dma_start3A_456 : memref<1x4x1024x128xf32, #tpu.memory_space<hbm>> -> memref<4x1024x128xf32, #tpu.memory_space<hbm>>
    %dma_start3A_458 = arith.constant 0 : i32
    %dma_start3A_459 = arith.constant 0 : i32
    %dma_start3A_460 = arith.constant 0 : i32
    %dma_start3A_461 = tpu.memref_slice %arg0[%dma_start3A_448, %dma_start3A_458, %dma_start3A_459, %dma_start3A_460] : memref<32x4x1024x128xf32, #tpu.memory_space<hbm>> -> memref<1x4x1024x128xf32, #tpu.memory_space<hbm>>
    %dma_start3A_462 = tpu.memref_squeeze %dma_start3A_461 : memref<1x4x1024x128xf32, #tpu.memory_space<hbm>> -> memref<4x1024x128xf32, #tpu.memory_space<hbm>>
    tpu.enqueue_dma source(%dma_start3A_462 : memref<4x1024x128xf32, #tpu.memory_space<hbm>>) target(%dma_start3A_457 : memref<4x1024x128xf32, #tpu.memory_space<hbm>>) target_semaphore(%dma_start3A_452 : memref<!tpu.dma_semaphore, #tpu.memory_space<semaphore_mem>>)
    %dma_start3A_463 = arith.constant 28 : i32
    %dma_start3A_464 = arith.constant 28 : i32
    %dma_start3A_465 = arith.constant 1 : i32
    %dma_start3A_466 = tpu.memref_slice %arg11[%dma_start3A_465] : memref<3x!tpu.dma_semaphore, #tpu.memory_space<semaphore_mem>> -> memref<1x!tpu.dma_semaphore, #tpu.memory_space<semaphore_mem>>
    %dma_start3A_467 = tpu.memref_squeeze %dma_start3A_466 : memref<1x!tpu.dma_semaphore, #tpu.memory_space<semaphore_mem>> -> memref<!tpu.dma_semaphore, #tpu.memory_space<semaphore_mem>>
    %dma_start3A_468 = arith.constant 0 : i32
    %dma_start3A_469 = arith.constant 0 : i32
    %dma_start3A_470 = arith.constant 0 : i32
    %dma_start3A_471 = tpu.memref_slice %arg7[%dma_start3A_464, %dma_start3A_468, %dma_start3A_469, %dma_start3A_470] : memref<32x4x1024x128xf32, #tpu.memory_space<hbm>> -> memref<1x4x1024x128xf32, #tpu.memory_space<hbm>>
    %dma_start3A_472 = tpu.memref_squeeze %dma_start3A_471 : memref<1x4x1024x128xf32, #tpu.memory_space<hbm>> -> memref<4x1024x128xf32, #tpu.memory_space<hbm>>
    %dma_start3A_473 = arith.constant 0 : i32
    %dma_start3A_474 = arith.constant 0 : i32
    %dma_start3A_475 = arith.constant 0 : i32
    %dma_start3A_476 = tpu.memref_slice %arg0[%dma_start3A_463, %dma_start3A_473, %dma_start3A_474, %dma_start3A_475] : memref<32x4x1024x128xf32, #tpu.memory_space<hbm>> -> memref<1x4x1024x128xf32, #tpu.memory_space<hbm>>
    %dma_start3A_477 = tpu.memref_squeeze %dma_start3A_476 : memref<1x4x1024x128xf32, #tpu.memory_space<hbm>> -> memref<4x1024x128xf32, #tpu.memory_space<hbm>>
    tpu.enqueue_dma source(%dma_start3A_477 : memref<4x1024x128xf32, #tpu.memory_space<hbm>>) target(%dma_start3A_472 : memref<4x1024x128xf32, #tpu.memory_space<hbm>>) target_semaphore(%dma_start3A_467 : memref<!tpu.dma_semaphore, #tpu.memory_space<semaphore_mem>>)
    %dma_start3A_478 = arith.constant 29 : i32
    %dma_start3A_479 = arith.constant 29 : i32
    %dma_start3A_480 = arith.constant 2 : i32
    %dma_start3A_481 = tpu.memref_slice %arg11[%dma_start3A_480] : memref<3x!tpu.dma_semaphore, #tpu.memory_space<semaphore_mem>> -> memref<1x!tpu.dma_semaphore, #tpu.memory_space<semaphore_mem>>
    %dma_start3A_482 = tpu.memref_squeeze %dma_start3A_481 : memref<1x!tpu.dma_semaphore, #tpu.memory_space<semaphore_mem>> -> memref<!tpu.dma_semaphore, #tpu.memory_space<semaphore_mem>>
    %dma_start3A_483 = arith.constant 0 : i32
    %dma_start3A_484 = arith.constant 0 : i32
    %dma_start3A_485 = arith.constant 0 : i32
    %dma_start3A_486 = tpu.memref_slice %arg7[%dma_start3A_479, %dma_start3A_483, %dma_start3A_484, %dma_start3A_485] : memref<32x4x1024x128xf32, #tpu.memory_space<hbm>> -> memref<1x4x1024x128xf32, #tpu.memory_space<hbm>>
    %dma_start3A_487 = tpu.memref_squeeze %dma_start3A_486 : memref<1x4x1024x128xf32, #tpu.memory_space<hbm>> -> memref<4x1024x128xf32, #tpu.memory_space<hbm>>
    %dma_start3A_488 = arith.constant 0 : i32
    %dma_start3A_489 = arith.constant 0 : i32
    %dma_start3A_490 = arith.constant 0 : i32
    %dma_start3A_491 = tpu.memref_slice %arg0[%dma_start3A_478, %dma_start3A_488, %dma_start3A_489, %dma_start3A_490] : memref<32x4x1024x128xf32, #tpu.memory_space<hbm>> -> memref<1x4x1024x128xf32, #tpu.memory_space<hbm>>
    %dma_start3A_492 = tpu.memref_squeeze %dma_start3A_491 : memref<1x4x1024x128xf32, #tpu.memory_space<hbm>> -> memref<4x1024x128xf32, #tpu.memory_space<hbm>>
    tpu.enqueue_dma source(%dma_start3A_492 : memref<4x1024x128xf32, #tpu.memory_space<hbm>>) target(%dma_start3A_487 : memref<4x1024x128xf32, #tpu.memory_space<hbm>>) target_semaphore(%dma_start3A_482 : memref<!tpu.dma_semaphore, #tpu.memory_space<semaphore_mem>>)
    %dma_start3A_493 = arith.constant 30 : i32
    %dma_start3A_494 = arith.constant 30 : i32
    %dma_start3A_495 = arith.constant 0 : i32
    %dma_start3A_496 = tpu.memref_slice %arg11[%dma_start3A_495] : memref<3x!tpu.dma_semaphore, #tpu.memory_space<semaphore_mem>> -> memref<1x!tpu.dma_semaphore, #tpu.memory_space<semaphore_mem>>
    %dma_start3A_497 = tpu.memref_squeeze %dma_start3A_496 : memref<1x!tpu.dma_semaphore, #tpu.memory_space<semaphore_mem>> -> memref<!tpu.dma_semaphore, #tpu.memory_space<semaphore_mem>>
    %dma_start3A_498 = arith.constant 0 : i32
    %dma_start3A_499 = arith.constant 0 : i32
    %dma_start3A_500 = arith.constant 0 : i32
    %dma_start3A_501 = tpu.memref_slice %arg7[%dma_start3A_494, %dma_start3A_498, %dma_start3A_499, %dma_start3A_500] : memref<32x4x1024x128xf32, #tpu.memory_space<hbm>> -> memref<1x4x1024x128xf32, #tpu.memory_space<hbm>>
    %dma_start3A_502 = tpu.memref_squeeze %dma_start3A_501 : memref<1x4x1024x128xf32, #tpu.memory_space<hbm>> -> memref<4x1024x128xf32, #tpu.memory_space<hbm>>
    %dma_start3A_503 = arith.constant 0 : i32
    %dma_start3A_504 = arith.constant 0 : i32
    %dma_start3A_505 = arith.constant 0 : i32
    %dma_start3A_506 = tpu.memref_slice %arg0[%dma_start3A_493, %dma_start3A_503, %dma_start3A_504, %dma_start3A_505] : memref<32x4x1024x128xf32, #tpu.memory_space<hbm>> -> memref<1x4x1024x128xf32, #tpu.memory_space<hbm>>
    %dma_start3A_507 = tpu.memref_squeeze %dma_start3A_506 : memref<1x4x1024x128xf32, #tpu.memory_space<hbm>> -> memref<4x1024x128xf32, #tpu.memory_space<hbm>>
    tpu.enqueue_dma source(%dma_start3A_507 : memref<4x1024x128xf32, #tpu.memory_space<hbm>>) target(%dma_start3A_502 : memref<4x1024x128xf32, #tpu.memory_space<hbm>>) target_semaphore(%dma_start3A_497 : memref<!tpu.dma_semaphore, #tpu.memory_space<semaphore_mem>>)
    %dma_start3A_508 = arith.constant 31 : i32
    %dma_start3A_509 = arith.constant 31 : i32
    %dma_start3A_510 = arith.constant 1 : i32
    %dma_start3A_511 = tpu.memref_slice %arg11[%dma_start3A_510] : memref<3x!tpu.dma_semaphore, #tpu.memory_space<semaphore_mem>> -> memref<1x!tpu.dma_semaphore, #tpu.memory_space<semaphore_mem>>
    %dma_start3A_512 = tpu.memref_squeeze %dma_start3A_511 : memref<1x!tpu.dma_semaphore, #tpu.memory_space<semaphore_mem>> -> memref<!tpu.dma_semaphore, #tpu.memory_space<semaphore_mem>>
    %dma_start3A_513 = arith.constant 0 : i32
    %dma_start3A_514 = arith.constant 0 : i32
    %dma_start3A_515 = arith.constant 0 : i32
    %dma_start3A_516 = tpu.memref_slice %arg7[%dma_start3A_509, %dma_start3A_513, %dma_start3A_514, %dma_start3A_515] : memref<32x4x1024x128xf32, #tpu.memory_space<hbm>> -> memref<1x4x1024x128xf32, #tpu.memory_space<hbm>>
    %dma_start3A_517 = tpu.memref_squeeze %dma_start3A_516 : memref<1x4x1024x128xf32, #tpu.memory_space<hbm>> -> memref<4x1024x128xf32, #tpu.memory_space<hbm>>
    %dma_start3A_518 = arith.constant 0 : i32
    %dma_start3A_519 = arith.constant 0 : i32
    %dma_start3A_520 = arith.constant 0 : i32
    %dma_start3A_521 = tpu.memref_slice %arg0[%dma_start3A_508, %dma_start3A_518, %dma_start3A_519, %dma_start3A_520] : memref<32x4x1024x128xf32, #tpu.memory_space<hbm>> -> memref<1x4x1024x128xf32, #tpu.memory_space<hbm>>
    %dma_start3A_522 = tpu.memref_squeeze %dma_start3A_521 : memref<1x4x1024x128xf32, #tpu.memory_space<hbm>> -> memref<4x1024x128xf32, #tpu.memory_space<hbm>>
    tpu.enqueue_dma source(%dma_start3A_522 : memref<4x1024x128xf32, #tpu.memory_space<hbm>>) target(%dma_start3A_517 : memref<4x1024x128xf32, #tpu.memory_space<hbm>>) target_semaphore(%dma_start3A_512 : memref<!tpu.dma_semaphore, #tpu.memory_space<semaphore_mem>>)
    %dma_wait3A = arith.constant 0 : i32
    %dma_wait3A_523 = arith.constant 0 : i32
    %dma_wait3A_524 = arith.constant 0 : i32
    %dma_wait3A_525 = tpu.memref_slice %arg11[%dma_wait3A_524] : memref<3x!tpu.dma_semaphore, #tpu.memory_space<semaphore_mem>> -> memref<1x!tpu.dma_semaphore, #tpu.memory_space<semaphore_mem>>
    %dma_wait3A_526 = tpu.memref_squeeze %dma_wait3A_525 : memref<1x!tpu.dma_semaphore, #tpu.memory_space<semaphore_mem>> -> memref<!tpu.dma_semaphore, #tpu.memory_space<semaphore_mem>>
    %dma_wait3A_527 = arith.constant 0 : i32
    %dma_wait3A_528 = arith.constant 0 : i32
    %dma_wait3A_529 = arith.constant 0 : i32
    %dma_wait3A_530 = tpu.memref_slice %arg7[%dma_wait3A_523, %dma_wait3A_527, %dma_wait3A_528, %dma_wait3A_529] : memref<32x4x1024x128xf32, #tpu.memory_space<hbm>> -> memref<1x4x1024x128xf32, #tpu.memory_space<hbm>>
    %dma_wait3A_531 = tpu.memref_squeeze %dma_wait3A_530 : memref<1x4x1024x128xf32, #tpu.memory_space<hbm>> -> memref<4x1024x128xf32, #tpu.memory_space<hbm>>
    %dma_wait3A_532 = arith.constant 0 : i32
    %dma_wait3A_533 = arith.constant 0 : i32
    %dma_wait3A_534 = arith.constant 0 : i32
    %dma_wait3A_535 = tpu.memref_slice %arg0[%dma_wait3A, %dma_wait3A_532, %dma_wait3A_533, %dma_wait3A_534] : memref<32x4x1024x128xf32, #tpu.memory_space<hbm>> -> memref<1x4x1024x128xf32, #tpu.memory_space<hbm>>
    %dma_wait3A_536 = tpu.memref_squeeze %dma_wait3A_535 : memref<1x4x1024x128xf32, #tpu.memory_space<hbm>> -> memref<4x1024x128xf32, #tpu.memory_space<hbm>>
    tpu.wait_dma2 semaphore(%dma_wait3A_526 : memref<!tpu.dma_semaphore, #tpu.memory_space<semaphore_mem>>) src(%dma_wait3A_536 : memref<4x1024x128xf32, #tpu.memory_space<hbm>>) dst(%dma_wait3A_531 : memref<4x1024x128xf32, #tpu.memory_space<hbm>>)
    %dma_wait3A_537 = arith.constant 1 : i32
    %dma_wait3A_538 = arith.constant 1 : i32
    %dma_wait3A_539 = arith.constant 1 : i32
    %dma_wait3A_540 = tpu.memref_slice %arg11[%dma_wait3A_539] : memref<3x!tpu.dma_semaphore, #tpu.memory_space<semaphore_mem>> -> memref<1x!tpu.dma_semaphore, #tpu.memory_space<semaphore_mem>>
    %dma_wait3A_541 = tpu.memref_squeeze %dma_wait3A_540 : memref<1x!tpu.dma_semaphore, #tpu.memory_space<semaphore_mem>> -> memref<!tpu.dma_semaphore, #tpu.memory_space<semaphore_mem>>
    %dma_wait3A_542 = arith.constant 0 : i32
    %dma_wait3A_543 = arith.constant 0 : i32
    %dma_wait3A_544 = arith.constant 0 : i32
    %dma_wait3A_545 = tpu.memref_slice %arg7[%dma_wait3A_538, %dma_wait3A_542, %dma_wait3A_543, %dma_wait3A_544] : memref<32x4x1024x128xf32, #tpu.memory_space<hbm>> -> memref<1x4x1024x128xf32, #tpu.memory_space<hbm>>
    %dma_wait3A_546 = tpu.memref_squeeze %dma_wait3A_545 : memref<1x4x1024x128xf32, #tpu.memory_space<hbm>> -> memref<4x1024x128xf32, #tpu.memory_space<hbm>>
    %dma_wait3A_547 = arith.constant 0 : i32
    %dma_wait3A_548 = arith.constant 0 : i32
    %dma_wait3A_549 = arith.constant 0 : i32
    %dma_wait3A_550 = tpu.memref_slice %arg0[%dma_wait3A_537, %dma_wait3A_547, %dma_wait3A_548, %dma_wait3A_549] : memref<32x4x1024x128xf32, #tpu.memory_space<hbm>> -> memref<1x4x1024x128xf32, #tpu.memory_space<hbm>>
    %dma_wait3A_551 = tpu.memref_squeeze %dma_wait3A_550 : memref<1x4x1024x128xf32, #tpu.memory_space<hbm>> -> memref<4x1024x128xf32, #tpu.memory_space<hbm>>
    tpu.wait_dma2 semaphore(%dma_wait3A_541 : memref<!tpu.dma_semaphore, #tpu.memory_space<semaphore_mem>>) src(%dma_wait3A_551 : memref<4x1024x128xf32, #tpu.memory_space<hbm>>) dst(%dma_wait3A_546 : memref<4x1024x128xf32, #tpu.memory_space<hbm>>)
    %dma_wait3A_552 = arith.constant 2 : i32
    %dma_wait3A_553 = arith.constant 2 : i32
    %dma_wait3A_554 = arith.constant 2 : i32
    %dma_wait3A_555 = tpu.memref_slice %arg11[%dma_wait3A_554] : memref<3x!tpu.dma_semaphore, #tpu.memory_space<semaphore_mem>> -> memref<1x!tpu.dma_semaphore, #tpu.memory_space<semaphore_mem>>
    %dma_wait3A_556 = tpu.memref_squeeze %dma_wait3A_555 : memref<1x!tpu.dma_semaphore, #tpu.memory_space<semaphore_mem>> -> memref<!tpu.dma_semaphore, #tpu.memory_space<semaphore_mem>>
    %dma_wait3A_557 = arith.constant 0 : i32
    %dma_wait3A_558 = arith.constant 0 : i32
    %dma_wait3A_559 = arith.constant 0 : i32
    %dma_wait3A_560 = tpu.memref_slice %arg7[%dma_wait3A_553, %dma_wait3A_557, %dma_wait3A_558, %dma_wait3A_559] : memref<32x4x1024x128xf32, #tpu.memory_space<hbm>> -> memref<1x4x1024x128xf32, #tpu.memory_space<hbm>>
    %dma_wait3A_561 = tpu.memref_squeeze %dma_wait3A_560 : memref<1x4x1024x128xf32, #tpu.memory_space<hbm>> -> memref<4x1024x128xf32, #tpu.memory_space<hbm>>
    %dma_wait3A_562 = arith.constant 0 : i32
    %dma_wait3A_563 = arith.constant 0 : i32
    %dma_wait3A_564 = arith.constant 0 : i32
    %dma_wait3A_565 = tpu.memref_slice %arg0[%dma_wait3A_552, %dma_wait3A_562, %dma_wait3A_563, %dma_wait3A_564] : memref<32x4x1024x128xf32, #tpu.memory_space<hbm>> -> memref<1x4x1024x128xf32, #tpu.memory_space<hbm>>
    %dma_wait3A_566 = tpu.memref_squeeze %dma_wait3A_565 : memref<1x4x1024x128xf32, #tpu.memory_space<hbm>> -> memref<4x1024x128xf32, #tpu.memory_space<hbm>>
    tpu.wait_dma2 semaphore(%dma_wait3A_556 : memref<!tpu.dma_semaphore, #tpu.memory_space<semaphore_mem>>) src(%dma_wait3A_566 : memref<4x1024x128xf32, #tpu.memory_space<hbm>>) dst(%dma_wait3A_561 : memref<4x1024x128xf32, #tpu.memory_space<hbm>>)
    %dma_wait3A_567 = arith.constant 3 : i32
    %dma_wait3A_568 = arith.constant 3 : i32
    %dma_wait3A_569 = arith.constant 0 : i32
    %dma_wait3A_570 = tpu.memref_slice %arg11[%dma_wait3A_569] : memref<3x!tpu.dma_semaphore, #tpu.memory_space<semaphore_mem>> -> memref<1x!tpu.dma_semaphore, #tpu.memory_space<semaphore_mem>>
    %dma_wait3A_571 = tpu.memref_squeeze %dma_wait3A_570 : memref<1x!tpu.dma_semaphore, #tpu.memory_space<semaphore_mem>> -> memref<!tpu.dma_semaphore, #tpu.memory_space<semaphore_mem>>
    %dma_wait3A_572 = arith.constant 0 : i32
    %dma_wait3A_573 = arith.constant 0 : i32
    %dma_wait3A_574 = arith.constant 0 : i32
    %dma_wait3A_575 = tpu.memref_slice %arg7[%dma_wait3A_568, %dma_wait3A_572, %dma_wait3A_573, %dma_wait3A_574] : memref<32x4x1024x128xf32, #tpu.memory_space<hbm>> -> memref<1x4x1024x128xf32, #tpu.memory_space<hbm>>
    %dma_wait3A_576 = tpu.memref_squeeze %dma_wait3A_575 : memref<1x4x1024x128xf32, #tpu.memory_space<hbm>> -> memref<4x1024x128xf32, #tpu.memory_space<hbm>>
    %dma_wait3A_577 = arith.constant 0 : i32
    %dma_wait3A_578 = arith.constant 0 : i32
    %dma_wait3A_579 = arith.constant 0 : i32
    %dma_wait3A_580 = tpu.memref_slice %arg0[%dma_wait3A_567, %dma_wait3A_577, %dma_wait3A_578, %dma_wait3A_579] : memref<32x4x1024x128xf32, #tpu.memory_space<hbm>> -> memref<1x4x1024x128xf32, #tpu.memory_space<hbm>>
    %dma_wait3A_581 = tpu.memref_squeeze %dma_wait3A_580 : memref<1x4x1024x128xf32, #tpu.memory_space<hbm>> -> memref<4x1024x128xf32, #tpu.memory_space<hbm>>
    tpu.wait_dma2 semaphore(%dma_wait3A_571 : memref<!tpu.dma_semaphore, #tpu.memory_space<semaphore_mem>>) src(%dma_wait3A_581 : memref<4x1024x128xf32, #tpu.memory_space<hbm>>) dst(%dma_wait3A_576 : memref<4x1024x128xf32, #tpu.memory_space<hbm>>)
    %dma_wait3A_582 = arith.constant 4 : i32
    %dma_wait3A_583 = arith.constant 4 : i32
    %dma_wait3A_584 = arith.constant 1 : i32
    %dma_wait3A_585 = tpu.memref_slice %arg11[%dma_wait3A_584] : memref<3x!tpu.dma_semaphore, #tpu.memory_space<semaphore_mem>> -> memref<1x!tpu.dma_semaphore, #tpu.memory_space<semaphore_mem>>
    %dma_wait3A_586 = tpu.memref_squeeze %dma_wait3A_585 : memref<1x!tpu.dma_semaphore, #tpu.memory_space<semaphore_mem>> -> memref<!tpu.dma_semaphore, #tpu.memory_space<semaphore_mem>>
    %dma_wait3A_587 = arith.constant 0 : i32
    %dma_wait3A_588 = arith.constant 0 : i32
    %dma_wait3A_589 = arith.constant 0 : i32
    %dma_wait3A_590 = tpu.memref_slice %arg7[%dma_wait3A_583, %dma_wait3A_587, %dma_wait3A_588, %dma_wait3A_589] : memref<32x4x1024x128xf32, #tpu.memory_space<hbm>> -> memref<1x4x1024x128xf32, #tpu.memory_space<hbm>>
    %dma_wait3A_591 = tpu.memref_squeeze %dma_wait3A_590 : memref<1x4x1024x128xf32, #tpu.memory_space<hbm>> -> memref<4x1024x128xf32, #tpu.memory_space<hbm>>
    %dma_wait3A_592 = arith.constant 0 : i32
    %dma_wait3A_593 = arith.constant 0 : i32
    %dma_wait3A_594 = arith.constant 0 : i32
    %dma_wait3A_595 = tpu.memref_slice %arg0[%dma_wait3A_582, %dma_wait3A_592, %dma_wait3A_593, %dma_wait3A_594] : memref<32x4x1024x128xf32, #tpu.memory_space<hbm>> -> memref<1x4x1024x128xf32, #tpu.memory_space<hbm>>
    %dma_wait3A_596 = tpu.memref_squeeze %dma_wait3A_595 : memref<1x4x1024x128xf32, #tpu.memory_space<hbm>> -> memref<4x1024x128xf32, #tpu.memory_space<hbm>>
    tpu.wait_dma2 semaphore(%dma_wait3A_586 : memref<!tpu.dma_semaphore, #tpu.memory_space<semaphore_mem>>) src(%dma_wait3A_596 : memref<4x1024x128xf32, #tpu.memory_space<hbm>>) dst(%dma_wait3A_591 : memref<4x1024x128xf32, #tpu.memory_space<hbm>>)
    %dma_wait3A_597 = arith.constant 5 : i32
    %dma_wait3A_598 = arith.constant 5 : i32
    %dma_wait3A_599 = arith.constant 2 : i32
    %dma_wait3A_600 = tpu.memref_slice %arg11[%dma_wait3A_599] : memref<3x!tpu.dma_semaphore, #tpu.memory_space<semaphore_mem>> -> memref<1x!tpu.dma_semaphore, #tpu.memory_space<semaphore_mem>>
    %dma_wait3A_601 = tpu.memref_squeeze %dma_wait3A_600 : memref<1x!tpu.dma_semaphore, #tpu.memory_space<semaphore_mem>> -> memref<!tpu.dma_semaphore, #tpu.memory_space<semaphore_mem>>
    %dma_wait3A_602 = arith.constant 0 : i32
    %dma_wait3A_603 = arith.constant 0 : i32
    %dma_wait3A_604 = arith.constant 0 : i32
    %dma_wait3A_605 = tpu.memref_slice %arg7[%dma_wait3A_598, %dma_wait3A_602, %dma_wait3A_603, %dma_wait3A_604] : memref<32x4x1024x128xf32, #tpu.memory_space<hbm>> -> memref<1x4x1024x128xf32, #tpu.memory_space<hbm>>
    %dma_wait3A_606 = tpu.memref_squeeze %dma_wait3A_605 : memref<1x4x1024x128xf32, #tpu.memory_space<hbm>> -> memref<4x1024x128xf32, #tpu.memory_space<hbm>>
    %dma_wait3A_607 = arith.constant 0 : i32
    %dma_wait3A_608 = arith.constant 0 : i32
    %dma_wait3A_609 = arith.constant 0 : i32
    %dma_wait3A_610 = tpu.memref_slice %arg0[%dma_wait3A_597, %dma_wait3A_607, %dma_wait3A_608, %dma_wait3A_609] : memref<32x4x1024x128xf32, #tpu.memory_space<hbm>> -> memref<1x4x1024x128xf32, #tpu.memory_space<hbm>>
    %dma_wait3A_611 = tpu.memref_squeeze %dma_wait3A_610 : memref<1x4x1024x128xf32, #tpu.memory_space<hbm>> -> memref<4x1024x128xf32, #tpu.memory_space<hbm>>
    tpu.wait_dma2 semaphore(%dma_wait3A_601 : memref<!tpu.dma_semaphore, #tpu.memory_space<semaphore_mem>>) src(%dma_wait3A_611 : memref<4x1024x128xf32, #tpu.memory_space<hbm>>) dst(%dma_wait3A_606 : memref<4x1024x128xf32, #tpu.memory_space<hbm>>)
    %dma_wait3A_612 = arith.constant 6 : i32
    %dma_wait3A_613 = arith.constant 6 : i32
    %dma_wait3A_614 = arith.constant 0 : i32
    %dma_wait3A_615 = tpu.memref_slice %arg11[%dma_wait3A_614] : memref<3x!tpu.dma_semaphore, #tpu.memory_space<semaphore_mem>> -> memref<1x!tpu.dma_semaphore, #tpu.memory_space<semaphore_mem>>
    %dma_wait3A_616 = tpu.memref_squeeze %dma_wait3A_615 : memref<1x!tpu.dma_semaphore, #tpu.memory_space<semaphore_mem>> -> memref<!tpu.dma_semaphore, #tpu.memory_space<semaphore_mem>>
    %dma_wait3A_617 = arith.constant 0 : i32
    %dma_wait3A_618 = arith.constant 0 : i32
    %dma_wait3A_619 = arith.constant 0 : i32
    %dma_wait3A_620 = tpu.memref_slice %arg7[%dma_wait3A_613, %dma_wait3A_617, %dma_wait3A_618, %dma_wait3A_619] : memref<32x4x1024x128xf32, #tpu.memory_space<hbm>> -> memref<1x4x1024x128xf32, #tpu.memory_space<hbm>>
    %dma_wait3A_621 = tpu.memref_squeeze %dma_wait3A_620 : memref<1x4x1024x128xf32, #tpu.memory_space<hbm>> -> memref<4x1024x128xf32, #tpu.memory_space<hbm>>
    %dma_wait3A_622 = arith.constant 0 : i32
    %dma_wait3A_623 = arith.constant 0 : i32
    %dma_wait3A_624 = arith.constant 0 : i32
    %dma_wait3A_625 = tpu.memref_slice %arg0[%dma_wait3A_612, %dma_wait3A_622, %dma_wait3A_623, %dma_wait3A_624] : memref<32x4x1024x128xf32, #tpu.memory_space<hbm>> -> memref<1x4x1024x128xf32, #tpu.memory_space<hbm>>
    %dma_wait3A_626 = tpu.memref_squeeze %dma_wait3A_625 : memref<1x4x1024x128xf32, #tpu.memory_space<hbm>> -> memref<4x1024x128xf32, #tpu.memory_space<hbm>>
    tpu.wait_dma2 semaphore(%dma_wait3A_616 : memref<!tpu.dma_semaphore, #tpu.memory_space<semaphore_mem>>) src(%dma_wait3A_626 : memref<4x1024x128xf32, #tpu.memory_space<hbm>>) dst(%dma_wait3A_621 : memref<4x1024x128xf32, #tpu.memory_space<hbm>>)
    %dma_wait3A_627 = arith.constant 7 : i32
    %dma_wait3A_628 = arith.constant 7 : i32
    %dma_wait3A_629 = arith.constant 1 : i32
    %dma_wait3A_630 = tpu.memref_slice %arg11[%dma_wait3A_629] : memref<3x!tpu.dma_semaphore, #tpu.memory_space<semaphore_mem>> -> memref<1x!tpu.dma_semaphore, #tpu.memory_space<semaphore_mem>>
    %dma_wait3A_631 = tpu.memref_squeeze %dma_wait3A_630 : memref<1x!tpu.dma_semaphore, #tpu.memory_space<semaphore_mem>> -> memref<!tpu.dma_semaphore, #tpu.memory_space<semaphore_mem>>
    %dma_wait3A_632 = arith.constant 0 : i32
    %dma_wait3A_633 = arith.constant 0 : i32
    %dma_wait3A_634 = arith.constant 0 : i32
    %dma_wait3A_635 = tpu.memref_slice %arg7[%dma_wait3A_628, %dma_wait3A_632, %dma_wait3A_633, %dma_wait3A_634] : memref<32x4x1024x128xf32, #tpu.memory_space<hbm>> -> memref<1x4x1024x128xf32, #tpu.memory_space<hbm>>
    %dma_wait3A_636 = tpu.memref_squeeze %dma_wait3A_635 : memref<1x4x1024x128xf32, #tpu.memory_space<hbm>> -> memref<4x1024x128xf32, #tpu.memory_space<hbm>>
    %dma_wait3A_637 = arith.constant 0 : i32
    %dma_wait3A_638 = arith.constant 0 : i32
    %dma_wait3A_639 = arith.constant 0 : i32
    %dma_wait3A_640 = tpu.memref_slice %arg0[%dma_wait3A_627, %dma_wait3A_637, %dma_wait3A_638, %dma_wait3A_639] : memref<32x4x1024x128xf32, #tpu.memory_space<hbm>> -> memref<1x4x1024x128xf32, #tpu.memory_space<hbm>>
    %dma_wait3A_641 = tpu.memref_squeeze %dma_wait3A_640 : memref<1x4x1024x128xf32, #tpu.memory_space<hbm>> -> memref<4x1024x128xf32, #tpu.memory_space<hbm>>
    tpu.wait_dma2 semaphore(%dma_wait3A_631 : memref<!tpu.dma_semaphore, #tpu.memory_space<semaphore_mem>>) src(%dma_wait3A_641 : memref<4x1024x128xf32, #tpu.memory_space<hbm>>) dst(%dma_wait3A_636 : memref<4x1024x128xf32, #tpu.memory_space<hbm>>)
    %dma_wait3A_642 = arith.constant 8 : i32
    %dma_wait3A_643 = arith.constant 8 : i32
    %dma_wait3A_644 = arith.constant 2 : i32
    %dma_wait3A_645 = tpu.memref_slice %arg11[%dma_wait3A_644] : memref<3x!tpu.dma_semaphore, #tpu.memory_space<semaphore_mem>> -> memref<1x!tpu.dma_semaphore, #tpu.memory_space<semaphore_mem>>
    %dma_wait3A_646 = tpu.memref_squeeze %dma_wait3A_645 : memref<1x!tpu.dma_semaphore, #tpu.memory_space<semaphore_mem>> -> memref<!tpu.dma_semaphore, #tpu.memory_space<semaphore_mem>>
    %dma_wait3A_647 = arith.constant 0 : i32
    %dma_wait3A_648 = arith.constant 0 : i32
    %dma_wait3A_649 = arith.constant 0 : i32
    %dma_wait3A_650 = tpu.memref_slice %arg7[%dma_wait3A_643, %dma_wait3A_647, %dma_wait3A_648, %dma_wait3A_649] : memref<32x4x1024x128xf32, #tpu.memory_space<hbm>> -> memref<1x4x1024x128xf32, #tpu.memory_space<hbm>>
    %dma_wait3A_651 = tpu.memref_squeeze %dma_wait3A_650 : memref<1x4x1024x128xf32, #tpu.memory_space<hbm>> -> memref<4x1024x128xf32, #tpu.memory_space<hbm>>
    %dma_wait3A_652 = arith.constant 0 : i32
    %dma_wait3A_653 = arith.constant 0 : i32
    %dma_wait3A_654 = arith.constant 0 : i32
    %dma_wait3A_655 = tpu.memref_slice %arg0[%dma_wait3A_642, %dma_wait3A_652, %dma_wait3A_653, %dma_wait3A_654] : memref<32x4x1024x128xf32, #tpu.memory_space<hbm>> -> memref<1x4x1024x128xf32, #tpu.memory_space<hbm>>
    %dma_wait3A_656 = tpu.memref_squeeze %dma_wait3A_655 : memref<1x4x1024x128xf32, #tpu.memory_space<hbm>> -> memref<4x1024x128xf32, #tpu.memory_space<hbm>>
    tpu.wait_dma2 semaphore(%dma_wait3A_646 : memref<!tpu.dma_semaphore, #tpu.memory_space<semaphore_mem>>) src(%dma_wait3A_656 : memref<4x1024x128xf32, #tpu.memory_space<hbm>>) dst(%dma_wait3A_651 : memref<4x1024x128xf32, #tpu.memory_space<hbm>>)
    %dma_wait3A_657 = arith.constant 9 : i32
    %dma_wait3A_658 = arith.constant 9 : i32
    %dma_wait3A_659 = arith.constant 0 : i32
    %dma_wait3A_660 = tpu.memref_slice %arg11[%dma_wait3A_659] : memref<3x!tpu.dma_semaphore, #tpu.memory_space<semaphore_mem>> -> memref<1x!tpu.dma_semaphore, #tpu.memory_space<semaphore_mem>>
    %dma_wait3A_661 = tpu.memref_squeeze %dma_wait3A_660 : memref<1x!tpu.dma_semaphore, #tpu.memory_space<semaphore_mem>> -> memref<!tpu.dma_semaphore, #tpu.memory_space<semaphore_mem>>
    %dma_wait3A_662 = arith.constant 0 : i32
    %dma_wait3A_663 = arith.constant 0 : i32
    %dma_wait3A_664 = arith.constant 0 : i32
    %dma_wait3A_665 = tpu.memref_slice %arg7[%dma_wait3A_658, %dma_wait3A_662, %dma_wait3A_663, %dma_wait3A_664] : memref<32x4x1024x128xf32, #tpu.memory_space<hbm>> -> memref<1x4x1024x128xf32, #tpu.memory_space<hbm>>
    %dma_wait3A_666 = tpu.memref_squeeze %dma_wait3A_665 : memref<1x4x1024x128xf32, #tpu.memory_space<hbm>> -> memref<4x1024x128xf32, #tpu.memory_space<hbm>>
    %dma_wait3A_667 = arith.constant 0 : i32
    %dma_wait3A_668 = arith.constant 0 : i32
    %dma_wait3A_669 = arith.constant 0 : i32
    %dma_wait3A_670 = tpu.memref_slice %arg0[%dma_wait3A_657, %dma_wait3A_667, %dma_wait3A_668, %dma_wait3A_669] : memref<32x4x1024x128xf32, #tpu.memory_space<hbm>> -> memref<1x4x1024x128xf32, #tpu.memory_space<hbm>>
    %dma_wait3A_671 = tpu.memref_squeeze %dma_wait3A_670 : memref<1x4x1024x128xf32, #tpu.memory_space<hbm>> -> memref<4x1024x128xf32, #tpu.memory_space<hbm>>
    tpu.wait_dma2 semaphore(%dma_wait3A_661 : memref<!tpu.dma_semaphore, #tpu.memory_space<semaphore_mem>>) src(%dma_wait3A_671 : memref<4x1024x128xf32, #tpu.memory_space<hbm>>) dst(%dma_wait3A_666 : memref<4x1024x128xf32, #tpu.memory_space<hbm>>)
    %dma_wait3A_672 = arith.constant 10 : i32
    %dma_wait3A_673 = arith.constant 10 : i32
    %dma_wait3A_674 = arith.constant 1 : i32
    %dma_wait3A_675 = tpu.memref_slice %arg11[%dma_wait3A_674] : memref<3x!tpu.dma_semaphore, #tpu.memory_space<semaphore_mem>> -> memref<1x!tpu.dma_semaphore, #tpu.memory_space<semaphore_mem>>
    %dma_wait3A_676 = tpu.memref_squeeze %dma_wait3A_675 : memref<1x!tpu.dma_semaphore, #tpu.memory_space<semaphore_mem>> -> memref<!tpu.dma_semaphore, #tpu.memory_space<semaphore_mem>>
    %dma_wait3A_677 = arith.constant 0 : i32
    %dma_wait3A_678 = arith.constant 0 : i32
    %dma_wait3A_679 = arith.constant 0 : i32
    %dma_wait3A_680 = tpu.memref_slice %arg7[%dma_wait3A_673, %dma_wait3A_677, %dma_wait3A_678, %dma_wait3A_679] : memref<32x4x1024x128xf32, #tpu.memory_space<hbm>> -> memref<1x4x1024x128xf32, #tpu.memory_space<hbm>>
    %dma_wait3A_681 = tpu.memref_squeeze %dma_wait3A_680 : memref<1x4x1024x128xf32, #tpu.memory_space<hbm>> -> memref<4x1024x128xf32, #tpu.memory_space<hbm>>
    %dma_wait3A_682 = arith.constant 0 : i32
    %dma_wait3A_683 = arith.constant 0 : i32
    %dma_wait3A_684 = arith.constant 0 : i32
    %dma_wait3A_685 = tpu.memref_slice %arg0[%dma_wait3A_672, %dma_wait3A_682, %dma_wait3A_683, %dma_wait3A_684] : memref<32x4x1024x128xf32, #tpu.memory_space<hbm>> -> memref<1x4x1024x128xf32, #tpu.memory_space<hbm>>
    %dma_wait3A_686 = tpu.memref_squeeze %dma_wait3A_685 : memref<1x4x1024x128xf32, #tpu.memory_space<hbm>> -> memref<4x1024x128xf32, #tpu.memory_space<hbm>>
    tpu.wait_dma2 semaphore(%dma_wait3A_676 : memref<!tpu.dma_semaphore, #tpu.memory_space<semaphore_mem>>) src(%dma_wait3A_686 : memref<4x1024x128xf32, #tpu.memory_space<hbm>>) dst(%dma_wait3A_681 : memref<4x1024x128xf32, #tpu.memory_space<hbm>>)
    %dma_wait3A_687 = arith.constant 11 : i32
    %dma_wait3A_688 = arith.constant 11 : i32
    %dma_wait3A_689 = arith.constant 2 : i32
    %dma_wait3A_690 = tpu.memref_slice %arg11[%dma_wait3A_689] : memref<3x!tpu.dma_semaphore, #tpu.memory_space<semaphore_mem>> -> memref<1x!tpu.dma_semaphore, #tpu.memory_space<semaphore_mem>>
    %dma_wait3A_691 = tpu.memref_squeeze %dma_wait3A_690 : memref<1x!tpu.dma_semaphore, #tpu.memory_space<semaphore_mem>> -> memref<!tpu.dma_semaphore, #tpu.memory_space<semaphore_mem>>
    %dma_wait3A_692 = arith.constant 0 : i32
    %dma_wait3A_693 = arith.constant 0 : i32
    %dma_wait3A_694 = arith.constant 0 : i32
    %dma_wait3A_695 = tpu.memref_slice %arg7[%dma_wait3A_688, %dma_wait3A_692, %dma_wait3A_693, %dma_wait3A_694] : memref<32x4x1024x128xf32, #tpu.memory_space<hbm>> -> memref<1x4x1024x128xf32, #tpu.memory_space<hbm>>
    %dma_wait3A_696 = tpu.memref_squeeze %dma_wait3A_695 : memref<1x4x1024x128xf32, #tpu.memory_space<hbm>> -> memref<4x1024x128xf32, #tpu.memory_space<hbm>>
    %dma_wait3A_697 = arith.constant 0 : i32
    %dma_wait3A_698 = arith.constant 0 : i32
    %dma_wait3A_699 = arith.constant 0 : i32
    %dma_wait3A_700 = tpu.memref_slice %arg0[%dma_wait3A_687, %dma_wait3A_697, %dma_wait3A_698, %dma_wait3A_699] : memref<32x4x1024x128xf32, #tpu.memory_space<hbm>> -> memref<1x4x1024x128xf32, #tpu.memory_space<hbm>>
    %dma_wait3A_701 = tpu.memref_squeeze %dma_wait3A_700 : memref<1x4x1024x128xf32, #tpu.memory_space<hbm>> -> memref<4x1024x128xf32, #tpu.memory_space<hbm>>
    tpu.wait_dma2 semaphore(%dma_wait3A_691 : memref<!tpu.dma_semaphore, #tpu.memory_space<semaphore_mem>>) src(%dma_wait3A_701 : memref<4x1024x128xf32, #tpu.memory_space<hbm>>) dst(%dma_wait3A_696 : memref<4x1024x128xf32, #tpu.memory_space<hbm>>)
    %dma_wait3A_702 = arith.constant 12 : i32
    %dma_wait3A_703 = arith.constant 12 : i32
    %dma_wait3A_704 = arith.constant 0 : i32
    %dma_wait3A_705 = tpu.memref_slice %arg11[%dma_wait3A_704] : memref<3x!tpu.dma_semaphore, #tpu.memory_space<semaphore_mem>> -> memref<1x!tpu.dma_semaphore, #tpu.memory_space<semaphore_mem>>
    %dma_wait3A_706 = tpu.memref_squeeze %dma_wait3A_705 : memref<1x!tpu.dma_semaphore, #tpu.memory_space<semaphore_mem>> -> memref<!tpu.dma_semaphore, #tpu.memory_space<semaphore_mem>>
    %dma_wait3A_707 = arith.constant 0 : i32
    %dma_wait3A_708 = arith.constant 0 : i32
    %dma_wait3A_709 = arith.constant 0 : i32
    %dma_wait3A_710 = tpu.memref_slice %arg7[%dma_wait3A_703, %dma_wait3A_707, %dma_wait3A_708, %dma_wait3A_709] : memref<32x4x1024x128xf32, #tpu.memory_space<hbm>> -> memref<1x4x1024x128xf32, #tpu.memory_space<hbm>>
    %dma_wait3A_711 = tpu.memref_squeeze %dma_wait3A_710 : memref<1x4x1024x128xf32, #tpu.memory_space<hbm>> -> memref<4x1024x128xf32, #tpu.memory_space<hbm>>
    %dma_wait3A_712 = arith.constant 0 : i32
    %dma_wait3A_713 = arith.constant 0 : i32
    %dma_wait3A_714 = arith.constant 0 : i32
    %dma_wait3A_715 = tpu.memref_slice %arg0[%dma_wait3A_702, %dma_wait3A_712, %dma_wait3A_713, %dma_wait3A_714] : memref<32x4x1024x128xf32, #tpu.memory_space<hbm>> -> memref<1x4x1024x128xf32, #tpu.memory_space<hbm>>
    %dma_wait3A_716 = tpu.memref_squeeze %dma_wait3A_715 : memref<1x4x1024x128xf32, #tpu.memory_space<hbm>> -> memref<4x1024x128xf32, #tpu.memory_space<hbm>>
    tpu.wait_dma2 semaphore(%dma_wait3A_706 : memref<!tpu.dma_semaphore, #tpu.memory_space<semaphore_mem>>) src(%dma_wait3A_716 : memref<4x1024x128xf32, #tpu.memory_space<hbm>>) dst(%dma_wait3A_711 : memref<4x1024x128xf32, #tpu.memory_space<hbm>>)
    %dma_wait3A_717 = arith.constant 13 : i32
    %dma_wait3A_718 = arith.constant 13 : i32
    %dma_wait3A_719 = arith.constant 1 : i32
    %dma_wait3A_720 = tpu.memref_slice %arg11[%dma_wait3A_719] : memref<3x!tpu.dma_semaphore, #tpu.memory_space<semaphore_mem>> -> memref<1x!tpu.dma_semaphore, #tpu.memory_space<semaphore_mem>>
    %dma_wait3A_721 = tpu.memref_squeeze %dma_wait3A_720 : memref<1x!tpu.dma_semaphore, #tpu.memory_space<semaphore_mem>> -> memref<!tpu.dma_semaphore, #tpu.memory_space<semaphore_mem>>
    %dma_wait3A_722 = arith.constant 0 : i32
    %dma_wait3A_723 = arith.constant 0 : i32
    %dma_wait3A_724 = arith.constant 0 : i32
    %dma_wait3A_725 = tpu.memref_slice %arg7[%dma_wait3A_718, %dma_wait3A_722, %dma_wait3A_723, %dma_wait3A_724] : memref<32x4x1024x128xf32, #tpu.memory_space<hbm>> -> memref<1x4x1024x128xf32, #tpu.memory_space<hbm>>
    %dma_wait3A_726 = tpu.memref_squeeze %dma_wait3A_725 : memref<1x4x1024x128xf32, #tpu.memory_space<hbm>> -> memref<4x1024x128xf32, #tpu.memory_space<hbm>>
    %dma_wait3A_727 = arith.constant 0 : i32
    %dma_wait3A_728 = arith.constant 0 : i32
    %dma_wait3A_729 = arith.constant 0 : i32
    %dma_wait3A_730 = tpu.memref_slice %arg0[%dma_wait3A_717, %dma_wait3A_727, %dma_wait3A_728, %dma_wait3A_729] : memref<32x4x1024x128xf32, #tpu.memory_space<hbm>> -> memref<1x4x1024x128xf32, #tpu.memory_space<hbm>>
    %dma_wait3A_731 = tpu.memref_squeeze %dma_wait3A_730 : memref<1x4x1024x128xf32, #tpu.memory_space<hbm>> -> memref<4x1024x128xf32, #tpu.memory_space<hbm>>
    tpu.wait_dma2 semaphore(%dma_wait3A_721 : memref<!tpu.dma_semaphore, #tpu.memory_space<semaphore_mem>>) src(%dma_wait3A_731 : memref<4x1024x128xf32, #tpu.memory_space<hbm>>) dst(%dma_wait3A_726 : memref<4x1024x128xf32, #tpu.memory_space<hbm>>)
    %dma_wait3A_732 = arith.constant 14 : i32
    %dma_wait3A_733 = arith.constant 14 : i32
    %dma_wait3A_734 = arith.constant 2 : i32
    %dma_wait3A_735 = tpu.memref_slice %arg11[%dma_wait3A_734] : memref<3x!tpu.dma_semaphore, #tpu.memory_space<semaphore_mem>> -> memref<1x!tpu.dma_semaphore, #tpu.memory_space<semaphore_mem>>
    %dma_wait3A_736 = tpu.memref_squeeze %dma_wait3A_735 : memref<1x!tpu.dma_semaphore, #tpu.memory_space<semaphore_mem>> -> memref<!tpu.dma_semaphore, #tpu.memory_space<semaphore_mem>>
    %dma_wait3A_737 = arith.constant 0 : i32
    %dma_wait3A_738 = arith.constant 0 : i32
    %dma_wait3A_739 = arith.constant 0 : i32
    %dma_wait3A_740 = tpu.memref_slice %arg7[%dma_wait3A_733, %dma_wait3A_737, %dma_wait3A_738, %dma_wait3A_739] : memref<32x4x1024x128xf32, #tpu.memory_space<hbm>> -> memref<1x4x1024x128xf32, #tpu.memory_space<hbm>>
    %dma_wait3A_741 = tpu.memref_squeeze %dma_wait3A_740 : memref<1x4x1024x128xf32, #tpu.memory_space<hbm>> -> memref<4x1024x128xf32, #tpu.memory_space<hbm>>
    %dma_wait3A_742 = arith.constant 0 : i32
    %dma_wait3A_743 = arith.constant 0 : i32
    %dma_wait3A_744 = arith.constant 0 : i32
    %dma_wait3A_745 = tpu.memref_slice %arg0[%dma_wait3A_732, %dma_wait3A_742, %dma_wait3A_743, %dma_wait3A_744] : memref<32x4x1024x128xf32, #tpu.memory_space<hbm>> -> memref<1x4x1024x128xf32, #tpu.memory_space<hbm>>
    %dma_wait3A_746 = tpu.memref_squeeze %dma_wait3A_745 : memref<1x4x1024x128xf32, #tpu.memory_space<hbm>> -> memref<4x1024x128xf32, #tpu.memory_space<hbm>>
    tpu.wait_dma2 semaphore(%dma_wait3A_736 : memref<!tpu.dma_semaphore, #tpu.memory_space<semaphore_mem>>) src(%dma_wait3A_746 : memref<4x1024x128xf32, #tpu.memory_space<hbm>>) dst(%dma_wait3A_741 : memref<4x1024x128xf32, #tpu.memory_space<hbm>>)
    %dma_wait3A_747 = arith.constant 15 : i32
    %dma_wait3A_748 = arith.constant 15 : i32
    %dma_wait3A_749 = arith.constant 0 : i32
    %dma_wait3A_750 = tpu.memref_slice %arg11[%dma_wait3A_749] : memref<3x!tpu.dma_semaphore, #tpu.memory_space<semaphore_mem>> -> memref<1x!tpu.dma_semaphore, #tpu.memory_space<semaphore_mem>>
    %dma_wait3A_751 = tpu.memref_squeeze %dma_wait3A_750 : memref<1x!tpu.dma_semaphore, #tpu.memory_space<semaphore_mem>> -> memref<!tpu.dma_semaphore, #tpu.memory_space<semaphore_mem>>
    %dma_wait3A_752 = arith.constant 0 : i32
    %dma_wait3A_753 = arith.constant 0 : i32
    %dma_wait3A_754 = arith.constant 0 : i32
    %dma_wait3A_755 = tpu.memref_slice %arg7[%dma_wait3A_748, %dma_wait3A_752, %dma_wait3A_753, %dma_wait3A_754] : memref<32x4x1024x128xf32, #tpu.memory_space<hbm>> -> memref<1x4x1024x128xf32, #tpu.memory_space<hbm>>
    %dma_wait3A_756 = tpu.memref_squeeze %dma_wait3A_755 : memref<1x4x1024x128xf32, #tpu.memory_space<hbm>> -> memref<4x1024x128xf32, #tpu.memory_space<hbm>>
    %dma_wait3A_757 = arith.constant 0 : i32
    %dma_wait3A_758 = arith.constant 0 : i32
    %dma_wait3A_759 = arith.constant 0 : i32
    %dma_wait3A_760 = tpu.memref_slice %arg0[%dma_wait3A_747, %dma_wait3A_757, %dma_wait3A_758, %dma_wait3A_759] : memref<32x4x1024x128xf32, #tpu.memory_space<hbm>> -> memref<1x4x1024x128xf32, #tpu.memory_space<hbm>>
    %dma_wait3A_761 = tpu.memref_squeeze %dma_wait3A_760 : memref<1x4x1024x128xf32, #tpu.memory_space<hbm>> -> memref<4x1024x128xf32, #tpu.memory_space<hbm>>
    tpu.wait_dma2 semaphore(%dma_wait3A_751 : memref<!tpu.dma_semaphore, #tpu.memory_space<semaphore_mem>>) src(%dma_wait3A_761 : memref<4x1024x128xf32, #tpu.memory_space<hbm>>) dst(%dma_wait3A_756 : memref<4x1024x128xf32, #tpu.memory_space<hbm>>)
    %dma_wait3A_762 = arith.constant 16 : i32
    %dma_wait3A_763 = arith.constant 16 : i32
    %dma_wait3A_764 = arith.constant 1 : i32
    %dma_wait3A_765 = tpu.memref_slice %arg11[%dma_wait3A_764] : memref<3x!tpu.dma_semaphore, #tpu.memory_space<semaphore_mem>> -> memref<1x!tpu.dma_semaphore, #tpu.memory_space<semaphore_mem>>
    %dma_wait3A_766 = tpu.memref_squeeze %dma_wait3A_765 : memref<1x!tpu.dma_semaphore, #tpu.memory_space<semaphore_mem>> -> memref<!tpu.dma_semaphore, #tpu.memory_space<semaphore_mem>>
    %dma_wait3A_767 = arith.constant 0 : i32
    %dma_wait3A_768 = arith.constant 0 : i32
    %dma_wait3A_769 = arith.constant 0 : i32
    %dma_wait3A_770 = tpu.memref_slice %arg7[%dma_wait3A_763, %dma_wait3A_767, %dma_wait3A_768, %dma_wait3A_769] : memref<32x4x1024x128xf32, #tpu.memory_space<hbm>> -> memref<1x4x1024x128xf32, #tpu.memory_space<hbm>>
    %dma_wait3A_771 = tpu.memref_squeeze %dma_wait3A_770 : memref<1x4x1024x128xf32, #tpu.memory_space<hbm>> -> memref<4x1024x128xf32, #tpu.memory_space<hbm>>
    %dma_wait3A_772 = arith.constant 0 : i32
    %dma_wait3A_773 = arith.constant 0 : i32
    %dma_wait3A_774 = arith.constant 0 : i32
    %dma_wait3A_775 = tpu.memref_slice %arg0[%dma_wait3A_762, %dma_wait3A_772, %dma_wait3A_773, %dma_wait3A_774] : memref<32x4x1024x128xf32, #tpu.memory_space<hbm>> -> memref<1x4x1024x128xf32, #tpu.memory_space<hbm>>
    %dma_wait3A_776 = tpu.memref_squeeze %dma_wait3A_775 : memref<1x4x1024x128xf32, #tpu.memory_space<hbm>> -> memref<4x1024x128xf32, #tpu.memory_space<hbm>>
    tpu.wait_dma2 semaphore(%dma_wait3A_766 : memref<!tpu.dma_semaphore, #tpu.memory_space<semaphore_mem>>) src(%dma_wait3A_776 : memref<4x1024x128xf32, #tpu.memory_space<hbm>>) dst(%dma_wait3A_771 : memref<4x1024x128xf32, #tpu.memory_space<hbm>>)
    %dma_wait3A_777 = arith.constant 17 : i32
    %dma_wait3A_778 = arith.constant 17 : i32
    %dma_wait3A_779 = arith.constant 2 : i32
    %dma_wait3A_780 = tpu.memref_slice %arg11[%dma_wait3A_779] : memref<3x!tpu.dma_semaphore, #tpu.memory_space<semaphore_mem>> -> memref<1x!tpu.dma_semaphore, #tpu.memory_space<semaphore_mem>>
    %dma_wait3A_781 = tpu.memref_squeeze %dma_wait3A_780 : memref<1x!tpu.dma_semaphore, #tpu.memory_space<semaphore_mem>> -> memref<!tpu.dma_semaphore, #tpu.memory_space<semaphore_mem>>
    %dma_wait3A_782 = arith.constant 0 : i32
    %dma_wait3A_783 = arith.constant 0 : i32
    %dma_wait3A_784 = arith.constant 0 : i32
    %dma_wait3A_785 = tpu.memref_slice %arg7[%dma_wait3A_778, %dma_wait3A_782, %dma_wait3A_783, %dma_wait3A_784] : memref<32x4x1024x128xf32, #tpu.memory_space<hbm>> -> memref<1x4x1024x128xf32, #tpu.memory_space<hbm>>
    %dma_wait3A_786 = tpu.memref_squeeze %dma_wait3A_785 : memref<1x4x1024x128xf32, #tpu.memory_space<hbm>> -> memref<4x1024x128xf32, #tpu.memory_space<hbm>>
    %dma_wait3A_787 = arith.constant 0 : i32
    %dma_wait3A_788 = arith.constant 0 : i32
    %dma_wait3A_789 = arith.constant 0 : i32
    %dma_wait3A_790 = tpu.memref_slice %arg0[%dma_wait3A_777, %dma_wait3A_787, %dma_wait3A_788, %dma_wait3A_789] : memref<32x4x1024x128xf32, #tpu.memory_space<hbm>> -> memref<1x4x1024x128xf32, #tpu.memory_space<hbm>>
    %dma_wait3A_791 = tpu.memref_squeeze %dma_wait3A_790 : memref<1x4x1024x128xf32, #tpu.memory_space<hbm>> -> memref<4x1024x128xf32, #tpu.memory_space<hbm>>
    tpu.wait_dma2 semaphore(%dma_wait3A_781 : memref<!tpu.dma_semaphore, #tpu.memory_space<semaphore_mem>>) src(%dma_wait3A_791 : memref<4x1024x128xf32, #tpu.memory_space<hbm>>) dst(%dma_wait3A_786 : memref<4x1024x128xf32, #tpu.memory_space<hbm>>)
    %dma_wait3A_792 = arith.constant 18 : i32
    %dma_wait3A_793 = arith.constant 18 : i32
    %dma_wait3A_794 = arith.constant 0 : i32
    %dma_wait3A_795 = tpu.memref_slice %arg11[%dma_wait3A_794] : memref<3x!tpu.dma_semaphore, #tpu.memory_space<semaphore_mem>> -> memref<1x!tpu.dma_semaphore, #tpu.memory_space<semaphore_mem>>
    %dma_wait3A_796 = tpu.memref_squeeze %dma_wait3A_795 : memref<1x!tpu.dma_semaphore, #tpu.memory_space<semaphore_mem>> -> memref<!tpu.dma_semaphore, #tpu.memory_space<semaphore_mem>>
    %dma_wait3A_797 = arith.constant 0 : i32
    %dma_wait3A_798 = arith.constant 0 : i32
    %dma_wait3A_799 = arith.constant 0 : i32
    %dma_wait3A_800 = tpu.memref_slice %arg7[%dma_wait3A_793, %dma_wait3A_797, %dma_wait3A_798, %dma_wait3A_799] : memref<32x4x1024x128xf32, #tpu.memory_space<hbm>> -> memref<1x4x1024x128xf32, #tpu.memory_space<hbm>>
    %dma_wait3A_801 = tpu.memref_squeeze %dma_wait3A_800 : memref<1x4x1024x128xf32, #tpu.memory_space<hbm>> -> memref<4x1024x128xf32, #tpu.memory_space<hbm>>
    %dma_wait3A_802 = arith.constant 0 : i32
    %dma_wait3A_803 = arith.constant 0 : i32
    %dma_wait3A_804 = arith.constant 0 : i32
    %dma_wait3A_805 = tpu.memref_slice %arg0[%dma_wait3A_792, %dma_wait3A_802, %dma_wait3A_803, %dma_wait3A_804] : memref<32x4x1024x128xf32, #tpu.memory_space<hbm>> -> memref<1x4x1024x128xf32, #tpu.memory_space<hbm>>
    %dma_wait3A_806 = tpu.memref_squeeze %dma_wait3A_805 : memref<1x4x1024x128xf32, #tpu.memory_space<hbm>> -> memref<4x1024x128xf32, #tpu.memory_space<hbm>>
    tpu.wait_dma2 semaphore(%dma_wait3A_796 : memref<!tpu.dma_semaphore, #tpu.memory_space<semaphore_mem>>) src(%dma_wait3A_806 : memref<4x1024x128xf32, #tpu.memory_space<hbm>>) dst(%dma_wait3A_801 : memref<4x1024x128xf32, #tpu.memory_space<hbm>>)
    %dma_wait3A_807 = arith.constant 19 : i32
    %dma_wait3A_808 = arith.constant 19 : i32
    %dma_wait3A_809 = arith.constant 1 : i32
    %dma_wait3A_810 = tpu.memref_slice %arg11[%dma_wait3A_809] : memref<3x!tpu.dma_semaphore, #tpu.memory_space<semaphore_mem>> -> memref<1x!tpu.dma_semaphore, #tpu.memory_space<semaphore_mem>>
    %dma_wait3A_811 = tpu.memref_squeeze %dma_wait3A_810 : memref<1x!tpu.dma_semaphore, #tpu.memory_space<semaphore_mem>> -> memref<!tpu.dma_semaphore, #tpu.memory_space<semaphore_mem>>
    %dma_wait3A_812 = arith.constant 0 : i32
    %dma_wait3A_813 = arith.constant 0 : i32
    %dma_wait3A_814 = arith.constant 0 : i32
    %dma_wait3A_815 = tpu.memref_slice %arg7[%dma_wait3A_808, %dma_wait3A_812, %dma_wait3A_813, %dma_wait3A_814] : memref<32x4x1024x128xf32, #tpu.memory_space<hbm>> -> memref<1x4x1024x128xf32, #tpu.memory_space<hbm>>
    %dma_wait3A_816 = tpu.memref_squeeze %dma_wait3A_815 : memref<1x4x1024x128xf32, #tpu.memory_space<hbm>> -> memref<4x1024x128xf32, #tpu.memory_space<hbm>>
    %dma_wait3A_817 = arith.constant 0 : i32
    %dma_wait3A_818 = arith.constant 0 : i32
    %dma_wait3A_819 = arith.constant 0 : i32
    %dma_wait3A_820 = tpu.memref_slice %arg0[%dma_wait3A_807, %dma_wait3A_817, %dma_wait3A_818, %dma_wait3A_819] : memref<32x4x1024x128xf32, #tpu.memory_space<hbm>> -> memref<1x4x1024x128xf32, #tpu.memory_space<hbm>>
    %dma_wait3A_821 = tpu.memref_squeeze %dma_wait3A_820 : memref<1x4x1024x128xf32, #tpu.memory_space<hbm>> -> memref<4x1024x128xf32, #tpu.memory_space<hbm>>
    tpu.wait_dma2 semaphore(%dma_wait3A_811 : memref<!tpu.dma_semaphore, #tpu.memory_space<semaphore_mem>>) src(%dma_wait3A_821 : memref<4x1024x128xf32, #tpu.memory_space<hbm>>) dst(%dma_wait3A_816 : memref<4x1024x128xf32, #tpu.memory_space<hbm>>)
    %dma_wait3A_822 = arith.constant 20 : i32
    %dma_wait3A_823 = arith.constant 20 : i32
    %dma_wait3A_824 = arith.constant 2 : i32
    %dma_wait3A_825 = tpu.memref_slice %arg11[%dma_wait3A_824] : memref<3x!tpu.dma_semaphore, #tpu.memory_space<semaphore_mem>> -> memref<1x!tpu.dma_semaphore, #tpu.memory_space<semaphore_mem>>
    %dma_wait3A_826 = tpu.memref_squeeze %dma_wait3A_825 : memref<1x!tpu.dma_semaphore, #tpu.memory_space<semaphore_mem>> -> memref<!tpu.dma_semaphore, #tpu.memory_space<semaphore_mem>>
    %dma_wait3A_827 = arith.constant 0 : i32
    %dma_wait3A_828 = arith.constant 0 : i32
    %dma_wait3A_829 = arith.constant 0 : i32
    %dma_wait3A_830 = tpu.memref_slice %arg7[%dma_wait3A_823, %dma_wait3A_827, %dma_wait3A_828, %dma_wait3A_829] : memref<32x4x1024x128xf32, #tpu.memory_space<hbm>> -> memref<1x4x1024x128xf32, #tpu.memory_space<hbm>>
    %dma_wait3A_831 = tpu.memref_squeeze %dma_wait3A_830 : memref<1x4x1024x128xf32, #tpu.memory_space<hbm>> -> memref<4x1024x128xf32, #tpu.memory_space<hbm>>
    %dma_wait3A_832 = arith.constant 0 : i32
    %dma_wait3A_833 = arith.constant 0 : i32
    %dma_wait3A_834 = arith.constant 0 : i32
    %dma_wait3A_835 = tpu.memref_slice %arg0[%dma_wait3A_822, %dma_wait3A_832, %dma_wait3A_833, %dma_wait3A_834] : memref<32x4x1024x128xf32, #tpu.memory_space<hbm>> -> memref<1x4x1024x128xf32, #tpu.memory_space<hbm>>
    %dma_wait3A_836 = tpu.memref_squeeze %dma_wait3A_835 : memref<1x4x1024x128xf32, #tpu.memory_space<hbm>> -> memref<4x1024x128xf32, #tpu.memory_space<hbm>>
    tpu.wait_dma2 semaphore(%dma_wait3A_826 : memref<!tpu.dma_semaphore, #tpu.memory_space<semaphore_mem>>) src(%dma_wait3A_836 : memref<4x1024x128xf32, #tpu.memory_space<hbm>>) dst(%dma_wait3A_831 : memref<4x1024x128xf32, #tpu.memory_space<hbm>>)
    %dma_wait3A_837 = arith.constant 21 : i32
    %dma_wait3A_838 = arith.constant 21 : i32
    %dma_wait3A_839 = arith.constant 0 : i32
    %dma_wait3A_840 = tpu.memref_slice %arg11[%dma_wait3A_839] : memref<3x!tpu.dma_semaphore, #tpu.memory_space<semaphore_mem>> -> memref<1x!tpu.dma_semaphore, #tpu.memory_space<semaphore_mem>>
    %dma_wait3A_841 = tpu.memref_squeeze %dma_wait3A_840 : memref<1x!tpu.dma_semaphore, #tpu.memory_space<semaphore_mem>> -> memref<!tpu.dma_semaphore, #tpu.memory_space<semaphore_mem>>
    %dma_wait3A_842 = arith.constant 0 : i32
    %dma_wait3A_843 = arith.constant 0 : i32
    %dma_wait3A_844 = arith.constant 0 : i32
    %dma_wait3A_845 = tpu.memref_slice %arg7[%dma_wait3A_838, %dma_wait3A_842, %dma_wait3A_843, %dma_wait3A_844] : memref<32x4x1024x128xf32, #tpu.memory_space<hbm>> -> memref<1x4x1024x128xf32, #tpu.memory_space<hbm>>
    %dma_wait3A_846 = tpu.memref_squeeze %dma_wait3A_845 : memref<1x4x1024x128xf32, #tpu.memory_space<hbm>> -> memref<4x1024x128xf32, #tpu.memory_space<hbm>>
    %dma_wait3A_847 = arith.constant 0 : i32
    %dma_wait3A_848 = arith.constant 0 : i32
    %dma_wait3A_849 = arith.constant 0 : i32
    %dma_wait3A_850 = tpu.memref_slice %arg0[%dma_wait3A_837, %dma_wait3A_847, %dma_wait3A_848, %dma_wait3A_849] : memref<32x4x1024x128xf32, #tpu.memory_space<hbm>> -> memref<1x4x1024x128xf32, #tpu.memory_space<hbm>>
    %dma_wait3A_851 = tpu.memref_squeeze %dma_wait3A_850 : memref<1x4x1024x128xf32, #tpu.memory_space<hbm>> -> memref<4x1024x128xf32, #tpu.memory_space<hbm>>
    tpu.wait_dma2 semaphore(%dma_wait3A_841 : memref<!tpu.dma_semaphore, #tpu.memory_space<semaphore_mem>>) src(%dma_wait3A_851 : memref<4x1024x128xf32, #tpu.memory_space<hbm>>) dst(%dma_wait3A_846 : memref<4x1024x128xf32, #tpu.memory_space<hbm>>)
    %dma_wait3A_852 = arith.constant 22 : i32
    %dma_wait3A_853 = arith.constant 22 : i32
    %dma_wait3A_854 = arith.constant 1 : i32
    %dma_wait3A_855 = tpu.memref_slice %arg11[%dma_wait3A_854] : memref<3x!tpu.dma_semaphore, #tpu.memory_space<semaphore_mem>> -> memref<1x!tpu.dma_semaphore, #tpu.memory_space<semaphore_mem>>
    %dma_wait3A_856 = tpu.memref_squeeze %dma_wait3A_855 : memref<1x!tpu.dma_semaphore, #tpu.memory_space<semaphore_mem>> -> memref<!tpu.dma_semaphore, #tpu.memory_space<semaphore_mem>>
    %dma_wait3A_857 = arith.constant 0 : i32
    %dma_wait3A_858 = arith.constant 0 : i32
    %dma_wait3A_859 = arith.constant 0 : i32
    %dma_wait3A_860 = tpu.memref_slice %arg7[%dma_wait3A_853, %dma_wait3A_857, %dma_wait3A_858, %dma_wait3A_859] : memref<32x4x1024x128xf32, #tpu.memory_space<hbm>> -> memref<1x4x1024x128xf32, #tpu.memory_space<hbm>>
    %dma_wait3A_861 = tpu.memref_squeeze %dma_wait3A_860 : memref<1x4x1024x128xf32, #tpu.memory_space<hbm>> -> memref<4x1024x128xf32, #tpu.memory_space<hbm>>
    %dma_wait3A_862 = arith.constant 0 : i32
    %dma_wait3A_863 = arith.constant 0 : i32
    %dma_wait3A_864 = arith.constant 0 : i32
    %dma_wait3A_865 = tpu.memref_slice %arg0[%dma_wait3A_852, %dma_wait3A_862, %dma_wait3A_863, %dma_wait3A_864] : memref<32x4x1024x128xf32, #tpu.memory_space<hbm>> -> memref<1x4x1024x128xf32, #tpu.memory_space<hbm>>
    %dma_wait3A_866 = tpu.memref_squeeze %dma_wait3A_865 : memref<1x4x1024x128xf32, #tpu.memory_space<hbm>> -> memref<4x1024x128xf32, #tpu.memory_space<hbm>>
    tpu.wait_dma2 semaphore(%dma_wait3A_856 : memref<!tpu.dma_semaphore, #tpu.memory_space<semaphore_mem>>) src(%dma_wait3A_866 : memref<4x1024x128xf32, #tpu.memory_space<hbm>>) dst(%dma_wait3A_861 : memref<4x1024x128xf32, #tpu.memory_space<hbm>>)
    %dma_wait3A_867 = arith.constant 23 : i32
    %dma_wait3A_868 = arith.constant 23 : i32
    %dma_wait3A_869 = arith.constant 2 : i32
    %dma_wait3A_870 = tpu.memref_slice %arg11[%dma_wait3A_869] : memref<3x!tpu.dma_semaphore, #tpu.memory_space<semaphore_mem>> -> memref<1x!tpu.dma_semaphore, #tpu.memory_space<semaphore_mem>>
    %dma_wait3A_871 = tpu.memref_squeeze %dma_wait3A_870 : memref<1x!tpu.dma_semaphore, #tpu.memory_space<semaphore_mem>> -> memref<!tpu.dma_semaphore, #tpu.memory_space<semaphore_mem>>
    %dma_wait3A_872 = arith.constant 0 : i32
    %dma_wait3A_873 = arith.constant 0 : i32
    %dma_wait3A_874 = arith.constant 0 : i32
    %dma_wait3A_875 = tpu.memref_slice %arg7[%dma_wait3A_868, %dma_wait3A_872, %dma_wait3A_873, %dma_wait3A_874] : memref<32x4x1024x128xf32, #tpu.memory_space<hbm>> -> memref<1x4x1024x128xf32, #tpu.memory_space<hbm>>
    %dma_wait3A_876 = tpu.memref_squeeze %dma_wait3A_875 : memref<1x4x1024x128xf32, #tpu.memory_space<hbm>> -> memref<4x1024x128xf32, #tpu.memory_space<hbm>>
    %dma_wait3A_877 = arith.constant 0 : i32
    %dma_wait3A_878 = arith.constant 0 : i32
    %dma_wait3A_879 = arith.constant 0 : i32
    %dma_wait3A_880 = tpu.memref_slice %arg0[%dma_wait3A_867, %dma_wait3A_877, %dma_wait3A_878, %dma_wait3A_879] : memref<32x4x1024x128xf32, #tpu.memory_space<hbm>> -> memref<1x4x1024x128xf32, #tpu.memory_space<hbm>>
    %dma_wait3A_881 = tpu.memref_squeeze %dma_wait3A_880 : memref<1x4x1024x128xf32, #tpu.memory_space<hbm>> -> memref<4x1024x128xf32, #tpu.memory_space<hbm>>
    tpu.wait_dma2 semaphore(%dma_wait3A_871 : memref<!tpu.dma_semaphore, #tpu.memory_space<semaphore_mem>>) src(%dma_wait3A_881 : memref<4x1024x128xf32, #tpu.memory_space<hbm>>) dst(%dma_wait3A_876 : memref<4x1024x128xf32, #tpu.memory_space<hbm>>)
    %dma_wait3A_882 = arith.constant 24 : i32
    %dma_wait3A_883 = arith.constant 24 : i32
    %dma_wait3A_884 = arith.constant 0 : i32
    %dma_wait3A_885 = tpu.memref_slice %arg11[%dma_wait3A_884] : memref<3x!tpu.dma_semaphore, #tpu.memory_space<semaphore_mem>> -> memref<1x!tpu.dma_semaphore, #tpu.memory_space<semaphore_mem>>
    %dma_wait3A_886 = tpu.memref_squeeze %dma_wait3A_885 : memref<1x!tpu.dma_semaphore, #tpu.memory_space<semaphore_mem>> -> memref<!tpu.dma_semaphore, #tpu.memory_space<semaphore_mem>>
    %dma_wait3A_887 = arith.constant 0 : i32
    %dma_wait3A_888 = arith.constant 0 : i32
    %dma_wait3A_889 = arith.constant 0 : i32
    %dma_wait3A_890 = tpu.memref_slice %arg7[%dma_wait3A_883, %dma_wait3A_887, %dma_wait3A_888, %dma_wait3A_889] : memref<32x4x1024x128xf32, #tpu.memory_space<hbm>> -> memref<1x4x1024x128xf32, #tpu.memory_space<hbm>>
    %dma_wait3A_891 = tpu.memref_squeeze %dma_wait3A_890 : memref<1x4x1024x128xf32, #tpu.memory_space<hbm>> -> memref<4x1024x128xf32, #tpu.memory_space<hbm>>
    %dma_wait3A_892 = arith.constant 0 : i32
    %dma_wait3A_893 = arith.constant 0 : i32
    %dma_wait3A_894 = arith.constant 0 : i32
    %dma_wait3A_895 = tpu.memref_slice %arg0[%dma_wait3A_882, %dma_wait3A_892, %dma_wait3A_893, %dma_wait3A_894] : memref<32x4x1024x128xf32, #tpu.memory_space<hbm>> -> memref<1x4x1024x128xf32, #tpu.memory_space<hbm>>
    %dma_wait3A_896 = tpu.memref_squeeze %dma_wait3A_895 : memref<1x4x1024x128xf32, #tpu.memory_space<hbm>> -> memref<4x1024x128xf32, #tpu.memory_space<hbm>>
    tpu.wait_dma2 semaphore(%dma_wait3A_886 : memref<!tpu.dma_semaphore, #tpu.memory_space<semaphore_mem>>) src(%dma_wait3A_896 : memref<4x1024x128xf32, #tpu.memory_space<hbm>>) dst(%dma_wait3A_891 : memref<4x1024x128xf32, #tpu.memory_space<hbm>>)
    %dma_wait3A_897 = arith.constant 25 : i32
    %dma_wait3A_898 = arith.constant 25 : i32
    %dma_wait3A_899 = arith.constant 1 : i32
    %dma_wait3A_900 = tpu.memref_slice %arg11[%dma_wait3A_899] : memref<3x!tpu.dma_semaphore, #tpu.memory_space<semaphore_mem>> -> memref<1x!tpu.dma_semaphore, #tpu.memory_space<semaphore_mem>>
    %dma_wait3A_901 = tpu.memref_squeeze %dma_wait3A_900 : memref<1x!tpu.dma_semaphore, #tpu.memory_space<semaphore_mem>> -> memref<!tpu.dma_semaphore, #tpu.memory_space<semaphore_mem>>
    %dma_wait3A_902 = arith.constant 0 : i32
    %dma_wait3A_903 = arith.constant 0 : i32
    %dma_wait3A_904 = arith.constant 0 : i32
    %dma_wait3A_905 = tpu.memref_slice %arg7[%dma_wait3A_898, %dma_wait3A_902, %dma_wait3A_903, %dma_wait3A_904] : memref<32x4x1024x128xf32, #tpu.memory_space<hbm>> -> memref<1x4x1024x128xf32, #tpu.memory_space<hbm>>
    %dma_wait3A_906 = tpu.memref_squeeze %dma_wait3A_905 : memref<1x4x1024x128xf32, #tpu.memory_space<hbm>> -> memref<4x1024x128xf32, #tpu.memory_space<hbm>>
    %dma_wait3A_907 = arith.constant 0 : i32
    %dma_wait3A_908 = arith.constant 0 : i32
    %dma_wait3A_909 = arith.constant 0 : i32
    %dma_wait3A_910 = tpu.memref_slice %arg0[%dma_wait3A_897, %dma_wait3A_907, %dma_wait3A_908, %dma_wait3A_909] : memref<32x4x1024x128xf32, #tpu.memory_space<hbm>> -> memref<1x4x1024x128xf32, #tpu.memory_space<hbm>>
    %dma_wait3A_911 = tpu.memref_squeeze %dma_wait3A_910 : memref<1x4x1024x128xf32, #tpu.memory_space<hbm>> -> memref<4x1024x128xf32, #tpu.memory_space<hbm>>
    tpu.wait_dma2 semaphore(%dma_wait3A_901 : memref<!tpu.dma_semaphore, #tpu.memory_space<semaphore_mem>>) src(%dma_wait3A_911 : memref<4x1024x128xf32, #tpu.memory_space<hbm>>) dst(%dma_wait3A_906 : memref<4x1024x128xf32, #tpu.memory_space<hbm>>)
    %dma_wait3A_912 = arith.constant 26 : i32
    %dma_wait3A_913 = arith.constant 26 : i32
    %dma_wait3A_914 = arith.constant 2 : i32
    %dma_wait3A_915 = tpu.memref_slice %arg11[%dma_wait3A_914] : memref<3x!tpu.dma_semaphore, #tpu.memory_space<semaphore_mem>> -> memref<1x!tpu.dma_semaphore, #tpu.memory_space<semaphore_mem>>
    %dma_wait3A_916 = tpu.memref_squeeze %dma_wait3A_915 : memref<1x!tpu.dma_semaphore, #tpu.memory_space<semaphore_mem>> -> memref<!tpu.dma_semaphore, #tpu.memory_space<semaphore_mem>>
    %dma_wait3A_917 = arith.constant 0 : i32
    %dma_wait3A_918 = arith.constant 0 : i32
    %dma_wait3A_919 = arith.constant 0 : i32
    %dma_wait3A_920 = tpu.memref_slice %arg7[%dma_wait3A_913, %dma_wait3A_917, %dma_wait3A_918, %dma_wait3A_919] : memref<32x4x1024x128xf32, #tpu.memory_space<hbm>> -> memref<1x4x1024x128xf32, #tpu.memory_space<hbm>>
    %dma_wait3A_921 = tpu.memref_squeeze %dma_wait3A_920 : memref<1x4x1024x128xf32, #tpu.memory_space<hbm>> -> memref<4x1024x128xf32, #tpu.memory_space<hbm>>
    %dma_wait3A_922 = arith.constant 0 : i32
    %dma_wait3A_923 = arith.constant 0 : i32
    %dma_wait3A_924 = arith.constant 0 : i32
    %dma_wait3A_925 = tpu.memref_slice %arg0[%dma_wait3A_912, %dma_wait3A_922, %dma_wait3A_923, %dma_wait3A_924] : memref<32x4x1024x128xf32, #tpu.memory_space<hbm>> -> memref<1x4x1024x128xf32, #tpu.memory_space<hbm>>
    %dma_wait3A_926 = tpu.memref_squeeze %dma_wait3A_925 : memref<1x4x1024x128xf32, #tpu.memory_space<hbm>> -> memref<4x1024x128xf32, #tpu.memory_space<hbm>>
    tpu.wait_dma2 semaphore(%dma_wait3A_916 : memref<!tpu.dma_semaphore, #tpu.memory_space<semaphore_mem>>) src(%dma_wait3A_926 : memref<4x1024x128xf32, #tpu.memory_space<hbm>>) dst(%dma_wait3A_921 : memref<4x1024x128xf32, #tpu.memory_space<hbm>>)
    %dma_wait3A_927 = arith.constant 27 : i32
    %dma_wait3A_928 = arith.constant 27 : i32
    %dma_wait3A_929 = arith.constant 0 : i32
    %dma_wait3A_930 = tpu.memref_slice %arg11[%dma_wait3A_929] : memref<3x!tpu.dma_semaphore, #tpu.memory_space<semaphore_mem>> -> memref<1x!tpu.dma_semaphore, #tpu.memory_space<semaphore_mem>>
    %dma_wait3A_931 = tpu.memref_squeeze %dma_wait3A_930 : memref<1x!tpu.dma_semaphore, #tpu.memory_space<semaphore_mem>> -> memref<!tpu.dma_semaphore, #tpu.memory_space<semaphore_mem>>
    %dma_wait3A_932 = arith.constant 0 : i32
    %dma_wait3A_933 = arith.constant 0 : i32
    %dma_wait3A_934 = arith.constant 0 : i32
    %dma_wait3A_935 = tpu.memref_slice %arg7[%dma_wait3A_928, %dma_wait3A_932, %dma_wait3A_933, %dma_wait3A_934] : memref<32x4x1024x128xf32, #tpu.memory_space<hbm>> -> memref<1x4x1024x128xf32, #tpu.memory_space<hbm>>
    %dma_wait3A_936 = tpu.memref_squeeze %dma_wait3A_935 : memref<1x4x1024x128xf32, #tpu.memory_space<hbm>> -> memref<4x1024x128xf32, #tpu.memory_space<hbm>>
    %dma_wait3A_937 = arith.constant 0 : i32
    %dma_wait3A_938 = arith.constant 0 : i32
    %dma_wait3A_939 = arith.constant 0 : i32
    %dma_wait3A_940 = tpu.memref_slice %arg0[%dma_wait3A_927, %dma_wait3A_937, %dma_wait3A_938, %dma_wait3A_939] : memref<32x4x1024x128xf32, #tpu.memory_space<hbm>> -> memref<1x4x1024x128xf32, #tpu.memory_space<hbm>>
    %dma_wait3A_941 = tpu.memref_squeeze %dma_wait3A_940 : memref<1x4x1024x128xf32, #tpu.memory_space<hbm>> -> memref<4x1024x128xf32, #tpu.memory_space<hbm>>
    tpu.wait_dma2 semaphore(%dma_wait3A_931 : memref<!tpu.dma_semaphore, #tpu.memory_space<semaphore_mem>>) src(%dma_wait3A_941 : memref<4x1024x128xf32, #tpu.memory_space<hbm>>) dst(%dma_wait3A_936 : memref<4x1024x128xf32, #tpu.memory_space<hbm>>)
    %dma_wait3A_942 = arith.constant 28 : i32
    %dma_wait3A_943 = arith.constant 28 : i32
    %dma_wait3A_944 = arith.constant 1 : i32
    %dma_wait3A_945 = tpu.memref_slice %arg11[%dma_wait3A_944] : memref<3x!tpu.dma_semaphore, #tpu.memory_space<semaphore_mem>> -> memref<1x!tpu.dma_semaphore, #tpu.memory_space<semaphore_mem>>
    %dma_wait3A_946 = tpu.memref_squeeze %dma_wait3A_945 : memref<1x!tpu.dma_semaphore, #tpu.memory_space<semaphore_mem>> -> memref<!tpu.dma_semaphore, #tpu.memory_space<semaphore_mem>>
    %dma_wait3A_947 = arith.constant 0 : i32
    %dma_wait3A_948 = arith.constant 0 : i32
    %dma_wait3A_949 = arith.constant 0 : i32
    %dma_wait3A_950 = tpu.memref_slice %arg7[%dma_wait3A_943, %dma_wait3A_947, %dma_wait3A_948, %dma_wait3A_949] : memref<32x4x1024x128xf32, #tpu.memory_space<hbm>> -> memref<1x4x1024x128xf32, #tpu.memory_space<hbm>>
    %dma_wait3A_951 = tpu.memref_squeeze %dma_wait3A_950 : memref<1x4x1024x128xf32, #tpu.memory_space<hbm>> -> memref<4x1024x128xf32, #tpu.memory_space<hbm>>
    %dma_wait3A_952 = arith.constant 0 : i32
    %dma_wait3A_953 = arith.constant 0 : i32
    %dma_wait3A_954 = arith.constant 0 : i32
    %dma_wait3A_955 = tpu.memref_slice %arg0[%dma_wait3A_942, %dma_wait3A_952, %dma_wait3A_953, %dma_wait3A_954] : memref<32x4x1024x128xf32, #tpu.memory_space<hbm>> -> memref<1x4x1024x128xf32, #tpu.memory_space<hbm>>
    %dma_wait3A_956 = tpu.memref_squeeze %dma_wait3A_955 : memref<1x4x1024x128xf32, #tpu.memory_space<hbm>> -> memref<4x1024x128xf32, #tpu.memory_space<hbm>>
    tpu.wait_dma2 semaphore(%dma_wait3A_946 : memref<!tpu.dma_semaphore, #tpu.memory_space<semaphore_mem>>) src(%dma_wait3A_956 : memref<4x1024x128xf32, #tpu.memory_space<hbm>>) dst(%dma_wait3A_951 : memref<4x1024x128xf32, #tpu.memory_space<hbm>>)
    %dma_wait3A_957 = arith.constant 29 : i32
    %dma_wait3A_958 = arith.constant 29 : i32
    %dma_wait3A_959 = arith.constant 2 : i32
    %dma_wait3A_960 = tpu.memref_slice %arg11[%dma_wait3A_959] : memref<3x!tpu.dma_semaphore, #tpu.memory_space<semaphore_mem>> -> memref<1x!tpu.dma_semaphore, #tpu.memory_space<semaphore_mem>>
    %dma_wait3A_961 = tpu.memref_squeeze %dma_wait3A_960 : memref<1x!tpu.dma_semaphore, #tpu.memory_space<semaphore_mem>> -> memref<!tpu.dma_semaphore, #tpu.memory_space<semaphore_mem>>
    %dma_wait3A_962 = arith.constant 0 : i32
    %dma_wait3A_963 = arith.constant 0 : i32
    %dma_wait3A_964 = arith.constant 0 : i32
    %dma_wait3A_965 = tpu.memref_slice %arg7[%dma_wait3A_958, %dma_wait3A_962, %dma_wait3A_963, %dma_wait3A_964] : memref<32x4x1024x128xf32, #tpu.memory_space<hbm>> -> memref<1x4x1024x128xf32, #tpu.memory_space<hbm>>
    %dma_wait3A_966 = tpu.memref_squeeze %dma_wait3A_965 : memref<1x4x1024x128xf32, #tpu.memory_space<hbm>> -> memref<4x1024x128xf32, #tpu.memory_space<hbm>>
    %dma_wait3A_967 = arith.constant 0 : i32
    %dma_wait3A_968 = arith.constant 0 : i32
    %dma_wait3A_969 = arith.constant 0 : i32
    %dma_wait3A_970 = tpu.memref_slice %arg0[%dma_wait3A_957, %dma_wait3A_967, %dma_wait3A_968, %dma_wait3A_969] : memref<32x4x1024x128xf32, #tpu.memory_space<hbm>> -> memref<1x4x1024x128xf32, #tpu.memory_space<hbm>>
    %dma_wait3A_971 = tpu.memref_squeeze %dma_wait3A_970 : memref<1x4x1024x128xf32, #tpu.memory_space<hbm>> -> memref<4x1024x128xf32, #tpu.memory_space<hbm>>
    tpu.wait_dma2 semaphore(%dma_wait3A_961 : memref<!tpu.dma_semaphore, #tpu.memory_space<semaphore_mem>>) src(%dma_wait3A_971 : memref<4x1024x128xf32, #tpu.memory_space<hbm>>) dst(%dma_wait3A_966 : memref<4x1024x128xf32, #tpu.memory_space<hbm>>)
    %dma_wait3A_972 = arith.constant 30 : i32
    %dma_wait3A_973 = arith.constant 30 : i32
    %dma_wait3A_974 = arith.constant 0 : i32
    %dma_wait3A_975 = tpu.memref_slice %arg11[%dma_wait3A_974] : memref<3x!tpu.dma_semaphore, #tpu.memory_space<semaphore_mem>> -> memref<1x!tpu.dma_semaphore, #tpu.memory_space<semaphore_mem>>
    %dma_wait3A_976 = tpu.memref_squeeze %dma_wait3A_975 : memref<1x!tpu.dma_semaphore, #tpu.memory_space<semaphore_mem>> -> memref<!tpu.dma_semaphore, #tpu.memory_space<semaphore_mem>>
    %dma_wait3A_977 = arith.constant 0 : i32
    %dma_wait3A_978 = arith.constant 0 : i32
    %dma_wait3A_979 = arith.constant 0 : i32
    %dma_wait3A_980 = tpu.memref_slice %arg7[%dma_wait3A_973, %dma_wait3A_977, %dma_wait3A_978, %dma_wait3A_979] : memref<32x4x1024x128xf32, #tpu.memory_space<hbm>> -> memref<1x4x1024x128xf32, #tpu.memory_space<hbm>>
    %dma_wait3A_981 = tpu.memref_squeeze %dma_wait3A_980 : memref<1x4x1024x128xf32, #tpu.memory_space<hbm>> -> memref<4x1024x128xf32, #tpu.memory_space<hbm>>
    %dma_wait3A_982 = arith.constant 0 : i32
    %dma_wait3A_983 = arith.constant 0 : i32
    %dma_wait3A_984 = arith.constant 0 : i32
    %dma_wait3A_985 = tpu.memref_slice %arg0[%dma_wait3A_972, %dma_wait3A_982, %dma_wait3A_983, %dma_wait3A_984] : memref<32x4x1024x128xf32, #tpu.memory_space<hbm>> -> memref<1x4x1024x128xf32, #tpu.memory_space<hbm>>
    %dma_wait3A_986 = tpu.memref_squeeze %dma_wait3A_985 : memref<1x4x1024x128xf32, #tpu.memory_space<hbm>> -> memref<4x1024x128xf32, #tpu.memory_space<hbm>>
    tpu.wait_dma2 semaphore(%dma_wait3A_976 : memref<!tpu.dma_semaphore, #tpu.memory_space<semaphore_mem>>) src(%dma_wait3A_986 : memref<4x1024x128xf32, #tpu.memory_space<hbm>>) dst(%dma_wait3A_981 : memref<4x1024x128xf32, #tpu.memory_space<hbm>>)
    %dma_wait3A_987 = arith.constant 31 : i32
    %dma_wait3A_988 = arith.constant 31 : i32
    %dma_wait3A_989 = arith.constant 1 : i32
    %dma_wait3A_990 = tpu.memref_slice %arg11[%dma_wait3A_989] : memref<3x!tpu.dma_semaphore, #tpu.memory_space<semaphore_mem>> -> memref<1x!tpu.dma_semaphore, #tpu.memory_space<semaphore_mem>>
    %dma_wait3A_991 = tpu.memref_squeeze %dma_wait3A_990 : memref<1x!tpu.dma_semaphore, #tpu.memory_space<semaphore_mem>> -> memref<!tpu.dma_semaphore, #tpu.memory_space<semaphore_mem>>
    %dma_wait3A_992 = arith.constant 0 : i32
    %dma_wait3A_993 = arith.constant 0 : i32
    %dma_wait3A_994 = arith.constant 0 : i32
    %dma_wait3A_995 = tpu.memref_slice %arg7[%dma_wait3A_988, %dma_wait3A_992, %dma_wait3A_993, %dma_wait3A_994] : memref<32x4x1024x128xf32, #tpu.memory_space<hbm>> -> memref<1x4x1024x128xf32, #tpu.memory_space<hbm>>
    %dma_wait3A_996 = tpu.memref_squeeze %dma_wait3A_995 : memref<1x4x1024x128xf32, #tpu.memory_space<hbm>> -> memref<4x1024x128xf32, #tpu.memory_space<hbm>>
    %dma_wait3A_997 = arith.constant 0 : i32
    %dma_wait3A_998 = arith.constant 0 : i32
    %dma_wait3A_999 = arith.constant 0 : i32
    %dma_wait3A_1000 = tpu.memref_slice %arg0[%dma_wait3A_987, %dma_wait3A_997, %dma_wait3A_998, %dma_wait3A_999] : memref<32x4x1024x128xf32, #tpu.memory_space<hbm>> -> memref<1x4x1024x128xf32, #tpu.memory_space<hbm>>
    %dma_wait3A_1001 = tpu.memref_squeeze %dma_wait3A_1000 : memref<1x4x1024x128xf32, #tpu.memory_space<hbm>> -> memref<4x1024x128xf32, #tpu.memory_space<hbm>>
    tpu.wait_dma2 semaphore(%dma_wait3A_991 : memref<!tpu.dma_semaphore, #tpu.memory_space<semaphore_mem>>) src(%dma_wait3A_1001 : memref<4x1024x128xf32, #tpu.memory_space<hbm>>) dst(%dma_wait3A_996 : memref<4x1024x128xf32, #tpu.memory_space<hbm>>)
    return
  }
}

</mosaic_0001>

<sc_bundles>
// kernel: kernel.4.cloned.1.call-start
scs
__scs_entry_jumppad:
0x0: {  	(pc) =	sbr.rel $0x88, $3  }
0x1: {  	(tag) =	ssettag $0x0;
	lr =	simm.s32 $0x1  }
0x2: {  	[smem:$0x3F97] =	sst lr;
	_ =	strace $0xD0000000  }
0x3: {  	_ = 	snop  }
0x4: {  	_ = 	snop  }
0x5: {  	_ = 	snop  }
0x6: {  	_ = 	snop  }
0x7: {  	_ = 	snop  }
__scs_overlays_trampoline_lowered:
0x8: {  	[smem:$0x3FA6] =	sst s0  }
0x9: {  	[smem:$0x3FA7] =	sst s1  }
0xa: {  	[smem:$0x3FA8] =	sst s2  }
0xb: {  	[smem:$0x3FA9] =	sst s3  }
0xc: {  	[smem:$0x3FAA] =	sst s4  }
0xd: {  	[smem:$0x3FAB] =	sst s5  }
0xe: {  	[smem:$0x3FAC] =	sst s6  }
0xf: {  	[smem:$0x3FAD] =	sst s7  }
0x10: {  	[smem:$0x3FAE] =	sst s8  }
0x11: {  	[smem:$0x3FAF] =	sst s9;
	s0 =	simm.s32 @!p0 $0x0  }
0x12: {  	s1 =	sld [smem:$0x3F95];
	s0 =	simm.s32 @p0 $0x1  }
0x13: {  	[smem:$0x3FB0] =	sst s0;
	s0 =	simm.s32 @!p1 $0x0  }
0x14: {  	s2 =	sld [smem:$0x3F94];
	s0 =	simm.s32 @p1 $0x1  }
0x15: {  	[smem:$0x3FB1] =	sst s0;
	s0 =	simm.s32 @!p2 $0x0  }
0x16: {  	s3 =	sld [smem:$0x3FDB];
	s0 =	simm.s32 @p2 $0x1  }
0x17: {  	s4 =	simm.s32 $0x1BF5;
	[smem:$0x3FB3] =	sst s0  }
0x18: {  	s0 =	sld [smem:$0x3F96];
	_ =	swait.ge [sflag:s4], $0x0  }
0x19: {  	s7 =	sld [smem:$0x3F97]  }
0x1a: {  	s8 =	sadd.s32 $0xFFFFE003, lr  }
0x1b: {  	s9 =	sadd.s32 $0xFFFFFEF7, lr;
	s5 =	simm.s32 $0xFFFFFFFF;
	p2 =	slt.u32 s8, $0xFFFFF086  }
0x1c: {  	p1 =	slt.u32 s9, $0xF7A;
	s5 =	simm.s32 @!p2 $0x0  }
0x1d: {  	s5 =	simm.s32 @p1 $0x1;
	p0 =	seq.s32 s7, s2  }
0x1e: {  	s7 =	smul.u32 @!p0 $0xF7A, s2;
	p2 =	seq.s32 @!p0 s5, $0x0  }
0x1f: {  	s9 =	smul.u32 $0xF7A, s1;
	s8 =	simm.s32 @!p0 $0x1BF5;
	p2 =	por !p2, p0  }
0x20: {  	[sflag:s8] =	ssyncset.s32 @!p0 $0xFFFFF086;
	s6 =	sadd.s32 @!p0 s3, s7;
	s7 =	simm.s32 @!p0 $0x108  }
0x21: {  	s3 =	sadd.s32 s3, s9;
	s6 =	sadd.s32 @!p0 $0x88, s6;
	s7 =	simm.s32 @p2 $0x1082  }
0x22: {  	[simem:s7], [sflag:s8] =	dma.local @!p0 [hbm:s6], $0xF7A  }
0x23: {  	s9 =	sor.u32 $0xD0000000, s2;
	s6 =	simm.s32 $0x108;
	_ =	swait.ge @!p0 [sflag:s8], $0x0  }
0x24: {  	s3 =	sadd.s32 $0x88, s3;
	s6 =	simm.s32 @!p1 $0x1082;
	[sflag:s4] =	ssyncset.s32 $0xFFFFF086  }
0x25: {  	[simem:s6], [sflag:s4] =	dma.local [hbm:s3], $0xF7A  }
0x26: {  	[smem:$0x3F97] =	sst s1;
	(tag) =	ssettag s2;
	_ =	strace s9  }
0x27: {  	s1 =	sld [smem:$0x3FA7]  }
0x28: {  	s2 =	sld [smem:$0x3FA8]  }
0x29: {  	s4 =	sld [smem:$0x3FAA]  }
0x2a: {  	p0 =	seq.s32 s5, $0x0;
	s5 =	sld [smem:$0x3FAB]  }
0x2b: {  	s6 =	sld [smem:$0x3FAC]  }
0x2c: {  	s7 =	sld [smem:$0x3FAD]  }
0x2d: {  	s3 =	simm.s32 $0x108;
	s8 =	sld [smem:$0x3FAE]  }
0x2e: {  	s3 =	simm.s32 @!p0 $0x1082;
	s9 =	sld [smem:$0x3FAF]  }
0x2f: {  	lr =	sadd.s32 s0, s3;
	s0 =	sld [smem:$0x3FA6]  }
0x30: {  	s3 =	sld [smem:$0x3FA9]  }
0x31: {  	[smem:$0x3FB2] =	sst s10  }
0x32: {  	s10 =	sld [smem:$0x3FB0];
	_ =	sdelay $0x3  }
0x33: {  	p0 =	seq.s32 s10, $0x1;
	s10 =	sld [smem:$0x3FB2];
	_ =	sdelay $0x3  }
0x34: {  	[smem:$0x3FB2] =	sst s10  }
0x35: {  	s10 =	sld [smem:$0x3FB1];
	_ =	sdelay $0x3  }
0x36: {  	p1 =	seq.s32 s10, $0x1;
	s10 =	sld [smem:$0x3FB2];
	_ =	sdelay $0x3  }
0x37: {  	[smem:$0x3FB2] =	sst s10  }
0x38: {  	s10 =	sld [smem:$0x3FB3]  }
0x39: {  	_ = 	snop;
	(pc) =	sbr.ind lr, $3  }
0x3a: {  	_ = 	snop  }
0x3b: {  	_ = 	snop  }
0x3c: {  	p2 =	seq.s32 s10, $0x1;
	s10 =	sld [smem:$0x3FB2]  }
0x3d: {  	_ =	shalt  }
0x3e: {  	_ =	shalt  }
0x3f: {  	_ =	shalt  }
0x40: {  	_ =	shalt  }
0x41: {  	_ =	shalt  }
0x42: {  	_ =	shalt  }
0x43: {  	_ =	shalt  }
0x44: {  	_ =	shalt  }
0x45: {  	_ =	shalt  }
0x46: {  	_ =	shalt  }
0x47: {  	_ =	shalt  }
0x48: {  	_ =	shalt  }
0x49: {  	_ =	shalt  }
0x4a: {  	_ =	shalt  }
0x4b: {  	_ =	shalt  }
0x4c: {  	_ =	shalt  }
0x4d: {  	_ =	shalt  }
0x4e: {  	_ =	shalt  }
0x4f: {  	_ =	shalt  }
0x50: {  	_ =	shalt  }
0x51: {  	_ =	shalt  }
0x52: {  	_ =	shalt  }
0x53: {  	_ =	shalt  }
0x54: {  	_ =	shalt  }
0x55: {  	_ =	shalt  }
0x56: {  	_ =	shalt  }
0x57: {  	_ =	shalt  }
0x58: {  	_ =	shalt  }
0x59: {  	_ =	shalt  }
0x5a: {  	_ =	shalt  }
0x5b: {  	_ =	shalt  }
0x5c: {  	_ =	shalt  }
0x5d: {  	_ =	shalt  }
0x5e: {  	_ =	shalt  }
0x5f: {  	_ =	shalt  }
0x60: {  	_ =	shalt  }
0x61: {  	_ =	shalt  }
0x62: {  	_ =	shalt  }
0x63: {  	_ =	shalt  }
0x64: {  	_ =	shalt  }
0x65: {  	_ =	shalt  }
0x66: {  	_ =	shalt  }
0x67: {  	_ =	shalt  }
0x68: {  	_ =	shalt  }
0x69: {  	_ =	shalt  }
0x6a: {  	_ =	shalt  }
0x6b: {  	_ =	shalt  }
0x6c: {  	_ =	shalt  }
0x6d: {  	_ =	shalt  }
0x6e: {  	_ =	shalt  }
0x6f: {  	_ =	shalt  }
0x70: {  	_ =	shalt  }
0x71: {  	_ =	shalt  }
0x72: {  	_ =	shalt  }
0x73: {  	_ =	shalt  }
0x74: {  	_ =	shalt  }
0x75: {  	_ =	shalt  }
0x76: {  	_ =	shalt  }
0x77: {  	_ =	shalt  }
0x78: {  	_ =	shalt  }
0x79: {  	_ =	shalt  }
0x7a: {  	_ =	shalt  }
0x7b: {  	_ =	shalt  }
0x7c: {  	_ =	shalt  }
0x7d: {  	_ =	shalt  }
0x7e: {  	_ =	shalt  }
0x7f: {  	_ =	shalt  }
0x80: {  	_ =	shalt  }
0x81: {  	_ =	shalt  }
0x82: {  	_ =	shalt  }
0x83: {  	_ =	shalt  }
0x84: {  	_ =	shalt  }
0x85: {  	_ =	shalt  }
0x86: {  	_ =	shalt  }
0x87: {  	_ =	shalt  }
.Lfunc_end0:
.L_simem_size_0:
called_computation_lowered:
.L_overlay_start_0:
0x88: {  	s2 =	sld [smem:$0x3FD9]  }
0x89: {  	s3 =	sld [smem:$0x3FFE];
	_ =	sdelay $0x1  }
0x8a: {  	s1 =	srdreg.scid  }
0x8b: {  	s0 =	sand.u32 $0x1, s1  }
0x8c: {  	s18 =	sshll.u32 s0, $0xA;
	s2 =	sadd.s32 s3, s2  }
0x8d: {  	s2 =	sadd.s32 s2, s18  }
0x8e: {  	[smem:$0x3FBE] =	sst s2  }
0x8f: {  	_ = 	snop  }
0x90: {  	s2 =	sld [smem:$0x3FC8]  }
0x91: {  	s19 =	sld [smem:$0x3FC2]  }
0x92: {  	s4 =	sld [smem:$0x3FC1]  }
0x93: {  	s5 =	sld [smem:$0x3FC0]  }
0x94: {  	s6 =	sld [smem:$0x3FD0];
	(tm) =	ssettm $0x1  }
0x95: {  	s7 =	sld [smem:$0x3FFB];
	_ =	sdelay $0x3  }
0x96: {  	_ =	strace s7  }
0x97: {  	s7 =	sld [smem:$0x3FFC];
	_ =	sdelay $0x3  }
0x98: {  	_ =	strace s7  }
0x99: {  	s7 =	sld [smem:$0x3FFD];
	_ =	sdelay $0x3  }
0x9a: {  	_ =	strace s7  }
0x9b: {  	_ =	strace $0x8FFFFFFF  }
0x9c: {  	s20 =	sld [smem:$0x3FDB];
	_ =	sdelay $0x1  }
0x9d: {  	s8 =	simm.s32 $_scs_section_size  }
0x9e: {  	s9 =	simm.s32 $_size__tile_overlayer_lowered;
	s10 =	simm.s32 $_tile_overlayer_lowered  }
0x9f: {  	s23 =	simm.s32 $0x1BFF;
	s22 =	sshll.u32 s10, $0x1;
	s7 =	sadd.s32 s8, s20  }
0xa0: {  	s11 =	simm.s32 $0x0;
	s21 =	sshll.u32 s9, $0x1;
	s9 =	sadd.s32 s22, s7  }
0xa1: {  	[timem:s11], [sflag:s23] =	dma.local [hbm:s9], s21  }
0xa2: {  	_ =	swait.ge [sflag:s23], s21  }
0xa3: {  	s8 =	ssub.s32 $0x0, s21;
	[sflag:s23] =	ssyncset.done $0x0  }
0xa4: {  	[sflag:s23] =	ssyncadd.s32 s8;
	_ =	sdelay $0x1  }
0xa5: {  	s24 =	simm.s32 $0x1B8B  }
0xa6: {  	_ =	swait.ge [sflag:s24], $0x1  }
0xa7: {  	[sflag:s24] =	ssyncset.done $0x0  }
0xa8: {  	s25 =	simm.s32 $0x1B8E;
	[sflag:s24] =	ssyncadd.s32 $0xFFFFFFFF  }
0xa9: {  	s26 =	simm.s32 $execute0_lowered;
	[smem:$0x3FD2] =	sst s25  }
0xaa: {  	s8 =	sshll.u32 s26, $0x1;
	_ =	strace $0x80000046;
	[dreg:$0x1] =	wrdreg $0xFFFFFFFF  }
0xab: {  	s28 =	simm.s32 $_size_execute0_lowered;
	s7 =	sadd.s32 s7, s8;
	[dreg:$0x0] =	wrdreg $0x0  }
0xac: {  	s8 =	sshll.u32 s28, $0x1;
	[dreg:$0x2] =	wrdreg s7  }
0xad: {  	[dreg:$0x3] =	wrdreg s8  }
0xae: {  	[dreg:$0x4] =	wrdreg $0xC0  }
0xaf: {  	_ =	task [dreg:s11], $0x5FFFF  }
0xb0: {  	[dreg:$0x1] =	wrdreg $0xFFFFFFFF  }
0xb1: {  	[dreg:$0x0] =	wrdreg $0x60  }
0xb2: {  	[dreg:$0x2] =	wrdreg s2  }
0xb3: {  	[dreg:$0x3] =	wrdreg s19  }
0xb4: {  	[dreg:$0x4] =	wrdreg s4  }
0xb5: {  	[dreg:$0x5] =	wrdreg s5  }
0xb6: {  	[dreg:$0x6] =	wrdreg s6  }
0xb7: {  	[dreg:$0x7] =	wrdreg $0x9  }
0xb8: {  	_ =	task.clear_ibuf [dreg:s11], $0x8FFFF;
	_ =	strace $0x90000046  }
0xb9: {  	s29 =	simm.s32 $0x9;
	_ =	strace $0x80000048  }
0xba: {  	_ =	swait.ge [sflag:s29], $0x1  }
0xbb: {  	[sflag:s29] =	ssyncadd.s32 $0xFFFFFFFF  }
0xbc: {  	_ =	strace $0x90000048  }
0xbd: {  	_ =	sfence  }
0xbe: {  	s30 =	sld [smem:$0x0];
	_ =	sdelay $0x2  }
0xbf: {  	s31 =	sshll.u32 s1, $0xD;
	s1 =	sshrl.u32 s1, $0x2  }
0xc0: {  	s3 =	sand.u32 $0x4000, s31;
	s1 =	sadd.s32 s1, s30  }
0xc1: {  	s0 =	sor.u32 s3, s0;
	s1 =	sshll.u32 s1, $0x11  }
0xc2: {  	s0 =	sor.u32 s1, s0  }
0xc3: {  	s0 =	sadd.s32 $0x8F2B, s0  }
0xc4: {  	[sflag:s0] =	ssyncadd.remote.s32 $0x1  }
0xc5: {  	_ =	sfence.sel $0xFFFF  }
0xc6: {  	[dreg:$0x0] =	wrdreg $0xFFFFFFFF;
	(pc) =	sbr.abs _section_cstart, $3  }
0xc7: {  	[dreg:$0x1] =	wrdreg $0xFFFFFFFF  }
0xc8: {  	_ =	task.clear_ibuf [dreg:s11], $0x2FFFF;
	_ =	strace $0x9FFFFFFF  }
0xc9: {  	(tm) =	ssettm $0x7FFFFFFF  }
tec
execute0_lowered:
.L_overlay_start_1:
0x0: {  	(tag) =	ssettag $0x1  }
0x1: {  	s2 =	srdreg.scid  }
0x2: {  	s7 =	sand.u32 $0x1, s2;
	s2 =	stileid.u32  }
0x3: {  	s8 =	sor.u32 s2, s7  }
0x4: {  	s0 =	rddreg [dreg:$0x0];
	p0 =	sne.s32 s8, $0x0  }
.Ltmp0:
0x5: {  	s1 =	rddreg [dreg:$0x1];
	(pc) =	sbr.rel @p0 .LBB2_3-.Ltmp0, $4  }
0x6: {  	s3 =	rddreg [dreg:$0x2]  }
0x7: {  	s5 =	rddreg [dreg:$0x3]  }
0x8: {  	s6 =	rddreg [dreg:$0x4]  }
0x9: {  	s4 =	rddreg [dreg:$0x5];
	_ =	strace $0x80000047  }
0xa: {  	s7 =	ssub.s32 $0x2, s7;
	s9 =	simm.s32 $0x2;
	s10 =	simm.s32 $0x200  }
0xb: {  	s11 =	simm.s32 $0xA00;
	s12 =	simm.s32 $0x1200;
	s8 =	sshrl.u32 s7, $0x1  }
0xc: {  	vm0 =	vmmov $0xffff;
	s13 =	simm.s32 $0x1;
	s7 =	ssub.s32 s7, s8;
	s8 =	simm.s32 $0x0  }
.LBB2_2:
0xd: {  	[tilespmem:s8], [sflag:$0x2] =	stream.linear.gather [hbm4b:s0+s8], $0x180, $0x38;
	[tilespmem:$0x1A00] =	vst v63  }
0xe: {  	_ =	swait.ge [sflag:s9], $0x180  }
0xf: {  	[sflag:s9] =	ssyncset.done $0x0  }
0x10: {  	[sflag:s9] =	ssyncadd.s32 $0xFFFFFE80  }
0x11: {  	v0 =	vld [tilespmem:$0x100];
	_ =	sdelay $0x1  }
0x12: {  	v1 =	vld [tilespmem:$0x80];
	_ =	sdelay $0x1  }
0x13: {  	v2 =	vld [tilespmem:$0x0]  }
0x14: {  	v0 =	vmul.f32 $2.400000000e+01, v0;
	_ =	sdelay $0x1  }
0x15: {  	v1 =	vmul.f32 $3.200000000e+01, v1;
	v0 =	vtrunc.f32 v0  }
0x16: {  	v0 =	vcvt.f32.s32 v0  }
0x17: {  	v2 =	vmul.f32 $1.300000000e+01, v2;
	v1 =	vtrunc.f32 v1  }
0x18: {  	v1 =	vcvt.f32.s32 v1  }
0x19: {  	v2 =	vtrunc.f32 v2  }
0x1a: {  	v2 =	vcvt.f32.s32 v2;
	_ =	sdelay $0x1  }
0x1b: {  	[tilespmem:s10], [sflag:$0x1] =	stream.indirect_vreg.gather [hbm4b:s1+s8], $0x80, v0, vm0, $0xb8;
	[tilespmem:$0x1A00] =	vst v63  }
0x1c: {  	_ = 	snop  }
0x1d: {  	[tilespmem:s11], [sflag:$0x1] =	stream.indirect_vreg.gather [hbm4b:s3+s8], $0x80, v1, vm0, $0xb8;
	[tilespmem:$0x1A00] =	vst v63  }
0x1e: {  	_ = 	snop  }
0x1f: {  	[tilespmem:s12], [sflag:$0x1] =	stream.indirect_vreg.gather [hbm4b:s5+s8], $0x80, v2, vm0, $0xb8;
	[tilespmem:$0x1A00] =	vst v63  }
0x20: {  	_ =	swait.ge [sflag:s13], $0x800  }
0x21: {  	[sflag:s13] =	ssyncset.done $0x0  }
0x22: {  	[sflag:s13] =	ssyncadd.s32 $0xFFFFF800  }
0x23: {  	_ =	swait.ge [sflag:s13], $0x800  }
0x24: {  	[sflag:s13] =	ssyncset.done $0x0  }
0x25: {  	[sflag:s13] =	ssyncadd.s32 $0xFFFFF800  }
0x26: {  	_ =	swait.ge [sflag:s13], $0x800  }
0x27: {  	[sflag:s13] =	ssyncset.done $0x0  }
0x28: {  	[sflag:s13] =	ssyncadd.s32 $0xFFFFF800  }
0x29: {  	v62 =	vld [tilespmem:$0x13A0];
	_ =	sdelay $0x4  }
0x2a: {  	[tilespmem:$0x1F2C0] =	vst v62;
	v62 =	vld [tilespmem:$0x3B0];
	_ =	sdelay $0x4  }
0x2b: {  	[tilespmem:$0x1F2A0] =	vst v62;
	v62 =	vld [tilespmem:$0xBB0];
	_ =	sdelay $0x4  }
0x2c: {  	[tilespmem:$0x1F2B0] =	vst v62;
	v62 =	vld [tilespmem:$0x13B0];
	_ =	sdelay $0x4  }
0x2d: {  	[tilespmem:$0x1F2F0] =	vst v62;
	v62 =	vld [tilespmem:$0x3C0];
	_ =	sdelay $0x4  }
0x2e: {  	[tilespmem:$0x1F2D0] =	vst v62;
	v62 =	vld [tilespmem:$0xBC0];
	_ =	sdelay $0x4  }
0x2f: {  	[tilespmem:$0x1F2E0] =	vst v62;
	v62 =	vld [tilespmem:$0x13C0];
	_ =	sdelay $0x4  }
0x30: {  	[tilespmem:$0x1F320] =	vst v62;
	v62 =	vld [tilespmem:$0x3D0];
	_ =	sdelay $0x4  }
0x31: {  	[tilespmem:$0x1F300] =	vst v62;
	v62 =	vld [tilespmem:$0xBD0];
	_ =	sdelay $0x4  }
0x32: {  	[tilespmem:$0x1F310] =	vst v62;
	v62 =	vld [tilespmem:$0x13D0];
	_ =	sdelay $0x4  }
0x33: {  	[tilespmem:$0x1F350] =	vst v62;
	v62 =	vld [tilespmem:$0x3E0];
	_ =	sdelay $0x4  }
0x34: {  	[tilespmem:$0x1F330] =	vst v62;
	v62 =	vld [tilespmem:$0xBE0];
	_ =	sdelay $0x4  }
0x35: {  	[tilespmem:$0x1F340] =	vst v62;
	v62 =	vld [tilespmem:$0x13E0];
	_ =	sdelay $0x4  }
0x36: {  	[tilespmem:$0x1F380] =	vst v62;
	v62 =	vld [tilespmem:$0x3F0];
	_ =	sdelay $0x4  }
0x37: {  	[tilespmem:$0x1F360] =	vst v62;
	v62 =	vld [tilespmem:$0xBF0];
	_ =	sdelay $0x4  }
0x38: {  	[tilespmem:$0x1F370] =	vst v62;
	v62 =	vld [tilespmem:$0x13F0];
	_ =	sdelay $0x4  }
0x39: {  	[tilespmem:$0x1F3B0] =	vst v62;
	v62 =	vld [tilespmem:$0x400];
	_ =	sdelay $0x4  }
0x3a: {  	[tilespmem:$0x1F390] =	vst v62;
	v62 =	vld [tilespmem:$0xC00];
	_ =	sdelay $0x4  }
0x3b: {  	[tilespmem:$0x1F3A0] =	vst v62;
	v62 =	vld [tilespmem:$0x1400];
	_ =	sdelay $0x4  }
0x3c: {  	[tilespmem:$0x1F3E0] =	vst v62;
	v62 =	vld [tilespmem:$0x410];
	_ =	sdelay $0x4  }
0x3d: {  	[tilespmem:$0x1F3C0] =	vst v62;
	v62 =	vld [tilespmem:$0xC10];
	_ =	sdelay $0x4  }
0x3e: {  	[tilespmem:$0x1F3D0] =	vst v62;
	v62 =	vld [tilespmem:$0x1410];
	_ =	sdelay $0x4  }
0x3f: {  	[tilespmem:$0x1F410] =	vst v62;
	v62 =	vld [tilespmem:$0x420];
	_ =	sdelay $0x4  }
0x40: {  	[tilespmem:$0x1F3F0] =	vst v62;
	v62 =	vld [tilespmem:$0xC20];
	_ =	sdelay $0x4  }
0x41: {  	[tilespmem:$0x1F400] =	vst v62;
	v62 =	vld [tilespmem:$0x1420];
	_ =	sdelay $0x4  }
0x42: {  	[tilespmem:$0x1F440] =	vst v62;
	v62 =	vld [tilespmem:$0x430];
	_ =	sdelay $0x4  }
0x43: {  	[tilespmem:$0x1F420] =	vst v62;
	v62 =	vld [tilespmem:$0xC30];
	_ =	sdelay $0x4  }
0x44: {  	[tilespmem:$0x1F430] =	vst v62;
	v62 =	vld [tilespmem:$0x1430];
	_ =	sdelay $0x4  }
0x45: {  	[tilespmem:$0x1F470] =	vst v62;
	v62 =	vld [tilespmem:$0x440];
	_ =	sdelay $0x4  }
0x46: {  	[tilespmem:$0x1F450] =	vst v62;
	v62 =	vld [tilespmem:$0xC40];
	_ =	sdelay $0x4  }
0x47: {  	[tilespmem:$0x1F460] =	vst v62;
	v62 =	vld [tilespmem:$0x1440];
	_ =	sdelay $0x4  }
0x48: {  	[tilespmem:$0x1F4A0] =	vst v62;
	v62 =	vld [tilespmem:$0x450];
	_ =	sdelay $0x4  }
0x49: {  	[tilespmem:$0x1F480] =	vst v62;
	v62 =	vld [tilespmem:$0xC50];
	_ =	sdelay $0x4  }
0x4a: {  	[tilespmem:$0x1F490] =	vst v62;
	v62 =	vld [tilespmem:$0x1450];
	_ =	sdelay $0x4  }
0x4b: {  	[tilespmem:$0x1F4D0] =	vst v62;
	v62 =	vld [tilespmem:$0x460];
	_ =	sdelay $0x4  }
0x4c: {  	[tilespmem:$0x1F4B0] =	vst v62;
	v62 =	vld [tilespmem:$0xC60];
	_ =	sdelay $0x4  }
0x4d: {  	[tilespmem:$0x1F4C0] =	vst v62;
	v62 =	vld [tilespmem:$0x1460];
	_ =	sdelay $0x4  }
0x4e: {  	[tilespmem:$0x1F500] =	vst v62;
	v62 =	vld [tilespmem:$0x470];
	_ =	sdelay $0x4  }
0x4f: {  	[tilespmem:$0x1F4E0] =	vst v62;
	v62 =	vld [tilespmem:$0xC70];
	_ =	sdelay $0x4  }
0x50: {  	[tilespmem:$0x1F4F0] =	vst v62;
	v62 =	vld [tilespmem:$0x1470];
	_ =	sdelay $0x4  }
0x51: {  	[tilespmem:$0x1F530] =	vst v62;
	v62 =	vld [tilespmem:$0x480];
	_ =	sdelay $0x4  }
0x52: {  	[tilespmem:$0x1F510] =	vst v62;
	v62 =	vld [tilespmem:$0xC80];
	_ =	sdelay $0x4  }
0x53: {  	[tilespmem:$0x1F520] =	vst v62;
	v62 =	vld [tilespmem:$0x1480];
	_ =	sdelay $0x4  }
0x54: {  	[tilespmem:$0x1F560] =	vst v62;
	v62 =	vld [tilespmem:$0x490];
	_ =	sdelay $0x4  }
0x55: {  	[tilespmem:$0x1F540] =	vst v62;
	v62 =	vld [tilespmem:$0xC90];
	_ =	sdelay $0x4  }
0x56: {  	[tilespmem:$0x1F550] =	vst v62;
	v62 =	vld [tilespmem:$0x1490];
	_ =	sdelay $0x4  }
0x57: {  	[tilespmem:$0x1F590] =	vst v62;
	v62 =	vld [tilespmem:$0x4A0];
	_ =	sdelay $0x4  }
0x58: {  	[tilespmem:$0x1F570] =	vst v62;
	v62 =	vld [tilespmem:$0xCA0];
	_ =	sdelay $0x4  }
0x59: {  	[tilespmem:$0x1F580] =	vst v62;
	v62 =	vld [tilespmem:$0x14A0];
	_ =	sdelay $0x4  }
0x5a: {  	[tilespmem:$0x1F5C0] =	vst v62;
	v62 =	vld [tilespmem:$0x4B0];
	_ =	sdelay $0x4  }
0x5b: {  	[tilespmem:$0x1F5A0] =	vst v62;
	v62 =	vld [tilespmem:$0xCB0];
	_ =	sdelay $0x4  }
0x5c: {  	[tilespmem:$0x1F5B0] =	vst v62;
	v62 =	vld [tilespmem:$0x14B0];
	_ =	sdelay $0x4  }
0x5d: {  	[tilespmem:$0x1F5F0] =	vst v62;
	v62 =	vld [tilespmem:$0x4C0];
	_ =	sdelay $0x4  }
0x5e: {  	[tilespmem:$0x1F5D0] =	vst v62;
	v62 =	vld [tilespmem:$0xCC0];
	_ =	sdelay $0x4  }
0x5f: {  	[tilespmem:$0x1F5E0] =	vst v62;
	v62 =	vld [tilespmem:$0x14C0];
	_ =	sdelay $0x4  }
0x60: {  	[tilespmem:$0x1F620] =	vst v62;
	v62 =	vld [tilespmem:$0x4D0];
	_ =	sdelay $0x4  }
0x61: {  	[tilespmem:$0x1F600] =	vst v62;
	v62 =	vld [tilespmem:$0xCD0];
	_ =	sdelay $0x4  }
0x62: {  	[tilespmem:$0x1F610] =	vst v62;
	v62 =	vld [tilespmem:$0x14D0];
	_ =	sdelay $0x4  }
0x63: {  	[tilespmem:$0x1F650] =	vst v62;
	v62 =	vld [tilespmem:$0x4E0];
	_ =	sdelay $0x4  }
0x64: {  	[tilespmem:$0x1F630] =	vst v62;
	v62 =	vld [tilespmem:$0xCE0];
	_ =	sdelay $0x4  }
0x65: {  	[tilespmem:$0x1F640] =	vst v62;
	v62 =	vld [tilespmem:$0x14E0];
	_ =	sdelay $0x4  }
0x66: {  	[tilespmem:$0x1F680] =	vst v62;
	v62 =	vld [tilespmem:$0x4F0];
	_ =	sdelay $0x4  }
0x67: {  	[tilespmem:$0x1F660] =	vst v62;
	v62 =	vld [tilespmem:$0xCF0];
	_ =	sdelay $0x4  }
0x68: {  	[tilespmem:$0x1F670] =	vst v62;
	v62 =	vld [tilespmem:$0x14F0];
	_ =	sdelay $0x4  }
0x69: {  	[tilespmem:$0x1F6B0] =	vst v62;
	v62 =	vld [tilespmem:$0x500];
	_ =	sdelay $0x4  }
0x6a: {  	[tilespmem:$0x1F690] =	vst v62;
	v62 =	vld [tilespmem:$0xD00];
	_ =	sdelay $0x4  }
0x6b: {  	[tilespmem:$0x1F6A0] =	vst v62;
	v62 =	vld [tilespmem:$0x1500];
	_ =	sdelay $0x4  }
0x6c: {  	[tilespmem:$0x1F6E0] =	vst v62;
	v62 =	vld [tilespmem:$0x510];
	_ =	sdelay $0x4  }
0x6d: {  	[tilespmem:$0x1F6C0] =	vst v62;
	v62 =	vld [tilespmem:$0xD10];
	_ =	sdelay $0x4  }
0x6e: {  	[tilespmem:$0x1F6D0] =	vst v62;
	v62 =	vld [tilespmem:$0x1510];
	_ =	sdelay $0x4  }
0x6f: {  	[tilespmem:$0x1F710] =	vst v62;
	v62 =	vld [tilespmem:$0x520];
	_ =	sdelay $0x4  }
0x70: {  	[tilespmem:$0x1F6F0] =	vst v62;
	v62 =	vld [tilespmem:$0xD20];
	_ =	sdelay $0x4  }
0x71: {  	[tilespmem:$0x1F700] =	vst v62;
	v62 =	vld [tilespmem:$0x1520];
	_ =	sdelay $0x4  }
0x72: {  	[tilespmem:$0x1F740] =	vst v62;
	v62 =	vld [tilespmem:$0x530];
	_ =	sdelay $0x4  }
0x73: {  	[tilespmem:$0x1F720] =	vst v62;
	v62 =	vld [tilespmem:$0xD30];
	_ =	sdelay $0x4  }
0x74: {  	[tilespmem:$0x1F730] =	vst v62;
	v62 =	vld [tilespmem:$0x1530];
	_ =	sdelay $0x4  }
0x75: {  	[tilespmem:$0x1F770] =	vst v62;
	v62 =	vld [tilespmem:$0x540];
	_ =	sdelay $0x4  }
0x76: {  	[tilespmem:$0x1F750] =	vst v62;
	v62 =	vld [tilespmem:$0xD40];
	_ =	sdelay $0x4  }
0x77: {  	[tilespmem:$0x1F760] =	vst v62;
	v62 =	vld [tilespmem:$0x1540];
	_ =	sdelay $0x4  }
0x78: {  	[tilespmem:$0x1F7A0] =	vst v62;
	v62 =	vld [tilespmem:$0x550];
	_ =	sdelay $0x4  }
0x79: {  	[tilespmem:$0x1F780] =	vst v62;
	v62 =	vld [tilespmem:$0xD50];
	_ =	sdelay $0x4  }
0x7a: {  	[tilespmem:$0x1F790] =	vst v62;
	v62 =	vld [tilespmem:$0x1550];
	_ =	sdelay $0x4  }
0x7b: {  	[tilespmem:$0x1F7D0] =	vst v62;
	v62 =	vld [tilespmem:$0x560];
	_ =	sdelay $0x4  }
0x7c: {  	[tilespmem:$0x1F7B0] =	vst v62;
	v62 =	vld [tilespmem:$0xD60];
	_ =	sdelay $0x4  }
0x7d: {  	[tilespmem:$0x1F7C0] =	vst v62;
	v62 =	vld [tilespmem:$0x1560];
	_ =	sdelay $0x4  }
0x7e: {  	[tilespmem:$0x1F800] =	vst v62;
	v62 =	vld [tilespmem:$0x570];
	_ =	sdelay $0x4  }
0x7f: {  	[tilespmem:$0x1F7E0] =	vst v62;
	v62 =	vld [tilespmem:$0xD70];
	_ =	sdelay $0x4  }
0x80: {  	[tilespmem:$0x1F7F0] =	vst v62;
	v62 =	vld [tilespmem:$0x1570];
	_ =	sdelay $0x4  }
0x81: {  	[tilespmem:$0x1F830] =	vst v62;
	v62 =	vld [tilespmem:$0x580];
	_ =	sdelay $0x4  }
0x82: {  	[tilespmem:$0x1F810] =	vst v62;
	v62 =	vld [tilespmem:$0xD80];
	_ =	sdelay $0x4  }
0x83: {  	[tilespmem:$0x1F820] =	vst v62;
	v62 =	vld [tilespmem:$0x1580];
	_ =	sdelay $0x4  }
0x84: {  	[tilespmem:$0x1F860] =	vst v62;
	v62 =	vld [tilespmem:$0x590];
	_ =	sdelay $0x4  }
0x85: {  	[tilespmem:$0x1F840] =	vst v62;
	v62 =	vld [tilespmem:$0xD90];
	_ =	sdelay $0x4  }
0x86: {  	[tilespmem:$0x1F850] =	vst v62;
	v62 =	vld [tilespmem:$0x1590];
	_ =	sdelay $0x4  }
0x87: {  	[tilespmem:$0x1F890] =	vst v62;
	v62 =	vld [tilespmem:$0x5A0];
	_ =	sdelay $0x4  }
0x88: {  	[tilespmem:$0x1F870] =	vst v62;
	v62 =	vld [tilespmem:$0xDA0];
	_ =	sdelay $0x4  }
0x89: {  	[tilespmem:$0x1F880] =	vst v62;
	v62 =	vld [tilespmem:$0x15A0];
	_ =	sdelay $0x4  }
0x8a: {  	[tilespmem:$0x1F8C0] =	vst v62;
	v62 =	vld [tilespmem:$0x5B0];
	_ =	sdelay $0x4  }
0x8b: {  	[tilespmem:$0x1F8A0] =	vst v62;
	v62 =	vld [tilespmem:$0xDB0];
	_ =	sdelay $0x4  }
0x8c: {  	[tilespmem:$0x1F8B0] =	vst v62;
	v62 =	vld [tilespmem:$0x15B0];
	_ =	sdelay $0x4  }
0x8d: {  	[tilespmem:$0x1F8F0] =	vst v62;
	v62 =	vld [tilespmem:$0x5C0];
	_ =	sdelay $0x4  }
0x8e: {  	[tilespmem:$0x1F8D0] =	vst v62;
	v62 =	vld [tilespmem:$0xDC0];
	_ =	sdelay $0x4  }
0x8f: {  	[tilespmem:$0x1F8E0] =	vst v62;
	v62 =	vld [tilespmem:$0x15C0];
	_ =	sdelay $0x4  }
0x90: {  	[tilespmem:$0x1F920] =	vst v62;
	v62 =	vld [tilespmem:$0x5D0];
	_ =	sdelay $0x4  }
0x91: {  	[tilespmem:$0x1F900] =	vst v62;
	v62 =	vld [tilespmem:$0xDD0];
	_ =	sdelay $0x4  }
0x92: {  	[tilespmem:$0x1F910] =	vst v62;
	v62 =	vld [tilespmem:$0x15D0];
	_ =	sdelay $0x4  }
0x93: {  	[tilespmem:$0x1F950] =	vst v62;
	v62 =	vld [tilespmem:$0x5E0];
	_ =	sdelay $0x4  }
0x94: {  	[tilespmem:$0x1F930] =	vst v62;
	v62 =	vld [tilespmem:$0xDE0];
	_ =	sdelay $0x4  }
0x95: {  	[tilespmem:$0x1F940] =	vst v62;
	v62 =	vld [tilespmem:$0x15E0];
	_ =	sdelay $0x4  }
0x96: {  	[tilespmem:$0x1F980] =	vst v62;
	v62 =	vld [tilespmem:$0x5F0];
	_ =	sdelay $0x4  }
0x97: {  	[tilespmem:$0x1F960] =	vst v62;
	v62 =	vld [tilespmem:$0xDF0];
	_ =	sdelay $0x4  }
0x98: {  	[tilespmem:$0x1F970] =	vst v62;
	v62 =	vld [tilespmem:$0x15F0];
	_ =	sdelay $0x4  }
0x99: {  	[tilespmem:$0x1F9B0] =	vst v62;
	v62 =	vld [tilespmem:$0x600];
	_ =	sdelay $0x4  }
0x9a: {  	[tilespmem:$0x1F990] =	vst v62;
	v62 =	vld [tilespmem:$0xE00];
	_ =	sdelay $0x4  }
0x9b: {  	[tilespmem:$0x1F9A0] =	vst v62;
	v62 =	vld [tilespmem:$0x1600];
	_ =	sdelay $0x4  }
0x9c: {  	[tilespmem:$0x1F9E0] =	vst v62;
	v62 =	vld [tilespmem:$0x610];
	_ =	sdelay $0x4  }
0x9d: {  	[tilespmem:$0x1F9C0] =	vst v62;
	v62 =	vld [tilespmem:$0xE10];
	_ =	sdelay $0x4  }
0x9e: {  	[tilespmem:$0x1F9D0] =	vst v62;
	v62 =	vld [tilespmem:$0x1610];
	_ =	sdelay $0x4  }
0x9f: {  	[tilespmem:$0x1FA10] =	vst v62;
	v62 =	vld [tilespmem:$0x620];
	_ =	sdelay $0x4  }
0xa0: {  	[tilespmem:$0x1F9F0] =	vst v62;
	v62 =	vld [tilespmem:$0xE20];
	_ =	sdelay $0x4  }
0xa1: {  	[tilespmem:$0x1FA00] =	vst v62;
	v62 =	vld [tilespmem:$0x1620];
	_ =	sdelay $0x4  }
0xa2: {  	[tilespmem:$0x1FA40] =	vst v62;
	v62 =	vld [tilespmem:$0x630];
	_ =	sdelay $0x4  }
0xa3: {  	[tilespmem:$0x1FA20] =	vst v62;
	v62 =	vld [tilespmem:$0xE30];
	_ =	sdelay $0x4  }
0xa4: {  	[tilespmem:$0x1FA30] =	vst v62;
	v62 =	vld [tilespmem:$0x1630];
	_ =	sdelay $0x4  }
0xa5: {  	[tilespmem:$0x1FA70] =	vst v62;
	v62 =	vld [tilespmem:$0x640];
	_ =	sdelay $0x4  }
0xa6: {  	[tilespmem:$0x1FA50] =	vst v62;
	v62 =	vld [tilespmem:$0xE40];
	_ =	sdelay $0x4  }
0xa7: {  	[tilespmem:$0x1FA60] =	vst v62;
	v62 =	vld [tilespmem:$0x1640];
	_ =	sdelay $0x4  }
0xa8: {  	[tilespmem:$0x1FAA0] =	vst v62;
	v62 =	vld [tilespmem:$0x650];
	_ =	sdelay $0x4  }
0xa9: {  	[tilespmem:$0x1FA80] =	vst v62;
	v62 =	vld [tilespmem:$0xE50];
	_ =	sdelay $0x4  }
0xaa: {  	[tilespmem:$0x1FA90] =	vst v62;
	v62 =	vld [tilespmem:$0x1650];
	_ =	sdelay $0x4  }
0xab: {  	[tilespmem:$0x1FAD0] =	vst v62;
	v62 =	vld [tilespmem:$0x660];
	_ =	sdelay $0x4  }
0xac: {  	[tilespmem:$0x1FAB0] =	vst v62;
	v62 =	vld [tilespmem:$0xE60];
	_ =	sdelay $0x4  }
0xad: {  	[tilespmem:$0x1FAC0] =	vst v62;
	v62 =	vld [tilespmem:$0x1660];
	_ =	sdelay $0x4  }
0xae: {  	[tilespmem:$0x1FB00] =	vst v62;
	v62 =	vld [tilespmem:$0x670];
	_ =	sdelay $0x4  }
0xaf: {  	[tilespmem:$0x1FAE0] =	vst v62;
	v62 =	vld [tilespmem:$0xE70];
	_ =	sdelay $0x4  }
0xb0: {  	[tilespmem:$0x1FAF0] =	vst v62;
	v62 =	vld [tilespmem:$0x1670];
	_ =	sdelay $0x4  }
0xb1: {  	[tilespmem:$0x1FB30] =	vst v62;
	v62 =	vld [tilespmem:$0x680];
	_ =	sdelay $0x4  }
0xb2: {  	[tilespmem:$0x1FB10] =	vst v62;
	v62 =	vld [tilespmem:$0xE80];
	_ =	sdelay $0x4  }
0xb3: {  	[tilespmem:$0x1FB20] =	vst v62;
	v62 =	vld [tilespmem:$0x1680];
	_ =	sdelay $0x4  }
0xb4: {  	[tilespmem:$0x1FB60] =	vst v62;
	v62 =	vld [tilespmem:$0x690];
	_ =	sdelay $0x4  }
0xb5: {  	[tilespmem:$0x1FB40] =	vst v62;
	v62 =	vld [tilespmem:$0xE90];
	_ =	sdelay $0x4  }
0xb6: {  	[tilespmem:$0x1FB50] =	vst v62;
	v62 =	vld [tilespmem:$0x1690];
	_ =	sdelay $0x4  }
0xb7: {  	[tilespmem:$0x1FB90] =	vst v62;
	v62 =	vld [tilespmem:$0x6A0];
	_ =	sdelay $0x4  }
0xb8: {  	[tilespmem:$0x1FB70] =	vst v62;
	v62 =	vld [tilespmem:$0xEA0];
	_ =	sdelay $0x4  }
0xb9: {  	[tilespmem:$0x1FB80] =	vst v62;
	v62 =	vld [tilespmem:$0x16A0];
	_ =	sdelay $0x4  }
0xba: {  	[tilespmem:$0x1FBC0] =	vst v62;
	v62 =	vld [tilespmem:$0x6B0];
	_ =	sdelay $0x4  }
0xbb: {  	[tilespmem:$0x1FBA0] =	vst v62;
	v62 =	vld [tilespmem:$0xEB0];
	_ =	sdelay $0x4  }
0xbc: {  	[tilespmem:$0x1FBB0] =	vst v62;
	v62 =	vld [tilespmem:$0x16B0];
	_ =	sdelay $0x4  }
0xbd: {  	[tilespmem:$0x1FBF0] =	vst v62;
	v62 =	vld [tilespmem:$0x6C0];
	_ =	sdelay $0x4  }
0xbe: {  	[tilespmem:$0x1FBD0] =	vst v62;
	v62 =	vld [tilespmem:$0xEC0];
	_ =	sdelay $0x4  }
0xbf: {  	[tilespmem:$0x1FBE0] =	vst v62;
	v62 =	vld [tilespmem:$0x16C0];
	_ =	sdelay $0x4  }
0xc0: {  	[tilespmem:$0x1FC20] =	vst v62;
	v62 =	vld [tilespmem:$0x6D0];
	_ =	sdelay $0x4  }
0xc1: {  	[tilespmem:$0x1FC00] =	vst v62;
	v62 =	vld [tilespmem:$0xED0];
	_ =	sdelay $0x4  }
0xc2: {  	[tilespmem:$0x1FC10] =	vst v62;
	v62 =	vld [tilespmem:$0x16D0];
	_ =	sdelay $0x4  }
0xc3: {  	[tilespmem:$0x1FC50] =	vst v62;
	v62 =	vld [tilespmem:$0x6E0];
	_ =	sdelay $0x4  }
0xc4: {  	[tilespmem:$0x1FC30] =	vst v62;
	v62 =	vld [tilespmem:$0xEE0];
	_ =	sdelay $0x4  }
0xc5: {  	[tilespmem:$0x1FC40] =	vst v62;
	v62 =	vld [tilespmem:$0x16E0];
	_ =	sdelay $0x4  }
0xc6: {  	[tilespmem:$0x1FC80] =	vst v62;
	v62 =	vld [tilespmem:$0x6F0];
	_ =	sdelay $0x4  }
0xc7: {  	[tilespmem:$0x1FC60] =	vst v62;
	v62 =	vld [tilespmem:$0xEF0];
	_ =	sdelay $0x4  }
0xc8: {  	[tilespmem:$0x1FC70] =	vst v62;
	v62 =	vld [tilespmem:$0x16F0];
	_ =	sdelay $0x4  }
0xc9: {  	[tilespmem:$0x1FCB0] =	vst v62;
	v62 =	vld [tilespmem:$0x700];
	_ =	sdelay $0x4  }
0xca: {  	[tilespmem:$0x1FC90] =	vst v62;
	v62 =	vld [tilespmem:$0xF00];
	_ =	sdelay $0x4  }
0xcb: {  	[tilespmem:$0x1FCA0] =	vst v62;
	v62 =	vld [tilespmem:$0x1700];
	_ =	sdelay $0x1  }
0xcc: {  	v55 =	vld [tilespmem:$0x200]  }
0xcd: {  	v56 =	vld [tilespmem:$0xA00]  }
0xce: {  	v57 =	vld [tilespmem:$0x1200]  }
0xcf: {  	[tilespmem:$0x1FCE0] =	vst v62;
	v62 =	vld [tilespmem:$0x710]  }
0xd0: {  	v3 =	vld [tilespmem:$0x210]  }
0xd1: {  	v4 =	vld [tilespmem:$0xA10]  }
0xd2: {  	v5 =	vld [tilespmem:$0x1210]  }
0xd3: {  	v6 =	vld [tilespmem:$0x220]  }
0xd4: {  	[tilespmem:$0x1FCC0] =	vst v62;
	v62 =	vld [tilespmem:$0xF10]  }
0xd5: {  	v7 =	vld [tilespmem:$0xA20]  }
0xd6: {  	v8 =	vld [tilespmem:$0x230]  }
0xd7: {  	v9 =	vld [tilespmem:$0xA30]  }
0xd8: {  	v10 =	vld [tilespmem:$0x1220]  }
0xd9: {  	[tilespmem:$0x1FCD0] =	vst v62;
	v62 =	vld [tilespmem:$0x1710]  }
0xda: {  	v58 =	vld [tilespmem:$0x1230]  }
0xdb: {  	v16 =	vld [tilespmem:$0x1240]  }
0xdc: {  	v13 =	vld [tilespmem:$0x1250]  }
0xdd: {  	v18 =	vld [tilespmem:$0x1260]  }
0xde: {  	[tilespmem:$0x1FD10] =	vst v62;
	v62 =	vld [tilespmem:$0x720]  }
0xdf: {  	v2 =	vld [tilespmem:$0xA70]  }
0xe0: {  	v21 =	vld [tilespmem:$0x1270]  }
0xe1: {  	v24 =	vld [tilespmem:$0x1280]  }
0xe2: {  	v12 =	vld [tilespmem:$0x290]  }
0xe3: {  	[tilespmem:$0x1FCF0] =	vst v62;
	v62 =	vld [tilespmem:$0xF20]  }
0xe4: {  	v27 =	vld [tilespmem:$0x1290]  }
0xe5: {  	v14 =	vld [tilespmem:$0x2A0]  }
0xe6: {  	v11 =	vld [tilespmem:$0xAA0]  }
0xe7: {  	v30 =	vld [tilespmem:$0x12A0]  }
0xe8: {  	[tilespmem:$0x1FD00] =	vst v62;
	v62 =	vld [tilespmem:$0x1720]  }
0xe9: {  	v19 =	vld [tilespmem:$0x2B0]  }
0xea: {  	v15 =	vld [tilespmem:$0xAB0]  }
0xeb: {  	v33 =	vld [tilespmem:$0x12B0]  }
0xec: {  	v22 =	vld [tilespmem:$0x2C0]  }
0xed: {  	[tilespmem:$0x1FD40] =	vst v62;
	v62 =	vld [tilespmem:$0x730]  }
0xee: {  	v17 =	vld [tilespmem:$0xAC0]  }
0xef: {  	v36 =	vld [tilespmem:$0x12C0]  }
0xf0: {  	v25 =	vld [tilespmem:$0x2D0]  }
0xf1: {  	v20 =	vld [tilespmem:$0xAD0]  }
0xf2: {  	[tilespmem:$0x1FD20] =	vst v62;
	v62 =	vld [tilespmem:$0xF30]  }
0xf3: {  	v39 =	vld [tilespmem:$0x12D0]  }
0xf4: {  	v28 =	vld [tilespmem:$0x2E0]  }
0xf5: {  	v23 =	vld [tilespmem:$0xAE0]  }
0xf6: {  	v42 =	vld [tilespmem:$0x12E0]  }
0xf7: {  	[tilespmem:$0x1FD30] =	vst v62;
	v62 =	vld [tilespmem:$0x1730]  }
0xf8: {  	v31 =	vld [tilespmem:$0x2F0]  }
0xf9: {  	v26 =	vld [tilespmem:$0xAF0]  }
0xfa: {  	v45 =	vld [tilespmem:$0x12F0]  }
0xfb: {  	v34 =	vld [tilespmem:$0x300]  }
0xfc: {  	[tilespmem:$0x1FD70] =	vst v62;
	v62 =	vld [tilespmem:$0x740]  }
0xfd: {  	v29 =	vld [tilespmem:$0xB00]  }
0xfe: {  	v48 =	vld [tilespmem:$0x1300]  }
0xff: {  	v37 =	vld [tilespmem:$0x310]  }
0x100: {  	v32 =	vld [tilespmem:$0xB10]  }
0x101: {  	[tilespmem:$0x1FD50] =	vst v62;
	v62 =	vld [tilespmem:$0xF40]  }
0x102: {  	v51 =	vld [tilespmem:$0x1310]  }
0x103: {  	v40 =	vld [tilespmem:$0x320]  }
0x104: {  	v35 =	vld [tilespmem:$0xB20]  }
0x105: {  	v54 =	vld [tilespmem:$0x1320]  }
0x106: {  	[tilespmem:$0x1FD60] =	vst v62;
	v62 =	vld [tilespmem:$0x1740]  }
0x107: {  	v43 =	vld [tilespmem:$0x330]  }
0x108: {  	v38 =	vld [tilespmem:$0xB30]  }
0x109: {  	v46 =	vld [tilespmem:$0x340]  }
0x10a: {  	v41 =	vld [tilespmem:$0xB40]  }
0x10b: {  	[tilespmem:$0x1FDA0] =	vst v62;
	v62 =	vld [tilespmem:$0x750]  }
0x10c: {  	v49 =	vld [tilespmem:$0x350]  }
0x10d: {  	v44 =	vld [tilespmem:$0xB50]  }
0x10e: {  	v47 =	vld [tilespmem:$0x1350]  }
0x10f: {  	v52 =	vld [tilespmem:$0x360]  }
0x110: {  	[tilespmem:$0x1FD80] =	vst v62;
	v62 =	vld [tilespmem:$0xF50]  }
0x111: {  	v50 =	vld [tilespmem:$0x1360]  }
0x112: {  	v53 =	vld [tilespmem:$0x1370]  }
0x113: {  	v63 =	vld [tilespmem:$0x3A0]  }
0x114: {  	v60 =	vadd.f32 v9, v8;
	v9 =	vld [tilespmem:$0x240]  }
0x115: {  	[tilespmem:$0x1FD90] =	vst v62;
	v62 =	vld [tilespmem:$0x1750]  }
0x116: {  	v59 =	vadd.f32 v7, v6;
	v6 =	vld [tilespmem:$0x250]  }
0x117: {  	v7 =	vld [tilespmem:$0x260]  }
0x118: {  	v3 =	vadd.f32 v4, v3;
	v4 =	vld [tilespmem:$0xA80]  }
0x119: {  	v8 =	vld [tilespmem:$0xA90]  }
0x11a: {  	[tilespmem:$0x1FDD0] =	vst v62;
	v62 =	vld [tilespmem:$0x760]  }
0x11b: {  	[tilespmem:$0x1F250] =	vst v47;
	v47 =	vld [tilespmem:$0xB60]  }
0x11c: {  	v0 =	vadd.f32 v56, v55;
	v55 =	vld [tilespmem:$0x370]  }
0x11d: {  	[tilespmem:$0x1F260] =	vst v50;
	v50 =	vld [tilespmem:$0xB70]  }
0x11e: {  	v56 =	vld [tilespmem:$0x380]  }
0x11f: {  	[tilespmem:$0x1FDB0] =	vst v62;
	v62 =	vld [tilespmem:$0xF60]  }
0x120: {  	[tilespmem:$0x1F270] =	vst v53;
	v53 =	vld [tilespmem:$0xB80]  }
0x121: {  	v3 =	vadd.f32 v5, v3;
	v5 =	vld [tilespmem:$0xA40]  }
0x122: {  	v61 =	vadd.f32 v10, v59;
	v10 =	vld [tilespmem:$0x280]  }
0x123: {  	v59 =	vld [tilespmem:$0x1330]  }
0x124: {  	[tilespmem:$0x1FDC0] =	vst v62;
	v62 =	vld [tilespmem:$0x1760]  }
0x125: {  	v0 =	vadd.f32 v57, v0;
	v57 =	vld [tilespmem:$0x1380]  }
0x126: {  	v1 =	vadd.f32 v58, v60;
	v58 =	vld [tilespmem:$0x390]  }
0x127: {  	v60 =	vld [tilespmem:$0x1390];
	[tilespmem:$0x200] =	vst v0  }
0x128: {  	[tilespmem:$0x210] =	vst v3;
	v0 =	vld [tilespmem:$0xA50]  }
0x129: {  	[tilespmem:$0x1FE00] =	vst v62;
	v62 =	vld [tilespmem:$0x770]  }
0x12a: {  	[tilespmem:$0x230] =	vst v1;
	v1 =	vld [tilespmem:$0xA60]  }
0x12b: {  	[tilespmem:$0x220] =	vst v61;
	v3 =	vld [tilespmem:$0x270]  }
0x12c: {  	v61 =	vld [tilespmem:$0x1340];
	[tilespmem:$0x1F280] =	vst v57  }
0x12d: {  	v57 =	vld [tilespmem:$0xB90];
	[tilespmem:$0x1F290] =	vst v60  }
0x12e: {  	v60 =	vld [tilespmem:$0xBA0];
	[tilespmem:$0x1FDE0] =	vst v62  }
0x12f: {  	v5 =	vadd.f32 v5, v9;
	v62 =	vld [tilespmem:$0xF70]  }
0x130: {  	v9 =	vld [tilespmem:$0x780]  }
0x131: {  	v5 =	vadd.f32 v16, v5;
	v1 =	vadd.f32 v1, v7;
	v7 =	vld [tilespmem:$0xF80]  }
0x132: {  	v0 =	vadd.f32 v0, v6;
	v6 =	vld [tilespmem:$0x1780]  }
0x133: {  	v8 =	vadd.f32 v8, v12;
	[tilespmem:$0x240] =	vst v5;
	v5 =	vld [tilespmem:$0x790]  }
0x134: {  	v1 =	vadd.f32 v18, v1;
	v18 =	vadd.f32 v4, v10;
	v12 =	vld [tilespmem:$0x1790]  }
0x135: {  	v11 =	vadd.f32 v11, v14;
	v14 =	vadd.f32 v15, v19;
	v15 =	vld [tilespmem:$0x7A0]  }
0x136: {  	v10 =	vadd.f32 v24, v18;
	v18 =	vld [tilespmem:$0xFA0]  }
0x137: {  	v24 =	vld [tilespmem:$0x7B0]  }
0x138: {  	v0 =	vadd.f32 v13, v0;
	v13 =	vadd.f32 v27, v8;
	v27 =	vld [tilespmem:$0xFB0]  }
0x139: {  	v17 =	vadd.f32 v17, v22;
	v16 =	vadd.f32 v30, v11;
	v30 =	vld [tilespmem:$0x17B0]  }
0x13a: {  	v20 =	vadd.f32 v20, v25;
	v19 =	vadd.f32 v33, v14;
	v33 =	vld [tilespmem:$0x7C0]  }
0x13b: {  	v23 =	vadd.f32 v23, v28;
	v22 =	vadd.f32 v36, v17;
	v36 =	vld [tilespmem:$0xFC0]  }
0x13c: {  	v26 =	vadd.f32 v26, v31;
	v25 =	vadd.f32 v39, v20;
	v39 =	vld [tilespmem:$0x17C0]  }
0x13d: {  	v29 =	vadd.f32 v29, v34;
	v28 =	vadd.f32 v42, v23;
	v42 =	vld [tilespmem:$0x7D0]  }
0x13e: {  	v31 =	vadd.f32 v45, v26;
	v45 =	vld [tilespmem:$0xFD0]  }
0x13f: {  	v32 =	vadd.f32 v32, v37;
	v34 =	vadd.f32 v48, v29;
	v48 =	vld [tilespmem:$0x17D0]  }
0x140: {  	v44 =	vadd.f32 v44, v49;
	v49 =	vld [tilespmem:$0x1F250]  }
0x141: {  	v35 =	vadd.f32 v35, v40;
	v37 =	vadd.f32 v51, v32;
	v51 =	vld [tilespmem:$0x7E0]  }
0x142: {  	v38 =	vadd.f32 v38, v43;
	v47 =	vadd.f32 v47, v52;
	v52 =	vld [tilespmem:$0x1F260]  }
0x143: {  	v41 =	vadd.f32 v41, v46;
	v50 =	vadd.f32 v50, v55;
	v55 =	vld [tilespmem:$0xFE0]  }
0x144: {  	v40 =	vadd.f32 v54, v35;
	v54 =	vadd.f32 v53, v56;
	v56 =	vld [tilespmem:$0x1F270]  }
0x145: {  	v43 =	vadd.f32 v59, v38;
	v59 =	vld [tilespmem:$0x1F280]  }
0x146: {  	v46 =	vadd.f32 v61, v41;
	v61 =	vld [tilespmem:$0x7F0]  }
0x147: {  	v60 =	vadd.f32 v60, v63;
	v63 =	vld [tilespmem:$0x1F2A0]  }
0x148: {  	[tilespmem:$0x290] =	vst v13;
	v13 =	vld [tilespmem:$0xFF0]  }
0x149: {  	v14 =	vld [tilespmem:$0x1F2C0]  }
0x14a: {  	[tilespmem:$0x2A0] =	vst v16;
	v16 =	vld [tilespmem:$0x1F2E0]  }
0x14b: {  	[tilespmem:$0x2B0] =	vst v19;
	v19 =	vld [tilespmem:$0x1F2F0]  }
0x14c: {  	v20 =	vld [tilespmem:$0x1F300]  }
0x14d: {  	v23 =	vld [tilespmem:$0x800]  }
0x14e: {  	[tilespmem:$0x2D0] =	vst v25;
	v25 =	vld [tilespmem:$0x1F330]  }
0x14f: {  	v26 =	vld [tilespmem:$0x1F340]  }
0x150: {  	[tilespmem:$0x2E0] =	vst v28;
	v28 =	vld [tilespmem:$0x1000]  }
0x151: {  	v29 =	vld [tilespmem:$0x1F350]  }
0x152: {  	[tilespmem:$0x2F0] =	vst v31;
	v31 =	vld [tilespmem:$0x1F370]  }
0x153: {  	[tilespmem:$0x300] =	vst v34;
	v34 =	vld [tilespmem:$0x1F380]  }
0x154: {  	[tilespmem:$0x310] =	vst v37;
	v37 =	vld [tilespmem:$0x1F3A0]  }
0x155: {  	[tilespmem:$0x320] =	vst v40;
	v40 =	vld [tilespmem:$0x1F3B0]  }
0x156: {  	v41 =	vld [tilespmem:$0x1F3C0]  }
0x157: {  	v53 =	vld [tilespmem:$0x1F420]  }
0x158: {  	v58 =	vadd.f32 v57, v58;
	v57 =	vld [tilespmem:$0x1F440]  }
0x159: {  	v11 =	vld [tilespmem:$0x1F4A0]  }
0x15a: {  	[tilespmem:$0x1FDF0] =	vst v62;
	v62 =	vld [tilespmem:$0x1770]  }
0x15b: {  	[tilespmem:$0x1FE10] =	vst v9;
	v9 =	vld [tilespmem:$0xF90]  }
0x15c: {  	[tilespmem:$0x1FE60] =	vst v12;
	v12 =	vld [tilespmem:$0x1F2B0]  }
0x15d: {  	[tilespmem:$0x1FE40] =	vst v15;
	v15 =	vld [tilespmem:$0x1F2D0]  }
0x15e: {  	[tilespmem:$0x1FE50] =	vst v18;
	v18 =	vld [tilespmem:$0x17F0]  }
0x15f: {  	[tilespmem:$0x1FE70] =	vst v24;
	v24 =	vld [tilespmem:$0x1F320]  }
0x160: {  	[tilespmem:$0x1FEC0] =	vst v30;
	v30 =	vld [tilespmem:$0x1F360]  }
0x161: {  	[tilespmem:$0x1FEA0] =	vst v33;
	v33 =	vld [tilespmem:$0x1800]  }
0x162: {  	[tilespmem:$0x1FEB0] =	vst v36;
	v36 =	vld [tilespmem:$0x1F390]  }
0x163: {  	[tilespmem:$0x1FEF0] =	vst v39;
	v39 =	vld [tilespmem:$0x810]  }
0x164: {  	[tilespmem:$0x1FED0] =	vst v42;
	v42 =	vld [tilespmem:$0x1F3D0]  }
0x165: {  	[tilespmem:$0x250] =	vst v0;
	v0 =	vadd.f32 v49, v44;
	v44 =	vld [tilespmem:$0x1010]  }
0x166: {  	[tilespmem:$0x1FEE0] =	vst v45;
	v45 =	vld [tilespmem:$0x1F3E0]  }
0x167: {  	[tilespmem:$0x260] =	vst v1;
	v1 =	vadd.f32 v52, v47;
	v47 =	vld [tilespmem:$0x1F3F0]  }
0x168: {  	[tilespmem:$0x1FF20] =	vst v48;
	v48 =	vld [tilespmem:$0x1F400]  }
0x169: {  	[tilespmem:$0x1FF00] =	vst v51;
	v51 =	vld [tilespmem:$0x1F410]  }
0x16a: {  	v2 =	vadd.f32 v2, v3;
	v3 =	vadd.f32 v14, v60;
	v60 =	vld [tilespmem:$0x1F460]  }
0x16b: {  	[tilespmem:$0x1FF50] =	vst v23;
	v23 =	vld [tilespmem:$0x1F4F0]  }
0x16c: {  	[tilespmem:$0x1FE80] =	vst v27;
	v27 =	vadd.f32 v26, v25;
	v25 =	vld [tilespmem:$0x1F500]  }
0x16d: {  	v26 =	vld [tilespmem:$0x1F510]  }
0x16e: {  	[tilespmem:$0x350] =	vst v0;
	v0 =	vadd.f32 v56, v50;
	v50 =	vld [tilespmem:$0x1810]  }
0x16f: {  	[tilespmem:$0x360] =	vst v1;
	v1 =	vadd.f32 v59, v54;
	v54 =	vld [tilespmem:$0x1F430]  }
0x170: {  	v56 =	vld [tilespmem:$0x820]  }
0x171: {  	v59 =	vld [tilespmem:$0x1F450]  }
0x172: {  	v35 =	vadd.f32 v34, v27;
	v27 =	vld [tilespmem:$0x1F520]  }
0x173: {  	[tilespmem:$0x1FF30] =	vst v61;
	v34 =	vld [tilespmem:$0x1F560]  }
0x174: {  	[tilespmem:$0x3A0] =	vst v3;
	v3 =	vld [tilespmem:$0x960]  }
0x175: {  	[tilespmem:$0x3E0] =	vst v35;
	v35 =	vld [tilespmem:$0x1F570]  }
0x176: {  	[tilespmem:$0x370] =	vst v0;
	v0 =	vld [tilespmem:$0x1FF30]  }
0x177: {  	[tilespmem:$0x380] =	vst v1;
	v1 =	vld [tilespmem:$0x1160]  }
0x178: {  	[tilespmem:$0x1FE20] =	vst v62;
	v62 =	vadd.f32 v21, v2;
	v21 =	vld [tilespmem:$0x17A0]  }
0x179: {  	v2 =	vld [tilespmem:$0x17E0]  }
0x17a: {  	v8 =	vadd.f32 v12, v63;
	v63 =	vld [tilespmem:$0x1F470]  }
0x17b: {  	v12 =	vld [tilespmem:$0x1F4B0]  }
0x17c: {  	v32 =	vadd.f32 v31, v30;
	v31 =	vld [tilespmem:$0x1F540]  }
0x17d: {  	v38 =	vadd.f32 v37, v36;
	v36 =	vld [tilespmem:$0x1F580]  }
0x17e: {  	[tilespmem:$0x330] =	vst v43;
	v43 =	vadd.f32 v42, v41;
	v41 =	vld [tilespmem:$0x1F5B0]  }
0x17f: {  	[tilespmem:$0x1FF90] =	vst v44;
	v44 =	vld [tilespmem:$0x1F5D0]  }
0x180: {  	v49 =	vadd.f32 v48, v47;
	v47 =	vld [tilespmem:$0x1F5F0]  }
0x181: {  	v17 =	vadd.f32 v16, v15;
	v15 =	vld [tilespmem:$0x1F700]  }
0x182: {  	[tilespmem:$0x270] =	vst v62;
	v62 =	vld [tilespmem:$0x1F290]  }
0x183: {  	v61 =	vadd.f32 v60, v59;
	v59 =	vld [tilespmem:$0x1830]  }
0x184: {  	[tilespmem:$0x1FF40] =	vst v13;
	v13 =	vadd.f32 v40, v32;
	v32 =	vld [tilespmem:$0x1F550]  }
0x185: {  	[tilespmem:$0x340] =	vst v46;
	v46 =	vadd.f32 v45, v38;
	v38 =	vld [tilespmem:$0x1F590]  }
0x186: {  	v40 =	vld [tilespmem:$0x1F5A0]  }
0x187: {  	v52 =	vadd.f32 v51, v43;
	v43 =	vld [tilespmem:$0x1F5C0]  }
0x188: {  	v45 =	vld [tilespmem:$0x1F5E0]  }
0x189: {  	[tilespmem:$0x1FFD0] =	vst v50;
	v50 =	vld [tilespmem:$0x1F610]  }
0x18a: {  	[tilespmem:$0x1FF10] =	vst v55;
	v55 =	vadd.f32 v54, v53;
	v53 =	vld [tilespmem:$0x1F630]  }
0x18b: {  	v54 =	vld [tilespmem:$0x1F640]  }
0x18c: {  	v8 =	vadd.f32 v19, v8;
	[tilespmem:$0x1FFB0] =	vst v56;
	v56 =	vld [tilespmem:$0x1F650]  }
0x18d: {  	[tilespmem:$0x1FF60] =	vst v28;
	v28 =	vadd.f32 v27, v26;
	v26 =	vld [tilespmem:$0x1060]  }
0x18e: {  	[tilespmem:$0x3B0] =	vst v8;
	v8 =	vld [tilespmem:$0x1F490]  }
0x18f: {  	[tilespmem:$0x3F0] =	vst v13;
	v13 =	vld [tilespmem:$0x1F4C0]  }
0x190: {  	[tilespmem:$0x410] =	vst v52;
	v52 =	vld [tilespmem:$0x1F620]  }
0x191: {  	v16 =	vadd.f32 v11, v61;
	v61 =	vld [tilespmem:$0x1F680]  }
0x192: {  	[tilespmem:$0x1FE90] =	vst v21;
	v21 =	vld [tilespmem:$0x1F310]  }
0x193: {  	[tilespmem:$0x1FE30] =	vst v9;
	v9 =	vadd.f32 v24, v17;
	v17 =	vadd.f32 v63, v55;
	v63 =	vld [tilespmem:$0x1F6A0]  }
0x194: {  	v37 =	vadd.f32 v36, v35;
	v36 =	vld [tilespmem:$0x1F710]  }
0x195: {  	v4 =	vadd.f32 v62, v58;
	v62 =	vld [tilespmem:$0x1020]  }
0x196: {  	[tilespmem:$0x430] =	vst v17;
	v17 =	vld [tilespmem:$0x1030]  }
0x197: {  	v58 =	vadd.f32 v57, v49;
	v49 =	vld [tilespmem:$0x1F600]  }
0x198: {  	v57 =	vld [tilespmem:$0x1F660]  }
0x199: {  	v42 =	vadd.f32 v41, v40;
	v40 =	vld [tilespmem:$0x1F740]  }
0x19a: {  	[tilespmem:$0x400] =	vst v46;
	v46 =	vadd.f32 v45, v44;
	v45 =	vld [tilespmem:$0x1F770]  }
0x19b: {  	v55 =	vadd.f32 v54, v53;
	v53 =	vld [tilespmem:$0x1F7C0]  }
0x19c: {  	[tilespmem:$0x1FFA0] =	vst v33;
	v33 =	vadd.f32 v32, v31;
	v32 =	vld [tilespmem:$0x1080]  }
0x19d: {  	[tilespmem:$0x390] =	vst v4;
	v4 =	vld [tilespmem:$0x1F480]  }
0x19e: {  	[tilespmem:$0x420] =	vst v58;
	v58 =	vld [tilespmem:$0x1F670]  }
0x19f: {  	v14 =	vadd.f32 v13, v12;
	v12 =	vld [tilespmem:$0x1F6E0]  }
0x1a0: {  	[tilespmem:$0x1FF80] =	vst v39;
	v39 =	vadd.f32 v38, v33;
	v38 =	vld [tilespmem:$0x1F730]  }
0x1a1: {  	v48 =	vadd.f32 v47, v42;
	v42 =	vld [tilespmem:$0x1F750]  }
0x1a2: {  	v47 =	vld [tilespmem:$0x1F780]  }
0x1a3: {  	v33 =	vld [tilespmem:$0x890]  }
0x1a4: {  	[tilespmem:$0x2C0] =	vst v22;
	v22 =	vadd.f32 v21, v20;
	v20 =	vld [tilespmem:$0x830]  }
0x1a5: {  	v21 =	vld [tilespmem:$0x1F4D0]  }
0x1a6: {  	v19 =	vadd.f32 v25, v14;
	v14 =	vld [tilespmem:$0x1F6F0]  }
0x1a7: {  	[tilespmem:$0x4B0] =	vst v48;
	v48 =	vld [tilespmem:$0x1F790]  }
0x1a8: {  	v25 =	vadd.f32 v52, v46;
	v52 =	vld [tilespmem:$0x1F7B0]  }
0x1a9: {  	[tilespmem:$0x280] =	vst v10;
	v10 =	vadd.f32 v29, v22;
	v22 =	vld [tilespmem:$0x1F4E0]  }
0x1aa: {  	v29 =	vld [tilespmem:$0x1F530]  }
0x1ab: {  	[tilespmem:$0x1FFC0] =	vst v62;
	v62 =	vld [tilespmem:$0x1F690]  }
0x1ac: {  	v51 =	vadd.f32 v50, v49;
	v50 =	vld [tilespmem:$0x1F7A0]  }
0x1ad: {  	[tilespmem:$0x460] =	vst v19;
	v19 =	vld [tilespmem:$0x1840]  }
0x1ae: {  	[tilespmem:$0x4C0] =	vst v25;
	v25 =	vld [tilespmem:$0x1860]  }
0x1af: {  	[tilespmem:$0x3D0] =	vst v10;
	v10 =	vld [tilespmem:$0x1820]  }
0x1b0: {  	[tilespmem:$0x3C0] =	vst v9;
	v9 =	vadd.f32 v8, v4;
	v8 =	vld [tilespmem:$0x1F6B0]  }
0x1b1: {  	v27 =	vadd.f32 v56, v51;
	v56 =	vld [tilespmem:$0x1F7E0]  }
0x1b2: {  	v60 =	vadd.f32 v58, v57;
	v57 =	vld [tilespmem:$0x1F7F0]  }
0x1b3: {  	[tilespmem:$0x1FFE0] =	vst v20;
	v20 =	vld [tilespmem:$0x1040]  }
0x1b4: {  	[tilespmem:$0x1FF70] =	vst v18;
	v18 =	vadd.f32 v21, v9;
	v9 =	vld [tilespmem:$0x1F6C0]  }
0x1b5: {  	[tilespmem:$0x4D0] =	vst v27;
	v27 =	vld [tilespmem:$0x870]  }
0x1b6: {  	v21 =	vadd.f32 v34, v28;
	v28 =	vadd.f32 v61, v55;
	v55 =	vld [tilespmem:$0x1F7D0]  }
0x1b7: {  	v61 =	vld [tilespmem:$0x1F810]  }
0x1b8: {  	[tilespmem:$0x440] =	vst v16;
	v16 =	vadd.f32 v15, v14;
	v15 =	vld [tilespmem:$0x1F890]  }
0x1b9: {  	v49 =	vadd.f32 v48, v47;
	v47 =	vld [tilespmem:$0x1F8C0]  }
0x1ba: {  	v48 =	vld [tilespmem:$0x1F8D0]  }
0x1bb: {  	v54 =	vadd.f32 v53, v52;
	v53 =	vld [tilespmem:$0x1F900]  }
0x1bc: {  	v24 =	vadd.f32 v23, v22;
	v23 =	vld [tilespmem:$0x1050]  }
0x1bd: {  	v22 =	vld [tilespmem:$0x1850]  }
0x1be: {  	v4 =	vadd.f32 v63, v62;
	v62 =	vld [tilespmem:$0x1F820]  }
0x1bf: {  	[tilespmem:$0x450] =	vst v18;
	v18 =	vld [tilespmem:$0x840]  }
0x1c0: {  	[tilespmem:$0x480] =	vst v21;
	v21 =	vld [tilespmem:$0x850]  }
0x1c1: {  	[tilespmem:$0x4E0] =	vst v28;
	v28 =	vld [tilespmem:$0x1870]  }
0x1c2: {  	v41 =	vadd.f32 v40, v16;
	v40 =	vld [tilespmem:$0x18B0]  }
0x1c3: {  	[tilespmem:$0x1FFF0] =	vst v10;
	v10 =	vld [tilespmem:$0x1F6D0]  }
0x1c4: {  	v30 =	vadd.f32 v29, v24;
	v24 =	vadd.f32 v43, v37;
	v37 =	vld [tilespmem:$0x1F720]  }
0x1c5: {  	v43 =	vld [tilespmem:$0x1F760]  }
0x1c6: {  	v29 =	vadd.f32 v8, v60;
	v60 =	vld [tilespmem:$0x1F800]  }
0x1c7: {  	v13 =	vadd.f32 v12, v4;
	v4 =	vld [tilespmem:$0x1F830]  }
0x1c8: {  	v8 =	vld [tilespmem:$0x1F840]  }
0x1c9: {  	v12 =	vld [tilespmem:$0x1F870]  }
0x1ca: {  	v58 =	vadd.f32 v57, v56;
	v56 =	vld [tilespmem:$0x1F920]  }
0x1cb: {  	v57 =	vld [tilespmem:$0x1F930]  }
0x1cc: {  	[tilespmem:$0x520] =	vst v41;
	v41 =	vld [tilespmem:$0x10B0]  }
0x1cd: {  	[tilespmem:$0x4A0] =	vst v24;
	v24 =	vld [tilespmem:$0x860]  }
0x1ce: {  	[tilespmem:$0x4F0] =	vst v29;
	v29 =	vld [tilespmem:$0x1070]  }
0x1cf: {  	[tilespmem:$0x470] =	vst v30;
	v30 =	vld [tilespmem:$0x880]  }
0x1d0: {  	[tilespmem:$0x500] =	vst v13;
	v13 =	vld [tilespmem:$0x1F880]  }
0x1d1: {  	v35 =	vadd.f32 v55, v49;
	v49 =	vld [tilespmem:$0x1F8E0]  }
0x1d2: {  	v63 =	vadd.f32 v62, v61;
	v61 =	vld [tilespmem:$0x1F950]  }
0x1d3: {  	[tilespmem:$0x550] =	vst v35;
	v35 =	vld [tilespmem:$0x1090]  }
0x1d4: {  	v18 =	vadd.f32 v20, v18;
	v20 =	vld [tilespmem:$0x1970]  }
0x1d5: {  	v21 =	vadd.f32 v23, v21;
	v23 =	vld [tilespmem:$0x980]  }
0x1d6: {  	v11 =	vadd.f32 v10, v9;
	v9 =	vld [tilespmem:$0x1F850]  }
0x1d7: {  	[tilespmem:$0x490] =	vst v39;
	v39 =	vadd.f32 v38, v37;
	v38 =	vld [tilespmem:$0x10A0]  }
0x1d8: {  	v34 =	vadd.f32 v60, v54;
	v54 =	vld [tilespmem:$0x1F910]  }
0x1d9: {  	v44 =	vadd.f32 v43, v42;
	v31 =	vadd.f32 v36, v11;
	v11 =	vld [tilespmem:$0x1F860]  }
0x1da: {  	[tilespmem:$0x560] =	vst v34;
	v34 =	vld [tilespmem:$0x1890]  }
0x1db: {  	v51 =	vadd.f32 v50, v44;
	v44 =	vld [tilespmem:$0x1F8A0]  }
0x1dc: {  	v46 =	vadd.f32 v45, v39;
	v45 =	vld [tilespmem:$0x1F8B0]  }
0x1dd: {  	v36 =	vadd.f32 v4, v58;
	v58 =	vld [tilespmem:$0x1F940]  }
0x1de: {  	v4 =	vld [tilespmem:$0x1F970]  }
0x1df: {  	v14 =	vadd.f32 v13, v12;
	v13 =	vld [tilespmem:$0x1F9B0]  }
0x1e0: {  	v50 =	vadd.f32 v49, v48;
	v48 =	vld [tilespmem:$0x8E0]  }
0x1e1: {  	[tilespmem:$0x510] =	vst v31;
	v31 =	vld [tilespmem:$0x1880]  }
0x1e2: {  	[tilespmem:$0x570] =	vst v36;
	v36 =	vld [tilespmem:$0x8A0]  }
0x1e3: {  	[tilespmem:$0x540] =	vst v51;
	v51 =	vld [tilespmem:$0x1F8F0]  }
0x1e4: {  	v39 =	vadd.f32 v47, v14;
	v14 =	vld [tilespmem:$0x1F9C0]  }
0x1e5: {  	v42 =	vadd.f32 v56, v50;
	v56 =	vld [tilespmem:$0x1FA20]  }
0x1e6: {  	v50 =	vld [tilespmem:$0x10E0]  }
0x1e7: {  	v10 =	vadd.f32 v9, v8;
	v9 =	vld [tilespmem:$0x1F980]  }
0x1e8: {  	v55 =	vadd.f32 v54, v53;
	v53 =	vld [tilespmem:$0x1FA00]  }
0x1e9: {  	[tilespmem:$0x5A0] =	vst v39;
	v39 =	vld [tilespmem:$0x8B0]  }
0x1ea: {  	[tilespmem:$0x5C0] =	vst v42;
	v42 =	vld [tilespmem:$0x8C0]  }
0x1eb: {  	v37 =	vadd.f32 v11, v63;
	v63 =	vld [tilespmem:$0x1F960]  }
0x1ec: {  	v16 =	vadd.f32 v15, v10;
	v10 =	vld [tilespmem:$0x1F990]  }
0x1ed: {  	v11 =	vld [tilespmem:$0x1F9A0]  }
0x1ee: {  	v15 =	vld [tilespmem:$0x1F9D0]  }
0x1ef: {  	[tilespmem:$0x530] =	vst v46;
	v46 =	vadd.f32 v45, v44;
	v44 =	vld [tilespmem:$0x10C0]  }
0x1f0: {  	v62 =	vadd.f32 v61, v55;
	v55 =	vld [tilespmem:$0x1FA10]  }
0x1f1: {  	v60 =	vadd.f32 v58, v57;
	v57 =	vld [tilespmem:$0x1FA30]  }
0x1f2: {  	[tilespmem:$0x580] =	vst v37;
	v37 =	vld [tilespmem:$0x18A0]  }
0x1f3: {  	v30 =	vadd.f32 v32, v30;
	v52 =	vadd.f32 v51, v46;
	v51 =	vld [tilespmem:$0x1F9E0]  }
0x1f4: {  	[tilespmem:$0x5D0] =	vst v62;
	v62 =	vld [tilespmem:$0x1FA50]  }
0x1f5: {  	v33 =	vadd.f32 v35, v33;
	v35 =	vadd.f32 v31, v30;
	v30 =	vld [tilespmem:$0x19A0]  }
0x1f6: {  	v31 =	vld [tilespmem:$0x9B0]  }
0x1f7: {  	v43 =	vadd.f32 v9, v60;
	v60 =	vld [tilespmem:$0x1FA40]  }
0x1f8: {  	v9 =	vld [tilespmem:$0x1FA80]  }
0x1f9: {  	v36 =	vadd.f32 v38, v36;
	v38 =	vadd.f32 v34, v33;
	[tilespmem:$0x5B0] =	vst v52;
	v52 =	vld [tilespmem:$0x1F9F0]  }
0x1fa: {  	[tilespmem:$0x880] =	vst v35;
	v35 =	vld [tilespmem:$0x9C0]  }
0x1fb: {  	[tilespmem:$0x890] =	vst v38;
	v38 =	vld [tilespmem:$0x19C0]  }
0x1fc: {  	[tilespmem:$0x5E0] =	vst v43;
	v43 =	vld [tilespmem:$0x18C0]  }
0x1fd: {  	v8 =	vadd.f32 v4, v63;
	v63 =	vld [tilespmem:$0x1FA60]  }
0x1fe: {  	v12 =	vadd.f32 v11, v10;
	v10 =	vld [tilespmem:$0x1FA90]  }
0x1ff: {  	[tilespmem:$0x590] =	vst v16;
	v16 =	vadd.f32 v15, v14;
	v14 =	vld [tilespmem:$0x1FAB0]  }
0x200: {  	v39 =	vadd.f32 v41, v39;
	v15 =	vld [tilespmem:$0x1FAC0]  }
0x201: {  	v58 =	vadd.f32 v57, v56;
	v57 =	vld [tilespmem:$0x1FAE0]  }
0x202: {  	v42 =	vadd.f32 v44, v42;
	v44 =	vadd.f32 v40, v39;
	v39 =	vld [tilespmem:$0x9D0]  }
0x203: {  	v40 =	vld [tilespmem:$0x11D0]  }
0x204: {  	v45 =	vadd.f32 v13, v8;
	v8 =	vld [tilespmem:$0x1FA70]  }
0x205: {  	v46 =	vadd.f32 v51, v12;
	v12 =	vld [tilespmem:$0x1FAA0]  }
0x206: {  	v47 =	vadd.f32 v55, v16;
	v55 =	vld [tilespmem:$0x1FAD0]  }
0x207: {  	v51 =	vld [tilespmem:$0x8F0]  }
0x208: {  	v41 =	vadd.f32 v37, v36;
	v37 =	vld [tilespmem:$0x11C0]  }
0x209: {  	[tilespmem:$0x8B0] =	vst v44;
	v44 =	vld [tilespmem:$0x11E0]  }
0x20a: {  	v4 =	vadd.f32 v63, v62;
	v63 =	vld [tilespmem:$0x1FB10]  }
0x20b: {  	v11 =	vadd.f32 v10, v9;
	v9 =	vld [tilespmem:$0x1FB30]  }
0x20c: {  	v10 =	vld [tilespmem:$0x1FB40]  }
0x20d: {  	v16 =	vadd.f32 v15, v14;
	v14 =	vld [tilespmem:$0x1FB70]  }
0x20e: {  	v54 =	vadd.f32 v53, v52;
	v15 =	vld [tilespmem:$0x1FB80]  }
0x20f: {  	v49 =	vadd.f32 v8, v58;
	v58 =	vld [tilespmem:$0x1FAF0]  }
0x210: {  	v61 =	vadd.f32 v60, v54;
	v13 =	vadd.f32 v12, v4;
	v4 =	vld [tilespmem:$0x1FB20]  }
0x211: {  	v56 =	vadd.f32 v55, v11;
	v11 =	vld [tilespmem:$0x1FB50]  }
0x212: {  	[tilespmem:$0x620] =	vst v61;
	v61 =	vld [tilespmem:$0x1FB00]  }
0x213: {  	[tilespmem:$0x640] =	vst v13;
	v13 =	vld [tilespmem:$0x1FB60]  }
0x214: {  	[tilespmem:$0x650] =	vst v56;
	v56 =	vld [tilespmem:$0x1FB90]  }
0x215: {  	v60 =	vadd.f32 v58, v57;
	v57 =	vld [tilespmem:$0x1FBA0]  }
0x216: {  	v58 =	vld [tilespmem:$0x1FBB0]  }
0x217: {  	v8 =	vadd.f32 v4, v63;
	v63 =	vld [tilespmem:$0x1FBE0]  }
0x218: {  	v12 =	vadd.f32 v11, v10;
	v10 =	vld [tilespmem:$0x1FC00]  }
0x219: {  	v11 =	vld [tilespmem:$0x1FC10]  }
0x21a: {  	v62 =	vadd.f32 v61, v16;
	v61 =	vld [tilespmem:$0x1FBC0]  }
0x21b: {  	v52 =	vadd.f32 v13, v8;
	v8 =	vld [tilespmem:$0x1FBF0]  }
0x21c: {  	v16 =	vadd.f32 v15, v14;
	v14 =	vld [tilespmem:$0x1FC30]  }
0x21d: {  	v15 =	vld [tilespmem:$0x1FC40]  }
0x21e: {  	v53 =	vadd.f32 v9, v60;
	[tilespmem:$0x660] =	vst v62;
	v62 =	vld [tilespmem:$0x1FBD0];
	v60 =	vadd.f32 v58, v57  }
0x21f: {  	v54 =	vadd.f32 v56, v12;
	v12 =	vadd.f32 v11, v10;
	v11 =	vld [tilespmem:$0x1FC80]  }
0x220: {  	v13 =	vld [tilespmem:$0x1FC20];
	v9 =	vadd.f32 v8, v60  }
0x221: {  	v8 =	vld [tilespmem:$0x1FC60]  }
0x222: {  	v55 =	vadd.f32 v61, v16;
	v16 =	vadd.f32 v15, v14;
	[tilespmem:$0x6B0] =	vst v9;
	v9 =	vld [tilespmem:$0x1FC70]  }
0x223: {  	v4 =	vadd.f32 v63, v62;
	v63 =	vld [tilespmem:$0x1FC50]  }
0x224: {  	v61 =	vadd.f32 v11, v16;
	v16 =	vld [tilespmem:$0x1FCB0]  }
0x225: {  	[tilespmem:$0x5F0] =	vst v45;
	v45 =	vld [tilespmem:$0x8D0]  }
0x226: {  	v58 =	vld [tilespmem:$0x1FCC0]  }
0x227: {  	v57 =	vadd.f32 v13, v4;
	v13 =	vld [tilespmem:$0x1FCA0];
	v10 =	vadd.f32 v9, v8  }
0x228: {  	v4 =	vadd.f32 v63, v12;
	v12 =	vld [tilespmem:$0x1FC90]  }
0x229: {  	v63 =	vld [tilespmem:$0x1FCD0];
	v60 =	vadd.f32 v16, v10  }
0x22a: {  	v8 =	vld [tilespmem:$0x1FCE0]  }
0x22b: {  	[tilespmem:$0x6F0] =	vst v60;
	v60 =	vld [tilespmem:$0x1FD10]  }
0x22c: {  	v9 =	vld [tilespmem:$0x1FCF0]  }
0x22d: {  	[tilespmem:$0x610] =	vst v47;
	v10 =	vld [tilespmem:$0x1FD00];
	v14 =	vadd.f32 v13, v12  }
0x22e: {  	v47 =	vld [tilespmem:$0x10D0];
	[tilespmem:$0x6D0] =	vst v4;
	v4 =	vadd.f32 v63, v58  }
0x22f: {  	[tilespmem:$0x6E0] =	vst v61;
	v61 =	vadd.f32 v8, v14;
	v8 =	vld [tilespmem:$0x1FD30]  }
0x230: {  	v60 =	vadd.f32 v60, v4;
	v4 =	vld [tilespmem:$0x1FD20]  }
0x231: {  	[tilespmem:$0x600] =	vst v46;
	v46 =	vld [tilespmem:$0x18D0]  }
0x232: {  	v11 =	vadd.f32 v10, v9;
	v10 =	vld [tilespmem:$0x1FD40]  }
0x233: {  	[tilespmem:$0x8A0] =	vst v41;
	v41 =	vld [tilespmem:$0x19D0]  }
0x234: {  	[tilespmem:$0x630] =	vst v49;
	v49 =	vld [tilespmem:$0x18E0]  }
0x235: {  	v9 =	vadd.f32 v8, v4;
	v4 =	vld [tilespmem:$0x1FD70]  }
0x236: {  	v62 =	vld [tilespmem:$0x1FD60]  }
0x237: {  	v14 =	vld [tilespmem:$0x1FD50];
	v11 =	vadd.f32 v10, v11  }
0x238: {  	v8 =	vld [tilespmem:$0x1FD80]  }
0x239: {  	[tilespmem:$0x720] =	vst v11;
	v11 =	vld [tilespmem:$0x1FDA0]  }
0x23a: {  	v45 =	vadd.f32 v47, v45;
	[tilespmem:$0x710] =	vst v60;
	v60 =	vadd.f32 v4, v9;
	v9 =	vld [tilespmem:$0x1FD90]  }
0x23b: {  	v48 =	vadd.f32 v50, v48;
	v47 =	vadd.f32 v43, v42;
	v42 =	vld [tilespmem:$0x9E0]  }
0x23c: {  	v50 =	vadd.f32 v46, v45;
	v46 =	vld [tilespmem:$0x9F0];
	v62 =	vadd.f32 v62, v14  }
0x23d: {  	v12 =	vld [tilespmem:$0x1FDB0]  }
0x23e: {  	[tilespmem:$0x700] =	vst v61;
	v61 =	vadd.f32 v11, v62;
	v62 =	vld [tilespmem:$0x1FDC0]  }
0x23f: {  	v10 =	vadd.f32 v9, v8;
	v9 =	vld [tilespmem:$0x1FDD0]  }
0x240: {  	[tilespmem:$0x740] =	vst v61;
	v61 =	vld [tilespmem:$0x1FE00]  }
0x241: {  	v56 =	vld [tilespmem:$0x1100]  }
0x242: {  	[tilespmem:$0x670] =	vst v53;
	v53 =	vld [tilespmem:$0x10F0]  }
0x243: {  	v11 =	vld [tilespmem:$0x1FDF0];
	v4 =	vadd.f32 v62, v12  }
0x244: {  	[tilespmem:$0x730] =	vst v60;
	v60 =	vadd.f32 v9, v10;
	v10 =	vld [tilespmem:$0x1FDE0]  }
0x245: {  	v61 =	vadd.f32 v61, v4;
	v4 =	vld [tilespmem:$0x1FE10]  }
0x246: {  	[tilespmem:$0x750] =	vst v60;
	v60 =	vld [tilespmem:$0x1FE20]  }
0x247: {  	[tilespmem:$0x680] =	vst v52;
	v52 =	vld [tilespmem:$0x18F0]  }
0x248: {  	[tilespmem:$0x690] =	vst v54;
	v54 =	vld [tilespmem:$0x900]  }
0x249: {  	v15 =	vld [tilespmem:$0x920];
	v63 =	vadd.f32 v11, v10  }
0x24a: {  	[tilespmem:$0x6C0] =	vst v57;
	v57 =	vld [tilespmem:$0x910]  }
0x24b: {  	v7 =	vadd.f32 v7, v4;
	v60 =	vadd.f32 v60, v63;
	v63 =	vld [tilespmem:$0x1FE30]  }
0x24c: {  	v16 =	vld [tilespmem:$0x1110]  }
0x24d: {  	[tilespmem:$0x760] =	vst v61;
	v61 =	vadd.f32 v6, v7;
	v6 =	vld [tilespmem:$0x1FE60]  }
0x24e: {  	v58 =	vld [tilespmem:$0x1910]  }
0x24f: {  	v4 =	vld [tilespmem:$0x1FE40]  }
0x250: {  	v63 =	vadd.f32 v63, v5;
	v5 =	vld [tilespmem:$0x1FE50]  }
0x251: {  	v8 =	vld [tilespmem:$0x1FE70]  }
0x252: {  	[tilespmem:$0x770] =	vst v60;
	v60 =	vadd.f32 v6, v63;
	v63 =	vld [tilespmem:$0x1FE80]  }
0x253: {  	v6 =	vld [tilespmem:$0x1FEB0]  }
0x254: {  	[tilespmem:$0x790] =	vst v60;
	v60 =	vld [tilespmem:$0x1FEC0]  }
0x255: {  	v62 =	vadd.f32 v5, v4;
	v4 =	vld [tilespmem:$0x1FE90]  }
0x256: {  	v5 =	vld [tilespmem:$0x1FEA0]  }
0x257: {  	v13 =	vld [tilespmem:$0x1120]  }
0x258: {  	v14 =	vld [tilespmem:$0x1920]  }
0x259: {  	v12 =	vld [tilespmem:$0x930];
	v63 =	vadd.f32 v63, v8  }
0x25a: {  	[tilespmem:$0x780] =	vst v61;
	v61 =	vadd.f32 v4, v62;
	v4 =	vld [tilespmem:$0x1FED0]  }
0x25b: {  	v60 =	vadd.f32 v60, v63;
	v62 =	vadd.f32 v6, v5;
	v5 =	vld [tilespmem:$0x1FEE0]  }
0x25c: {  	[tilespmem:$0x7A0] =	vst v61;
	v61 =	vld [tilespmem:$0x1FEF0]  }
0x25d: {  	[tilespmem:$0x7B0] =	vst v60;
	v60 =	vld [tilespmem:$0x1FF20]  }
0x25e: {  	v9 =	vld [tilespmem:$0x940]  }
0x25f: {  	v7 =	vld [tilespmem:$0x1140]  }
0x260: {  	v63 =	vadd.f32 v5, v4;
	v5 =	vld [tilespmem:$0x1FF10]  }
0x261: {  	v61 =	vadd.f32 v61, v62;
	v62 =	vld [tilespmem:$0x1FF00]  }
0x262: {  	v60 =	vadd.f32 v60, v63;
	v63 =	vld [tilespmem:$0x1FF40]  }
0x263: {  	v10 =	vld [tilespmem:$0x1130]  }
0x264: {  	v11 =	vld [tilespmem:$0x1930]  }
0x265: {  	v8 =	vld [tilespmem:$0x1940]  }
0x266: {  	[tilespmem:$0x7D0] =	vst v60;
	v60 =	vld [tilespmem:$0x1FF70];
	v62 =	vadd.f32 v5, v62  }
0x267: {  	v63 =	vadd.f32 v63, v0;
	v0 =	vld [tilespmem:$0x1FF50]  }
0x268: {  	[tilespmem:$0x7C0] =	vst v61;
	v61 =	vadd.f32 v2, v62;
	v62 =	vld [tilespmem:$0x1FF60]  }
0x269: {  	v6 =	vld [tilespmem:$0x950]  }
0x26a: {  	v4 =	vld [tilespmem:$0x1150]  }
0x26b: {  	v18 =	vadd.f32 v19, v18;
	v60 =	vadd.f32 v60, v63;
	v63 =	vld [tilespmem:$0x1FF90]  }
0x26c: {  	[tilespmem:$0x7E0] =	vst v61;
	v61 =	vld [tilespmem:$0x1FFA0]  }
0x26d: {  	[tilespmem:$0x840] =	vst v18;
	v62 =	vadd.f32 v62, v0;
	v0 =	vld [tilespmem:$0x1FF80]  }
0x26e: {  	[tilespmem:$0x8C0] =	vst v47;
	v53 =	vadd.f32 v53, v51;
	v5 =	vld [tilespmem:$0x1950]  }
0x26f: {  	v1 =	vadd.f32 v1, v3;
	[tilespmem:$0x7F0] =	vst v60;
	v60 =	vld [tilespmem:$0x1FFD0]  }
0x270: {  	[tilespmem:$0x8D0] =	vst v50;
	v34 =	vadd.f32 v52, v53;
	v16 =	vadd.f32 v16, v57;
	v2 =	vld [tilespmem:$0x1960]  }
0x271: {  	[tilespmem:$0x6A0] =	vst v55;
	v13 =	vadd.f32 v13, v15;
	v61 =	vadd.f32 v61, v62;
	v62 =	vld [tilespmem:$0x1FFC0]  }
0x272: {  	[tilespmem:$0x8F0] =	vst v34;
	v16 =	vadd.f32 v58, v16;
	v63 =	vadd.f32 v63, v0;
	v0 =	vld [tilespmem:$0x1FFB0]  }
0x273: {  	v13 =	vadd.f32 v14, v13;
	v10 =	vadd.f32 v10, v12;
	[tilespmem:$0x800] =	vst v61;
	v61 =	vld [tilespmem:$0x1FFF0]  }
0x274: {  	[tilespmem:$0x910] =	vst v16;
	v7 =	vadd.f32 v7, v9;
	v60 =	vadd.f32 v60, v63;
	v63 =	vld [tilespmem:$0x1FFE0]  }
0x275: {  	v55 =	vld [tilespmem:$0x1900];
	[tilespmem:$0x920] =	vst v13;
	v10 =	vadd.f32 v11, v10;
	v4 =	vadd.f32 v4, v6  }
0x276: {  	v7 =	vadd.f32 v8, v7;
	[tilespmem:$0x810] =	vst v60;
	v60 =	vadd.f32 v26, v24;
	v24 =	vld [tilespmem:$0x1180]  }
0x277: {  	[tilespmem:$0x930] =	vst v10;
	v4 =	vadd.f32 v5, v4;
	v26 =	vld [tilespmem:$0x1190];
	v62 =	vadd.f32 v62, v0  }
0x278: {  	[tilespmem:$0x940] =	vst v7;
	v1 =	vadd.f32 v2, v1;
	v0 =	vld [tilespmem:$0x970]  }
0x279: {  	[tilespmem:$0x950] =	vst v4;
	v17 =	vadd.f32 v17, v63;
	v63 =	vld [tilespmem:$0x1170];
	v61 =	vadd.f32 v61, v62  }
0x27a: {  	[tilespmem:$0x960] =	vst v1;
	v62 =	vadd.f32 v29, v27;
	v29 =	vadd.f32 v25, v60;
	v25 =	vld [tilespmem:$0x990]  }
0x27b: {  	v27 =	vld [tilespmem:$0x1990];
	v60 =	vadd.f32 v49, v48;
	[tilespmem:$0x820] =	vst v61  }
0x27c: {  	v57 =	vadd.f32 v40, v39;
	v61 =	vadd.f32 v22, v21;
	v22 =	vld [tilespmem:$0x1980];
	[tilespmem:$0x860] =	vst v29  }
0x27d: {  	v17 =	vadd.f32 v59, v17;
	v32 =	vadd.f32 v28, v62;
	v28 =	vld [tilespmem:$0x9A0];
	[tilespmem:$0x8E0] =	vst v60  }
0x27e: {  	v29 =	vld [tilespmem:$0x11A0];
	[tilespmem:$0x850] =	vst v61;
	v61 =	vadd.f32 v56, v54  }
0x27f: {  	v59 =	vld [tilespmem:$0x11B0];
	v60 =	vadd.f32 v41, v57;
	[tilespmem:$0x830] =	vst v17;
	v54 =	vadd.f32 v37, v35  }
0x280: {  	v49 =	vld [tilespmem:$0x11F0];
	[tilespmem:$0x870] =	vst v32;
	v0 =	vadd.f32 v63, v0;
	v36 =	vadd.f32 v55, v61  }
0x281: {  	v62 =	vld [tilespmem:$0x19B0];
	v43 =	vadd.f32 v24, v23;
	[tilespmem:$0x9D0] =	vst v60;
	v58 =	vadd.f32 v38, v54  }
0x282: {  	v52 =	vld [tilespmem:$0x19E0];
	v45 =	vadd.f32 v26, v25;
	v0 =	vadd.f32 v20, v0;
	[tilespmem:$0x900] =	vst v36  }
0x283: {  	v55 =	vld [tilespmem:$0x19F0];
	v47 =	vadd.f32 v22, v43;
	v48 =	vadd.f32 v29, v28;
	[tilespmem:$0x9C0] =	vst v58  }
0x284: {  	v50 =	vadd.f32 v27, v45;
	v51 =	vadd.f32 v59, v31;
	[tilespmem:$0x970] =	vst v0  }
0x285: {  	v59 =	vadd.f32 v44, v42;
	[tilespmem:$0x980] =	vst v47;
	v53 =	vadd.f32 v30, v48  }
0x286: {  	v61 =	vadd.f32 v49, v46;
	[tilespmem:$0x990] =	vst v50;
	v56 =	vadd.f32 v62, v51  }
0x287: {  	v62 =	vadd.f32 v52, v59;
	[tilespmem:$0x9A0] =	vst v53  }
0x288: {  	[tilespmem:$0x9B0] =	vst v56;
	v63 =	vadd.f32 v55, v61  }
0x289: {  	p0 =	sne.s32 s7, $0x1;
	[tilespmem:$0x9E0] =	vst v62  }
.Ltmp1:
0x28a: {  	[tilespmem:$0x9F0] =	vst v63;
	(pc) =	sbr.rel @p0 .LBB2_2-.Ltmp1, $4  }
0x28b: {  	[hbm4b:s6+s8] =	stream.linear.scatter [tilespmem:s10], [sflag:$0x2], $0x800, $0x38;
	[tilespmem:$0x1A00] =	vst v63  }
0x28c: {  	_ =	swait.ge [sflag:s9], $0x800  }
0x28d: {  	[sflag:s9] =	ssyncset.done $0x0  }
0x28e: {  	s7 =	sadd.s32 $0xFFFFFFFF, s7;
	[sflag:s9] =	ssyncadd.s32 $0xFFFFF800  }
.LBB2_3:
0x28f: {  	_ =	sfence.sel $0x180000  }
0x290: {  	[bflag:$0x0] =	sbarrier.arrive $0xFFFF  }
0x291: {  	p0 =	sne.s32 s2, $0x0;
	_ =	strace $0x90000047  }
0x292: {  	s0 =	sadd.s32 @!p0 $0x100000, s4;
	[bflag:$0x2] =	sbarrier.arrive $0xFFFF  }
0x293: {  	[sflag:s0] =	ssyncadd.tile.s32 @!p0 $0x1;
	_ =	shalt  }
.Lfunc_end2:
_tile_overlayer_lowered:
.L_overlay_start_2:
0x294: {  	(tag) =	ssettag $0x2  }
0x295: {  	s0 =	rddreg [dreg:$0x0];
	s2 =	stileid.u32  }
0x296: {  	s1 =	rddreg [dreg:$0x1];
	p0 =	sne.s32 s2, $0x0  }
0x297: {  	s3 =	rddreg [dreg:$0x2];
	[bflag:$0x3] =	sbarrier.arrive $0xFFFF;
	s2 =	simm.s32 @!p0 $0x1C02  }
0x298: {  	[timem:s3], [sflag:s2] =	dma.local @!p0 [hbm:s0], s1  }
0x299: {  	s0 =	simm.s32 @!p0 $0x2  }
0x29a: {  	_ =	swait.ge @!p0 [sflag:s0], s1  }
0x29b: {  	s1 =	ssub.s32 @!p0 $0x0, s1;
	[sflag:s0] =	ssyncset.done @!p0 $0x0  }
0x29c: {  	[sflag:s0] =	ssyncadd.s32 @!p0 s1  }
0x29d: {  	[bflag:$0x3] =	sbarrier.arrive $0xFFFF  }
0x29e: {  	_ =	shalt  }

</sc_bundles>
